<compile_context>
chip_gen: v7x
topology: tpu7x:2x2x1
jax: 0.10.2.dev20260603
libtpu: 0.0.44.dev20260713+nightly
codegen_flags: <defaults>
</compile_context>

<pallas_src>
import functools

import jax
import jax.numpy as jnp
from jax import lax
from jax.experimental import pallas as pl
from jax.experimental.pallas import tpu as pltpu
from jax.experimental.pallas import tpu_sc as plsc

N_FACTORS = 64
PAIRS = N_FACTORS // 2
LINE = 128
BATCH = 16384
NUM_WORKERS = 32
B_PER_W = BATCH // NUM_WORKERS
CHUNK = 128
N_CHUNKS = B_PER_W // CHUNK
L = 16
HI_MASK = -65536


def _bpr_body(users_ref, pos_ref, neg_ref, ctab_ref, out_ref,
              idx_u, idx_p, idx_n, sidx_u, sidx_p, sidx_n,
              rows_u, rows_p, rows_n, out_buf, sem):
    wid = lax.axis_index("s") * 2 + lax.axis_index("c")
    row0 = wid * N_CHUNKS
    base = wid * B_PER_W

    pltpu.sync_copy(users_ref.at[pl.ds(row0, N_CHUNKS)], idx_u)
    pltpu.sync_copy(pos_ref.at[pl.ds(row0, N_CHUNKS)], idx_p)
    pltpu.sync_copy(neg_ref.at[pl.ds(row0, N_CHUNKS)], idx_n)

    for src, dst in ((idx_u, sidx_u), (idx_p, sidx_p), (idx_n, sidx_n)):
        for j in range(N_CHUNKS):
            for k in range(CHUNK // L):
                s = pl.ds(k * L, L)
                dst[j, s] = lax.shift_right_logical(src[j, s], 1)

    def fire(c):
        buf = pl.ds((c % 2) * CHUNK, CHUNK)
        return (
            pltpu.async_copy(ctab_ref.at[sidx_u.at[c]], rows_u.at[buf], sem),
            pltpu.async_copy(ctab_ref.at[sidx_p.at[c]], rows_p.at[buf], sem),
            pltpu.async_copy(ctab_ref.at[sidx_n.at[c]], rows_n.at[buf], sem),
        )

    def lo(x):
        return plsc.bitcast(lax.shift_left(x, 16), jnp.float32)

    def hi(x):
        return plsc.bitcast(x & HI_MASK, jnp.float32)

    lanes = lax.iota(jnp.int32, L)
    handles = fire(0)
    for c in range(N_CHUNKS):
        next_handles = fire(c + 1) if c + 1 < N_CHUNKS else None
        for h in handles:
            h.wait()
        handles = next_handles

        buf_row0 = (c % 2) * CHUNK

        def group(g, _):
            gs = pl.ds(g * L, L)
            row_vec = buf_row0 + g * L + lanes
            off_u = (idx_u[c, gs] & 1) * (LINE // 2)
            off_p = (idx_p[c, gs] & 1) * (LINE // 2) + PAIRS
            off_n = (idx_n[c, gs] & 1) * (LINE // 2) + PAIRS

            def wstep(w, acc):
                col = (w + lanes) & (PAIRS - 1)
                uw = plsc.load_gather(rows_u, [row_vec, off_u + col])
                pw = plsc.load_gather(rows_p, [row_vec, off_p + col])
                nw = plsc.load_gather(rows_n, [row_vec, off_n + col])
                acc = acc + lo(uw) * (lo(pw) - lo(nw))
                return acc + hi(uw) * (hi(pw) - hi(nw))

            acc = lax.fori_loop(0, PAIRS, wstep,
                                jnp.zeros((L,), jnp.float32), unroll=8)
            out_buf[pl.ds(c * CHUNK + g * L, L)] = acc
            return _

        lax.fori_loop(0, CHUNK // L, group, None)

    pltpu.sync_copy(out_buf, out_ref.at[pl.ds(base, B_PER_W)])


def kernel(users, pos_items, neg_items, user_table, item_table):
    users = users.astype(jnp.int32).reshape(BATCH // CHUNK, CHUNK)
    pos_items = pos_items.astype(jnp.int32).reshape(BATCH // CHUNK, CHUNK)
    neg_items = neg_items.astype(jnp.int32).reshape(BATCH // CHUNK, CHUNK)
    n_rows = user_table.shape[0]
    ctab = jnp.concatenate(
        [user_table.astype(jnp.bfloat16), item_table.astype(jnp.bfloat16)],
        axis=1)
    ctab = ctab.reshape(n_rows, N_FACTORS, 2)
    ctab = lax.bitcast_convert_type(ctab, jnp.int32)
    ctab = ctab.reshape(n_rows // 2, LINE)

    mesh = plsc.VectorSubcoreMesh(core_axis_name="c", subcore_axis_name="s")
    run = functools.partial(
        pl.kernel,
        mesh=mesh,
        compiler_params=pltpu.CompilerParams(needs_layout_passes=False),
        out_type=jax.ShapeDtypeStruct((BATCH,), jnp.float32),
        scratch_types=[
            pltpu.VMEM((N_CHUNKS, CHUNK), jnp.int32),
            pltpu.VMEM((N_CHUNKS, CHUNK), jnp.int32),
            pltpu.VMEM((N_CHUNKS, CHUNK), jnp.int32),
            pltpu.VMEM((N_CHUNKS, CHUNK), jnp.int32),
            pltpu.VMEM((N_CHUNKS, CHUNK), jnp.int32),
            pltpu.VMEM((N_CHUNKS, CHUNK), jnp.int32),
            pltpu.VMEM((2 * CHUNK, LINE), jnp.int32),
            pltpu.VMEM((2 * CHUNK, LINE), jnp.int32),
            pltpu.VMEM((2 * CHUNK, LINE), jnp.int32),
            pltpu.VMEM((B_PER_W,), jnp.float32),
            pltpu.SemaphoreType.DMA,
        ],
    )(_bpr_body)
    return run(users, pos_items, neg_items, ctab)

# --- scband reference (transcript-rebuilt; emitter-appended) ---
"""Pipeline reference for scband-bpr-19189913878984 (READ-ONLY COPY).

The authoritative reference and input builder live on the scoring server;
editing this copy changes nothing except your own understanding.
"""

import jax, jax.numpy as jnp
import numpy as np

N_USERS = 1000000
N_ITEMS = 1000000
N_FACTORS = 64
BATCH = 16384

def setup_inputs(seed: int = 0) -> dict:
    key = jax.random.key(seed)
    k1, k2, k3, k4, k5 = jax.random.split(key, 5)
    users = jax.random.randint(k1, (BATCH,), 0, N_USERS, dtype=jnp.int64 if jax.config.jax_enable_x64 else jnp.int32)
    pos_items = jax.random.randint(k2, (BATCH,), 0, N_ITEMS, dtype=jnp.int64 if jax.config.jax_enable_x64 else jnp.int32)
    neg_items = jax.random.randint(k3, (BATCH,), 0, N_ITEMS, dtype=jnp.int64 if jax.config.jax_enable_x64 else jnp.int32)
    user_table = jax.random.normal(k4, (N_USERS, N_FACTORS), dtype=jnp.float32)
    item_table = jax.random.normal(k5, (N_ITEMS, N_FACTORS), dtype=jnp.float32)
    return {"users": users, "pos_items": pos_items, "neg_items": neg_items, "user_table": user_table, "item_table": item_table}

def reference(users, pos_items, neg_items, user_table, item_table):
    # predict(users, pos_items)
    ues = jnp.take(user_table, users, axis=0)
    pos_uis = jnp.take(item_table, pos_items, axis=0)
    pos_preds = jnp.sum(ues * pos_uis, axis=1)
    # predict(users, neg_items)
    neg_uis = jnp.take(item_table, neg_items, axis=0)
    neg_preds = jnp.sum(ues * neg_uis, axis=1)
    return pos_preds - neg_preds

if __name__ == "__main__":
    import jax
    _d = setup_inputs()
    print(jax.jit(kernel)(*tuple(_d.values())))

</pallas_src>

<mosaic_0001>
#map = affine_map<(d0, d1) -> (0, 0)>
#map1 = affine_map<(d0, d1) -> (0)>
module attributes {stable_mosaic.version = 14 : i64} {
  func.func @_bpr_body(%arg0: i32, %arg1: i32, %arg2: memref<128x128xi32, #tpu.memory_space<hbm>>, %arg3: memref<128x128xi32, #tpu.memory_space<hbm>>, %arg4: memref<128x128xi32, #tpu.memory_space<hbm>>, %arg5: memref<500000x128xi32, #tpu.memory_space<hbm>>, %arg6: memref<16384xf32, #tpu.memory_space<hbm>>, %arg7: memref<4x128xi32, #tpu.memory_space<vmem>>, %arg8: memref<4x128xi32, #tpu.memory_space<vmem>>, %arg9: memref<4x128xi32, #tpu.memory_space<vmem>>, %arg10: memref<4x128xi32, #tpu.memory_space<vmem>>, %arg11: memref<4x128xi32, #tpu.memory_space<vmem>>, %arg12: memref<4x128xi32, #tpu.memory_space<vmem>>, %arg13: memref<256x128xi32, #tpu.memory_space<vmem>>, %arg14: memref<256x128xi32, #tpu.memory_space<vmem>>, %arg15: memref<256x128xi32, #tpu.memory_space<vmem>>, %arg16: memref<512xf32, #tpu.memory_space<vmem>>, %arg17: memref<!tpu.dma_semaphore, #tpu.memory_space<semaphore_mem>>) attributes {dimension_semantics = [#tpu.dimension_semantics<core_parallel>, #tpu.dimension_semantics<subcore_parallel>], iteration_bounds = array<i64: 2, 16>, scalar_prefetch = 0 : i64, scratch_operands = 11 : i64, tpu.core_type = #tpu.core_type<sc_vector_subcore>, window_params = [{transform_indices = #map}, {transform_indices = #map}, {transform_indices = #map}, {transform_indices = #map}, {transform_indices = #map1}]} {
    %mul3A = arith.constant 2 : i32
    %mul3A_0 = arith.muli %arg1, %mul3A : i32
    %add3A = arith.addi %mul3A_0, %arg0 : i32
    %mul3A_1 = arith.constant 4 : i32
    %mul3A_2 = arith.muli %add3A, %mul3A_1 : i32
    %mul3A_3 = arith.constant 512 : i32
    %mul3A_4 = arith.muli %add3A, %mul3A_3 : i32
    "tpu.region"() ({
      %run_scoped3A = tpu.sem_alloc : memref<!tpu.dma_semaphore, #tpu.memory_space<semaphore_mem>>
      %dma_start3A_1315 = arith.constant 0 : i32
      %dma_start3A_1316 = tpu.memref_slice %arg2[%mul3A_2, %dma_start3A_1315] : memref<128x128xi32, #tpu.memory_space<hbm>> -> memref<4x128xi32, #tpu.memory_space<hbm>>
      %dma_start3A_1317 = arith.constant 0 : i32
      %dma_start3A_1318 = tpu.memref_slice %arg2[%mul3A_2, %dma_start3A_1317] : memref<128x128xi32, #tpu.memory_space<hbm>> -> memref<4x128xi32, #tpu.memory_space<hbm>>
      tpu.enqueue_dma source(%dma_start3A_1318 : memref<4x128xi32, #tpu.memory_space<hbm>>) target(%arg7 : memref<4x128xi32, #tpu.memory_space<vmem>>) target_semaphore(%run_scoped3A : memref<!tpu.dma_semaphore, #tpu.memory_space<semaphore_mem>>)
      %dma_wait3A_1319 = arith.constant 0 : i32
      %dma_wait3A_1320 = tpu.memref_slice %arg2[%mul3A_2, %dma_wait3A_1319] : memref<128x128xi32, #tpu.memory_space<hbm>> -> memref<4x128xi32, #tpu.memory_space<hbm>>
      %dma_wait3A_1321 = arith.constant 0 : i32
      %dma_wait3A_1322 = tpu.memref_slice %arg2[%mul3A_2, %dma_wait3A_1321] : memref<128x128xi32, #tpu.memory_space<hbm>> -> memref<4x128xi32, #tpu.memory_space<hbm>>
      tpu.wait_dma2 semaphore(%run_scoped3A : memref<!tpu.dma_semaphore, #tpu.memory_space<semaphore_mem>>) src(%dma_wait3A_1322 : memref<4x128xi32, #tpu.memory_space<hbm>>) dst(%arg7 : memref<4x128xi32, #tpu.memory_space<vmem>>)
      tpu.yield
    }) : () -> ()
    "tpu.region"() ({
      %run_scoped3A = tpu.sem_alloc : memref<!tpu.dma_semaphore, #tpu.memory_space<semaphore_mem>>
      %dma_start3A_1315 = arith.constant 0 : i32
      %dma_start3A_1316 = tpu.memref_slice %arg3[%mul3A_2, %dma_start3A_1315] : memref<128x128xi32, #tpu.memory_space<hbm>> -> memref<4x128xi32, #tpu.memory_space<hbm>>
      %dma_start3A_1317 = arith.constant 0 : i32
      %dma_start3A_1318 = tpu.memref_slice %arg3[%mul3A_2, %dma_start3A_1317] : memref<128x128xi32, #tpu.memory_space<hbm>> -> memref<4x128xi32, #tpu.memory_space<hbm>>
      tpu.enqueue_dma source(%dma_start3A_1318 : memref<4x128xi32, #tpu.memory_space<hbm>>) target(%arg8 : memref<4x128xi32, #tpu.memory_space<vmem>>) target_semaphore(%run_scoped3A : memref<!tpu.dma_semaphore, #tpu.memory_space<semaphore_mem>>)
      %dma_wait3A_1319 = arith.constant 0 : i32
      %dma_wait3A_1320 = tpu.memref_slice %arg3[%mul3A_2, %dma_wait3A_1319] : memref<128x128xi32, #tpu.memory_space<hbm>> -> memref<4x128xi32, #tpu.memory_space<hbm>>
      %dma_wait3A_1321 = arith.constant 0 : i32
      %dma_wait3A_1322 = tpu.memref_slice %arg3[%mul3A_2, %dma_wait3A_1321] : memref<128x128xi32, #tpu.memory_space<hbm>> -> memref<4x128xi32, #tpu.memory_space<hbm>>
      tpu.wait_dma2 semaphore(%run_scoped3A : memref<!tpu.dma_semaphore, #tpu.memory_space<semaphore_mem>>) src(%dma_wait3A_1322 : memref<4x128xi32, #tpu.memory_space<hbm>>) dst(%arg8 : memref<4x128xi32, #tpu.memory_space<vmem>>)
      tpu.yield
    }) : () -> ()
    "tpu.region"() ({
      %run_scoped3A = tpu.sem_alloc : memref<!tpu.dma_semaphore, #tpu.memory_space<semaphore_mem>>
      %dma_start3A_1315 = arith.constant 0 : i32
      %dma_start3A_1316 = tpu.memref_slice %arg4[%mul3A_2, %dma_start3A_1315] : memref<128x128xi32, #tpu.memory_space<hbm>> -> memref<4x128xi32, #tpu.memory_space<hbm>>
      %dma_start3A_1317 = arith.constant 0 : i32
      %dma_start3A_1318 = tpu.memref_slice %arg4[%mul3A_2, %dma_start3A_1317] : memref<128x128xi32, #tpu.memory_space<hbm>> -> memref<4x128xi32, #tpu.memory_space<hbm>>
      tpu.enqueue_dma source(%dma_start3A_1318 : memref<4x128xi32, #tpu.memory_space<hbm>>) target(%arg9 : memref<4x128xi32, #tpu.memory_space<vmem>>) target_semaphore(%run_scoped3A : memref<!tpu.dma_semaphore, #tpu.memory_space<semaphore_mem>>)
      %dma_wait3A_1319 = arith.constant 0 : i32
      %dma_wait3A_1320 = tpu.memref_slice %arg4[%mul3A_2, %dma_wait3A_1319] : memref<128x128xi32, #tpu.memory_space<hbm>> -> memref<4x128xi32, #tpu.memory_space<hbm>>
      %dma_wait3A_1321 = arith.constant 0 : i32
      %dma_wait3A_1322 = tpu.memref_slice %arg4[%mul3A_2, %dma_wait3A_1321] : memref<128x128xi32, #tpu.memory_space<hbm>> -> memref<4x128xi32, #tpu.memory_space<hbm>>
      tpu.wait_dma2 semaphore(%run_scoped3A : memref<!tpu.dma_semaphore, #tpu.memory_space<semaphore_mem>>) src(%dma_wait3A_1322 : memref<4x128xi32, #tpu.memory_space<hbm>>) dst(%arg9 : memref<4x128xi32, #tpu.memory_space<vmem>>)
      tpu.yield
    }) : () -> ()
    %get3A = arith.constant 0 : i32
    %get3A_5 = arith.index_cast %get3A : i32 to index
    %get3A_6 = arith.constant 0 : index
    %get3A_7 = tpu.vector_load %arg7[%get3A_5, %get3A_6] {strides = array<i32>} : memref<4x128xi32, #tpu.memory_space<vmem>>, vector<16xi32>,
    %shift_right_logical3A = arith.constant 1 : i32
    %shift_right_logical3A_8 = vector.broadcast %shift_right_logical3A : i32 to vector<16xi32>
    %shift_right_logical3A_9 = arith.shrui %get3A_7, %shift_right_logical3A_8 : vector<16xi32>
    %swap3A = arith.constant 0 : i32
    %swap3A_10 = arith.index_cast %swap3A : i32 to index
    %swap3A_11 = arith.constant 0 : index
    %swap3A_12 = tpu.vector_load %arg10[%swap3A_10, %swap3A_11] {strides = array<i32>} : memref<4x128xi32, #tpu.memory_space<vmem>>, vector<16xi32>,
    tpu.vector_store %arg10[%swap3A_10, %swap3A_11], %shift_right_logical3A_9 {strides = array<i32>} : memref<4x128xi32, #tpu.memory_space<vmem>>, vector<16xi32>,
    %get3A_13 = arith.constant 0 : i32
    %get3A_14 = arith.index_cast %get3A_13 : i32 to index
    %get3A_15 = arith.constant 16 : index
    %get3A_16 = tpu.vector_load %arg7[%get3A_14, %get3A_15] {strides = array<i32>} : memref<4x128xi32, #tpu.memory_space<vmem>>, vector<16xi32>,
    %shift_right_logical3A_17 = arith.constant 1 : i32
    %shift_right_logical3A_18 = vector.broadcast %shift_right_logical3A_17 : i32 to vector<16xi32>
    %shift_right_logical3A_19 = arith.shrui %get3A_16, %shift_right_logical3A_18 : vector<16xi32>
    %swap3A_20 = arith.constant 0 : i32
    %swap3A_21 = arith.index_cast %swap3A_20 : i32 to index
    %swap3A_22 = arith.constant 16 : index
    %swap3A_23 = tpu.vector_load %arg10[%swap3A_21, %swap3A_22] {strides = array<i32>} : memref<4x128xi32, #tpu.memory_space<vmem>>, vector<16xi32>,
    tpu.vector_store %arg10[%swap3A_21, %swap3A_22], %shift_right_logical3A_19 {strides = array<i32>} : memref<4x128xi32, #tpu.memory_space<vmem>>, vector<16xi32>,
    %get3A_24 = arith.constant 0 : i32
    %get3A_25 = arith.index_cast %get3A_24 : i32 to index
    %get3A_26 = arith.constant 32 : index
    %get3A_27 = tpu.vector_load %arg7[%get3A_25, %get3A_26] {strides = array<i32>} : memref<4x128xi32, #tpu.memory_space<vmem>>, vector<16xi32>,
    %shift_right_logical3A_28 = arith.constant 1 : i32
    %shift_right_logical3A_29 = vector.broadcast %shift_right_logical3A_28 : i32 to vector<16xi32>
    %shift_right_logical3A_30 = arith.shrui %get3A_27, %shift_right_logical3A_29 : vector<16xi32>
    %swap3A_31 = arith.constant 0 : i32
    %swap3A_32 = arith.index_cast %swap3A_31 : i32 to index
    %swap3A_33 = arith.constant 32 : index
    %swap3A_34 = tpu.vector_load %arg10[%swap3A_32, %swap3A_33] {strides = array<i32>} : memref<4x128xi32, #tpu.memory_space<vmem>>, vector<16xi32>,
    tpu.vector_store %arg10[%swap3A_32, %swap3A_33], %shift_right_logical3A_30 {strides = array<i32>} : memref<4x128xi32, #tpu.memory_space<vmem>>, vector<16xi32>,
    %get3A_35 = arith.constant 0 : i32
    %get3A_36 = arith.index_cast %get3A_35 : i32 to index
    %get3A_37 = arith.constant 48 : index
    %get3A_38 = tpu.vector_load %arg7[%get3A_36, %get3A_37] {strides = array<i32>} : memref<4x128xi32, #tpu.memory_space<vmem>>, vector<16xi32>,
    %shift_right_logical3A_39 = arith.constant 1 : i32
    %shift_right_logical3A_40 = vector.broadcast %shift_right_logical3A_39 : i32 to vector<16xi32>
    %shift_right_logical3A_41 = arith.shrui %get3A_38, %shift_right_logical3A_40 : vector<16xi32>
    %swap3A_42 = arith.constant 0 : i32
    %swap3A_43 = arith.index_cast %swap3A_42 : i32 to index
    %swap3A_44 = arith.constant 48 : index
    %swap3A_45 = tpu.vector_load %arg10[%swap3A_43, %swap3A_44] {strides = array<i32>} : memref<4x128xi32, #tpu.memory_space<vmem>>, vector<16xi32>,
    tpu.vector_store %arg10[%swap3A_43, %swap3A_44], %shift_right_logical3A_41 {strides = array<i32>} : memref<4x128xi32, #tpu.memory_space<vmem>>, vector<16xi32>,
    %get3A_46 = arith.constant 0 : i32
    %get3A_47 = arith.index_cast %get3A_46 : i32 to index
    %get3A_48 = arith.constant 64 : index
    %get3A_49 = tpu.vector_load %arg7[%get3A_47, %get3A_48] {strides = array<i32>} : memref<4x128xi32, #tpu.memory_space<vmem>>, vector<16xi32>,
    %shift_right_logical3A_50 = arith.constant 1 : i32
    %shift_right_logical3A_51 = vector.broadcast %shift_right_logical3A_50 : i32 to vector<16xi32>
    %shift_right_logical3A_52 = arith.shrui %get3A_49, %shift_right_logical3A_51 : vector<16xi32>
    %swap3A_53 = arith.constant 0 : i32
    %swap3A_54 = arith.index_cast %swap3A_53 : i32 to index
    %swap3A_55 = arith.constant 64 : index
    %swap3A_56 = tpu.vector_load %arg10[%swap3A_54, %swap3A_55] {strides = array<i32>} : memref<4x128xi32, #tpu.memory_space<vmem>>, vector<16xi32>,
    tpu.vector_store %arg10[%swap3A_54, %swap3A_55], %shift_right_logical3A_52 {strides = array<i32>} : memref<4x128xi32, #tpu.memory_space<vmem>>, vector<16xi32>,
    %get3A_57 = arith.constant 0 : i32
    %get3A_58 = arith.index_cast %get3A_57 : i32 to index
    %get3A_59 = arith.constant 80 : index
    %get3A_60 = tpu.vector_load %arg7[%get3A_58, %get3A_59] {strides = array<i32>} : memref<4x128xi32, #tpu.memory_space<vmem>>, vector<16xi32>,
    %shift_right_logical3A_61 = arith.constant 1 : i32
    %shift_right_logical3A_62 = vector.broadcast %shift_right_logical3A_61 : i32 to vector<16xi32>
    %shift_right_logical3A_63 = arith.shrui %get3A_60, %shift_right_logical3A_62 : vector<16xi32>
    %swap3A_64 = arith.constant 0 : i32
    %swap3A_65 = arith.index_cast %swap3A_64 : i32 to index
    %swap3A_66 = arith.constant 80 : index
    %swap3A_67 = tpu.vector_load %arg10[%swap3A_65, %swap3A_66] {strides = array<i32>} : memref<4x128xi32, #tpu.memory_space<vmem>>, vector<16xi32>,
    tpu.vector_store %arg10[%swap3A_65, %swap3A_66], %shift_right_logical3A_63 {strides = array<i32>} : memref<4x128xi32, #tpu.memory_space<vmem>>, vector<16xi32>,
    %get3A_68 = arith.constant 0 : i32
    %get3A_69 = arith.index_cast %get3A_68 : i32 to index
    %get3A_70 = arith.constant 96 : index
    %get3A_71 = tpu.vector_load %arg7[%get3A_69, %get3A_70] {strides = array<i32>} : memref<4x128xi32, #tpu.memory_space<vmem>>, vector<16xi32>,
    %shift_right_logical3A_72 = arith.constant 1 : i32
    %shift_right_logical3A_73 = vector.broadcast %shift_right_logical3A_72 : i32 to vector<16xi32>
    %shift_right_logical3A_74 = arith.shrui %get3A_71, %shift_right_logical3A_73 : vector<16xi32>
    %swap3A_75 = arith.constant 0 : i32
    %swap3A_76 = arith.index_cast %swap3A_75 : i32 to index
    %swap3A_77 = arith.constant 96 : index
    %swap3A_78 = tpu.vector_load %arg10[%swap3A_76, %swap3A_77] {strides = array<i32>} : memref<4x128xi32, #tpu.memory_space<vmem>>, vector<16xi32>,
    tpu.vector_store %arg10[%swap3A_76, %swap3A_77], %shift_right_logical3A_74 {strides = array<i32>} : memref<4x128xi32, #tpu.memory_space<vmem>>, vector<16xi32>,
    %get3A_79 = arith.constant 0 : i32
    %get3A_80 = arith.index_cast %get3A_79 : i32 to index
    %get3A_81 = arith.constant 112 : index
    %get3A_82 = tpu.vector_load %arg7[%get3A_80, %get3A_81] {strides = array<i32>} : memref<4x128xi32, #tpu.memory_space<vmem>>, vector<16xi32>,
    %shift_right_logical3A_83 = arith.constant 1 : i32
    %shift_right_logical3A_84 = vector.broadcast %shift_right_logical3A_83 : i32 to vector<16xi32>
    %shift_right_logical3A_85 = arith.shrui %get3A_82, %shift_right_logical3A_84 : vector<16xi32>
    %swap3A_86 = arith.constant 0 : i32
    %swap3A_87 = arith.index_cast %swap3A_86 : i32 to index
    %swap3A_88 = arith.constant 112 : index
    %swap3A_89 = tpu.vector_load %arg10[%swap3A_87, %swap3A_88] {strides = array<i32>} : memref<4x128xi32, #tpu.memory_space<vmem>>, vector<16xi32>,
    tpu.vector_store %arg10[%swap3A_87, %swap3A_88], %shift_right_logical3A_85 {strides = array<i32>} : memref<4x128xi32, #tpu.memory_space<vmem>>, vector<16xi32>,
    %get3A_90 = arith.constant 1 : i32
    %get3A_91 = arith.index_cast %get3A_90 : i32 to index
    %get3A_92 = arith.constant 0 : index
    %get3A_93 = tpu.vector_load %arg7[%get3A_91, %get3A_92] {strides = array<i32>} : memref<4x128xi32, #tpu.memory_space<vmem>>, vector<16xi32>,
    %shift_right_logical3A_94 = arith.constant 1 : i32
    %shift_right_logical3A_95 = vector.broadcast %shift_right_logical3A_94 : i32 to vector<16xi32>
    %shift_right_logical3A_96 = arith.shrui %get3A_93, %shift_right_logical3A_95 : vector<16xi32>
    %swap3A_97 = arith.constant 1 : i32
    %swap3A_98 = arith.index_cast %swap3A_97 : i32 to index
    %swap3A_99 = arith.constant 0 : index
    %swap3A_100 = tpu.vector_load %arg10[%swap3A_98, %swap3A_99] {strides = array<i32>} : memref<4x128xi32, #tpu.memory_space<vmem>>, vector<16xi32>,
    tpu.vector_store %arg10[%swap3A_98, %swap3A_99], %shift_right_logical3A_96 {strides = array<i32>} : memref<4x128xi32, #tpu.memory_space<vmem>>, vector<16xi32>,
    %get3A_101 = arith.constant 1 : i32
    %get3A_102 = arith.index_cast %get3A_101 : i32 to index
    %get3A_103 = arith.constant 16 : index
    %get3A_104 = tpu.vector_load %arg7[%get3A_102, %get3A_103] {strides = array<i32>} : memref<4x128xi32, #tpu.memory_space<vmem>>, vector<16xi32>,
    %shift_right_logical3A_105 = arith.constant 1 : i32
    %shift_right_logical3A_106 = vector.broadcast %shift_right_logical3A_105 : i32 to vector<16xi32>
    %shift_right_logical3A_107 = arith.shrui %get3A_104, %shift_right_logical3A_106 : vector<16xi32>
    %swap3A_108 = arith.constant 1 : i32
    %swap3A_109 = arith.index_cast %swap3A_108 : i32 to index
    %swap3A_110 = arith.constant 16 : index
    %swap3A_111 = tpu.vector_load %arg10[%swap3A_109, %swap3A_110] {strides = array<i32>} : memref<4x128xi32, #tpu.memory_space<vmem>>, vector<16xi32>,
    tpu.vector_store %arg10[%swap3A_109, %swap3A_110], %shift_right_logical3A_107 {strides = array<i32>} : memref<4x128xi32, #tpu.memory_space<vmem>>, vector<16xi32>,
    %get3A_112 = arith.constant 1 : i32
    %get3A_113 = arith.index_cast %get3A_112 : i32 to index
    %get3A_114 = arith.constant 32 : index
    %get3A_115 = tpu.vector_load %arg7[%get3A_113, %get3A_114] {strides = array<i32>} : memref<4x128xi32, #tpu.memory_space<vmem>>, vector<16xi32>,
    %shift_right_logical3A_116 = arith.constant 1 : i32
    %shift_right_logical3A_117 = vector.broadcast %shift_right_logical3A_116 : i32 to vector<16xi32>
    %shift_right_logical3A_118 = arith.shrui %get3A_115, %shift_right_logical3A_117 : vector<16xi32>
    %swap3A_119 = arith.constant 1 : i32
    %swap3A_120 = arith.index_cast %swap3A_119 : i32 to index
    %swap3A_121 = arith.constant 32 : index
    %swap3A_122 = tpu.vector_load %arg10[%swap3A_120, %swap3A_121] {strides = array<i32>} : memref<4x128xi32, #tpu.memory_space<vmem>>, vector<16xi32>,
    tpu.vector_store %arg10[%swap3A_120, %swap3A_121], %shift_right_logical3A_118 {strides = array<i32>} : memref<4x128xi32, #tpu.memory_space<vmem>>, vector<16xi32>,
    %get3A_123 = arith.constant 1 : i32
    %get3A_124 = arith.index_cast %get3A_123 : i32 to index
    %get3A_125 = arith.constant 48 : index
    %get3A_126 = tpu.vector_load %arg7[%get3A_124, %get3A_125] {strides = array<i32>} : memref<4x128xi32, #tpu.memory_space<vmem>>, vector<16xi32>,
    %shift_right_logical3A_127 = arith.constant 1 : i32
    %shift_right_logical3A_128 = vector.broadcast %shift_right_logical3A_127 : i32 to vector<16xi32>
    %shift_right_logical3A_129 = arith.shrui %get3A_126, %shift_right_logical3A_128 : vector<16xi32>
    %swap3A_130 = arith.constant 1 : i32
    %swap3A_131 = arith.index_cast %swap3A_130 : i32 to index
    %swap3A_132 = arith.constant 48 : index
    %swap3A_133 = tpu.vector_load %arg10[%swap3A_131, %swap3A_132] {strides = array<i32>} : memref<4x128xi32, #tpu.memory_space<vmem>>, vector<16xi32>,
    tpu.vector_store %arg10[%swap3A_131, %swap3A_132], %shift_right_logical3A_129 {strides = array<i32>} : memref<4x128xi32, #tpu.memory_space<vmem>>, vector<16xi32>,
    %get3A_134 = arith.constant 1 : i32
    %get3A_135 = arith.index_cast %get3A_134 : i32 to index
    %get3A_136 = arith.constant 64 : index
    %get3A_137 = tpu.vector_load %arg7[%get3A_135, %get3A_136] {strides = array<i32>} : memref<4x128xi32, #tpu.memory_space<vmem>>, vector<16xi32>,
    %shift_right_logical3A_138 = arith.constant 1 : i32
    %shift_right_logical3A_139 = vector.broadcast %shift_right_logical3A_138 : i32 to vector<16xi32>
    %shift_right_logical3A_140 = arith.shrui %get3A_137, %shift_right_logical3A_139 : vector<16xi32>
    %swap3A_141 = arith.constant 1 : i32
    %swap3A_142 = arith.index_cast %swap3A_141 : i32 to index
    %swap3A_143 = arith.constant 64 : index
    %swap3A_144 = tpu.vector_load %arg10[%swap3A_142, %swap3A_143] {strides = array<i32>} : memref<4x128xi32, #tpu.memory_space<vmem>>, vector<16xi32>,
    tpu.vector_store %arg10[%swap3A_142, %swap3A_143], %shift_right_logical3A_140 {strides = array<i32>} : memref<4x128xi32, #tpu.memory_space<vmem>>, vector<16xi32>,
    %get3A_145 = arith.constant 1 : i32
    %get3A_146 = arith.index_cast %get3A_145 : i32 to index
    %get3A_147 = arith.constant 80 : index
    %get3A_148 = tpu.vector_load %arg7[%get3A_146, %get3A_147] {strides = array<i32>} : memref<4x128xi32, #tpu.memory_space<vmem>>, vector<16xi32>,
    %shift_right_logical3A_149 = arith.constant 1 : i32
    %shift_right_logical3A_150 = vector.broadcast %shift_right_logical3A_149 : i32 to vector<16xi32>
    %shift_right_logical3A_151 = arith.shrui %get3A_148, %shift_right_logical3A_150 : vector<16xi32>
    %swap3A_152 = arith.constant 1 : i32
    %swap3A_153 = arith.index_cast %swap3A_152 : i32 to index
    %swap3A_154 = arith.constant 80 : index
    %swap3A_155 = tpu.vector_load %arg10[%swap3A_153, %swap3A_154] {strides = array<i32>} : memref<4x128xi32, #tpu.memory_space<vmem>>, vector<16xi32>,
    tpu.vector_store %arg10[%swap3A_153, %swap3A_154], %shift_right_logical3A_151 {strides = array<i32>} : memref<4x128xi32, #tpu.memory_space<vmem>>, vector<16xi32>,
    %get3A_156 = arith.constant 1 : i32
    %get3A_157 = arith.index_cast %get3A_156 : i32 to index
    %get3A_158 = arith.constant 96 : index
    %get3A_159 = tpu.vector_load %arg7[%get3A_157, %get3A_158] {strides = array<i32>} : memref<4x128xi32, #tpu.memory_space<vmem>>, vector<16xi32>,
    %shift_right_logical3A_160 = arith.constant 1 : i32
    %shift_right_logical3A_161 = vector.broadcast %shift_right_logical3A_160 : i32 to vector<16xi32>
    %shift_right_logical3A_162 = arith.shrui %get3A_159, %shift_right_logical3A_161 : vector<16xi32>
    %swap3A_163 = arith.constant 1 : i32
    %swap3A_164 = arith.index_cast %swap3A_163 : i32 to index
    %swap3A_165 = arith.constant 96 : index
    %swap3A_166 = tpu.vector_load %arg10[%swap3A_164, %swap3A_165] {strides = array<i32>} : memref<4x128xi32, #tpu.memory_space<vmem>>, vector<16xi32>,
    tpu.vector_store %arg10[%swap3A_164, %swap3A_165], %shift_right_logical3A_162 {strides = array<i32>} : memref<4x128xi32, #tpu.memory_space<vmem>>, vector<16xi32>,
    %get3A_167 = arith.constant 1 : i32
    %get3A_168 = arith.index_cast %get3A_167 : i32 to index
    %get3A_169 = arith.constant 112 : index
    %get3A_170 = tpu.vector_load %arg7[%get3A_168, %get3A_169] {strides = array<i32>} : memref<4x128xi32, #tpu.memory_space<vmem>>, vector<16xi32>,
    %shift_right_logical3A_171 = arith.constant 1 : i32
    %shift_right_logical3A_172 = vector.broadcast %shift_right_logical3A_171 : i32 to vector<16xi32>
    %shift_right_logical3A_173 = arith.shrui %get3A_170, %shift_right_logical3A_172 : vector<16xi32>
    %swap3A_174 = arith.constant 1 : i32
    %swap3A_175 = arith.index_cast %swap3A_174 : i32 to index
    %swap3A_176 = arith.constant 112 : index
    %swap3A_177 = tpu.vector_load %arg10[%swap3A_175, %swap3A_176] {strides = array<i32>} : memref<4x128xi32, #tpu.memory_space<vmem>>, vector<16xi32>,
    tpu.vector_store %arg10[%swap3A_175, %swap3A_176], %shift_right_logical3A_173 {strides = array<i32>} : memref<4x128xi32, #tpu.memory_space<vmem>>, vector<16xi32>,
    %get3A_178 = arith.constant 2 : i32
    %get3A_179 = arith.index_cast %get3A_178 : i32 to index
    %get3A_180 = arith.constant 0 : index
    %get3A_181 = tpu.vector_load %arg7[%get3A_179, %get3A_180] {strides = array<i32>} : memref<4x128xi32, #tpu.memory_space<vmem>>, vector<16xi32>,
    %shift_right_logical3A_182 = arith.constant 1 : i32
    %shift_right_logical3A_183 = vector.broadcast %shift_right_logical3A_182 : i32 to vector<16xi32>
    %shift_right_logical3A_184 = arith.shrui %get3A_181, %shift_right_logical3A_183 : vector<16xi32>
    %swap3A_185 = arith.constant 2 : i32
    %swap3A_186 = arith.index_cast %swap3A_185 : i32 to index
    %swap3A_187 = arith.constant 0 : index
    %swap3A_188 = tpu.vector_load %arg10[%swap3A_186, %swap3A_187] {strides = array<i32>} : memref<4x128xi32, #tpu.memory_space<vmem>>, vector<16xi32>,
    tpu.vector_store %arg10[%swap3A_186, %swap3A_187], %shift_right_logical3A_184 {strides = array<i32>} : memref<4x128xi32, #tpu.memory_space<vmem>>, vector<16xi32>,
    %get3A_189 = arith.constant 2 : i32
    %get3A_190 = arith.index_cast %get3A_189 : i32 to index
    %get3A_191 = arith.constant 16 : index
    %get3A_192 = tpu.vector_load %arg7[%get3A_190, %get3A_191] {strides = array<i32>} : memref<4x128xi32, #tpu.memory_space<vmem>>, vector<16xi32>,
    %shift_right_logical3A_193 = arith.constant 1 : i32
    %shift_right_logical3A_194 = vector.broadcast %shift_right_logical3A_193 : i32 to vector<16xi32>
    %shift_right_logical3A_195 = arith.shrui %get3A_192, %shift_right_logical3A_194 : vector<16xi32>
    %swap3A_196 = arith.constant 2 : i32
    %swap3A_197 = arith.index_cast %swap3A_196 : i32 to index
    %swap3A_198 = arith.constant 16 : index
    %swap3A_199 = tpu.vector_load %arg10[%swap3A_197, %swap3A_198] {strides = array<i32>} : memref<4x128xi32, #tpu.memory_space<vmem>>, vector<16xi32>,
    tpu.vector_store %arg10[%swap3A_197, %swap3A_198], %shift_right_logical3A_195 {strides = array<i32>} : memref<4x128xi32, #tpu.memory_space<vmem>>, vector<16xi32>,
    %get3A_200 = arith.constant 2 : i32
    %get3A_201 = arith.index_cast %get3A_200 : i32 to index
    %get3A_202 = arith.constant 32 : index
    %get3A_203 = tpu.vector_load %arg7[%get3A_201, %get3A_202] {strides = array<i32>} : memref<4x128xi32, #tpu.memory_space<vmem>>, vector<16xi32>,
    %shift_right_logical3A_204 = arith.constant 1 : i32
    %shift_right_logical3A_205 = vector.broadcast %shift_right_logical3A_204 : i32 to vector<16xi32>
    %shift_right_logical3A_206 = arith.shrui %get3A_203, %shift_right_logical3A_205 : vector<16xi32>
    %swap3A_207 = arith.constant 2 : i32
    %swap3A_208 = arith.index_cast %swap3A_207 : i32 to index
    %swap3A_209 = arith.constant 32 : index
    %swap3A_210 = tpu.vector_load %arg10[%swap3A_208, %swap3A_209] {strides = array<i32>} : memref<4x128xi32, #tpu.memory_space<vmem>>, vector<16xi32>,
    tpu.vector_store %arg10[%swap3A_208, %swap3A_209], %shift_right_logical3A_206 {strides = array<i32>} : memref<4x128xi32, #tpu.memory_space<vmem>>, vector<16xi32>,
    %get3A_211 = arith.constant 2 : i32
    %get3A_212 = arith.index_cast %get3A_211 : i32 to index
    %get3A_213 = arith.constant 48 : index
    %get3A_214 = tpu.vector_load %arg7[%get3A_212, %get3A_213] {strides = array<i32>} : memref<4x128xi32, #tpu.memory_space<vmem>>, vector<16xi32>,
    %shift_right_logical3A_215 = arith.constant 1 : i32
    %shift_right_logical3A_216 = vector.broadcast %shift_right_logical3A_215 : i32 to vector<16xi32>
    %shift_right_logical3A_217 = arith.shrui %get3A_214, %shift_right_logical3A_216 : vector<16xi32>
    %swap3A_218 = arith.constant 2 : i32
    %swap3A_219 = arith.index_cast %swap3A_218 : i32 to index
    %swap3A_220 = arith.constant 48 : index
    %swap3A_221 = tpu.vector_load %arg10[%swap3A_219, %swap3A_220] {strides = array<i32>} : memref<4x128xi32, #tpu.memory_space<vmem>>, vector<16xi32>,
    tpu.vector_store %arg10[%swap3A_219, %swap3A_220], %shift_right_logical3A_217 {strides = array<i32>} : memref<4x128xi32, #tpu.memory_space<vmem>>, vector<16xi32>,
    %get3A_222 = arith.constant 2 : i32
    %get3A_223 = arith.index_cast %get3A_222 : i32 to index
    %get3A_224 = arith.constant 64 : index
    %get3A_225 = tpu.vector_load %arg7[%get3A_223, %get3A_224] {strides = array<i32>} : memref<4x128xi32, #tpu.memory_space<vmem>>, vector<16xi32>,
    %shift_right_logical3A_226 = arith.constant 1 : i32
    %shift_right_logical3A_227 = vector.broadcast %shift_right_logical3A_226 : i32 to vector<16xi32>
    %shift_right_logical3A_228 = arith.shrui %get3A_225, %shift_right_logical3A_227 : vector<16xi32>
    %swap3A_229 = arith.constant 2 : i32
    %swap3A_230 = arith.index_cast %swap3A_229 : i32 to index
    %swap3A_231 = arith.constant 64 : index
    %swap3A_232 = tpu.vector_load %arg10[%swap3A_230, %swap3A_231] {strides = array<i32>} : memref<4x128xi32, #tpu.memory_space<vmem>>, vector<16xi32>,
    tpu.vector_store %arg10[%swap3A_230, %swap3A_231], %shift_right_logical3A_228 {strides = array<i32>} : memref<4x128xi32, #tpu.memory_space<vmem>>, vector<16xi32>,
    %get3A_233 = arith.constant 2 : i32
    %get3A_234 = arith.index_cast %get3A_233 : i32 to index
    %get3A_235 = arith.constant 80 : index
    %get3A_236 = tpu.vector_load %arg7[%get3A_234, %get3A_235] {strides = array<i32>} : memref<4x128xi32, #tpu.memory_space<vmem>>, vector<16xi32>,
    %shift_right_logical3A_237 = arith.constant 1 : i32
    %shift_right_logical3A_238 = vector.broadcast %shift_right_logical3A_237 : i32 to vector<16xi32>
    %shift_right_logical3A_239 = arith.shrui %get3A_236, %shift_right_logical3A_238 : vector<16xi32>
    %swap3A_240 = arith.constant 2 : i32
    %swap3A_241 = arith.index_cast %swap3A_240 : i32 to index
    %swap3A_242 = arith.constant 80 : index
    %swap3A_243 = tpu.vector_load %arg10[%swap3A_241, %swap3A_242] {strides = array<i32>} : memref<4x128xi32, #tpu.memory_space<vmem>>, vector<16xi32>,
    tpu.vector_store %arg10[%swap3A_241, %swap3A_242], %shift_right_logical3A_239 {strides = array<i32>} : memref<4x128xi32, #tpu.memory_space<vmem>>, vector<16xi32>,
    %get3A_244 = arith.constant 2 : i32
    %get3A_245 = arith.index_cast %get3A_244 : i32 to index
    %get3A_246 = arith.constant 96 : index
    %get3A_247 = tpu.vector_load %arg7[%get3A_245, %get3A_246] {strides = array<i32>} : memref<4x128xi32, #tpu.memory_space<vmem>>, vector<16xi32>,
    %shift_right_logical3A_248 = arith.constant 1 : i32
    %shift_right_logical3A_249 = vector.broadcast %shift_right_logical3A_248 : i32 to vector<16xi32>
    %shift_right_logical3A_250 = arith.shrui %get3A_247, %shift_right_logical3A_249 : vector<16xi32>
    %swap3A_251 = arith.constant 2 : i32
    %swap3A_252 = arith.index_cast %swap3A_251 : i32 to index
    %swap3A_253 = arith.constant 96 : index
    %swap3A_254 = tpu.vector_load %arg10[%swap3A_252, %swap3A_253] {strides = array<i32>} : memref<4x128xi32, #tpu.memory_space<vmem>>, vector<16xi32>,
    tpu.vector_store %arg10[%swap3A_252, %swap3A_253], %shift_right_logical3A_250 {strides = array<i32>} : memref<4x128xi32, #tpu.memory_space<vmem>>, vector<16xi32>,
    %get3A_255 = arith.constant 2 : i32
    %get3A_256 = arith.index_cast %get3A_255 : i32 to index
    %get3A_257 = arith.constant 112 : index
    %get3A_258 = tpu.vector_load %arg7[%get3A_256, %get3A_257] {strides = array<i32>} : memref<4x128xi32, #tpu.memory_space<vmem>>, vector<16xi32>,
    %shift_right_logical3A_259 = arith.constant 1 : i32
    %shift_right_logical3A_260 = vector.broadcast %shift_right_logical3A_259 : i32 to vector<16xi32>
    %shift_right_logical3A_261 = arith.shrui %get3A_258, %shift_right_logical3A_260 : vector<16xi32>
    %swap3A_262 = arith.constant 2 : i32
    %swap3A_263 = arith.index_cast %swap3A_262 : i32 to index
    %swap3A_264 = arith.constant 112 : index
    %swap3A_265 = tpu.vector_load %arg10[%swap3A_263, %swap3A_264] {strides = array<i32>} : memref<4x128xi32, #tpu.memory_space<vmem>>, vector<16xi32>,
    tpu.vector_store %arg10[%swap3A_263, %swap3A_264], %shift_right_logical3A_261 {strides = array<i32>} : memref<4x128xi32, #tpu.memory_space<vmem>>, vector<16xi32>,
    %get3A_266 = arith.constant 3 : i32
    %get3A_267 = arith.index_cast %get3A_266 : i32 to index
    %get3A_268 = arith.constant 0 : index
    %get3A_269 = tpu.vector_load %arg7[%get3A_267, %get3A_268] {strides = array<i32>} : memref<4x128xi32, #tpu.memory_space<vmem>>, vector<16xi32>,
    %shift_right_logical3A_270 = arith.constant 1 : i32
    %shift_right_logical3A_271 = vector.broadcast %shift_right_logical3A_270 : i32 to vector<16xi32>
    %shift_right_logical3A_272 = arith.shrui %get3A_269, %shift_right_logical3A_271 : vector<16xi32>
    %swap3A_273 = arith.constant 3 : i32
    %swap3A_274 = arith.index_cast %swap3A_273 : i32 to index
    %swap3A_275 = arith.constant 0 : index
    %swap3A_276 = tpu.vector_load %arg10[%swap3A_274, %swap3A_275] {strides = array<i32>} : memref<4x128xi32, #tpu.memory_space<vmem>>, vector<16xi32>,
    tpu.vector_store %arg10[%swap3A_274, %swap3A_275], %shift_right_logical3A_272 {strides = array<i32>} : memref<4x128xi32, #tpu.memory_space<vmem>>, vector<16xi32>,
    %get3A_277 = arith.constant 3 : i32
    %get3A_278 = arith.index_cast %get3A_277 : i32 to index
    %get3A_279 = arith.constant 16 : index
    %get3A_280 = tpu.vector_load %arg7[%get3A_278, %get3A_279] {strides = array<i32>} : memref<4x128xi32, #tpu.memory_space<vmem>>, vector<16xi32>,
    %shift_right_logical3A_281 = arith.constant 1 : i32
    %shift_right_logical3A_282 = vector.broadcast %shift_right_logical3A_281 : i32 to vector<16xi32>
    %shift_right_logical3A_283 = arith.shrui %get3A_280, %shift_right_logical3A_282 : vector<16xi32>
    %swap3A_284 = arith.constant 3 : i32
    %swap3A_285 = arith.index_cast %swap3A_284 : i32 to index
    %swap3A_286 = arith.constant 16 : index
    %swap3A_287 = tpu.vector_load %arg10[%swap3A_285, %swap3A_286] {strides = array<i32>} : memref<4x128xi32, #tpu.memory_space<vmem>>, vector<16xi32>,
    tpu.vector_store %arg10[%swap3A_285, %swap3A_286], %shift_right_logical3A_283 {strides = array<i32>} : memref<4x128xi32, #tpu.memory_space<vmem>>, vector<16xi32>,
    %get3A_288 = arith.constant 3 : i32
    %get3A_289 = arith.index_cast %get3A_288 : i32 to index
    %get3A_290 = arith.constant 32 : index
    %get3A_291 = tpu.vector_load %arg7[%get3A_289, %get3A_290] {strides = array<i32>} : memref<4x128xi32, #tpu.memory_space<vmem>>, vector<16xi32>,
    %shift_right_logical3A_292 = arith.constant 1 : i32
    %shift_right_logical3A_293 = vector.broadcast %shift_right_logical3A_292 : i32 to vector<16xi32>
    %shift_right_logical3A_294 = arith.shrui %get3A_291, %shift_right_logical3A_293 : vector<16xi32>
    %swap3A_295 = arith.constant 3 : i32
    %swap3A_296 = arith.index_cast %swap3A_295 : i32 to index
    %swap3A_297 = arith.constant 32 : index
    %swap3A_298 = tpu.vector_load %arg10[%swap3A_296, %swap3A_297] {strides = array<i32>} : memref<4x128xi32, #tpu.memory_space<vmem>>, vector<16xi32>,
    tpu.vector_store %arg10[%swap3A_296, %swap3A_297], %shift_right_logical3A_294 {strides = array<i32>} : memref<4x128xi32, #tpu.memory_space<vmem>>, vector<16xi32>,
    %get3A_299 = arith.constant 3 : i32
    %get3A_300 = arith.index_cast %get3A_299 : i32 to index
    %get3A_301 = arith.constant 48 : index
    %get3A_302 = tpu.vector_load %arg7[%get3A_300, %get3A_301] {strides = array<i32>} : memref<4x128xi32, #tpu.memory_space<vmem>>, vector<16xi32>,
    %shift_right_logical3A_303 = arith.constant 1 : i32
    %shift_right_logical3A_304 = vector.broadcast %shift_right_logical3A_303 : i32 to vector<16xi32>
    %shift_right_logical3A_305 = arith.shrui %get3A_302, %shift_right_logical3A_304 : vector<16xi32>
    %swap3A_306 = arith.constant 3 : i32
    %swap3A_307 = arith.index_cast %swap3A_306 : i32 to index
    %swap3A_308 = arith.constant 48 : index
    %swap3A_309 = tpu.vector_load %arg10[%swap3A_307, %swap3A_308] {strides = array<i32>} : memref<4x128xi32, #tpu.memory_space<vmem>>, vector<16xi32>,
    tpu.vector_store %arg10[%swap3A_307, %swap3A_308], %shift_right_logical3A_305 {strides = array<i32>} : memref<4x128xi32, #tpu.memory_space<vmem>>, vector<16xi32>,
    %get3A_310 = arith.constant 3 : i32
    %get3A_311 = arith.index_cast %get3A_310 : i32 to index
    %get3A_312 = arith.constant 64 : index
    %get3A_313 = tpu.vector_load %arg7[%get3A_311, %get3A_312] {strides = array<i32>} : memref<4x128xi32, #tpu.memory_space<vmem>>, vector<16xi32>,
    %shift_right_logical3A_314 = arith.constant 1 : i32
    %shift_right_logical3A_315 = vector.broadcast %shift_right_logical3A_314 : i32 to vector<16xi32>
    %shift_right_logical3A_316 = arith.shrui %get3A_313, %shift_right_logical3A_315 : vector<16xi32>
    %swap3A_317 = arith.constant 3 : i32
    %swap3A_318 = arith.index_cast %swap3A_317 : i32 to index
    %swap3A_319 = arith.constant 64 : index
    %swap3A_320 = tpu.vector_load %arg10[%swap3A_318, %swap3A_319] {strides = array<i32>} : memref<4x128xi32, #tpu.memory_space<vmem>>, vector<16xi32>,
    tpu.vector_store %arg10[%swap3A_318, %swap3A_319], %shift_right_logical3A_316 {strides = array<i32>} : memref<4x128xi32, #tpu.memory_space<vmem>>, vector<16xi32>,
    %get3A_321 = arith.constant 3 : i32
    %get3A_322 = arith.index_cast %get3A_321 : i32 to index
    %get3A_323 = arith.constant 80 : index
    %get3A_324 = tpu.vector_load %arg7[%get3A_322, %get3A_323] {strides = array<i32>} : memref<4x128xi32, #tpu.memory_space<vmem>>, vector<16xi32>,
    %shift_right_logical3A_325 = arith.constant 1 : i32
    %shift_right_logical3A_326 = vector.broadcast %shift_right_logical3A_325 : i32 to vector<16xi32>
    %shift_right_logical3A_327 = arith.shrui %get3A_324, %shift_right_logical3A_326 : vector<16xi32>
    %swap3A_328 = arith.constant 3 : i32
    %swap3A_329 = arith.index_cast %swap3A_328 : i32 to index
    %swap3A_330 = arith.constant 80 : index
    %swap3A_331 = tpu.vector_load %arg10[%swap3A_329, %swap3A_330] {strides = array<i32>} : memref<4x128xi32, #tpu.memory_space<vmem>>, vector<16xi32>,
    tpu.vector_store %arg10[%swap3A_329, %swap3A_330], %shift_right_logical3A_327 {strides = array<i32>} : memref<4x128xi32, #tpu.memory_space<vmem>>, vector<16xi32>,
    %get3A_332 = arith.constant 3 : i32
    %get3A_333 = arith.index_cast %get3A_332 : i32 to index
    %get3A_334 = arith.constant 96 : index
    %get3A_335 = tpu.vector_load %arg7[%get3A_333, %get3A_334] {strides = array<i32>} : memref<4x128xi32, #tpu.memory_space<vmem>>, vector<16xi32>,
    %shift_right_logical3A_336 = arith.constant 1 : i32
    %shift_right_logical3A_337 = vector.broadcast %shift_right_logical3A_336 : i32 to vector<16xi32>
    %shift_right_logical3A_338 = arith.shrui %get3A_335, %shift_right_logical3A_337 : vector<16xi32>
    %swap3A_339 = arith.constant 3 : i32
    %swap3A_340 = arith.index_cast %swap3A_339 : i32 to index
    %swap3A_341 = arith.constant 96 : index
    %swap3A_342 = tpu.vector_load %arg10[%swap3A_340, %swap3A_341] {strides = array<i32>} : memref<4x128xi32, #tpu.memory_space<vmem>>, vector<16xi32>,
    tpu.vector_store %arg10[%swap3A_340, %swap3A_341], %shift_right_logical3A_338 {strides = array<i32>} : memref<4x128xi32, #tpu.memory_space<vmem>>, vector<16xi32>,
    %get3A_343 = arith.constant 3 : i32
    %get3A_344 = arith.index_cast %get3A_343 : i32 to index
    %get3A_345 = arith.constant 112 : index
    %get3A_346 = tpu.vector_load %arg7[%get3A_344, %get3A_345] {strides = array<i32>} : memref<4x128xi32, #tpu.memory_space<vmem>>, vector<16xi32>,
    %shift_right_logical3A_347 = arith.constant 1 : i32
    %shift_right_logical3A_348 = vector.broadcast %shift_right_logical3A_347 : i32 to vector<16xi32>
    %shift_right_logical3A_349 = arith.shrui %get3A_346, %shift_right_logical3A_348 : vector<16xi32>
    %swap3A_350 = arith.constant 3 : i32
    %swap3A_351 = arith.index_cast %swap3A_350 : i32 to index
    %swap3A_352 = arith.constant 112 : index
    %swap3A_353 = tpu.vector_load %arg10[%swap3A_351, %swap3A_352] {strides = array<i32>} : memref<4x128xi32, #tpu.memory_space<vmem>>, vector<16xi32>,
    tpu.vector_store %arg10[%swap3A_351, %swap3A_352], %shift_right_logical3A_349 {strides = array<i32>} : memref<4x128xi32, #tpu.memory_space<vmem>>, vector<16xi32>,
    %get3A_354 = arith.constant 0 : i32
    %get3A_355 = arith.index_cast %get3A_354 : i32 to index
    %get3A_356 = arith.constant 0 : index
    %get3A_357 = tpu.vector_load %arg8[%get3A_355, %get3A_356] {strides = array<i32>} : memref<4x128xi32, #tpu.memory_space<vmem>>, vector<16xi32>,
    %shift_right_logical3A_358 = arith.constant 1 : i32
    %shift_right_logical3A_359 = vector.broadcast %shift_right_logical3A_358 : i32 to vector<16xi32>
    %shift_right_logical3A_360 = arith.shrui %get3A_357, %shift_right_logical3A_359 : vector<16xi32>
    %swap3A_361 = arith.constant 0 : i32
    %swap3A_362 = arith.index_cast %swap3A_361 : i32 to index
    %swap3A_363 = arith.constant 0 : index
    %swap3A_364 = tpu.vector_load %arg11[%swap3A_362, %swap3A_363] {strides = array<i32>} : memref<4x128xi32, #tpu.memory_space<vmem>>, vector<16xi32>,
    tpu.vector_store %arg11[%swap3A_362, %swap3A_363], %shift_right_logical3A_360 {strides = array<i32>} : memref<4x128xi32, #tpu.memory_space<vmem>>, vector<16xi32>,
    %get3A_365 = arith.constant 0 : i32
    %get3A_366 = arith.index_cast %get3A_365 : i32 to index
    %get3A_367 = arith.constant 16 : index
    %get3A_368 = tpu.vector_load %arg8[%get3A_366, %get3A_367] {strides = array<i32>} : memref<4x128xi32, #tpu.memory_space<vmem>>, vector<16xi32>,
    %shift_right_logical3A_369 = arith.constant 1 : i32
    %shift_right_logical3A_370 = vector.broadcast %shift_right_logical3A_369 : i32 to vector<16xi32>
    %shift_right_logical3A_371 = arith.shrui %get3A_368, %shift_right_logical3A_370 : vector<16xi32>
    %swap3A_372 = arith.constant 0 : i32
    %swap3A_373 = arith.index_cast %swap3A_372 : i32 to index
    %swap3A_374 = arith.constant 16 : index
    %swap3A_375 = tpu.vector_load %arg11[%swap3A_373, %swap3A_374] {strides = array<i32>} : memref<4x128xi32, #tpu.memory_space<vmem>>, vector<16xi32>,
    tpu.vector_store %arg11[%swap3A_373, %swap3A_374], %shift_right_logical3A_371 {strides = array<i32>} : memref<4x128xi32, #tpu.memory_space<vmem>>, vector<16xi32>,
    %get3A_376 = arith.constant 0 : i32
    %get3A_377 = arith.index_cast %get3A_376 : i32 to index
    %get3A_378 = arith.constant 32 : index
    %get3A_379 = tpu.vector_load %arg8[%get3A_377, %get3A_378] {strides = array<i32>} : memref<4x128xi32, #tpu.memory_space<vmem>>, vector<16xi32>,
    %shift_right_logical3A_380 = arith.constant 1 : i32
    %shift_right_logical3A_381 = vector.broadcast %shift_right_logical3A_380 : i32 to vector<16xi32>
    %shift_right_logical3A_382 = arith.shrui %get3A_379, %shift_right_logical3A_381 : vector<16xi32>
    %swap3A_383 = arith.constant 0 : i32
    %swap3A_384 = arith.index_cast %swap3A_383 : i32 to index
    %swap3A_385 = arith.constant 32 : index
    %swap3A_386 = tpu.vector_load %arg11[%swap3A_384, %swap3A_385] {strides = array<i32>} : memref<4x128xi32, #tpu.memory_space<vmem>>, vector<16xi32>,
    tpu.vector_store %arg11[%swap3A_384, %swap3A_385], %shift_right_logical3A_382 {strides = array<i32>} : memref<4x128xi32, #tpu.memory_space<vmem>>, vector<16xi32>,
    %get3A_387 = arith.constant 0 : i32
    %get3A_388 = arith.index_cast %get3A_387 : i32 to index
    %get3A_389 = arith.constant 48 : index
    %get3A_390 = tpu.vector_load %arg8[%get3A_388, %get3A_389] {strides = array<i32>} : memref<4x128xi32, #tpu.memory_space<vmem>>, vector<16xi32>,
    %shift_right_logical3A_391 = arith.constant 1 : i32
    %shift_right_logical3A_392 = vector.broadcast %shift_right_logical3A_391 : i32 to vector<16xi32>
    %shift_right_logical3A_393 = arith.shrui %get3A_390, %shift_right_logical3A_392 : vector<16xi32>
    %swap3A_394 = arith.constant 0 : i32
    %swap3A_395 = arith.index_cast %swap3A_394 : i32 to index
    %swap3A_396 = arith.constant 48 : index
    %swap3A_397 = tpu.vector_load %arg11[%swap3A_395, %swap3A_396] {strides = array<i32>} : memref<4x128xi32, #tpu.memory_space<vmem>>, vector<16xi32>,
    tpu.vector_store %arg11[%swap3A_395, %swap3A_396], %shift_right_logical3A_393 {strides = array<i32>} : memref<4x128xi32, #tpu.memory_space<vmem>>, vector<16xi32>,
    %get3A_398 = arith.constant 0 : i32
    %get3A_399 = arith.index_cast %get3A_398 : i32 to index
    %get3A_400 = arith.constant 64 : index
    %get3A_401 = tpu.vector_load %arg8[%get3A_399, %get3A_400] {strides = array<i32>} : memref<4x128xi32, #tpu.memory_space<vmem>>, vector<16xi32>,
    %shift_right_logical3A_402 = arith.constant 1 : i32
    %shift_right_logical3A_403 = vector.broadcast %shift_right_logical3A_402 : i32 to vector<16xi32>
    %shift_right_logical3A_404 = arith.shrui %get3A_401, %shift_right_logical3A_403 : vector<16xi32>
    %swap3A_405 = arith.constant 0 : i32
    %swap3A_406 = arith.index_cast %swap3A_405 : i32 to index
    %swap3A_407 = arith.constant 64 : index
    %swap3A_408 = tpu.vector_load %arg11[%swap3A_406, %swap3A_407] {strides = array<i32>} : memref<4x128xi32, #tpu.memory_space<vmem>>, vector<16xi32>,
    tpu.vector_store %arg11[%swap3A_406, %swap3A_407], %shift_right_logical3A_404 {strides = array<i32>} : memref<4x128xi32, #tpu.memory_space<vmem>>, vector<16xi32>,
    %get3A_409 = arith.constant 0 : i32
    %get3A_410 = arith.index_cast %get3A_409 : i32 to index
    %get3A_411 = arith.constant 80 : index
    %get3A_412 = tpu.vector_load %arg8[%get3A_410, %get3A_411] {strides = array<i32>} : memref<4x128xi32, #tpu.memory_space<vmem>>, vector<16xi32>,
    %shift_right_logical3A_413 = arith.constant 1 : i32
    %shift_right_logical3A_414 = vector.broadcast %shift_right_logical3A_413 : i32 to vector<16xi32>
    %shift_right_logical3A_415 = arith.shrui %get3A_412, %shift_right_logical3A_414 : vector<16xi32>
    %swap3A_416 = arith.constant 0 : i32
    %swap3A_417 = arith.index_cast %swap3A_416 : i32 to index
    %swap3A_418 = arith.constant 80 : index
    %swap3A_419 = tpu.vector_load %arg11[%swap3A_417, %swap3A_418] {strides = array<i32>} : memref<4x128xi32, #tpu.memory_space<vmem>>, vector<16xi32>,
    tpu.vector_store %arg11[%swap3A_417, %swap3A_418], %shift_right_logical3A_415 {strides = array<i32>} : memref<4x128xi32, #tpu.memory_space<vmem>>, vector<16xi32>,
    %get3A_420 = arith.constant 0 : i32
    %get3A_421 = arith.index_cast %get3A_420 : i32 to index
    %get3A_422 = arith.constant 96 : index
    %get3A_423 = tpu.vector_load %arg8[%get3A_421, %get3A_422] {strides = array<i32>} : memref<4x128xi32, #tpu.memory_space<vmem>>, vector<16xi32>,
    %shift_right_logical3A_424 = arith.constant 1 : i32
    %shift_right_logical3A_425 = vector.broadcast %shift_right_logical3A_424 : i32 to vector<16xi32>
    %shift_right_logical3A_426 = arith.shrui %get3A_423, %shift_right_logical3A_425 : vector<16xi32>
    %swap3A_427 = arith.constant 0 : i32
    %swap3A_428 = arith.index_cast %swap3A_427 : i32 to index
    %swap3A_429 = arith.constant 96 : index
    %swap3A_430 = tpu.vector_load %arg11[%swap3A_428, %swap3A_429] {strides = array<i32>} : memref<4x128xi32, #tpu.memory_space<vmem>>, vector<16xi32>,
    tpu.vector_store %arg11[%swap3A_428, %swap3A_429], %shift_right_logical3A_426 {strides = array<i32>} : memref<4x128xi32, #tpu.memory_space<vmem>>, vector<16xi32>,
    %get3A_431 = arith.constant 0 : i32
    %get3A_432 = arith.index_cast %get3A_431 : i32 to index
    %get3A_433 = arith.constant 112 : index
    %get3A_434 = tpu.vector_load %arg8[%get3A_432, %get3A_433] {strides = array<i32>} : memref<4x128xi32, #tpu.memory_space<vmem>>, vector<16xi32>,
    %shift_right_logical3A_435 = arith.constant 1 : i32
    %shift_right_logical3A_436 = vector.broadcast %shift_right_logical3A_435 : i32 to vector<16xi32>
    %shift_right_logical3A_437 = arith.shrui %get3A_434, %shift_right_logical3A_436 : vector<16xi32>
    %swap3A_438 = arith.constant 0 : i32
    %swap3A_439 = arith.index_cast %swap3A_438 : i32 to index
    %swap3A_440 = arith.constant 112 : index
    %swap3A_441 = tpu.vector_load %arg11[%swap3A_439, %swap3A_440] {strides = array<i32>} : memref<4x128xi32, #tpu.memory_space<vmem>>, vector<16xi32>,
    tpu.vector_store %arg11[%swap3A_439, %swap3A_440], %shift_right_logical3A_437 {strides = array<i32>} : memref<4x128xi32, #tpu.memory_space<vmem>>, vector<16xi32>,
    %get3A_442 = arith.constant 1 : i32
    %get3A_443 = arith.index_cast %get3A_442 : i32 to index
    %get3A_444 = arith.constant 0 : index
    %get3A_445 = tpu.vector_load %arg8[%get3A_443, %get3A_444] {strides = array<i32>} : memref<4x128xi32, #tpu.memory_space<vmem>>, vector<16xi32>,
    %shift_right_logical3A_446 = arith.constant 1 : i32
    %shift_right_logical3A_447 = vector.broadcast %shift_right_logical3A_446 : i32 to vector<16xi32>
    %shift_right_logical3A_448 = arith.shrui %get3A_445, %shift_right_logical3A_447 : vector<16xi32>
    %swap3A_449 = arith.constant 1 : i32
    %swap3A_450 = arith.index_cast %swap3A_449 : i32 to index
    %swap3A_451 = arith.constant 0 : index
    %swap3A_452 = tpu.vector_load %arg11[%swap3A_450, %swap3A_451] {strides = array<i32>} : memref<4x128xi32, #tpu.memory_space<vmem>>, vector<16xi32>,
    tpu.vector_store %arg11[%swap3A_450, %swap3A_451], %shift_right_logical3A_448 {strides = array<i32>} : memref<4x128xi32, #tpu.memory_space<vmem>>, vector<16xi32>,
    %get3A_453 = arith.constant 1 : i32
    %get3A_454 = arith.index_cast %get3A_453 : i32 to index
    %get3A_455 = arith.constant 16 : index
    %get3A_456 = tpu.vector_load %arg8[%get3A_454, %get3A_455] {strides = array<i32>} : memref<4x128xi32, #tpu.memory_space<vmem>>, vector<16xi32>,
    %shift_right_logical3A_457 = arith.constant 1 : i32
    %shift_right_logical3A_458 = vector.broadcast %shift_right_logical3A_457 : i32 to vector<16xi32>
    %shift_right_logical3A_459 = arith.shrui %get3A_456, %shift_right_logical3A_458 : vector<16xi32>
    %swap3A_460 = arith.constant 1 : i32
    %swap3A_461 = arith.index_cast %swap3A_460 : i32 to index
    %swap3A_462 = arith.constant 16 : index
    %swap3A_463 = tpu.vector_load %arg11[%swap3A_461, %swap3A_462] {strides = array<i32>} : memref<4x128xi32, #tpu.memory_space<vmem>>, vector<16xi32>,
    tpu.vector_store %arg11[%swap3A_461, %swap3A_462], %shift_right_logical3A_459 {strides = array<i32>} : memref<4x128xi32, #tpu.memory_space<vmem>>, vector<16xi32>,
    %get3A_464 = arith.constant 1 : i32
    %get3A_465 = arith.index_cast %get3A_464 : i32 to index
    %get3A_466 = arith.constant 32 : index
    %get3A_467 = tpu.vector_load %arg8[%get3A_465, %get3A_466] {strides = array<i32>} : memref<4x128xi32, #tpu.memory_space<vmem>>, vector<16xi32>,
    %shift_right_logical3A_468 = arith.constant 1 : i32
    %shift_right_logical3A_469 = vector.broadcast %shift_right_logical3A_468 : i32 to vector<16xi32>
    %shift_right_logical3A_470 = arith.shrui %get3A_467, %shift_right_logical3A_469 : vector<16xi32>
    %swap3A_471 = arith.constant 1 : i32
    %swap3A_472 = arith.index_cast %swap3A_471 : i32 to index
    %swap3A_473 = arith.constant 32 : index
    %swap3A_474 = tpu.vector_load %arg11[%swap3A_472, %swap3A_473] {strides = array<i32>} : memref<4x128xi32, #tpu.memory_space<vmem>>, vector<16xi32>,
    tpu.vector_store %arg11[%swap3A_472, %swap3A_473], %shift_right_logical3A_470 {strides = array<i32>} : memref<4x128xi32, #tpu.memory_space<vmem>>, vector<16xi32>,
    %get3A_475 = arith.constant 1 : i32
    %get3A_476 = arith.index_cast %get3A_475 : i32 to index
    %get3A_477 = arith.constant 48 : index
    %get3A_478 = tpu.vector_load %arg8[%get3A_476, %get3A_477] {strides = array<i32>} : memref<4x128xi32, #tpu.memory_space<vmem>>, vector<16xi32>,
    %shift_right_logical3A_479 = arith.constant 1 : i32
    %shift_right_logical3A_480 = vector.broadcast %shift_right_logical3A_479 : i32 to vector<16xi32>
    %shift_right_logical3A_481 = arith.shrui %get3A_478, %shift_right_logical3A_480 : vector<16xi32>
    %swap3A_482 = arith.constant 1 : i32
    %swap3A_483 = arith.index_cast %swap3A_482 : i32 to index
    %swap3A_484 = arith.constant 48 : index
    %swap3A_485 = tpu.vector_load %arg11[%swap3A_483, %swap3A_484] {strides = array<i32>} : memref<4x128xi32, #tpu.memory_space<vmem>>, vector<16xi32>,
    tpu.vector_store %arg11[%swap3A_483, %swap3A_484], %shift_right_logical3A_481 {strides = array<i32>} : memref<4x128xi32, #tpu.memory_space<vmem>>, vector<16xi32>,
    %get3A_486 = arith.constant 1 : i32
    %get3A_487 = arith.index_cast %get3A_486 : i32 to index
    %get3A_488 = arith.constant 64 : index
    %get3A_489 = tpu.vector_load %arg8[%get3A_487, %get3A_488] {strides = array<i32>} : memref<4x128xi32, #tpu.memory_space<vmem>>, vector<16xi32>,
    %shift_right_logical3A_490 = arith.constant 1 : i32
    %shift_right_logical3A_491 = vector.broadcast %shift_right_logical3A_490 : i32 to vector<16xi32>
    %shift_right_logical3A_492 = arith.shrui %get3A_489, %shift_right_logical3A_491 : vector<16xi32>
    %swap3A_493 = arith.constant 1 : i32
    %swap3A_494 = arith.index_cast %swap3A_493 : i32 to index
    %swap3A_495 = arith.constant 64 : index
    %swap3A_496 = tpu.vector_load %arg11[%swap3A_494, %swap3A_495] {strides = array<i32>} : memref<4x128xi32, #tpu.memory_space<vmem>>, vector<16xi32>,
    tpu.vector_store %arg11[%swap3A_494, %swap3A_495], %shift_right_logical3A_492 {strides = array<i32>} : memref<4x128xi32, #tpu.memory_space<vmem>>, vector<16xi32>,
    %get3A_497 = arith.constant 1 : i32
    %get3A_498 = arith.index_cast %get3A_497 : i32 to index
    %get3A_499 = arith.constant 80 : index
    %get3A_500 = tpu.vector_load %arg8[%get3A_498, %get3A_499] {strides = array<i32>} : memref<4x128xi32, #tpu.memory_space<vmem>>, vector<16xi32>,
    %shift_right_logical3A_501 = arith.constant 1 : i32
    %shift_right_logical3A_502 = vector.broadcast %shift_right_logical3A_501 : i32 to vector<16xi32>
    %shift_right_logical3A_503 = arith.shrui %get3A_500, %shift_right_logical3A_502 : vector<16xi32>
    %swap3A_504 = arith.constant 1 : i32
    %swap3A_505 = arith.index_cast %swap3A_504 : i32 to index
    %swap3A_506 = arith.constant 80 : index
    %swap3A_507 = tpu.vector_load %arg11[%swap3A_505, %swap3A_506] {strides = array<i32>} : memref<4x128xi32, #tpu.memory_space<vmem>>, vector<16xi32>,
    tpu.vector_store %arg11[%swap3A_505, %swap3A_506], %shift_right_logical3A_503 {strides = array<i32>} : memref<4x128xi32, #tpu.memory_space<vmem>>, vector<16xi32>,
    %get3A_508 = arith.constant 1 : i32
    %get3A_509 = arith.index_cast %get3A_508 : i32 to index
    %get3A_510 = arith.constant 96 : index
    %get3A_511 = tpu.vector_load %arg8[%get3A_509, %get3A_510] {strides = array<i32>} : memref<4x128xi32, #tpu.memory_space<vmem>>, vector<16xi32>,
    %shift_right_logical3A_512 = arith.constant 1 : i32
    %shift_right_logical3A_513 = vector.broadcast %shift_right_logical3A_512 : i32 to vector<16xi32>
    %shift_right_logical3A_514 = arith.shrui %get3A_511, %shift_right_logical3A_513 : vector<16xi32>
    %swap3A_515 = arith.constant 1 : i32
    %swap3A_516 = arith.index_cast %swap3A_515 : i32 to index
    %swap3A_517 = arith.constant 96 : index
    %swap3A_518 = tpu.vector_load %arg11[%swap3A_516, %swap3A_517] {strides = array<i32>} : memref<4x128xi32, #tpu.memory_space<vmem>>, vector<16xi32>,
    tpu.vector_store %arg11[%swap3A_516, %swap3A_517], %shift_right_logical3A_514 {strides = array<i32>} : memref<4x128xi32, #tpu.memory_space<vmem>>, vector<16xi32>,
    %get3A_519 = arith.constant 1 : i32
    %get3A_520 = arith.index_cast %get3A_519 : i32 to index
    %get3A_521 = arith.constant 112 : index
    %get3A_522 = tpu.vector_load %arg8[%get3A_520, %get3A_521] {strides = array<i32>} : memref<4x128xi32, #tpu.memory_space<vmem>>, vector<16xi32>,
    %shift_right_logical3A_523 = arith.constant 1 : i32
    %shift_right_logical3A_524 = vector.broadcast %shift_right_logical3A_523 : i32 to vector<16xi32>
    %shift_right_logical3A_525 = arith.shrui %get3A_522, %shift_right_logical3A_524 : vector<16xi32>
    %swap3A_526 = arith.constant 1 : i32
    %swap3A_527 = arith.index_cast %swap3A_526 : i32 to index
    %swap3A_528 = arith.constant 112 : index
    %swap3A_529 = tpu.vector_load %arg11[%swap3A_527, %swap3A_528] {strides = array<i32>} : memref<4x128xi32, #tpu.memory_space<vmem>>, vector<16xi32>,
    tpu.vector_store %arg11[%swap3A_527, %swap3A_528], %shift_right_logical3A_525 {strides = array<i32>} : memref<4x128xi32, #tpu.memory_space<vmem>>, vector<16xi32>,
    %get3A_530 = arith.constant 2 : i32
    %get3A_531 = arith.index_cast %get3A_530 : i32 to index
    %get3A_532 = arith.constant 0 : index
    %get3A_533 = tpu.vector_load %arg8[%get3A_531, %get3A_532] {strides = array<i32>} : memref<4x128xi32, #tpu.memory_space<vmem>>, vector<16xi32>,
    %shift_right_logical3A_534 = arith.constant 1 : i32
    %shift_right_logical3A_535 = vector.broadcast %shift_right_logical3A_534 : i32 to vector<16xi32>
    %shift_right_logical3A_536 = arith.shrui %get3A_533, %shift_right_logical3A_535 : vector<16xi32>
    %swap3A_537 = arith.constant 2 : i32
    %swap3A_538 = arith.index_cast %swap3A_537 : i32 to index
    %swap3A_539 = arith.constant 0 : index
    %swap3A_540 = tpu.vector_load %arg11[%swap3A_538, %swap3A_539] {strides = array<i32>} : memref<4x128xi32, #tpu.memory_space<vmem>>, vector<16xi32>,
    tpu.vector_store %arg11[%swap3A_538, %swap3A_539], %shift_right_logical3A_536 {strides = array<i32>} : memref<4x128xi32, #tpu.memory_space<vmem>>, vector<16xi32>,
    %get3A_541 = arith.constant 2 : i32
    %get3A_542 = arith.index_cast %get3A_541 : i32 to index
    %get3A_543 = arith.constant 16 : index
    %get3A_544 = tpu.vector_load %arg8[%get3A_542, %get3A_543] {strides = array<i32>} : memref<4x128xi32, #tpu.memory_space<vmem>>, vector<16xi32>,
    %shift_right_logical3A_545 = arith.constant 1 : i32
    %shift_right_logical3A_546 = vector.broadcast %shift_right_logical3A_545 : i32 to vector<16xi32>
    %shift_right_logical3A_547 = arith.shrui %get3A_544, %shift_right_logical3A_546 : vector<16xi32>
    %swap3A_548 = arith.constant 2 : i32
    %swap3A_549 = arith.index_cast %swap3A_548 : i32 to index
    %swap3A_550 = arith.constant 16 : index
    %swap3A_551 = tpu.vector_load %arg11[%swap3A_549, %swap3A_550] {strides = array<i32>} : memref<4x128xi32, #tpu.memory_space<vmem>>, vector<16xi32>,
    tpu.vector_store %arg11[%swap3A_549, %swap3A_550], %shift_right_logical3A_547 {strides = array<i32>} : memref<4x128xi32, #tpu.memory_space<vmem>>, vector<16xi32>,
    %get3A_552 = arith.constant 2 : i32
    %get3A_553 = arith.index_cast %get3A_552 : i32 to index
    %get3A_554 = arith.constant 32 : index
    %get3A_555 = tpu.vector_load %arg8[%get3A_553, %get3A_554] {strides = array<i32>} : memref<4x128xi32, #tpu.memory_space<vmem>>, vector<16xi32>,
    %shift_right_logical3A_556 = arith.constant 1 : i32
    %shift_right_logical3A_557 = vector.broadcast %shift_right_logical3A_556 : i32 to vector<16xi32>
    %shift_right_logical3A_558 = arith.shrui %get3A_555, %shift_right_logical3A_557 : vector<16xi32>
    %swap3A_559 = arith.constant 2 : i32
    %swap3A_560 = arith.index_cast %swap3A_559 : i32 to index
    %swap3A_561 = arith.constant 32 : index
    %swap3A_562 = tpu.vector_load %arg11[%swap3A_560, %swap3A_561] {strides = array<i32>} : memref<4x128xi32, #tpu.memory_space<vmem>>, vector<16xi32>,
    tpu.vector_store %arg11[%swap3A_560, %swap3A_561], %shift_right_logical3A_558 {strides = array<i32>} : memref<4x128xi32, #tpu.memory_space<vmem>>, vector<16xi32>,
    %get3A_563 = arith.constant 2 : i32
    %get3A_564 = arith.index_cast %get3A_563 : i32 to index
    %get3A_565 = arith.constant 48 : index
    %get3A_566 = tpu.vector_load %arg8[%get3A_564, %get3A_565] {strides = array<i32>} : memref<4x128xi32, #tpu.memory_space<vmem>>, vector<16xi32>,
    %shift_right_logical3A_567 = arith.constant 1 : i32
    %shift_right_logical3A_568 = vector.broadcast %shift_right_logical3A_567 : i32 to vector<16xi32>
    %shift_right_logical3A_569 = arith.shrui %get3A_566, %shift_right_logical3A_568 : vector<16xi32>
    %swap3A_570 = arith.constant 2 : i32
    %swap3A_571 = arith.index_cast %swap3A_570 : i32 to index
    %swap3A_572 = arith.constant 48 : index
    %swap3A_573 = tpu.vector_load %arg11[%swap3A_571, %swap3A_572] {strides = array<i32>} : memref<4x128xi32, #tpu.memory_space<vmem>>, vector<16xi32>,
    tpu.vector_store %arg11[%swap3A_571, %swap3A_572], %shift_right_logical3A_569 {strides = array<i32>} : memref<4x128xi32, #tpu.memory_space<vmem>>, vector<16xi32>,
    %get3A_574 = arith.constant 2 : i32
    %get3A_575 = arith.index_cast %get3A_574 : i32 to index
    %get3A_576 = arith.constant 64 : index
    %get3A_577 = tpu.vector_load %arg8[%get3A_575, %get3A_576] {strides = array<i32>} : memref<4x128xi32, #tpu.memory_space<vmem>>, vector<16xi32>,
    %shift_right_logical3A_578 = arith.constant 1 : i32
    %shift_right_logical3A_579 = vector.broadcast %shift_right_logical3A_578 : i32 to vector<16xi32>
    %shift_right_logical3A_580 = arith.shrui %get3A_577, %shift_right_logical3A_579 : vector<16xi32>
    %swap3A_581 = arith.constant 2 : i32
    %swap3A_582 = arith.index_cast %swap3A_581 : i32 to index
    %swap3A_583 = arith.constant 64 : index
    %swap3A_584 = tpu.vector_load %arg11[%swap3A_582, %swap3A_583] {strides = array<i32>} : memref<4x128xi32, #tpu.memory_space<vmem>>, vector<16xi32>,
    tpu.vector_store %arg11[%swap3A_582, %swap3A_583], %shift_right_logical3A_580 {strides = array<i32>} : memref<4x128xi32, #tpu.memory_space<vmem>>, vector<16xi32>,
    %get3A_585 = arith.constant 2 : i32
    %get3A_586 = arith.index_cast %get3A_585 : i32 to index
    %get3A_587 = arith.constant 80 : index
    %get3A_588 = tpu.vector_load %arg8[%get3A_586, %get3A_587] {strides = array<i32>} : memref<4x128xi32, #tpu.memory_space<vmem>>, vector<16xi32>,
    %shift_right_logical3A_589 = arith.constant 1 : i32
    %shift_right_logical3A_590 = vector.broadcast %shift_right_logical3A_589 : i32 to vector<16xi32>
    %shift_right_logical3A_591 = arith.shrui %get3A_588, %shift_right_logical3A_590 : vector<16xi32>
    %swap3A_592 = arith.constant 2 : i32
    %swap3A_593 = arith.index_cast %swap3A_592 : i32 to index
    %swap3A_594 = arith.constant 80 : index
    %swap3A_595 = tpu.vector_load %arg11[%swap3A_593, %swap3A_594] {strides = array<i32>} : memref<4x128xi32, #tpu.memory_space<vmem>>, vector<16xi32>,
    tpu.vector_store %arg11[%swap3A_593, %swap3A_594], %shift_right_logical3A_591 {strides = array<i32>} : memref<4x128xi32, #tpu.memory_space<vmem>>, vector<16xi32>,
    %get3A_596 = arith.constant 2 : i32
    %get3A_597 = arith.index_cast %get3A_596 : i32 to index
    %get3A_598 = arith.constant 96 : index
    %get3A_599 = tpu.vector_load %arg8[%get3A_597, %get3A_598] {strides = array<i32>} : memref<4x128xi32, #tpu.memory_space<vmem>>, vector<16xi32>,
    %shift_right_logical3A_600 = arith.constant 1 : i32
    %shift_right_logical3A_601 = vector.broadcast %shift_right_logical3A_600 : i32 to vector<16xi32>
    %shift_right_logical3A_602 = arith.shrui %get3A_599, %shift_right_logical3A_601 : vector<16xi32>
    %swap3A_603 = arith.constant 2 : i32
    %swap3A_604 = arith.index_cast %swap3A_603 : i32 to index
    %swap3A_605 = arith.constant 96 : index
    %swap3A_606 = tpu.vector_load %arg11[%swap3A_604, %swap3A_605] {strides = array<i32>} : memref<4x128xi32, #tpu.memory_space<vmem>>, vector<16xi32>,
    tpu.vector_store %arg11[%swap3A_604, %swap3A_605], %shift_right_logical3A_602 {strides = array<i32>} : memref<4x128xi32, #tpu.memory_space<vmem>>, vector<16xi32>,
    %get3A_607 = arith.constant 2 : i32
    %get3A_608 = arith.index_cast %get3A_607 : i32 to index
    %get3A_609 = arith.constant 112 : index
    %get3A_610 = tpu.vector_load %arg8[%get3A_608, %get3A_609] {strides = array<i32>} : memref<4x128xi32, #tpu.memory_space<vmem>>, vector<16xi32>,
    %shift_right_logical3A_611 = arith.constant 1 : i32
    %shift_right_logical3A_612 = vector.broadcast %shift_right_logical3A_611 : i32 to vector<16xi32>
    %shift_right_logical3A_613 = arith.shrui %get3A_610, %shift_right_logical3A_612 : vector<16xi32>
    %swap3A_614 = arith.constant 2 : i32
    %swap3A_615 = arith.index_cast %swap3A_614 : i32 to index
    %swap3A_616 = arith.constant 112 : index
    %swap3A_617 = tpu.vector_load %arg11[%swap3A_615, %swap3A_616] {strides = array<i32>} : memref<4x128xi32, #tpu.memory_space<vmem>>, vector<16xi32>,
    tpu.vector_store %arg11[%swap3A_615, %swap3A_616], %shift_right_logical3A_613 {strides = array<i32>} : memref<4x128xi32, #tpu.memory_space<vmem>>, vector<16xi32>,
    %get3A_618 = arith.constant 3 : i32
    %get3A_619 = arith.index_cast %get3A_618 : i32 to index
    %get3A_620 = arith.constant 0 : index
    %get3A_621 = tpu.vector_load %arg8[%get3A_619, %get3A_620] {strides = array<i32>} : memref<4x128xi32, #tpu.memory_space<vmem>>, vector<16xi32>,
    %shift_right_logical3A_622 = arith.constant 1 : i32
    %shift_right_logical3A_623 = vector.broadcast %shift_right_logical3A_622 : i32 to vector<16xi32>
    %shift_right_logical3A_624 = arith.shrui %get3A_621, %shift_right_logical3A_623 : vector<16xi32>
    %swap3A_625 = arith.constant 3 : i32
    %swap3A_626 = arith.index_cast %swap3A_625 : i32 to index
    %swap3A_627 = arith.constant 0 : index
    %swap3A_628 = tpu.vector_load %arg11[%swap3A_626, %swap3A_627] {strides = array<i32>} : memref<4x128xi32, #tpu.memory_space<vmem>>, vector<16xi32>,
    tpu.vector_store %arg11[%swap3A_626, %swap3A_627], %shift_right_logical3A_624 {strides = array<i32>} : memref<4x128xi32, #tpu.memory_space<vmem>>, vector<16xi32>,
    %get3A_629 = arith.constant 3 : i32
    %get3A_630 = arith.index_cast %get3A_629 : i32 to index
    %get3A_631 = arith.constant 16 : index
    %get3A_632 = tpu.vector_load %arg8[%get3A_630, %get3A_631] {strides = array<i32>} : memref<4x128xi32, #tpu.memory_space<vmem>>, vector<16xi32>,
    %shift_right_logical3A_633 = arith.constant 1 : i32
    %shift_right_logical3A_634 = vector.broadcast %shift_right_logical3A_633 : i32 to vector<16xi32>
    %shift_right_logical3A_635 = arith.shrui %get3A_632, %shift_right_logical3A_634 : vector<16xi32>
    %swap3A_636 = arith.constant 3 : i32
    %swap3A_637 = arith.index_cast %swap3A_636 : i32 to index
    %swap3A_638 = arith.constant 16 : index
    %swap3A_639 = tpu.vector_load %arg11[%swap3A_637, %swap3A_638] {strides = array<i32>} : memref<4x128xi32, #tpu.memory_space<vmem>>, vector<16xi32>,
    tpu.vector_store %arg11[%swap3A_637, %swap3A_638], %shift_right_logical3A_635 {strides = array<i32>} : memref<4x128xi32, #tpu.memory_space<vmem>>, vector<16xi32>,
    %get3A_640 = arith.constant 3 : i32
    %get3A_641 = arith.index_cast %get3A_640 : i32 to index
    %get3A_642 = arith.constant 32 : index
    %get3A_643 = tpu.vector_load %arg8[%get3A_641, %get3A_642] {strides = array<i32>} : memref<4x128xi32, #tpu.memory_space<vmem>>, vector<16xi32>,
    %shift_right_logical3A_644 = arith.constant 1 : i32
    %shift_right_logical3A_645 = vector.broadcast %shift_right_logical3A_644 : i32 to vector<16xi32>
    %shift_right_logical3A_646 = arith.shrui %get3A_643, %shift_right_logical3A_645 : vector<16xi32>
    %swap3A_647 = arith.constant 3 : i32
    %swap3A_648 = arith.index_cast %swap3A_647 : i32 to index
    %swap3A_649 = arith.constant 32 : index
    %swap3A_650 = tpu.vector_load %arg11[%swap3A_648, %swap3A_649] {strides = array<i32>} : memref<4x128xi32, #tpu.memory_space<vmem>>, vector<16xi32>,
    tpu.vector_store %arg11[%swap3A_648, %swap3A_649], %shift_right_logical3A_646 {strides = array<i32>} : memref<4x128xi32, #tpu.memory_space<vmem>>, vector<16xi32>,
    %get3A_651 = arith.constant 3 : i32
    %get3A_652 = arith.index_cast %get3A_651 : i32 to index
    %get3A_653 = arith.constant 48 : index
    %get3A_654 = tpu.vector_load %arg8[%get3A_652, %get3A_653] {strides = array<i32>} : memref<4x128xi32, #tpu.memory_space<vmem>>, vector<16xi32>,
    %shift_right_logical3A_655 = arith.constant 1 : i32
    %shift_right_logical3A_656 = vector.broadcast %shift_right_logical3A_655 : i32 to vector<16xi32>
    %shift_right_logical3A_657 = arith.shrui %get3A_654, %shift_right_logical3A_656 : vector<16xi32>
    %swap3A_658 = arith.constant 3 : i32
    %swap3A_659 = arith.index_cast %swap3A_658 : i32 to index
    %swap3A_660 = arith.constant 48 : index
    %swap3A_661 = tpu.vector_load %arg11[%swap3A_659, %swap3A_660] {strides = array<i32>} : memref<4x128xi32, #tpu.memory_space<vmem>>, vector<16xi32>,
    tpu.vector_store %arg11[%swap3A_659, %swap3A_660], %shift_right_logical3A_657 {strides = array<i32>} : memref<4x128xi32, #tpu.memory_space<vmem>>, vector<16xi32>,
    %get3A_662 = arith.constant 3 : i32
    %get3A_663 = arith.index_cast %get3A_662 : i32 to index
    %get3A_664 = arith.constant 64 : index
    %get3A_665 = tpu.vector_load %arg8[%get3A_663, %get3A_664] {strides = array<i32>} : memref<4x128xi32, #tpu.memory_space<vmem>>, vector<16xi32>,
    %shift_right_logical3A_666 = arith.constant 1 : i32
    %shift_right_logical3A_667 = vector.broadcast %shift_right_logical3A_666 : i32 to vector<16xi32>
    %shift_right_logical3A_668 = arith.shrui %get3A_665, %shift_right_logical3A_667 : vector<16xi32>
    %swap3A_669 = arith.constant 3 : i32
    %swap3A_670 = arith.index_cast %swap3A_669 : i32 to index
    %swap3A_671 = arith.constant 64 : index
    %swap3A_672 = tpu.vector_load %arg11[%swap3A_670, %swap3A_671] {strides = array<i32>} : memref<4x128xi32, #tpu.memory_space<vmem>>, vector<16xi32>,
    tpu.vector_store %arg11[%swap3A_670, %swap3A_671], %shift_right_logical3A_668 {strides = array<i32>} : memref<4x128xi32, #tpu.memory_space<vmem>>, vector<16xi32>,
    %get3A_673 = arith.constant 3 : i32
    %get3A_674 = arith.index_cast %get3A_673 : i32 to index
    %get3A_675 = arith.constant 80 : index
    %get3A_676 = tpu.vector_load %arg8[%get3A_674, %get3A_675] {strides = array<i32>} : memref<4x128xi32, #tpu.memory_space<vmem>>, vector<16xi32>,
    %shift_right_logical3A_677 = arith.constant 1 : i32
    %shift_right_logical3A_678 = vector.broadcast %shift_right_logical3A_677 : i32 to vector<16xi32>
    %shift_right_logical3A_679 = arith.shrui %get3A_676, %shift_right_logical3A_678 : vector<16xi32>
    %swap3A_680 = arith.constant 3 : i32
    %swap3A_681 = arith.index_cast %swap3A_680 : i32 to index
    %swap3A_682 = arith.constant 80 : index
    %swap3A_683 = tpu.vector_load %arg11[%swap3A_681, %swap3A_682] {strides = array<i32>} : memref<4x128xi32, #tpu.memory_space<vmem>>, vector<16xi32>,
    tpu.vector_store %arg11[%swap3A_681, %swap3A_682], %shift_right_logical3A_679 {strides = array<i32>} : memref<4x128xi32, #tpu.memory_space<vmem>>, vector<16xi32>,
    %get3A_684 = arith.constant 3 : i32
    %get3A_685 = arith.index_cast %get3A_684 : i32 to index
    %get3A_686 = arith.constant 96 : index
    %get3A_687 = tpu.vector_load %arg8[%get3A_685, %get3A_686] {strides = array<i32>} : memref<4x128xi32, #tpu.memory_space<vmem>>, vector<16xi32>,
    %shift_right_logical3A_688 = arith.constant 1 : i32
    %shift_right_logical3A_689 = vector.broadcast %shift_right_logical3A_688 : i32 to vector<16xi32>
    %shift_right_logical3A_690 = arith.shrui %get3A_687, %shift_right_logical3A_689 : vector<16xi32>
    %swap3A_691 = arith.constant 3 : i32
    %swap3A_692 = arith.index_cast %swap3A_691 : i32 to index
    %swap3A_693 = arith.constant 96 : index
    %swap3A_694 = tpu.vector_load %arg11[%swap3A_692, %swap3A_693] {strides = array<i32>} : memref<4x128xi32, #tpu.memory_space<vmem>>, vector<16xi32>,
    tpu.vector_store %arg11[%swap3A_692, %swap3A_693], %shift_right_logical3A_690 {strides = array<i32>} : memref<4x128xi32, #tpu.memory_space<vmem>>, vector<16xi32>,
    %get3A_695 = arith.constant 3 : i32
    %get3A_696 = arith.index_cast %get3A_695 : i32 to index
    %get3A_697 = arith.constant 112 : index
    %get3A_698 = tpu.vector_load %arg8[%get3A_696, %get3A_697] {strides = array<i32>} : memref<4x128xi32, #tpu.memory_space<vmem>>, vector<16xi32>,
    %shift_right_logical3A_699 = arith.constant 1 : i32
    %shift_right_logical3A_700 = vector.broadcast %shift_right_logical3A_699 : i32 to vector<16xi32>
    %shift_right_logical3A_701 = arith.shrui %get3A_698, %shift_right_logical3A_700 : vector<16xi32>
    %swap3A_702 = arith.constant 3 : i32
    %swap3A_703 = arith.index_cast %swap3A_702 : i32 to index
    %swap3A_704 = arith.constant 112 : index
    %swap3A_705 = tpu.vector_load %arg11[%swap3A_703, %swap3A_704] {strides = array<i32>} : memref<4x128xi32, #tpu.memory_space<vmem>>, vector<16xi32>,
    tpu.vector_store %arg11[%swap3A_703, %swap3A_704], %shift_right_logical3A_701 {strides = array<i32>} : memref<4x128xi32, #tpu.memory_space<vmem>>, vector<16xi32>,
    %get3A_706 = arith.constant 0 : i32
    %get3A_707 = arith.index_cast %get3A_706 : i32 to index
    %get3A_708 = arith.constant 0 : index
    %get3A_709 = tpu.vector_load %arg9[%get3A_707, %get3A_708] {strides = array<i32>} : memref<4x128xi32, #tpu.memory_space<vmem>>, vector<16xi32>,
    %shift_right_logical3A_710 = arith.constant 1 : i32
    %shift_right_logical3A_711 = vector.broadcast %shift_right_logical3A_710 : i32 to vector<16xi32>
    %shift_right_logical3A_712 = arith.shrui %get3A_709, %shift_right_logical3A_711 : vector<16xi32>
    %swap3A_713 = arith.constant 0 : i32
    %swap3A_714 = arith.index_cast %swap3A_713 : i32 to index
    %swap3A_715 = arith.constant 0 : index
    %swap3A_716 = tpu.vector_load %arg12[%swap3A_714, %swap3A_715] {strides = array<i32>} : memref<4x128xi32, #tpu.memory_space<vmem>>, vector<16xi32>,
    tpu.vector_store %arg12[%swap3A_714, %swap3A_715], %shift_right_logical3A_712 {strides = array<i32>} : memref<4x128xi32, #tpu.memory_space<vmem>>, vector<16xi32>,
    %get3A_717 = arith.constant 0 : i32
    %get3A_718 = arith.index_cast %get3A_717 : i32 to index
    %get3A_719 = arith.constant 16 : index
    %get3A_720 = tpu.vector_load %arg9[%get3A_718, %get3A_719] {strides = array<i32>} : memref<4x128xi32, #tpu.memory_space<vmem>>, vector<16xi32>,
    %shift_right_logical3A_721 = arith.constant 1 : i32
    %shift_right_logical3A_722 = vector.broadcast %shift_right_logical3A_721 : i32 to vector<16xi32>
    %shift_right_logical3A_723 = arith.shrui %get3A_720, %shift_right_logical3A_722 : vector<16xi32>
    %swap3A_724 = arith.constant 0 : i32
    %swap3A_725 = arith.index_cast %swap3A_724 : i32 to index
    %swap3A_726 = arith.constant 16 : index
    %swap3A_727 = tpu.vector_load %arg12[%swap3A_725, %swap3A_726] {strides = array<i32>} : memref<4x128xi32, #tpu.memory_space<vmem>>, vector<16xi32>,
    tpu.vector_store %arg12[%swap3A_725, %swap3A_726], %shift_right_logical3A_723 {strides = array<i32>} : memref<4x128xi32, #tpu.memory_space<vmem>>, vector<16xi32>,
    %get3A_728 = arith.constant 0 : i32
    %get3A_729 = arith.index_cast %get3A_728 : i32 to index
    %get3A_730 = arith.constant 32 : index
    %get3A_731 = tpu.vector_load %arg9[%get3A_729, %get3A_730] {strides = array<i32>} : memref<4x128xi32, #tpu.memory_space<vmem>>, vector<16xi32>,
    %shift_right_logical3A_732 = arith.constant 1 : i32
    %shift_right_logical3A_733 = vector.broadcast %shift_right_logical3A_732 : i32 to vector<16xi32>
    %shift_right_logical3A_734 = arith.shrui %get3A_731, %shift_right_logical3A_733 : vector<16xi32>
    %swap3A_735 = arith.constant 0 : i32
    %swap3A_736 = arith.index_cast %swap3A_735 : i32 to index
    %swap3A_737 = arith.constant 32 : index
    %swap3A_738 = tpu.vector_load %arg12[%swap3A_736, %swap3A_737] {strides = array<i32>} : memref<4x128xi32, #tpu.memory_space<vmem>>, vector<16xi32>,
    tpu.vector_store %arg12[%swap3A_736, %swap3A_737], %shift_right_logical3A_734 {strides = array<i32>} : memref<4x128xi32, #tpu.memory_space<vmem>>, vector<16xi32>,
    %get3A_739 = arith.constant 0 : i32
    %get3A_740 = arith.index_cast %get3A_739 : i32 to index
    %get3A_741 = arith.constant 48 : index
    %get3A_742 = tpu.vector_load %arg9[%get3A_740, %get3A_741] {strides = array<i32>} : memref<4x128xi32, #tpu.memory_space<vmem>>, vector<16xi32>,
    %shift_right_logical3A_743 = arith.constant 1 : i32
    %shift_right_logical3A_744 = vector.broadcast %shift_right_logical3A_743 : i32 to vector<16xi32>
    %shift_right_logical3A_745 = arith.shrui %get3A_742, %shift_right_logical3A_744 : vector<16xi32>
    %swap3A_746 = arith.constant 0 : i32
    %swap3A_747 = arith.index_cast %swap3A_746 : i32 to index
    %swap3A_748 = arith.constant 48 : index
    %swap3A_749 = tpu.vector_load %arg12[%swap3A_747, %swap3A_748] {strides = array<i32>} : memref<4x128xi32, #tpu.memory_space<vmem>>, vector<16xi32>,
    tpu.vector_store %arg12[%swap3A_747, %swap3A_748], %shift_right_logical3A_745 {strides = array<i32>} : memref<4x128xi32, #tpu.memory_space<vmem>>, vector<16xi32>,
    %get3A_750 = arith.constant 0 : i32
    %get3A_751 = arith.index_cast %get3A_750 : i32 to index
    %get3A_752 = arith.constant 64 : index
    %get3A_753 = tpu.vector_load %arg9[%get3A_751, %get3A_752] {strides = array<i32>} : memref<4x128xi32, #tpu.memory_space<vmem>>, vector<16xi32>,
    %shift_right_logical3A_754 = arith.constant 1 : i32
    %shift_right_logical3A_755 = vector.broadcast %shift_right_logical3A_754 : i32 to vector<16xi32>
    %shift_right_logical3A_756 = arith.shrui %get3A_753, %shift_right_logical3A_755 : vector<16xi32>
    %swap3A_757 = arith.constant 0 : i32
    %swap3A_758 = arith.index_cast %swap3A_757 : i32 to index
    %swap3A_759 = arith.constant 64 : index
    %swap3A_760 = tpu.vector_load %arg12[%swap3A_758, %swap3A_759] {strides = array<i32>} : memref<4x128xi32, #tpu.memory_space<vmem>>, vector<16xi32>,
    tpu.vector_store %arg12[%swap3A_758, %swap3A_759], %shift_right_logical3A_756 {strides = array<i32>} : memref<4x128xi32, #tpu.memory_space<vmem>>, vector<16xi32>,
    %get3A_761 = arith.constant 0 : i32
    %get3A_762 = arith.index_cast %get3A_761 : i32 to index
    %get3A_763 = arith.constant 80 : index
    %get3A_764 = tpu.vector_load %arg9[%get3A_762, %get3A_763] {strides = array<i32>} : memref<4x128xi32, #tpu.memory_space<vmem>>, vector<16xi32>,
    %shift_right_logical3A_765 = arith.constant 1 : i32
    %shift_right_logical3A_766 = vector.broadcast %shift_right_logical3A_765 : i32 to vector<16xi32>
    %shift_right_logical3A_767 = arith.shrui %get3A_764, %shift_right_logical3A_766 : vector<16xi32>
    %swap3A_768 = arith.constant 0 : i32
    %swap3A_769 = arith.index_cast %swap3A_768 : i32 to index
    %swap3A_770 = arith.constant 80 : index
    %swap3A_771 = tpu.vector_load %arg12[%swap3A_769, %swap3A_770] {strides = array<i32>} : memref<4x128xi32, #tpu.memory_space<vmem>>, vector<16xi32>,
    tpu.vector_store %arg12[%swap3A_769, %swap3A_770], %shift_right_logical3A_767 {strides = array<i32>} : memref<4x128xi32, #tpu.memory_space<vmem>>, vector<16xi32>,
    %get3A_772 = arith.constant 0 : i32
    %get3A_773 = arith.index_cast %get3A_772 : i32 to index
    %get3A_774 = arith.constant 96 : index
    %get3A_775 = tpu.vector_load %arg9[%get3A_773, %get3A_774] {strides = array<i32>} : memref<4x128xi32, #tpu.memory_space<vmem>>, vector<16xi32>,
    %shift_right_logical3A_776 = arith.constant 1 : i32
    %shift_right_logical3A_777 = vector.broadcast %shift_right_logical3A_776 : i32 to vector<16xi32>
    %shift_right_logical3A_778 = arith.shrui %get3A_775, %shift_right_logical3A_777 : vector<16xi32>
    %swap3A_779 = arith.constant 0 : i32
    %swap3A_780 = arith.index_cast %swap3A_779 : i32 to index
    %swap3A_781 = arith.constant 96 : index
    %swap3A_782 = tpu.vector_load %arg12[%swap3A_780, %swap3A_781] {strides = array<i32>} : memref<4x128xi32, #tpu.memory_space<vmem>>, vector<16xi32>,
    tpu.vector_store %arg12[%swap3A_780, %swap3A_781], %shift_right_logical3A_778 {strides = array<i32>} : memref<4x128xi32, #tpu.memory_space<vmem>>, vector<16xi32>,
    %get3A_783 = arith.constant 0 : i32
    %get3A_784 = arith.index_cast %get3A_783 : i32 to index
    %get3A_785 = arith.constant 112 : index
    %get3A_786 = tpu.vector_load %arg9[%get3A_784, %get3A_785] {strides = array<i32>} : memref<4x128xi32, #tpu.memory_space<vmem>>, vector<16xi32>,
    %shift_right_logical3A_787 = arith.constant 1 : i32
    %shift_right_logical3A_788 = vector.broadcast %shift_right_logical3A_787 : i32 to vector<16xi32>
    %shift_right_logical3A_789 = arith.shrui %get3A_786, %shift_right_logical3A_788 : vector<16xi32>
    %swap3A_790 = arith.constant 0 : i32
    %swap3A_791 = arith.index_cast %swap3A_790 : i32 to index
    %swap3A_792 = arith.constant 112 : index
    %swap3A_793 = tpu.vector_load %arg12[%swap3A_791, %swap3A_792] {strides = array<i32>} : memref<4x128xi32, #tpu.memory_space<vmem>>, vector<16xi32>,
    tpu.vector_store %arg12[%swap3A_791, %swap3A_792], %shift_right_logical3A_789 {strides = array<i32>} : memref<4x128xi32, #tpu.memory_space<vmem>>, vector<16xi32>,
    %get3A_794 = arith.constant 1 : i32
    %get3A_795 = arith.index_cast %get3A_794 : i32 to index
    %get3A_796 = arith.constant 0 : index
    %get3A_797 = tpu.vector_load %arg9[%get3A_795, %get3A_796] {strides = array<i32>} : memref<4x128xi32, #tpu.memory_space<vmem>>, vector<16xi32>,
    %shift_right_logical3A_798 = arith.constant 1 : i32
    %shift_right_logical3A_799 = vector.broadcast %shift_right_logical3A_798 : i32 to vector<16xi32>
    %shift_right_logical3A_800 = arith.shrui %get3A_797, %shift_right_logical3A_799 : vector<16xi32>
    %swap3A_801 = arith.constant 1 : i32
    %swap3A_802 = arith.index_cast %swap3A_801 : i32 to index
    %swap3A_803 = arith.constant 0 : index
    %swap3A_804 = tpu.vector_load %arg12[%swap3A_802, %swap3A_803] {strides = array<i32>} : memref<4x128xi32, #tpu.memory_space<vmem>>, vector<16xi32>,
    tpu.vector_store %arg12[%swap3A_802, %swap3A_803], %shift_right_logical3A_800 {strides = array<i32>} : memref<4x128xi32, #tpu.memory_space<vmem>>, vector<16xi32>,
    %get3A_805 = arith.constant 1 : i32
    %get3A_806 = arith.index_cast %get3A_805 : i32 to index
    %get3A_807 = arith.constant 16 : index
    %get3A_808 = tpu.vector_load %arg9[%get3A_806, %get3A_807] {strides = array<i32>} : memref<4x128xi32, #tpu.memory_space<vmem>>, vector<16xi32>,
    %shift_right_logical3A_809 = arith.constant 1 : i32
    %shift_right_logical3A_810 = vector.broadcast %shift_right_logical3A_809 : i32 to vector<16xi32>
    %shift_right_logical3A_811 = arith.shrui %get3A_808, %shift_right_logical3A_810 : vector<16xi32>
    %swap3A_812 = arith.constant 1 : i32
    %swap3A_813 = arith.index_cast %swap3A_812 : i32 to index
    %swap3A_814 = arith.constant 16 : index
    %swap3A_815 = tpu.vector_load %arg12[%swap3A_813, %swap3A_814] {strides = array<i32>} : memref<4x128xi32, #tpu.memory_space<vmem>>, vector<16xi32>,
    tpu.vector_store %arg12[%swap3A_813, %swap3A_814], %shift_right_logical3A_811 {strides = array<i32>} : memref<4x128xi32, #tpu.memory_space<vmem>>, vector<16xi32>,
    %get3A_816 = arith.constant 1 : i32
    %get3A_817 = arith.index_cast %get3A_816 : i32 to index
    %get3A_818 = arith.constant 32 : index
    %get3A_819 = tpu.vector_load %arg9[%get3A_817, %get3A_818] {strides = array<i32>} : memref<4x128xi32, #tpu.memory_space<vmem>>, vector<16xi32>,
    %shift_right_logical3A_820 = arith.constant 1 : i32
    %shift_right_logical3A_821 = vector.broadcast %shift_right_logical3A_820 : i32 to vector<16xi32>
    %shift_right_logical3A_822 = arith.shrui %get3A_819, %shift_right_logical3A_821 : vector<16xi32>
    %swap3A_823 = arith.constant 1 : i32
    %swap3A_824 = arith.index_cast %swap3A_823 : i32 to index
    %swap3A_825 = arith.constant 32 : index
    %swap3A_826 = tpu.vector_load %arg12[%swap3A_824, %swap3A_825] {strides = array<i32>} : memref<4x128xi32, #tpu.memory_space<vmem>>, vector<16xi32>,
    tpu.vector_store %arg12[%swap3A_824, %swap3A_825], %shift_right_logical3A_822 {strides = array<i32>} : memref<4x128xi32, #tpu.memory_space<vmem>>, vector<16xi32>,
    %get3A_827 = arith.constant 1 : i32
    %get3A_828 = arith.index_cast %get3A_827 : i32 to index
    %get3A_829 = arith.constant 48 : index
    %get3A_830 = tpu.vector_load %arg9[%get3A_828, %get3A_829] {strides = array<i32>} : memref<4x128xi32, #tpu.memory_space<vmem>>, vector<16xi32>,
    %shift_right_logical3A_831 = arith.constant 1 : i32
    %shift_right_logical3A_832 = vector.broadcast %shift_right_logical3A_831 : i32 to vector<16xi32>
    %shift_right_logical3A_833 = arith.shrui %get3A_830, %shift_right_logical3A_832 : vector<16xi32>
    %swap3A_834 = arith.constant 1 : i32
    %swap3A_835 = arith.index_cast %swap3A_834 : i32 to index
    %swap3A_836 = arith.constant 48 : index
    %swap3A_837 = tpu.vector_load %arg12[%swap3A_835, %swap3A_836] {strides = array<i32>} : memref<4x128xi32, #tpu.memory_space<vmem>>, vector<16xi32>,
    tpu.vector_store %arg12[%swap3A_835, %swap3A_836], %shift_right_logical3A_833 {strides = array<i32>} : memref<4x128xi32, #tpu.memory_space<vmem>>, vector<16xi32>,
    %get3A_838 = arith.constant 1 : i32
    %get3A_839 = arith.index_cast %get3A_838 : i32 to index
    %get3A_840 = arith.constant 64 : index
    %get3A_841 = tpu.vector_load %arg9[%get3A_839, %get3A_840] {strides = array<i32>} : memref<4x128xi32, #tpu.memory_space<vmem>>, vector<16xi32>,
    %shift_right_logical3A_842 = arith.constant 1 : i32
    %shift_right_logical3A_843 = vector.broadcast %shift_right_logical3A_842 : i32 to vector<16xi32>
    %shift_right_logical3A_844 = arith.shrui %get3A_841, %shift_right_logical3A_843 : vector<16xi32>
    %swap3A_845 = arith.constant 1 : i32
    %swap3A_846 = arith.index_cast %swap3A_845 : i32 to index
    %swap3A_847 = arith.constant 64 : index
    %swap3A_848 = tpu.vector_load %arg12[%swap3A_846, %swap3A_847] {strides = array<i32>} : memref<4x128xi32, #tpu.memory_space<vmem>>, vector<16xi32>,
    tpu.vector_store %arg12[%swap3A_846, %swap3A_847], %shift_right_logical3A_844 {strides = array<i32>} : memref<4x128xi32, #tpu.memory_space<vmem>>, vector<16xi32>,
    %get3A_849 = arith.constant 1 : i32
    %get3A_850 = arith.index_cast %get3A_849 : i32 to index
    %get3A_851 = arith.constant 80 : index
    %get3A_852 = tpu.vector_load %arg9[%get3A_850, %get3A_851] {strides = array<i32>} : memref<4x128xi32, #tpu.memory_space<vmem>>, vector<16xi32>,
    %shift_right_logical3A_853 = arith.constant 1 : i32
    %shift_right_logical3A_854 = vector.broadcast %shift_right_logical3A_853 : i32 to vector<16xi32>
    %shift_right_logical3A_855 = arith.shrui %get3A_852, %shift_right_logical3A_854 : vector<16xi32>
    %swap3A_856 = arith.constant 1 : i32
    %swap3A_857 = arith.index_cast %swap3A_856 : i32 to index
    %swap3A_858 = arith.constant 80 : index
    %swap3A_859 = tpu.vector_load %arg12[%swap3A_857, %swap3A_858] {strides = array<i32>} : memref<4x128xi32, #tpu.memory_space<vmem>>, vector<16xi32>,
    tpu.vector_store %arg12[%swap3A_857, %swap3A_858], %shift_right_logical3A_855 {strides = array<i32>} : memref<4x128xi32, #tpu.memory_space<vmem>>, vector<16xi32>,
    %get3A_860 = arith.constant 1 : i32
    %get3A_861 = arith.index_cast %get3A_860 : i32 to index
    %get3A_862 = arith.constant 96 : index
    %get3A_863 = tpu.vector_load %arg9[%get3A_861, %get3A_862] {strides = array<i32>} : memref<4x128xi32, #tpu.memory_space<vmem>>, vector<16xi32>,
    %shift_right_logical3A_864 = arith.constant 1 : i32
    %shift_right_logical3A_865 = vector.broadcast %shift_right_logical3A_864 : i32 to vector<16xi32>
    %shift_right_logical3A_866 = arith.shrui %get3A_863, %shift_right_logical3A_865 : vector<16xi32>
    %swap3A_867 = arith.constant 1 : i32
    %swap3A_868 = arith.index_cast %swap3A_867 : i32 to index
    %swap3A_869 = arith.constant 96 : index
    %swap3A_870 = tpu.vector_load %arg12[%swap3A_868, %swap3A_869] {strides = array<i32>} : memref<4x128xi32, #tpu.memory_space<vmem>>, vector<16xi32>,
    tpu.vector_store %arg12[%swap3A_868, %swap3A_869], %shift_right_logical3A_866 {strides = array<i32>} : memref<4x128xi32, #tpu.memory_space<vmem>>, vector<16xi32>,
    %get3A_871 = arith.constant 1 : i32
    %get3A_872 = arith.index_cast %get3A_871 : i32 to index
    %get3A_873 = arith.constant 112 : index
    %get3A_874 = tpu.vector_load %arg9[%get3A_872, %get3A_873] {strides = array<i32>} : memref<4x128xi32, #tpu.memory_space<vmem>>, vector<16xi32>,
    %shift_right_logical3A_875 = arith.constant 1 : i32
    %shift_right_logical3A_876 = vector.broadcast %shift_right_logical3A_875 : i32 to vector<16xi32>
    %shift_right_logical3A_877 = arith.shrui %get3A_874, %shift_right_logical3A_876 : vector<16xi32>
    %swap3A_878 = arith.constant 1 : i32
    %swap3A_879 = arith.index_cast %swap3A_878 : i32 to index
    %swap3A_880 = arith.constant 112 : index
    %swap3A_881 = tpu.vector_load %arg12[%swap3A_879, %swap3A_880] {strides = array<i32>} : memref<4x128xi32, #tpu.memory_space<vmem>>, vector<16xi32>,
    tpu.vector_store %arg12[%swap3A_879, %swap3A_880], %shift_right_logical3A_877 {strides = array<i32>} : memref<4x128xi32, #tpu.memory_space<vmem>>, vector<16xi32>,
    %get3A_882 = arith.constant 2 : i32
    %get3A_883 = arith.index_cast %get3A_882 : i32 to index
    %get3A_884 = arith.constant 0 : index
    %get3A_885 = tpu.vector_load %arg9[%get3A_883, %get3A_884] {strides = array<i32>} : memref<4x128xi32, #tpu.memory_space<vmem>>, vector<16xi32>,
    %shift_right_logical3A_886 = arith.constant 1 : i32
    %shift_right_logical3A_887 = vector.broadcast %shift_right_logical3A_886 : i32 to vector<16xi32>
    %shift_right_logical3A_888 = arith.shrui %get3A_885, %shift_right_logical3A_887 : vector<16xi32>
    %swap3A_889 = arith.constant 2 : i32
    %swap3A_890 = arith.index_cast %swap3A_889 : i32 to index
    %swap3A_891 = arith.constant 0 : index
    %swap3A_892 = tpu.vector_load %arg12[%swap3A_890, %swap3A_891] {strides = array<i32>} : memref<4x128xi32, #tpu.memory_space<vmem>>, vector<16xi32>,
    tpu.vector_store %arg12[%swap3A_890, %swap3A_891], %shift_right_logical3A_888 {strides = array<i32>} : memref<4x128xi32, #tpu.memory_space<vmem>>, vector<16xi32>,
    %get3A_893 = arith.constant 2 : i32
    %get3A_894 = arith.index_cast %get3A_893 : i32 to index
    %get3A_895 = arith.constant 16 : index
    %get3A_896 = tpu.vector_load %arg9[%get3A_894, %get3A_895] {strides = array<i32>} : memref<4x128xi32, #tpu.memory_space<vmem>>, vector<16xi32>,
    %shift_right_logical3A_897 = arith.constant 1 : i32
    %shift_right_logical3A_898 = vector.broadcast %shift_right_logical3A_897 : i32 to vector<16xi32>
    %shift_right_logical3A_899 = arith.shrui %get3A_896, %shift_right_logical3A_898 : vector<16xi32>
    %swap3A_900 = arith.constant 2 : i32
    %swap3A_901 = arith.index_cast %swap3A_900 : i32 to index
    %swap3A_902 = arith.constant 16 : index
    %swap3A_903 = tpu.vector_load %arg12[%swap3A_901, %swap3A_902] {strides = array<i32>} : memref<4x128xi32, #tpu.memory_space<vmem>>, vector<16xi32>,
    tpu.vector_store %arg12[%swap3A_901, %swap3A_902], %shift_right_logical3A_899 {strides = array<i32>} : memref<4x128xi32, #tpu.memory_space<vmem>>, vector<16xi32>,
    %get3A_904 = arith.constant 2 : i32
    %get3A_905 = arith.index_cast %get3A_904 : i32 to index
    %get3A_906 = arith.constant 32 : index
    %get3A_907 = tpu.vector_load %arg9[%get3A_905, %get3A_906] {strides = array<i32>} : memref<4x128xi32, #tpu.memory_space<vmem>>, vector<16xi32>,
    %shift_right_logical3A_908 = arith.constant 1 : i32
    %shift_right_logical3A_909 = vector.broadcast %shift_right_logical3A_908 : i32 to vector<16xi32>
    %shift_right_logical3A_910 = arith.shrui %get3A_907, %shift_right_logical3A_909 : vector<16xi32>
    %swap3A_911 = arith.constant 2 : i32
    %swap3A_912 = arith.index_cast %swap3A_911 : i32 to index
    %swap3A_913 = arith.constant 32 : index
    %swap3A_914 = tpu.vector_load %arg12[%swap3A_912, %swap3A_913] {strides = array<i32>} : memref<4x128xi32, #tpu.memory_space<vmem>>, vector<16xi32>,
    tpu.vector_store %arg12[%swap3A_912, %swap3A_913], %shift_right_logical3A_910 {strides = array<i32>} : memref<4x128xi32, #tpu.memory_space<vmem>>, vector<16xi32>,
    %get3A_915 = arith.constant 2 : i32
    %get3A_916 = arith.index_cast %get3A_915 : i32 to index
    %get3A_917 = arith.constant 48 : index
    %get3A_918 = tpu.vector_load %arg9[%get3A_916, %get3A_917] {strides = array<i32>} : memref<4x128xi32, #tpu.memory_space<vmem>>, vector<16xi32>,
    %shift_right_logical3A_919 = arith.constant 1 : i32
    %shift_right_logical3A_920 = vector.broadcast %shift_right_logical3A_919 : i32 to vector<16xi32>
    %shift_right_logical3A_921 = arith.shrui %get3A_918, %shift_right_logical3A_920 : vector<16xi32>
    %swap3A_922 = arith.constant 2 : i32
    %swap3A_923 = arith.index_cast %swap3A_922 : i32 to index
    %swap3A_924 = arith.constant 48 : index
    %swap3A_925 = tpu.vector_load %arg12[%swap3A_923, %swap3A_924] {strides = array<i32>} : memref<4x128xi32, #tpu.memory_space<vmem>>, vector<16xi32>,
    tpu.vector_store %arg12[%swap3A_923, %swap3A_924], %shift_right_logical3A_921 {strides = array<i32>} : memref<4x128xi32, #tpu.memory_space<vmem>>, vector<16xi32>,
    %get3A_926 = arith.constant 2 : i32
    %get3A_927 = arith.index_cast %get3A_926 : i32 to index
    %get3A_928 = arith.constant 64 : index
    %get3A_929 = tpu.vector_load %arg9[%get3A_927, %get3A_928] {strides = array<i32>} : memref<4x128xi32, #tpu.memory_space<vmem>>, vector<16xi32>,
    %shift_right_logical3A_930 = arith.constant 1 : i32
    %shift_right_logical3A_931 = vector.broadcast %shift_right_logical3A_930 : i32 to vector<16xi32>
    %shift_right_logical3A_932 = arith.shrui %get3A_929, %shift_right_logical3A_931 : vector<16xi32>
    %swap3A_933 = arith.constant 2 : i32
    %swap3A_934 = arith.index_cast %swap3A_933 : i32 to index
    %swap3A_935 = arith.constant 64 : index
    %swap3A_936 = tpu.vector_load %arg12[%swap3A_934, %swap3A_935] {strides = array<i32>} : memref<4x128xi32, #tpu.memory_space<vmem>>, vector<16xi32>,
    tpu.vector_store %arg12[%swap3A_934, %swap3A_935], %shift_right_logical3A_932 {strides = array<i32>} : memref<4x128xi32, #tpu.memory_space<vmem>>, vector<16xi32>,
    %get3A_937 = arith.constant 2 : i32
    %get3A_938 = arith.index_cast %get3A_937 : i32 to index
    %get3A_939 = arith.constant 80 : index
    %get3A_940 = tpu.vector_load %arg9[%get3A_938, %get3A_939] {strides = array<i32>} : memref<4x128xi32, #tpu.memory_space<vmem>>, vector<16xi32>,
    %shift_right_logical3A_941 = arith.constant 1 : i32
    %shift_right_logical3A_942 = vector.broadcast %shift_right_logical3A_941 : i32 to vector<16xi32>
    %shift_right_logical3A_943 = arith.shrui %get3A_940, %shift_right_logical3A_942 : vector<16xi32>
    %swap3A_944 = arith.constant 2 : i32
    %swap3A_945 = arith.index_cast %swap3A_944 : i32 to index
    %swap3A_946 = arith.constant 80 : index
    %swap3A_947 = tpu.vector_load %arg12[%swap3A_945, %swap3A_946] {strides = array<i32>} : memref<4x128xi32, #tpu.memory_space<vmem>>, vector<16xi32>,
    tpu.vector_store %arg12[%swap3A_945, %swap3A_946], %shift_right_logical3A_943 {strides = array<i32>} : memref<4x128xi32, #tpu.memory_space<vmem>>, vector<16xi32>,
    %get3A_948 = arith.constant 2 : i32
    %get3A_949 = arith.index_cast %get3A_948 : i32 to index
    %get3A_950 = arith.constant 96 : index
    %get3A_951 = tpu.vector_load %arg9[%get3A_949, %get3A_950] {strides = array<i32>} : memref<4x128xi32, #tpu.memory_space<vmem>>, vector<16xi32>,
    %shift_right_logical3A_952 = arith.constant 1 : i32
    %shift_right_logical3A_953 = vector.broadcast %shift_right_logical3A_952 : i32 to vector<16xi32>
    %shift_right_logical3A_954 = arith.shrui %get3A_951, %shift_right_logical3A_953 : vector<16xi32>
    %swap3A_955 = arith.constant 2 : i32
    %swap3A_956 = arith.index_cast %swap3A_955 : i32 to index
    %swap3A_957 = arith.constant 96 : index
    %swap3A_958 = tpu.vector_load %arg12[%swap3A_956, %swap3A_957] {strides = array<i32>} : memref<4x128xi32, #tpu.memory_space<vmem>>, vector<16xi32>,
    tpu.vector_store %arg12[%swap3A_956, %swap3A_957], %shift_right_logical3A_954 {strides = array<i32>} : memref<4x128xi32, #tpu.memory_space<vmem>>, vector<16xi32>,
    %get3A_959 = arith.constant 2 : i32
    %get3A_960 = arith.index_cast %get3A_959 : i32 to index
    %get3A_961 = arith.constant 112 : index
    %get3A_962 = tpu.vector_load %arg9[%get3A_960, %get3A_961] {strides = array<i32>} : memref<4x128xi32, #tpu.memory_space<vmem>>, vector<16xi32>,
    %shift_right_logical3A_963 = arith.constant 1 : i32
    %shift_right_logical3A_964 = vector.broadcast %shift_right_logical3A_963 : i32 to vector<16xi32>
    %shift_right_logical3A_965 = arith.shrui %get3A_962, %shift_right_logical3A_964 : vector<16xi32>
    %swap3A_966 = arith.constant 2 : i32
    %swap3A_967 = arith.index_cast %swap3A_966 : i32 to index
    %swap3A_968 = arith.constant 112 : index
    %swap3A_969 = tpu.vector_load %arg12[%swap3A_967, %swap3A_968] {strides = array<i32>} : memref<4x128xi32, #tpu.memory_space<vmem>>, vector<16xi32>,
    tpu.vector_store %arg12[%swap3A_967, %swap3A_968], %shift_right_logical3A_965 {strides = array<i32>} : memref<4x128xi32, #tpu.memory_space<vmem>>, vector<16xi32>,
    %get3A_970 = arith.constant 3 : i32
    %get3A_971 = arith.index_cast %get3A_970 : i32 to index
    %get3A_972 = arith.constant 0 : index
    %get3A_973 = tpu.vector_load %arg9[%get3A_971, %get3A_972] {strides = array<i32>} : memref<4x128xi32, #tpu.memory_space<vmem>>, vector<16xi32>,
    %shift_right_logical3A_974 = arith.constant 1 : i32
    %shift_right_logical3A_975 = vector.broadcast %shift_right_logical3A_974 : i32 to vector<16xi32>
    %shift_right_logical3A_976 = arith.shrui %get3A_973, %shift_right_logical3A_975 : vector<16xi32>
    %swap3A_977 = arith.constant 3 : i32
    %swap3A_978 = arith.index_cast %swap3A_977 : i32 to index
    %swap3A_979 = arith.constant 0 : index
    %swap3A_980 = tpu.vector_load %arg12[%swap3A_978, %swap3A_979] {strides = array<i32>} : memref<4x128xi32, #tpu.memory_space<vmem>>, vector<16xi32>,
    tpu.vector_store %arg12[%swap3A_978, %swap3A_979], %shift_right_logical3A_976 {strides = array<i32>} : memref<4x128xi32, #tpu.memory_space<vmem>>, vector<16xi32>,
    %get3A_981 = arith.constant 3 : i32
    %get3A_982 = arith.index_cast %get3A_981 : i32 to index
    %get3A_983 = arith.constant 16 : index
    %get3A_984 = tpu.vector_load %arg9[%get3A_982, %get3A_983] {strides = array<i32>} : memref<4x128xi32, #tpu.memory_space<vmem>>, vector<16xi32>,
    %shift_right_logical3A_985 = arith.constant 1 : i32
    %shift_right_logical3A_986 = vector.broadcast %shift_right_logical3A_985 : i32 to vector<16xi32>
    %shift_right_logical3A_987 = arith.shrui %get3A_984, %shift_right_logical3A_986 : vector<16xi32>
    %swap3A_988 = arith.constant 3 : i32
    %swap3A_989 = arith.index_cast %swap3A_988 : i32 to index
    %swap3A_990 = arith.constant 16 : index
    %swap3A_991 = tpu.vector_load %arg12[%swap3A_989, %swap3A_990] {strides = array<i32>} : memref<4x128xi32, #tpu.memory_space<vmem>>, vector<16xi32>,
    tpu.vector_store %arg12[%swap3A_989, %swap3A_990], %shift_right_logical3A_987 {strides = array<i32>} : memref<4x128xi32, #tpu.memory_space<vmem>>, vector<16xi32>,
    %get3A_992 = arith.constant 3 : i32
    %get3A_993 = arith.index_cast %get3A_992 : i32 to index
    %get3A_994 = arith.constant 32 : index
    %get3A_995 = tpu.vector_load %arg9[%get3A_993, %get3A_994] {strides = array<i32>} : memref<4x128xi32, #tpu.memory_space<vmem>>, vector<16xi32>,
    %shift_right_logical3A_996 = arith.constant 1 : i32
    %shift_right_logical3A_997 = vector.broadcast %shift_right_logical3A_996 : i32 to vector<16xi32>
    %shift_right_logical3A_998 = arith.shrui %get3A_995, %shift_right_logical3A_997 : vector<16xi32>
    %swap3A_999 = arith.constant 3 : i32
    %swap3A_1000 = arith.index_cast %swap3A_999 : i32 to index
    %swap3A_1001 = arith.constant 32 : index
    %swap3A_1002 = tpu.vector_load %arg12[%swap3A_1000, %swap3A_1001] {strides = array<i32>} : memref<4x128xi32, #tpu.memory_space<vmem>>, vector<16xi32>,
    tpu.vector_store %arg12[%swap3A_1000, %swap3A_1001], %shift_right_logical3A_998 {strides = array<i32>} : memref<4x128xi32, #tpu.memory_space<vmem>>, vector<16xi32>,
    %get3A_1003 = arith.constant 3 : i32
    %get3A_1004 = arith.index_cast %get3A_1003 : i32 to index
    %get3A_1005 = arith.constant 48 : index
    %get3A_1006 = tpu.vector_load %arg9[%get3A_1004, %get3A_1005] {strides = array<i32>} : memref<4x128xi32, #tpu.memory_space<vmem>>, vector<16xi32>,
    %shift_right_logical3A_1007 = arith.constant 1 : i32
    %shift_right_logical3A_1008 = vector.broadcast %shift_right_logical3A_1007 : i32 to vector<16xi32>
    %shift_right_logical3A_1009 = arith.shrui %get3A_1006, %shift_right_logical3A_1008 : vector<16xi32>
    %swap3A_1010 = arith.constant 3 : i32
    %swap3A_1011 = arith.index_cast %swap3A_1010 : i32 to index
    %swap3A_1012 = arith.constant 48 : index
    %swap3A_1013 = tpu.vector_load %arg12[%swap3A_1011, %swap3A_1012] {strides = array<i32>} : memref<4x128xi32, #tpu.memory_space<vmem>>, vector<16xi32>,
    tpu.vector_store %arg12[%swap3A_1011, %swap3A_1012], %shift_right_logical3A_1009 {strides = array<i32>} : memref<4x128xi32, #tpu.memory_space<vmem>>, vector<16xi32>,
    %get3A_1014 = arith.constant 3 : i32
    %get3A_1015 = arith.index_cast %get3A_1014 : i32 to index
    %get3A_1016 = arith.constant 64 : index
    %get3A_1017 = tpu.vector_load %arg9[%get3A_1015, %get3A_1016] {strides = array<i32>} : memref<4x128xi32, #tpu.memory_space<vmem>>, vector<16xi32>,
    %shift_right_logical3A_1018 = arith.constant 1 : i32
    %shift_right_logical3A_1019 = vector.broadcast %shift_right_logical3A_1018 : i32 to vector<16xi32>
    %shift_right_logical3A_1020 = arith.shrui %get3A_1017, %shift_right_logical3A_1019 : vector<16xi32>
    %swap3A_1021 = arith.constant 3 : i32
    %swap3A_1022 = arith.index_cast %swap3A_1021 : i32 to index
    %swap3A_1023 = arith.constant 64 : index
    %swap3A_1024 = tpu.vector_load %arg12[%swap3A_1022, %swap3A_1023] {strides = array<i32>} : memref<4x128xi32, #tpu.memory_space<vmem>>, vector<16xi32>,
    tpu.vector_store %arg12[%swap3A_1022, %swap3A_1023], %shift_right_logical3A_1020 {strides = array<i32>} : memref<4x128xi32, #tpu.memory_space<vmem>>, vector<16xi32>,
    %get3A_1025 = arith.constant 3 : i32
    %get3A_1026 = arith.index_cast %get3A_1025 : i32 to index
    %get3A_1027 = arith.constant 80 : index
    %get3A_1028 = tpu.vector_load %arg9[%get3A_1026, %get3A_1027] {strides = array<i32>} : memref<4x128xi32, #tpu.memory_space<vmem>>, vector<16xi32>,
    %shift_right_logical3A_1029 = arith.constant 1 : i32
    %shift_right_logical3A_1030 = vector.broadcast %shift_right_logical3A_1029 : i32 to vector<16xi32>
    %shift_right_logical3A_1031 = arith.shrui %get3A_1028, %shift_right_logical3A_1030 : vector<16xi32>
    %swap3A_1032 = arith.constant 3 : i32
    %swap3A_1033 = arith.index_cast %swap3A_1032 : i32 to index
    %swap3A_1034 = arith.constant 80 : index
    %swap3A_1035 = tpu.vector_load %arg12[%swap3A_1033, %swap3A_1034] {strides = array<i32>} : memref<4x128xi32, #tpu.memory_space<vmem>>, vector<16xi32>,
    tpu.vector_store %arg12[%swap3A_1033, %swap3A_1034], %shift_right_logical3A_1031 {strides = array<i32>} : memref<4x128xi32, #tpu.memory_space<vmem>>, vector<16xi32>,
    %get3A_1036 = arith.constant 3 : i32
    %get3A_1037 = arith.index_cast %get3A_1036 : i32 to index
    %get3A_1038 = arith.constant 96 : index
    %get3A_1039 = tpu.vector_load %arg9[%get3A_1037, %get3A_1038] {strides = array<i32>} : memref<4x128xi32, #tpu.memory_space<vmem>>, vector<16xi32>,
    %shift_right_logical3A_1040 = arith.constant 1 : i32
    %shift_right_logical3A_1041 = vector.broadcast %shift_right_logical3A_1040 : i32 to vector<16xi32>
    %shift_right_logical3A_1042 = arith.shrui %get3A_1039, %shift_right_logical3A_1041 : vector<16xi32>
    %swap3A_1043 = arith.constant 3 : i32
    %swap3A_1044 = arith.index_cast %swap3A_1043 : i32 to index
    %swap3A_1045 = arith.constant 96 : index
    %swap3A_1046 = tpu.vector_load %arg12[%swap3A_1044, %swap3A_1045] {strides = array<i32>} : memref<4x128xi32, #tpu.memory_space<vmem>>, vector<16xi32>,
    tpu.vector_store %arg12[%swap3A_1044, %swap3A_1045], %shift_right_logical3A_1042 {strides = array<i32>} : memref<4x128xi32, #tpu.memory_space<vmem>>, vector<16xi32>,
    %get3A_1047 = arith.constant 3 : i32
    %get3A_1048 = arith.index_cast %get3A_1047 : i32 to index
    %get3A_1049 = arith.constant 112 : index
    %get3A_1050 = tpu.vector_load %arg9[%get3A_1048, %get3A_1049] {strides = array<i32>} : memref<4x128xi32, #tpu.memory_space<vmem>>, vector<16xi32>,
    %shift_right_logical3A_1051 = arith.constant 1 : i32
    %shift_right_logical3A_1052 = vector.broadcast %shift_right_logical3A_1051 : i32 to vector<16xi32>
    %shift_right_logical3A_1053 = arith.shrui %get3A_1050, %shift_right_logical3A_1052 : vector<16xi32>
    %swap3A_1054 = arith.constant 3 : i32
    %swap3A_1055 = arith.index_cast %swap3A_1054 : i32 to index
    %swap3A_1056 = arith.constant 112 : index
    %swap3A_1057 = tpu.vector_load %arg12[%swap3A_1055, %swap3A_1056] {strides = array<i32>} : memref<4x128xi32, #tpu.memory_space<vmem>>, vector<16xi32>,
    tpu.vector_store %arg12[%swap3A_1055, %swap3A_1056], %shift_right_logical3A_1053 {strides = array<i32>} : memref<4x128xi32, #tpu.memory_space<vmem>>, vector<16xi32>,
    %iota3A = tpu.iota {dimensions = array<i32: 0>} : vector<16xi32>
    %dma_start3A = arith.constant 0 : i32
    %dma_start3A_1058 = arith.constant 0 : i32
    %dma_start3A_1059 = arith.constant 0 : i32
    %dma_start3A_1060 = tpu.memref_slice %arg13[%dma_start3A_1058, %dma_start3A_1059] : memref<256x128xi32, #tpu.memory_space<vmem>> -> memref<128x128xi32, #tpu.memory_space<vmem>>
    %dma_start3A_1061 = arith.constant 0 : i32
    %dma_start3A_1062 = tpu.memref_slice %arg10[%dma_start3A, %dma_start3A_1061] : memref<4x128xi32, #tpu.memory_space<vmem>> -> memref<1x128xi32, #tpu.memory_space<vmem>>
    %dma_start3A_1063 = tpu.memref_squeeze %dma_start3A_1062 : memref<1x128xi32, #tpu.memory_space<vmem>> -> memref<128xi32, #tpu.memory_space<vmem>>
    %dma_start3A_1064 = arith.constant 0 : i32
    %dma_start3A_1065 = arith.constant 0 : i32
    %dma_start3A_1066 = tpu.memref_slice %arg5[%dma_start3A_1064, %dma_start3A_1065] : memref<500000x128xi32, #tpu.memory_space<hbm>> -> memref<500000x128xi32, #tpu.memory_space<hbm>>
    tpu.enqueue_indirect_dma source(%dma_start3A_1066 : memref<500000x128xi32, #tpu.memory_space<hbm>>) target(%dma_start3A_1060 : memref<128x128xi32, #tpu.memory_space<vmem>>) offsets(%dma_start3A_1063 : memref<128xi32, #tpu.memory_space<vmem>>) semaphore(%arg17 : memref<!tpu.dma_semaphore, #tpu.memory_space<semaphore_mem>>)
    %dma_start3A_1067 = arith.constant 0 : i32
    %dma_start3A_1068 = arith.constant 0 : i32
    %dma_start3A_1069 = arith.constant 0 : i32
    %dma_start3A_1070 = tpu.memref_slice %arg14[%dma_start3A_1068, %dma_start3A_1069] : memref<256x128xi32, #tpu.memory_space<vmem>> -> memref<128x128xi32, #tpu.memory_space<vmem>>
    %dma_start3A_1071 = arith.constant 0 : i32
    %dma_start3A_1072 = tpu.memref_slice %arg11[%dma_start3A_1067, %dma_start3A_1071] : memref<4x128xi32, #tpu.memory_space<vmem>> -> memref<1x128xi32, #tpu.memory_space<vmem>>
    %dma_start3A_1073 = tpu.memref_squeeze %dma_start3A_1072 : memref<1x128xi32, #tpu.memory_space<vmem>> -> memref<128xi32, #tpu.memory_space<vmem>>
    %dma_start3A_1074 = arith.constant 0 : i32
    %dma_start3A_1075 = arith.constant 0 : i32
    %dma_start3A_1076 = tpu.memref_slice %arg5[%dma_start3A_1074, %dma_start3A_1075] : memref<500000x128xi32, #tpu.memory_space<hbm>> -> memref<500000x128xi32, #tpu.memory_space<hbm>>
    tpu.enqueue_indirect_dma source(%dma_start3A_1076 : memref<500000x128xi32, #tpu.memory_space<hbm>>) target(%dma_start3A_1070 : memref<128x128xi32, #tpu.memory_space<vmem>>) offsets(%dma_start3A_1073 : memref<128xi32, #tpu.memory_space<vmem>>) semaphore(%arg17 : memref<!tpu.dma_semaphore, #tpu.memory_space<semaphore_mem>>)
    %dma_start3A_1077 = arith.constant 0 : i32
    %dma_start3A_1078 = arith.constant 0 : i32
    %dma_start3A_1079 = arith.constant 0 : i32
    %dma_start3A_1080 = tpu.memref_slice %arg15[%dma_start3A_1078, %dma_start3A_1079] : memref<256x128xi32, #tpu.memory_space<vmem>> -> memref<128x128xi32, #tpu.memory_space<vmem>>
    %dma_start3A_1081 = arith.constant 0 : i32
    %dma_start3A_1082 = tpu.memref_slice %arg12[%dma_start3A_1077, %dma_start3A_1081] : memref<4x128xi32, #tpu.memory_space<vmem>> -> memref<1x128xi32, #tpu.memory_space<vmem>>
    %dma_start3A_1083 = tpu.memref_squeeze %dma_start3A_1082 : memref<1x128xi32, #tpu.memory_space<vmem>> -> memref<128xi32, #tpu.memory_space<vmem>>
    %dma_start3A_1084 = arith.constant 0 : i32
    %dma_start3A_1085 = arith.constant 0 : i32
    %dma_start3A_1086 = tpu.memref_slice %arg5[%dma_start3A_1084, %dma_start3A_1085] : memref<500000x128xi32, #tpu.memory_space<hbm>> -> memref<500000x128xi32, #tpu.memory_space<hbm>>
    tpu.enqueue_indirect_dma source(%dma_start3A_1086 : memref<500000x128xi32, #tpu.memory_space<hbm>>) target(%dma_start3A_1080 : memref<128x128xi32, #tpu.memory_space<vmem>>) offsets(%dma_start3A_1083 : memref<128xi32, #tpu.memory_space<vmem>>) semaphore(%arg17 : memref<!tpu.dma_semaphore, #tpu.memory_space<semaphore_mem>>)
    %dma_start3A_1087 = arith.constant 1 : i32
    %dma_start3A_1088 = arith.constant 128 : i32
    %dma_start3A_1089 = arith.constant 0 : i32
    %dma_start3A_1090 = tpu.memref_slice %arg13[%dma_start3A_1088, %dma_start3A_1089] : memref<256x128xi32, #tpu.memory_space<vmem>> -> memref<128x128xi32, #tpu.memory_space<vmem>>
    %dma_start3A_1091 = arith.constant 0 : i32
    %dma_start3A_1092 = tpu.memref_slice %arg10[%dma_start3A_1087, %dma_start3A_1091] : memref<4x128xi32, #tpu.memory_space<vmem>> -> memref<1x128xi32, #tpu.memory_space<vmem>>
    %dma_start3A_1093 = tpu.memref_squeeze %dma_start3A_1092 : memref<1x128xi32, #tpu.memory_space<vmem>> -> memref<128xi32, #tpu.memory_space<vmem>>
    %dma_start3A_1094 = arith.constant 0 : i32
    %dma_start3A_1095 = arith.constant 0 : i32
    %dma_start3A_1096 = tpu.memref_slice %arg5[%dma_start3A_1094, %dma_start3A_1095] : memref<500000x128xi32, #tpu.memory_space<hbm>> -> memref<500000x128xi32, #tpu.memory_space<hbm>>
    tpu.enqueue_indirect_dma source(%dma_start3A_1096 : memref<500000x128xi32, #tpu.memory_space<hbm>>) target(%dma_start3A_1090 : memref<128x128xi32, #tpu.memory_space<vmem>>) offsets(%dma_start3A_1093 : memref<128xi32, #tpu.memory_space<vmem>>) semaphore(%arg17 : memref<!tpu.dma_semaphore, #tpu.memory_space<semaphore_mem>>)
    %dma_start3A_1097 = arith.constant 1 : i32
    %dma_start3A_1098 = arith.constant 128 : i32
    %dma_start3A_1099 = arith.constant 0 : i32
    %dma_start3A_1100 = tpu.memref_slice %arg14[%dma_start3A_1098, %dma_start3A_1099] : memref<256x128xi32, #tpu.memory_space<vmem>> -> memref<128x128xi32, #tpu.memory_space<vmem>>
    %dma_start3A_1101 = arith.constant 0 : i32
    %dma_start3A_1102 = tpu.memref_slice %arg11[%dma_start3A_1097, %dma_start3A_1101] : memref<4x128xi32, #tpu.memory_space<vmem>> -> memref<1x128xi32, #tpu.memory_space<vmem>>
    %dma_start3A_1103 = tpu.memref_squeeze %dma_start3A_1102 : memref<1x128xi32, #tpu.memory_space<vmem>> -> memref<128xi32, #tpu.memory_space<vmem>>
    %dma_start3A_1104 = arith.constant 0 : i32
    %dma_start3A_1105 = arith.constant 0 : i32
    %dma_start3A_1106 = tpu.memref_slice %arg5[%dma_start3A_1104, %dma_start3A_1105] : memref<500000x128xi32, #tpu.memory_space<hbm>> -> memref<500000x128xi32, #tpu.memory_space<hbm>>
    tpu.enqueue_indirect_dma source(%dma_start3A_1106 : memref<500000x128xi32, #tpu.memory_space<hbm>>) target(%dma_start3A_1100 : memref<128x128xi32, #tpu.memory_space<vmem>>) offsets(%dma_start3A_1103 : memref<128xi32, #tpu.memory_space<vmem>>) semaphore(%arg17 : memref<!tpu.dma_semaphore, #tpu.memory_space<semaphore_mem>>)
    %dma_start3A_1107 = arith.constant 1 : i32
    %dma_start3A_1108 = arith.constant 128 : i32
    %dma_start3A_1109 = arith.constant 0 : i32
    %dma_start3A_1110 = tpu.memref_slice %arg15[%dma_start3A_1108, %dma_start3A_1109] : memref<256x128xi32, #tpu.memory_space<vmem>> -> memref<128x128xi32, #tpu.memory_space<vmem>>
    %dma_start3A_1111 = arith.constant 0 : i32
    %dma_start3A_1112 = tpu.memref_slice %arg12[%dma_start3A_1107, %dma_start3A_1111] : memref<4x128xi32, #tpu.memory_space<vmem>> -> memref<1x128xi32, #tpu.memory_space<vmem>>
    %dma_start3A_1113 = tpu.memref_squeeze %dma_start3A_1112 : memref<1x128xi32, #tpu.memory_space<vmem>> -> memref<128xi32, #tpu.memory_space<vmem>>
    %dma_start3A_1114 = arith.constant 0 : i32
    %dma_start3A_1115 = arith.constant 0 : i32
    %dma_start3A_1116 = tpu.memref_slice %arg5[%dma_start3A_1114, %dma_start3A_1115] : memref<500000x128xi32, #tpu.memory_space<hbm>> -> memref<500000x128xi32, #tpu.memory_space<hbm>>
    tpu.enqueue_indirect_dma source(%dma_start3A_1116 : memref<500000x128xi32, #tpu.memory_space<hbm>>) target(%dma_start3A_1110 : memref<128x128xi32, #tpu.memory_space<vmem>>) offsets(%dma_start3A_1113 : memref<128xi32, #tpu.memory_space<vmem>>) semaphore(%arg17 : memref<!tpu.dma_semaphore, #tpu.memory_space<semaphore_mem>>)
    %dma_wait3A = arith.constant 0 : i32
    %dma_wait3A_1117 = arith.constant 0 : i32
    %dma_wait3A_1118 = arith.constant 0 : i32
    %dma_wait3A_1119 = tpu.memref_slice %arg13[%dma_wait3A_1117, %dma_wait3A_1118] : memref<256x128xi32, #tpu.memory_space<vmem>> -> memref<128x128xi32, #tpu.memory_space<vmem>>
    %dma_wait3A_1120 = arith.constant 0 : i32
    %dma_wait3A_1121 = tpu.memref_slice %arg10[%dma_wait3A, %dma_wait3A_1120] : memref<4x128xi32, #tpu.memory_space<vmem>> -> memref<1x128xi32, #tpu.memory_space<vmem>>
    %dma_wait3A_1122 = tpu.memref_squeeze %dma_wait3A_1121 : memref<1x128xi32, #tpu.memory_space<vmem>> -> memref<128xi32, #tpu.memory_space<vmem>>
    %dma_wait3A_1123 = arith.constant 0 : i32
    %dma_wait3A_1124 = arith.constant 0 : i32
    %dma_wait3A_1125 = tpu.memref_slice %arg5[%dma_wait3A_1123, %dma_wait3A_1124] : memref<500000x128xi32, #tpu.memory_space<hbm>> -> memref<500000x128xi32, #tpu.memory_space<hbm>>
    tpu.wait_indirect_dma semaphore(%arg17 : memref<!tpu.dma_semaphore, #tpu.memory_space<semaphore_mem>>) src(%dma_wait3A_1125 : memref<500000x128xi32, #tpu.memory_space<hbm>>) dst(%dma_wait3A_1119 : memref<128x128xi32, #tpu.memory_space<vmem>>)
    %dma_wait3A_1126 = arith.constant 0 : i32
    %dma_wait3A_1127 = arith.constant 0 : i32
    %dma_wait3A_1128 = arith.constant 0 : i32
    %dma_wait3A_1129 = tpu.memref_slice %arg14[%dma_wait3A_1127, %dma_wait3A_1128] : memref<256x128xi32, #tpu.memory_space<vmem>> -> memref<128x128xi32, #tpu.memory_space<vmem>>
    %dma_wait3A_1130 = arith.constant 0 : i32
    %dma_wait3A_1131 = tpu.memref_slice %arg11[%dma_wait3A_1126, %dma_wait3A_1130] : memref<4x128xi32, #tpu.memory_space<vmem>> -> memref<1x128xi32, #tpu.memory_space<vmem>>
    %dma_wait3A_1132 = tpu.memref_squeeze %dma_wait3A_1131 : memref<1x128xi32, #tpu.memory_space<vmem>> -> memref<128xi32, #tpu.memory_space<vmem>>
    %dma_wait3A_1133 = arith.constant 0 : i32
    %dma_wait3A_1134 = arith.constant 0 : i32
    %dma_wait3A_1135 = tpu.memref_slice %arg5[%dma_wait3A_1133, %dma_wait3A_1134] : memref<500000x128xi32, #tpu.memory_space<hbm>> -> memref<500000x128xi32, #tpu.memory_space<hbm>>
    tpu.wait_indirect_dma semaphore(%arg17 : memref<!tpu.dma_semaphore, #tpu.memory_space<semaphore_mem>>) src(%dma_wait3A_1135 : memref<500000x128xi32, #tpu.memory_space<hbm>>) dst(%dma_wait3A_1129 : memref<128x128xi32, #tpu.memory_space<vmem>>)
    %dma_wait3A_1136 = arith.constant 0 : i32
    %dma_wait3A_1137 = arith.constant 0 : i32
    %dma_wait3A_1138 = arith.constant 0 : i32
    %dma_wait3A_1139 = tpu.memref_slice %arg15[%dma_wait3A_1137, %dma_wait3A_1138] : memref<256x128xi32, #tpu.memory_space<vmem>> -> memref<128x128xi32, #tpu.memory_space<vmem>>
    %dma_wait3A_1140 = arith.constant 0 : i32
    %dma_wait3A_1141 = tpu.memref_slice %arg12[%dma_wait3A_1136, %dma_wait3A_1140] : memref<4x128xi32, #tpu.memory_space<vmem>> -> memref<1x128xi32, #tpu.memory_space<vmem>>
    %dma_wait3A_1142 = tpu.memref_squeeze %dma_wait3A_1141 : memref<1x128xi32, #tpu.memory_space<vmem>> -> memref<128xi32, #tpu.memory_space<vmem>>
    %dma_wait3A_1143 = arith.constant 0 : i32
    %dma_wait3A_1144 = arith.constant 0 : i32
    %dma_wait3A_1145 = tpu.memref_slice %arg5[%dma_wait3A_1143, %dma_wait3A_1144] : memref<500000x128xi32, #tpu.memory_space<hbm>> -> memref<500000x128xi32, #tpu.memory_space<hbm>>
    tpu.wait_indirect_dma semaphore(%arg17 : memref<!tpu.dma_semaphore, #tpu.memory_space<semaphore_mem>>) src(%dma_wait3A_1145 : memref<500000x128xi32, #tpu.memory_space<hbm>>) dst(%dma_wait3A_1139 : memref<128x128xi32, #tpu.memory_space<vmem>>)
    %scan3A = arith.constant 0 : i32
    %scan3A_1146 = arith.constant 8 : i32
    %scan3A_1147 = arith.addi %scan3A, %scan3A_1146 : i32
    %scan3A_1148 = arith.constant 1 : i32
    scf.for %scan3A_1315 = %scan3A to %scan3A_1147 step %scan3A_1148  : i32 {
      %mul3A_1316 = arith.constant 16 : i32
      %mul3A_1317 = arith.muli %scan3A_1315, %mul3A_1316 : i32
      %mul3A_1318 = arith.constant 16 : i32
      %mul3A_1319 = arith.muli %scan3A_1315, %mul3A_1318 : i32
      %add3A_1320 = arith.constant 0 : i32
      %add3A_1321 = arith.addi %add3A_1320, %mul3A_1319 : i32
      %add3A_1322 = vector.broadcast %add3A_1321 : i32 to vector<16xi32>
      %add3A_1323 = arith.addi %add3A_1322, %iota3A : vector<16xi32>
      %get3A_1324 = arith.constant 0 : i32
      %get3A_1325 = arith.index_cast %get3A_1324 : i32 to index
      %get3A_1326 = arith.index_cast %mul3A_1317 : i32 to index
      %get3A_1327 = tpu.vector_load %arg7[%get3A_1325, %get3A_1326] {strides = array<i32>} : memref<4x128xi32, #tpu.memory_space<vmem>>, vector<16xi32>,
      %and3A = arith.constant 1 : i32
      %and3A_1328 = vector.broadcast %and3A : i32 to vector<16xi32>
      %and3A_1329 = arith.andi %get3A_1327, %and3A_1328 : vector<16xi32>
      %mul3A_1330 = arith.constant 64 : i32
      %mul3A_1331 = vector.broadcast %mul3A_1330 : i32 to vector<16xi32>
      %mul3A_1332 = arith.muli %and3A_1329, %mul3A_1331 : vector<16xi32>
      %get3A_1333 = arith.constant 0 : i32
      %get3A_1334 = arith.index_cast %get3A_1333 : i32 to index
      %get3A_1335 = arith.index_cast %mul3A_1317 : i32 to index
      %get3A_1336 = tpu.vector_load %arg8[%get3A_1334, %get3A_1335] {strides = array<i32>} : memref<4x128xi32, #tpu.memory_space<vmem>>, vector<16xi32>,
      %and3A_1337 = arith.constant 1 : i32
      %and3A_1338 = vector.broadcast %and3A_1337 : i32 to vector<16xi32>
      %and3A_1339 = arith.andi %get3A_1336, %and3A_1338 : vector<16xi32>
      %mul3A_1340 = arith.constant 64 : i32
      %mul3A_1341 = vector.broadcast %mul3A_1340 : i32 to vector<16xi32>
      %mul3A_1342 = arith.muli %and3A_1339, %mul3A_1341 : vector<16xi32>
      %add3A_1343 = arith.constant 32 : i32
      %add3A_1344 = vector.broadcast %add3A_1343 : i32 to vector<16xi32>
      %add3A_1345 = arith.addi %mul3A_1342, %add3A_1344 : vector<16xi32>
      %get3A_1346 = arith.constant 0 : i32
      %get3A_1347 = arith.index_cast %get3A_1346 : i32 to index
      %get3A_1348 = arith.index_cast %mul3A_1317 : i32 to index
      %get3A_1349 = tpu.vector_load %arg9[%get3A_1347, %get3A_1348] {strides = array<i32>} : memref<4x128xi32, #tpu.memory_space<vmem>>, vector<16xi32>,
      %and3A_1350 = arith.constant 1 : i32
      %and3A_1351 = vector.broadcast %and3A_1350 : i32 to vector<16xi32>
      %and3A_1352 = arith.andi %get3A_1349, %and3A_1351 : vector<16xi32>
      %mul3A_1353 = arith.constant 64 : i32
      %mul3A_1354 = vector.broadcast %mul3A_1353 : i32 to vector<16xi32>
      %mul3A_1355 = arith.muli %and3A_1352, %mul3A_1354 : vector<16xi32>
      %add3A_1356 = arith.constant 32 : i32
      %add3A_1357 = vector.broadcast %add3A_1356 : i32 to vector<16xi32>
      %add3A_1358 = arith.addi %mul3A_1355, %add3A_1357 : vector<16xi32>
      %broadcast_in_dim3A = arith.constant 0.000000e+00 : f32
      %broadcast_in_dim3A_1359 = vector.broadcast %broadcast_in_dim3A : f32 to vector<16xf32>
      %scan3A_1360 = arith.constant 0 : i32
      %scan3A_1361 = arith.constant 32 : i32
      %scan3A_1362 = arith.addi %scan3A_1360, %scan3A_1361 : i32
      %scan3A_1363 = arith.constant 8 : i32
      %scan3A_1364 = scf.for %scan3A_1372 = %scan3A_1360 to %scan3A_1362 step %scan3A_1363 iter_args(%scan3A_1373 = %broadcast_in_dim3A_1359) -> (vector<16xf32>)  : i32 {
        %add3A_1374 = vector.broadcast %scan3A_1372 : i32 to vector<16xi32>
        %add3A_1375 = arith.addi %add3A_1374, %iota3A : vector<16xi32>
        %and3A_1376 = arith.constant 31 : i32
        %and3A_1377 = vector.broadcast %and3A_1376 : i32 to vector<16xi32>
        %and3A_1378 = arith.andi %add3A_1375, %and3A_1377 : vector<16xi32>
        %add3A_1379 = arith.addi %mul3A_1332, %and3A_1378 : vector<16xi32>
        %gather3A = tpu.vector_load_idx %arg13[%add3A_1323, %add3A_1379] : memref<256x128xi32, #tpu.memory_space<vmem>>[vector<16xi32>, vector<16xi32>], vector<16xi32>,
        %add3A_1380 = arith.addi %add3A_1345, %and3A_1378 : vector<16xi32>
        %gather3A_1381 = tpu.vector_load_idx %arg14[%add3A_1323, %add3A_1380] : memref<256x128xi32, #tpu.memory_space<vmem>>[vector<16xi32>, vector<16xi32>], vector<16xi32>,
        %add3A_1382 = arith.addi %add3A_1358, %and3A_1378 : vector<16xi32>
        %gather3A_1383 = tpu.vector_load_idx %arg15[%add3A_1323, %add3A_1382] : memref<256x128xi32, #tpu.memory_space<vmem>>[vector<16xi32>, vector<16xi32>], vector<16xi32>,
        %shift_left3A = arith.constant 16 : i32
        %shift_left3A_1384 = vector.broadcast %shift_left3A : i32 to vector<16xi32>
        %shift_left3A_1385 = arith.shli %gather3A, %shift_left3A_1384 : vector<16xi32>
        %bitcast3A = vector.bitcast %shift_left3A_1385 : vector<16xi32> to vector<16xf32>
        %shift_left3A_1386 = arith.constant 16 : i32
        %shift_left3A_1387 = vector.broadcast %shift_left3A_1386 : i32 to vector<16xi32>
        %shift_left3A_1388 = arith.shli %gather3A_1381, %shift_left3A_1387 : vector<16xi32>
        %bitcast3A_1389 = vector.bitcast %shift_left3A_1388 : vector<16xi32> to vector<16xf32>
        %shift_left3A_1390 = arith.constant 16 : i32
        %shift_left3A_1391 = vector.broadcast %shift_left3A_1390 : i32 to vector<16xi32>
        %shift_left3A_1392 = arith.shli %gather3A_1383, %shift_left3A_1391 : vector<16xi32>
        %bitcast3A_1393 = vector.bitcast %shift_left3A_1392 : vector<16xi32> to vector<16xf32>
        %sub3A = arith.subf %bitcast3A_1389, %bitcast3A_1393 : vector<16xf32>
        %mul3A_1394 = arith.mulf %bitcast3A, %sub3A : vector<16xf32>
        %add3A_1395 = arith.addf %scan3A_1373, %mul3A_1394 : vector<16xf32>
        %and3A_1396 = arith.constant -65536 : i32
        %and3A_1397 = vector.broadcast %and3A_1396 : i32 to vector<16xi32>
        %and3A_1398 = arith.andi %gather3A, %and3A_1397 : vector<16xi32>
        %bitcast3A_1399 = vector.bitcast %and3A_1398 : vector<16xi32> to vector<16xf32>
        %and3A_1400 = arith.constant -65536 : i32
        %and3A_1401 = vector.broadcast %and3A_1400 : i32 to vector<16xi32>
        %and3A_1402 = arith.andi %gather3A_1381, %and3A_1401 : vector<16xi32>
        %bitcast3A_1403 = vector.bitcast %and3A_1402 : vector<16xi32> to vector<16xf32>
        %and3A_1404 = arith.constant -65536 : i32
        %and3A_1405 = vector.broadcast %and3A_1404 : i32 to vector<16xi32>
        %and3A_1406 = arith.andi %gather3A_1383, %and3A_1405 : vector<16xi32>
        %bitcast3A_1407 = vector.bitcast %and3A_1406 : vector<16xi32> to vector<16xf32>
        %sub3A_1408 = arith.subf %bitcast3A_1403, %bitcast3A_1407 : vector<16xf32>
        %mul3A_1409 = arith.mulf %bitcast3A_1399, %sub3A_1408 : vector<16xf32>
        %add3A_1410 = arith.addf %add3A_1395, %mul3A_1409 : vector<16xf32>
        %scan3A_1411 = arith.constant 1 : i32
        %scan3A_1412 = arith.addi %scan3A_1372, %scan3A_1411 : i32
        %add3A_1413 = vector.broadcast %scan3A_1412 : i32 to vector<16xi32>
        %add3A_1414 = arith.addi %add3A_1413, %iota3A : vector<16xi32>
        %and3A_1415 = arith.constant 31 : i32
        %and3A_1416 = vector.broadcast %and3A_1415 : i32 to vector<16xi32>
        %and3A_1417 = arith.andi %add3A_1414, %and3A_1416 : vector<16xi32>
        %add3A_1418 = arith.addi %mul3A_1332, %and3A_1417 : vector<16xi32>
        %gather3A_1419 = tpu.vector_load_idx %arg13[%add3A_1323, %add3A_1418] : memref<256x128xi32, #tpu.memory_space<vmem>>[vector<16xi32>, vector<16xi32>], vector<16xi32>,
        %add3A_1420 = arith.addi %add3A_1345, %and3A_1417 : vector<16xi32>
        %gather3A_1421 = tpu.vector_load_idx %arg14[%add3A_1323, %add3A_1420] : memref<256x128xi32, #tpu.memory_space<vmem>>[vector<16xi32>, vector<16xi32>], vector<16xi32>,
        %add3A_1422 = arith.addi %add3A_1358, %and3A_1417 : vector<16xi32>
        %gather3A_1423 = tpu.vector_load_idx %arg15[%add3A_1323, %add3A_1422] : memref<256x128xi32, #tpu.memory_space<vmem>>[vector<16xi32>, vector<16xi32>], vector<16xi32>,
        %shift_left3A_1424 = arith.constant 16 : i32
        %shift_left3A_1425 = vector.broadcast %shift_left3A_1424 : i32 to vector<16xi32>
        %shift_left3A_1426 = arith.shli %gather3A_1419, %shift_left3A_1425 : vector<16xi32>
        %bitcast3A_1427 = vector.bitcast %shift_left3A_1426 : vector<16xi32> to vector<16xf32>
        %shift_left3A_1428 = arith.constant 16 : i32
        %shift_left3A_1429 = vector.broadcast %shift_left3A_1428 : i32 to vector<16xi32>
        %shift_left3A_1430 = arith.shli %gather3A_1421, %shift_left3A_1429 : vector<16xi32>
        %bitcast3A_1431 = vector.bitcast %shift_left3A_1430 : vector<16xi32> to vector<16xf32>
        %shift_left3A_1432 = arith.constant 16 : i32
        %shift_left3A_1433 = vector.broadcast %shift_left3A_1432 : i32 to vector<16xi32>
        %shift_left3A_1434 = arith.shli %gather3A_1423, %shift_left3A_1433 : vector<16xi32>
        %bitcast3A_1435 = vector.bitcast %shift_left3A_1434 : vector<16xi32> to vector<16xf32>
        %sub3A_1436 = arith.subf %bitcast3A_1431, %bitcast3A_1435 : vector<16xf32>
        %mul3A_1437 = arith.mulf %bitcast3A_1427, %sub3A_1436 : vector<16xf32>
        %add3A_1438 = arith.addf %add3A_1410, %mul3A_1437 : vector<16xf32>
        %and3A_1439 = arith.constant -65536 : i32
        %and3A_1440 = vector.broadcast %and3A_1439 : i32 to vector<16xi32>
        %and3A_1441 = arith.andi %gather3A_1419, %and3A_1440 : vector<16xi32>
        %bitcast3A_1442 = vector.bitcast %and3A_1441 : vector<16xi32> to vector<16xf32>
        %and3A_1443 = arith.constant -65536 : i32
        %and3A_1444 = vector.broadcast %and3A_1443 : i32 to vector<16xi32>
        %and3A_1445 = arith.andi %gather3A_1421, %and3A_1444 : vector<16xi32>
        %bitcast3A_1446 = vector.bitcast %and3A_1445 : vector<16xi32> to vector<16xf32>
        %and3A_1447 = arith.constant -65536 : i32
        %and3A_1448 = vector.broadcast %and3A_1447 : i32 to vector<16xi32>
        %and3A_1449 = arith.andi %gather3A_1423, %and3A_1448 : vector<16xi32>
        %bitcast3A_1450 = vector.bitcast %and3A_1449 : vector<16xi32> to vector<16xf32>
        %sub3A_1451 = arith.subf %bitcast3A_1446, %bitcast3A_1450 : vector<16xf32>
        %mul3A_1452 = arith.mulf %bitcast3A_1442, %sub3A_1451 : vector<16xf32>
        %add3A_1453 = arith.addf %add3A_1438, %mul3A_1452 : vector<16xf32>
        %scan3A_1454 = arith.constant 2 : i32
        %scan3A_1455 = arith.addi %scan3A_1372, %scan3A_1454 : i32
        %add3A_1456 = vector.broadcast %scan3A_1455 : i32 to vector<16xi32>
        %add3A_1457 = arith.addi %add3A_1456, %iota3A : vector<16xi32>
        %and3A_1458 = arith.constant 31 : i32
        %and3A_1459 = vector.broadcast %and3A_1458 : i32 to vector<16xi32>
        %and3A_1460 = arith.andi %add3A_1457, %and3A_1459 : vector<16xi32>
        %add3A_1461 = arith.addi %mul3A_1332, %and3A_1460 : vector<16xi32>
        %gather3A_1462 = tpu.vector_load_idx %arg13[%add3A_1323, %add3A_1461] : memref<256x128xi32, #tpu.memory_space<vmem>>[vector<16xi32>, vector<16xi32>], vector<16xi32>,
        %add3A_1463 = arith.addi %add3A_1345, %and3A_1460 : vector<16xi32>
        %gather3A_1464 = tpu.vector_load_idx %arg14[%add3A_1323, %add3A_1463] : memref<256x128xi32, #tpu.memory_space<vmem>>[vector<16xi32>, vector<16xi32>], vector<16xi32>,
        %add3A_1465 = arith.addi %add3A_1358, %and3A_1460 : vector<16xi32>
        %gather3A_1466 = tpu.vector_load_idx %arg15[%add3A_1323, %add3A_1465] : memref<256x128xi32, #tpu.memory_space<vmem>>[vector<16xi32>, vector<16xi32>], vector<16xi32>,
        %shift_left3A_1467 = arith.constant 16 : i32
        %shift_left3A_1468 = vector.broadcast %shift_left3A_1467 : i32 to vector<16xi32>
        %shift_left3A_1469 = arith.shli %gather3A_1462, %shift_left3A_1468 : vector<16xi32>
        %bitcast3A_1470 = vector.bitcast %shift_left3A_1469 : vector<16xi32> to vector<16xf32>
        %shift_left3A_1471 = arith.constant 16 : i32
        %shift_left3A_1472 = vector.broadcast %shift_left3A_1471 : i32 to vector<16xi32>
        %shift_left3A_1473 = arith.shli %gather3A_1464, %shift_left3A_1472 : vector<16xi32>
        %bitcast3A_1474 = vector.bitcast %shift_left3A_1473 : vector<16xi32> to vector<16xf32>
        %shift_left3A_1475 = arith.constant 16 : i32
        %shift_left3A_1476 = vector.broadcast %shift_left3A_1475 : i32 to vector<16xi32>
        %shift_left3A_1477 = arith.shli %gather3A_1466, %shift_left3A_1476 : vector<16xi32>
        %bitcast3A_1478 = vector.bitcast %shift_left3A_1477 : vector<16xi32> to vector<16xf32>
        %sub3A_1479 = arith.subf %bitcast3A_1474, %bitcast3A_1478 : vector<16xf32>
        %mul3A_1480 = arith.mulf %bitcast3A_1470, %sub3A_1479 : vector<16xf32>
        %add3A_1481 = arith.addf %add3A_1453, %mul3A_1480 : vector<16xf32>
        %and3A_1482 = arith.constant -65536 : i32
        %and3A_1483 = vector.broadcast %and3A_1482 : i32 to vector<16xi32>
        %and3A_1484 = arith.andi %gather3A_1462, %and3A_1483 : vector<16xi32>
        %bitcast3A_1485 = vector.bitcast %and3A_1484 : vector<16xi32> to vector<16xf32>
        %and3A_1486 = arith.constant -65536 : i32
        %and3A_1487 = vector.broadcast %and3A_1486 : i32 to vector<16xi32>
        %and3A_1488 = arith.andi %gather3A_1464, %and3A_1487 : vector<16xi32>
        %bitcast3A_1489 = vector.bitcast %and3A_1488 : vector<16xi32> to vector<16xf32>
        %and3A_1490 = arith.constant -65536 : i32
        %and3A_1491 = vector.broadcast %and3A_1490 : i32 to vector<16xi32>
        %and3A_1492 = arith.andi %gather3A_1466, %and3A_1491 : vector<16xi32>
        %bitcast3A_1493 = vector.bitcast %and3A_1492 : vector<16xi32> to vector<16xf32>
        %sub3A_1494 = arith.subf %bitcast3A_1489, %bitcast3A_1493 : vector<16xf32>
        %mul3A_1495 = arith.mulf %bitcast3A_1485, %sub3A_1494 : vector<16xf32>
        %add3A_1496 = arith.addf %add3A_1481, %mul3A_1495 : vector<16xf32>
        %scan3A_1497 = arith.constant 3 : i32
        %scan3A_1498 = arith.addi %scan3A_1372, %scan3A_1497 : i32
        %add3A_1499 = vector.broadcast %scan3A_1498 : i32 to vector<16xi32>
        %add3A_1500 = arith.addi %add3A_1499, %iota3A : vector<16xi32>
        %and3A_1501 = arith.constant 31 : i32
        %and3A_1502 = vector.broadcast %and3A_1501 : i32 to vector<16xi32>
        %and3A_1503 = arith.andi %add3A_1500, %and3A_1502 : vector<16xi32>
        %add3A_1504 = arith.addi %mul3A_1332, %and3A_1503 : vector<16xi32>
        %gather3A_1505 = tpu.vector_load_idx %arg13[%add3A_1323, %add3A_1504] : memref<256x128xi32, #tpu.memory_space<vmem>>[vector<16xi32>, vector<16xi32>], vector<16xi32>,
        %add3A_1506 = arith.addi %add3A_1345, %and3A_1503 : vector<16xi32>
        %gather3A_1507 = tpu.vector_load_idx %arg14[%add3A_1323, %add3A_1506] : memref<256x128xi32, #tpu.memory_space<vmem>>[vector<16xi32>, vector<16xi32>], vector<16xi32>,
        %add3A_1508 = arith.addi %add3A_1358, %and3A_1503 : vector<16xi32>
        %gather3A_1509 = tpu.vector_load_idx %arg15[%add3A_1323, %add3A_1508] : memref<256x128xi32, #tpu.memory_space<vmem>>[vector<16xi32>, vector<16xi32>], vector<16xi32>,
        %shift_left3A_1510 = arith.constant 16 : i32
        %shift_left3A_1511 = vector.broadcast %shift_left3A_1510 : i32 to vector<16xi32>
        %shift_left3A_1512 = arith.shli %gather3A_1505, %shift_left3A_1511 : vector<16xi32>
        %bitcast3A_1513 = vector.bitcast %shift_left3A_1512 : vector<16xi32> to vector<16xf32>
        %shift_left3A_1514 = arith.constant 16 : i32
        %shift_left3A_1515 = vector.broadcast %shift_left3A_1514 : i32 to vector<16xi32>
        %shift_left3A_1516 = arith.shli %gather3A_1507, %shift_left3A_1515 : vector<16xi32>
        %bitcast3A_1517 = vector.bitcast %shift_left3A_1516 : vector<16xi32> to vector<16xf32>
        %shift_left3A_1518 = arith.constant 16 : i32
        %shift_left3A_1519 = vector.broadcast %shift_left3A_1518 : i32 to vector<16xi32>
        %shift_left3A_1520 = arith.shli %gather3A_1509, %shift_left3A_1519 : vector<16xi32>
        %bitcast3A_1521 = vector.bitcast %shift_left3A_1520 : vector<16xi32> to vector<16xf32>
        %sub3A_1522 = arith.subf %bitcast3A_1517, %bitcast3A_1521 : vector<16xf32>
        %mul3A_1523 = arith.mulf %bitcast3A_1513, %sub3A_1522 : vector<16xf32>
        %add3A_1524 = arith.addf %add3A_1496, %mul3A_1523 : vector<16xf32>
        %and3A_1525 = arith.constant -65536 : i32
        %and3A_1526 = vector.broadcast %and3A_1525 : i32 to vector<16xi32>
        %and3A_1527 = arith.andi %gather3A_1505, %and3A_1526 : vector<16xi32>
        %bitcast3A_1528 = vector.bitcast %and3A_1527 : vector<16xi32> to vector<16xf32>
        %and3A_1529 = arith.constant -65536 : i32
        %and3A_1530 = vector.broadcast %and3A_1529 : i32 to vector<16xi32>
        %and3A_1531 = arith.andi %gather3A_1507, %and3A_1530 : vector<16xi32>
        %bitcast3A_1532 = vector.bitcast %and3A_1531 : vector<16xi32> to vector<16xf32>
        %and3A_1533 = arith.constant -65536 : i32
        %and3A_1534 = vector.broadcast %and3A_1533 : i32 to vector<16xi32>
        %and3A_1535 = arith.andi %gather3A_1509, %and3A_1534 : vector<16xi32>
        %bitcast3A_1536 = vector.bitcast %and3A_1535 : vector<16xi32> to vector<16xf32>
        %sub3A_1537 = arith.subf %bitcast3A_1532, %bitcast3A_1536 : vector<16xf32>
        %mul3A_1538 = arith.mulf %bitcast3A_1528, %sub3A_1537 : vector<16xf32>
        %add3A_1539 = arith.addf %add3A_1524, %mul3A_1538 : vector<16xf32>
        %scan3A_1540 = arith.constant 4 : i32
        %scan3A_1541 = arith.addi %scan3A_1372, %scan3A_1540 : i32
        %add3A_1542 = vector.broadcast %scan3A_1541 : i32 to vector<16xi32>
        %add3A_1543 = arith.addi %add3A_1542, %iota3A : vector<16xi32>
        %and3A_1544 = arith.constant 31 : i32
        %and3A_1545 = vector.broadcast %and3A_1544 : i32 to vector<16xi32>
        %and3A_1546 = arith.andi %add3A_1543, %and3A_1545 : vector<16xi32>
        %add3A_1547 = arith.addi %mul3A_1332, %and3A_1546 : vector<16xi32>
        %gather3A_1548 = tpu.vector_load_idx %arg13[%add3A_1323, %add3A_1547] : memref<256x128xi32, #tpu.memory_space<vmem>>[vector<16xi32>, vector<16xi32>], vector<16xi32>,
        %add3A_1549 = arith.addi %add3A_1345, %and3A_1546 : vector<16xi32>
        %gather3A_1550 = tpu.vector_load_idx %arg14[%add3A_1323, %add3A_1549] : memref<256x128xi32, #tpu.memory_space<vmem>>[vector<16xi32>, vector<16xi32>], vector<16xi32>,
        %add3A_1551 = arith.addi %add3A_1358, %and3A_1546 : vector<16xi32>
        %gather3A_1552 = tpu.vector_load_idx %arg15[%add3A_1323, %add3A_1551] : memref<256x128xi32, #tpu.memory_space<vmem>>[vector<16xi32>, vector<16xi32>], vector<16xi32>,
        %shift_left3A_1553 = arith.constant 16 : i32
        %shift_left3A_1554 = vector.broadcast %shift_left3A_1553 : i32 to vector<16xi32>
        %shift_left3A_1555 = arith.shli %gather3A_1548, %shift_left3A_1554 : vector<16xi32>
        %bitcast3A_1556 = vector.bitcast %shift_left3A_1555 : vector<16xi32> to vector<16xf32>
        %shift_left3A_1557 = arith.constant 16 : i32
        %shift_left3A_1558 = vector.broadcast %shift_left3A_1557 : i32 to vector<16xi32>
        %shift_left3A_1559 = arith.shli %gather3A_1550, %shift_left3A_1558 : vector<16xi32>
        %bitcast3A_1560 = vector.bitcast %shift_left3A_1559 : vector<16xi32> to vector<16xf32>
        %shift_left3A_1561 = arith.constant 16 : i32
        %shift_left3A_1562 = vector.broadcast %shift_left3A_1561 : i32 to vector<16xi32>
        %shift_left3A_1563 = arith.shli %gather3A_1552, %shift_left3A_1562 : vector<16xi32>
        %bitcast3A_1564 = vector.bitcast %shift_left3A_1563 : vector<16xi32> to vector<16xf32>
        %sub3A_1565 = arith.subf %bitcast3A_1560, %bitcast3A_1564 : vector<16xf32>
        %mul3A_1566 = arith.mulf %bitcast3A_1556, %sub3A_1565 : vector<16xf32>
        %add3A_1567 = arith.addf %add3A_1539, %mul3A_1566 : vector<16xf32>
        %and3A_1568 = arith.constant -65536 : i32
        %and3A_1569 = vector.broadcast %and3A_1568 : i32 to vector<16xi32>
        %and3A_1570 = arith.andi %gather3A_1548, %and3A_1569 : vector<16xi32>
        %bitcast3A_1571 = vector.bitcast %and3A_1570 : vector<16xi32> to vector<16xf32>
        %and3A_1572 = arith.constant -65536 : i32
        %and3A_1573 = vector.broadcast %and3A_1572 : i32 to vector<16xi32>
        %and3A_1574 = arith.andi %gather3A_1550, %and3A_1573 : vector<16xi32>
        %bitcast3A_1575 = vector.bitcast %and3A_1574 : vector<16xi32> to vector<16xf32>
        %and3A_1576 = arith.constant -65536 : i32
        %and3A_1577 = vector.broadcast %and3A_1576 : i32 to vector<16xi32>
        %and3A_1578 = arith.andi %gather3A_1552, %and3A_1577 : vector<16xi32>
        %bitcast3A_1579 = vector.bitcast %and3A_1578 : vector<16xi32> to vector<16xf32>
        %sub3A_1580 = arith.subf %bitcast3A_1575, %bitcast3A_1579 : vector<16xf32>
        %mul3A_1581 = arith.mulf %bitcast3A_1571, %sub3A_1580 : vector<16xf32>
        %add3A_1582 = arith.addf %add3A_1567, %mul3A_1581 : vector<16xf32>
        %scan3A_1583 = arith.constant 5 : i32
        %scan3A_1584 = arith.addi %scan3A_1372, %scan3A_1583 : i32
        %add3A_1585 = vector.broadcast %scan3A_1584 : i32 to vector<16xi32>
        %add3A_1586 = arith.addi %add3A_1585, %iota3A : vector<16xi32>
        %and3A_1587 = arith.constant 31 : i32
        %and3A_1588 = vector.broadcast %and3A_1587 : i32 to vector<16xi32>
        %and3A_1589 = arith.andi %add3A_1586, %and3A_1588 : vector<16xi32>
        %add3A_1590 = arith.addi %mul3A_1332, %and3A_1589 : vector<16xi32>
        %gather3A_1591 = tpu.vector_load_idx %arg13[%add3A_1323, %add3A_1590] : memref<256x128xi32, #tpu.memory_space<vmem>>[vector<16xi32>, vector<16xi32>], vector<16xi32>,
        %add3A_1592 = arith.addi %add3A_1345, %and3A_1589 : vector<16xi32>
        %gather3A_1593 = tpu.vector_load_idx %arg14[%add3A_1323, %add3A_1592] : memref<256x128xi32, #tpu.memory_space<vmem>>[vector<16xi32>, vector<16xi32>], vector<16xi32>,
        %add3A_1594 = arith.addi %add3A_1358, %and3A_1589 : vector<16xi32>
        %gather3A_1595 = tpu.vector_load_idx %arg15[%add3A_1323, %add3A_1594] : memref<256x128xi32, #tpu.memory_space<vmem>>[vector<16xi32>, vector<16xi32>], vector<16xi32>,
        %shift_left3A_1596 = arith.constant 16 : i32
        %shift_left3A_1597 = vector.broadcast %shift_left3A_1596 : i32 to vector<16xi32>
        %shift_left3A_1598 = arith.shli %gather3A_1591, %shift_left3A_1597 : vector<16xi32>
        %bitcast3A_1599 = vector.bitcast %shift_left3A_1598 : vector<16xi32> to vector<16xf32>
        %shift_left3A_1600 = arith.constant 16 : i32
        %shift_left3A_1601 = vector.broadcast %shift_left3A_1600 : i32 to vector<16xi32>
        %shift_left3A_1602 = arith.shli %gather3A_1593, %shift_left3A_1601 : vector<16xi32>
        %bitcast3A_1603 = vector.bitcast %shift_left3A_1602 : vector<16xi32> to vector<16xf32>
        %shift_left3A_1604 = arith.constant 16 : i32
        %shift_left3A_1605 = vector.broadcast %shift_left3A_1604 : i32 to vector<16xi32>
        %shift_left3A_1606 = arith.shli %gather3A_1595, %shift_left3A_1605 : vector<16xi32>
        %bitcast3A_1607 = vector.bitcast %shift_left3A_1606 : vector<16xi32> to vector<16xf32>
        %sub3A_1608 = arith.subf %bitcast3A_1603, %bitcast3A_1607 : vector<16xf32>
        %mul3A_1609 = arith.mulf %bitcast3A_1599, %sub3A_1608 : vector<16xf32>
        %add3A_1610 = arith.addf %add3A_1582, %mul3A_1609 : vector<16xf32>
        %and3A_1611 = arith.constant -65536 : i32
        %and3A_1612 = vector.broadcast %and3A_1611 : i32 to vector<16xi32>
        %and3A_1613 = arith.andi %gather3A_1591, %and3A_1612 : vector<16xi32>
        %bitcast3A_1614 = vector.bitcast %and3A_1613 : vector<16xi32> to vector<16xf32>
        %and3A_1615 = arith.constant -65536 : i32
        %and3A_1616 = vector.broadcast %and3A_1615 : i32 to vector<16xi32>
        %and3A_1617 = arith.andi %gather3A_1593, %and3A_1616 : vector<16xi32>
        %bitcast3A_1618 = vector.bitcast %and3A_1617 : vector<16xi32> to vector<16xf32>
        %and3A_1619 = arith.constant -65536 : i32
        %and3A_1620 = vector.broadcast %and3A_1619 : i32 to vector<16xi32>
        %and3A_1621 = arith.andi %gather3A_1595, %and3A_1620 : vector<16xi32>
        %bitcast3A_1622 = vector.bitcast %and3A_1621 : vector<16xi32> to vector<16xf32>
        %sub3A_1623 = arith.subf %bitcast3A_1618, %bitcast3A_1622 : vector<16xf32>
        %mul3A_1624 = arith.mulf %bitcast3A_1614, %sub3A_1623 : vector<16xf32>
        %add3A_1625 = arith.addf %add3A_1610, %mul3A_1624 : vector<16xf32>
        %scan3A_1626 = arith.constant 6 : i32
        %scan3A_1627 = arith.addi %scan3A_1372, %scan3A_1626 : i32
        %add3A_1628 = vector.broadcast %scan3A_1627 : i32 to vector<16xi32>
        %add3A_1629 = arith.addi %add3A_1628, %iota3A : vector<16xi32>
        %and3A_1630 = arith.constant 31 : i32
        %and3A_1631 = vector.broadcast %and3A_1630 : i32 to vector<16xi32>
        %and3A_1632 = arith.andi %add3A_1629, %and3A_1631 : vector<16xi32>
        %add3A_1633 = arith.addi %mul3A_1332, %and3A_1632 : vector<16xi32>
        %gather3A_1634 = tpu.vector_load_idx %arg13[%add3A_1323, %add3A_1633] : memref<256x128xi32, #tpu.memory_space<vmem>>[vector<16xi32>, vector<16xi32>], vector<16xi32>,
        %add3A_1635 = arith.addi %add3A_1345, %and3A_1632 : vector<16xi32>
        %gather3A_1636 = tpu.vector_load_idx %arg14[%add3A_1323, %add3A_1635] : memref<256x128xi32, #tpu.memory_space<vmem>>[vector<16xi32>, vector<16xi32>], vector<16xi32>,
        %add3A_1637 = arith.addi %add3A_1358, %and3A_1632 : vector<16xi32>
        %gather3A_1638 = tpu.vector_load_idx %arg15[%add3A_1323, %add3A_1637] : memref<256x128xi32, #tpu.memory_space<vmem>>[vector<16xi32>, vector<16xi32>], vector<16xi32>,
        %shift_left3A_1639 = arith.constant 16 : i32
        %shift_left3A_1640 = vector.broadcast %shift_left3A_1639 : i32 to vector<16xi32>
        %shift_left3A_1641 = arith.shli %gather3A_1634, %shift_left3A_1640 : vector<16xi32>
        %bitcast3A_1642 = vector.bitcast %shift_left3A_1641 : vector<16xi32> to vector<16xf32>
        %shift_left3A_1643 = arith.constant 16 : i32
        %shift_left3A_1644 = vector.broadcast %shift_left3A_1643 : i32 to vector<16xi32>
        %shift_left3A_1645 = arith.shli %gather3A_1636, %shift_left3A_1644 : vector<16xi32>
        %bitcast3A_1646 = vector.bitcast %shift_left3A_1645 : vector<16xi32> to vector<16xf32>
        %shift_left3A_1647 = arith.constant 16 : i32
        %shift_left3A_1648 = vector.broadcast %shift_left3A_1647 : i32 to vector<16xi32>
        %shift_left3A_1649 = arith.shli %gather3A_1638, %shift_left3A_1648 : vector<16xi32>
        %bitcast3A_1650 = vector.bitcast %shift_left3A_1649 : vector<16xi32> to vector<16xf32>
        %sub3A_1651 = arith.subf %bitcast3A_1646, %bitcast3A_1650 : vector<16xf32>
        %mul3A_1652 = arith.mulf %bitcast3A_1642, %sub3A_1651 : vector<16xf32>
        %add3A_1653 = arith.addf %add3A_1625, %mul3A_1652 : vector<16xf32>
        %and3A_1654 = arith.constant -65536 : i32
        %and3A_1655 = vector.broadcast %and3A_1654 : i32 to vector<16xi32>
        %and3A_1656 = arith.andi %gather3A_1634, %and3A_1655 : vector<16xi32>
        %bitcast3A_1657 = vector.bitcast %and3A_1656 : vector<16xi32> to vector<16xf32>
        %and3A_1658 = arith.constant -65536 : i32
        %and3A_1659 = vector.broadcast %and3A_1658 : i32 to vector<16xi32>
        %and3A_1660 = arith.andi %gather3A_1636, %and3A_1659 : vector<16xi32>
        %bitcast3A_1661 = vector.bitcast %and3A_1660 : vector<16xi32> to vector<16xf32>
        %and3A_1662 = arith.constant -65536 : i32
        %and3A_1663 = vector.broadcast %and3A_1662 : i32 to vector<16xi32>
        %and3A_1664 = arith.andi %gather3A_1638, %and3A_1663 : vector<16xi32>
        %bitcast3A_1665 = vector.bitcast %and3A_1664 : vector<16xi32> to vector<16xf32>
        %sub3A_1666 = arith.subf %bitcast3A_1661, %bitcast3A_1665 : vector<16xf32>
        %mul3A_1667 = arith.mulf %bitcast3A_1657, %sub3A_1666 : vector<16xf32>
        %add3A_1668 = arith.addf %add3A_1653, %mul3A_1667 : vector<16xf32>
        %scan3A_1669 = arith.constant 7 : i32
        %scan3A_1670 = arith.addi %scan3A_1372, %scan3A_1669 : i32
        %add3A_1671 = vector.broadcast %scan3A_1670 : i32 to vector<16xi32>
        %add3A_1672 = arith.addi %add3A_1671, %iota3A : vector<16xi32>
        %and3A_1673 = arith.constant 31 : i32
        %and3A_1674 = vector.broadcast %and3A_1673 : i32 to vector<16xi32>
        %and3A_1675 = arith.andi %add3A_1672, %and3A_1674 : vector<16xi32>
        %add3A_1676 = arith.addi %mul3A_1332, %and3A_1675 : vector<16xi32>
        %gather3A_1677 = tpu.vector_load_idx %arg13[%add3A_1323, %add3A_1676] : memref<256x128xi32, #tpu.memory_space<vmem>>[vector<16xi32>, vector<16xi32>], vector<16xi32>,
        %add3A_1678 = arith.addi %add3A_1345, %and3A_1675 : vector<16xi32>
        %gather3A_1679 = tpu.vector_load_idx %arg14[%add3A_1323, %add3A_1678] : memref<256x128xi32, #tpu.memory_space<vmem>>[vector<16xi32>, vector<16xi32>], vector<16xi32>,
        %add3A_1680 = arith.addi %add3A_1358, %and3A_1675 : vector<16xi32>
        %gather3A_1681 = tpu.vector_load_idx %arg15[%add3A_1323, %add3A_1680] : memref<256x128xi32, #tpu.memory_space<vmem>>[vector<16xi32>, vector<16xi32>], vector<16xi32>,
        %shift_left3A_1682 = arith.constant 16 : i32
        %shift_left3A_1683 = vector.broadcast %shift_left3A_1682 : i32 to vector<16xi32>
        %shift_left3A_1684 = arith.shli %gather3A_1677, %shift_left3A_1683 : vector<16xi32>
        %bitcast3A_1685 = vector.bitcast %shift_left3A_1684 : vector<16xi32> to vector<16xf32>
        %shift_left3A_1686 = arith.constant 16 : i32
        %shift_left3A_1687 = vector.broadcast %shift_left3A_1686 : i32 to vector<16xi32>
        %shift_left3A_1688 = arith.shli %gather3A_1679, %shift_left3A_1687 : vector<16xi32>
        %bitcast3A_1689 = vector.bitcast %shift_left3A_1688 : vector<16xi32> to vector<16xf32>
        %shift_left3A_1690 = arith.constant 16 : i32
        %shift_left3A_1691 = vector.broadcast %shift_left3A_1690 : i32 to vector<16xi32>
        %shift_left3A_1692 = arith.shli %gather3A_1681, %shift_left3A_1691 : vector<16xi32>
        %bitcast3A_1693 = vector.bitcast %shift_left3A_1692 : vector<16xi32> to vector<16xf32>
        %sub3A_1694 = arith.subf %bitcast3A_1689, %bitcast3A_1693 : vector<16xf32>
        %mul3A_1695 = arith.mulf %bitcast3A_1685, %sub3A_1694 : vector<16xf32>
        %add3A_1696 = arith.addf %add3A_1668, %mul3A_1695 : vector<16xf32>
        %and3A_1697 = arith.constant -65536 : i32
        %and3A_1698 = vector.broadcast %and3A_1697 : i32 to vector<16xi32>
        %and3A_1699 = arith.andi %gather3A_1677, %and3A_1698 : vector<16xi32>
        %bitcast3A_1700 = vector.bitcast %and3A_1699 : vector<16xi32> to vector<16xf32>
        %and3A_1701 = arith.constant -65536 : i32
        %and3A_1702 = vector.broadcast %and3A_1701 : i32 to vector<16xi32>
        %and3A_1703 = arith.andi %gather3A_1679, %and3A_1702 : vector<16xi32>
        %bitcast3A_1704 = vector.bitcast %and3A_1703 : vector<16xi32> to vector<16xf32>
        %and3A_1705 = arith.constant -65536 : i32
        %and3A_1706 = vector.broadcast %and3A_1705 : i32 to vector<16xi32>
        %and3A_1707 = arith.andi %gather3A_1681, %and3A_1706 : vector<16xi32>
        %bitcast3A_1708 = vector.bitcast %and3A_1707 : vector<16xi32> to vector<16xf32>
        %sub3A_1709 = arith.subf %bitcast3A_1704, %bitcast3A_1708 : vector<16xf32>
        %mul3A_1710 = arith.mulf %bitcast3A_1700, %sub3A_1709 : vector<16xf32>
        %add3A_1711 = arith.addf %add3A_1696, %mul3A_1710 : vector<16xf32>
        scf.yield %add3A_1711 : vector<16xf32>
      }
      %scan3A_1365 = arith.constant 32 : i32
      %mul3A_1366 = arith.constant 16 : i32
      %mul3A_1367 = arith.muli %scan3A_1315, %mul3A_1366 : i32
      %add3A_1368 = arith.constant 0 : i32
      %add3A_1369 = arith.addi %add3A_1368, %mul3A_1367 : i32
      %swap3A_1370 = arith.index_cast %add3A_1369 : i32 to index
      %swap3A_1371 = tpu.vector_load %arg16[%swap3A_1370] {strides = array<i32>} : memref<512xf32, #tpu.memory_space<vmem>>, vector<16xf32>,
      tpu.vector_store %arg16[%swap3A_1370], %scan3A_1364 {strides = array<i32>} : memref<512xf32, #tpu.memory_space<vmem>>, vector<16xf32>,
    }
    %scan3A_1149 = arith.constant 8 : i32
    %dma_start3A_1150 = arith.constant 2 : i32
    %dma_start3A_1151 = arith.constant 0 : i32
    %dma_start3A_1152 = arith.constant 0 : i32
    %dma_start3A_1153 = tpu.memref_slice %arg13[%dma_start3A_1151, %dma_start3A_1152] : memref<256x128xi32, #tpu.memory_space<vmem>> -> memref<128x128xi32, #tpu.memory_space<vmem>>
    %dma_start3A_1154 = arith.constant 0 : i32
    %dma_start3A_1155 = tpu.memref_slice %arg10[%dma_start3A_1150, %dma_start3A_1154] : memref<4x128xi32, #tpu.memory_space<vmem>> -> memref<1x128xi32, #tpu.memory_space<vmem>>
    %dma_start3A_1156 = tpu.memref_squeeze %dma_start3A_1155 : memref<1x128xi32, #tpu.memory_space<vmem>> -> memref<128xi32, #tpu.memory_space<vmem>>
    %dma_start3A_1157 = arith.constant 0 : i32
    %dma_start3A_1158 = arith.constant 0 : i32
    %dma_start3A_1159 = tpu.memref_slice %arg5[%dma_start3A_1157, %dma_start3A_1158] : memref<500000x128xi32, #tpu.memory_space<hbm>> -> memref<500000x128xi32, #tpu.memory_space<hbm>>
    tpu.enqueue_indirect_dma source(%dma_start3A_1159 : memref<500000x128xi32, #tpu.memory_space<hbm>>) target(%dma_start3A_1153 : memref<128x128xi32, #tpu.memory_space<vmem>>) offsets(%dma_start3A_1156 : memref<128xi32, #tpu.memory_space<vmem>>) semaphore(%arg17 : memref<!tpu.dma_semaphore, #tpu.memory_space<semaphore_mem>>)
    %dma_start3A_1160 = arith.constant 2 : i32
    %dma_start3A_1161 = arith.constant 0 : i32
    %dma_start3A_1162 = arith.constant 0 : i32
    %dma_start3A_1163 = tpu.memref_slice %arg14[%dma_start3A_1161, %dma_start3A_1162] : memref<256x128xi32, #tpu.memory_space<vmem>> -> memref<128x128xi32, #tpu.memory_space<vmem>>
    %dma_start3A_1164 = arith.constant 0 : i32
    %dma_start3A_1165 = tpu.memref_slice %arg11[%dma_start3A_1160, %dma_start3A_1164] : memref<4x128xi32, #tpu.memory_space<vmem>> -> memref<1x128xi32, #tpu.memory_space<vmem>>
    %dma_start3A_1166 = tpu.memref_squeeze %dma_start3A_1165 : memref<1x128xi32, #tpu.memory_space<vmem>> -> memref<128xi32, #tpu.memory_space<vmem>>
    %dma_start3A_1167 = arith.constant 0 : i32
    %dma_start3A_1168 = arith.constant 0 : i32
    %dma_start3A_1169 = tpu.memref_slice %arg5[%dma_start3A_1167, %dma_start3A_1168] : memref<500000x128xi32, #tpu.memory_space<hbm>> -> memref<500000x128xi32, #tpu.memory_space<hbm>>
    tpu.enqueue_indirect_dma source(%dma_start3A_1169 : memref<500000x128xi32, #tpu.memory_space<hbm>>) target(%dma_start3A_1163 : memref<128x128xi32, #tpu.memory_space<vmem>>) offsets(%dma_start3A_1166 : memref<128xi32, #tpu.memory_space<vmem>>) semaphore(%arg17 : memref<!tpu.dma_semaphore, #tpu.memory_space<semaphore_mem>>)
    %dma_start3A_1170 = arith.constant 2 : i32
    %dma_start3A_1171 = arith.constant 0 : i32
    %dma_start3A_1172 = arith.constant 0 : i32
    %dma_start3A_1173 = tpu.memref_slice %arg15[%dma_start3A_1171, %dma_start3A_1172] : memref<256x128xi32, #tpu.memory_space<vmem>> -> memref<128x128xi32, #tpu.memory_space<vmem>>
    %dma_start3A_1174 = arith.constant 0 : i32
    %dma_start3A_1175 = tpu.memref_slice %arg12[%dma_start3A_1170, %dma_start3A_1174] : memref<4x128xi32, #tpu.memory_space<vmem>> -> memref<1x128xi32, #tpu.memory_space<vmem>>
    %dma_start3A_1176 = tpu.memref_squeeze %dma_start3A_1175 : memref<1x128xi32, #tpu.memory_space<vmem>> -> memref<128xi32, #tpu.memory_space<vmem>>
    %dma_start3A_1177 = arith.constant 0 : i32
    %dma_start3A_1178 = arith.constant 0 : i32
    %dma_start3A_1179 = tpu.memref_slice %arg5[%dma_start3A_1177, %dma_start3A_1178] : memref<500000x128xi32, #tpu.memory_space<hbm>> -> memref<500000x128xi32, #tpu.memory_space<hbm>>
    tpu.enqueue_indirect_dma source(%dma_start3A_1179 : memref<500000x128xi32, #tpu.memory_space<hbm>>) target(%dma_start3A_1173 : memref<128x128xi32, #tpu.memory_space<vmem>>) offsets(%dma_start3A_1176 : memref<128xi32, #tpu.memory_space<vmem>>) semaphore(%arg17 : memref<!tpu.dma_semaphore, #tpu.memory_space<semaphore_mem>>)
    %dma_wait3A_1180 = arith.constant 1 : i32
    %dma_wait3A_1181 = arith.constant 128 : i32
    %dma_wait3A_1182 = arith.constant 0 : i32
    %dma_wait3A_1183 = tpu.memref_slice %arg13[%dma_wait3A_1181, %dma_wait3A_1182] : memref<256x128xi32, #tpu.memory_space<vmem>> -> memref<128x128xi32, #tpu.memory_space<vmem>>
    %dma_wait3A_1184 = arith.constant 0 : i32
    %dma_wait3A_1185 = tpu.memref_slice %arg10[%dma_wait3A_1180, %dma_wait3A_1184] : memref<4x128xi32, #tpu.memory_space<vmem>> -> memref<1x128xi32, #tpu.memory_space<vmem>>
    %dma_wait3A_1186 = tpu.memref_squeeze %dma_wait3A_1185 : memref<1x128xi32, #tpu.memory_space<vmem>> -> memref<128xi32, #tpu.memory_space<vmem>>
    %dma_wait3A_1187 = arith.constant 0 : i32
    %dma_wait3A_1188 = arith.constant 0 : i32
    %dma_wait3A_1189 = tpu.memref_slice %arg5[%dma_wait3A_1187, %dma_wait3A_1188] : memref<500000x128xi32, #tpu.memory_space<hbm>> -> memref<500000x128xi32, #tpu.memory_space<hbm>>
    tpu.wait_indirect_dma semaphore(%arg17 : memref<!tpu.dma_semaphore, #tpu.memory_space<semaphore_mem>>) src(%dma_wait3A_1189 : memref<500000x128xi32, #tpu.memory_space<hbm>>) dst(%dma_wait3A_1183 : memref<128x128xi32, #tpu.memory_space<vmem>>)
    %dma_wait3A_1190 = arith.constant 1 : i32
    %dma_wait3A_1191 = arith.constant 128 : i32
    %dma_wait3A_1192 = arith.constant 0 : i32
    %dma_wait3A_1193 = tpu.memref_slice %arg14[%dma_wait3A_1191, %dma_wait3A_1192] : memref<256x128xi32, #tpu.memory_space<vmem>> -> memref<128x128xi32, #tpu.memory_space<vmem>>
    %dma_wait3A_1194 = arith.constant 0 : i32
    %dma_wait3A_1195 = tpu.memref_slice %arg11[%dma_wait3A_1190, %dma_wait3A_1194] : memref<4x128xi32, #tpu.memory_space<vmem>> -> memref<1x128xi32, #tpu.memory_space<vmem>>
    %dma_wait3A_1196 = tpu.memref_squeeze %dma_wait3A_1195 : memref<1x128xi32, #tpu.memory_space<vmem>> -> memref<128xi32, #tpu.memory_space<vmem>>
    %dma_wait3A_1197 = arith.constant 0 : i32
    %dma_wait3A_1198 = arith.constant 0 : i32
    %dma_wait3A_1199 = tpu.memref_slice %arg5[%dma_wait3A_1197, %dma_wait3A_1198] : memref<500000x128xi32, #tpu.memory_space<hbm>> -> memref<500000x128xi32, #tpu.memory_space<hbm>>
    tpu.wait_indirect_dma semaphore(%arg17 : memref<!tpu.dma_semaphore, #tpu.memory_space<semaphore_mem>>) src(%dma_wait3A_1199 : memref<500000x128xi32, #tpu.memory_space<hbm>>) dst(%dma_wait3A_1193 : memref<128x128xi32, #tpu.memory_space<vmem>>)
    %dma_wait3A_1200 = arith.constant 1 : i32
    %dma_wait3A_1201 = arith.constant 128 : i32
    %dma_wait3A_1202 = arith.constant 0 : i32
    %dma_wait3A_1203 = tpu.memref_slice %arg15[%dma_wait3A_1201, %dma_wait3A_1202] : memref<256x128xi32, #tpu.memory_space<vmem>> -> memref<128x128xi32, #tpu.memory_space<vmem>>
    %dma_wait3A_1204 = arith.constant 0 : i32
    %dma_wait3A_1205 = tpu.memref_slice %arg12[%dma_wait3A_1200, %dma_wait3A_1204] : memref<4x128xi32, #tpu.memory_space<vmem>> -> memref<1x128xi32, #tpu.memory_space<vmem>>
    %dma_wait3A_1206 = tpu.memref_squeeze %dma_wait3A_1205 : memref<1x128xi32, #tpu.memory_space<vmem>> -> memref<128xi32, #tpu.memory_space<vmem>>
    %dma_wait3A_1207 = arith.constant 0 : i32
    %dma_wait3A_1208 = arith.constant 0 : i32
    %dma_wait3A_1209 = tpu.memref_slice %arg5[%dma_wait3A_1207, %dma_wait3A_1208] : memref<500000x128xi32, #tpu.memory_space<hbm>> -> memref<500000x128xi32, #tpu.memory_space<hbm>>
    tpu.wait_indirect_dma semaphore(%arg17 : memref<!tpu.dma_semaphore, #tpu.memory_space<semaphore_mem>>) src(%dma_wait3A_1209 : memref<500000x128xi32, #tpu.memory_space<hbm>>) dst(%dma_wait3A_1203 : memref<128x128xi32, #tpu.memory_space<vmem>>)
    %scan3A_1210 = arith.constant 0 : i32
    %scan3A_1211 = arith.constant 8 : i32
    %scan3A_1212 = arith.addi %scan3A_1210, %scan3A_1211 : i32
    %scan3A_1213 = arith.constant 1 : i32
    scf.for %scan3A_1315 = %scan3A_1210 to %scan3A_1212 step %scan3A_1213  : i32 {
      %mul3A_1316 = arith.constant 16 : i32
      %mul3A_1317 = arith.muli %scan3A_1315, %mul3A_1316 : i32
      %mul3A_1318 = arith.constant 16 : i32
      %mul3A_1319 = arith.muli %scan3A_1315, %mul3A_1318 : i32
      %add3A_1320 = arith.constant 128 : i32
      %add3A_1321 = arith.addi %add3A_1320, %mul3A_1319 : i32
      %add3A_1322 = vector.broadcast %add3A_1321 : i32 to vector<16xi32>
      %add3A_1323 = arith.addi %add3A_1322, %iota3A : vector<16xi32>
      %get3A_1324 = arith.constant 1 : i32
      %get3A_1325 = arith.index_cast %get3A_1324 : i32 to index
      %get3A_1326 = arith.index_cast %mul3A_1317 : i32 to index
      %get3A_1327 = tpu.vector_load %arg7[%get3A_1325, %get3A_1326] {strides = array<i32>} : memref<4x128xi32, #tpu.memory_space<vmem>>, vector<16xi32>,
      %and3A = arith.constant 1 : i32
      %and3A_1328 = vector.broadcast %and3A : i32 to vector<16xi32>
      %and3A_1329 = arith.andi %get3A_1327, %and3A_1328 : vector<16xi32>
      %mul3A_1330 = arith.constant 64 : i32
      %mul3A_1331 = vector.broadcast %mul3A_1330 : i32 to vector<16xi32>
      %mul3A_1332 = arith.muli %and3A_1329, %mul3A_1331 : vector<16xi32>
      %get3A_1333 = arith.constant 1 : i32
      %get3A_1334 = arith.index_cast %get3A_1333 : i32 to index
      %get3A_1335 = arith.index_cast %mul3A_1317 : i32 to index
      %get3A_1336 = tpu.vector_load %arg8[%get3A_1334, %get3A_1335] {strides = array<i32>} : memref<4x128xi32, #tpu.memory_space<vmem>>, vector<16xi32>,
      %and3A_1337 = arith.constant 1 : i32
      %and3A_1338 = vector.broadcast %and3A_1337 : i32 to vector<16xi32>
      %and3A_1339 = arith.andi %get3A_1336, %and3A_1338 : vector<16xi32>
      %mul3A_1340 = arith.constant 64 : i32
      %mul3A_1341 = vector.broadcast %mul3A_1340 : i32 to vector<16xi32>
      %mul3A_1342 = arith.muli %and3A_1339, %mul3A_1341 : vector<16xi32>
      %add3A_1343 = arith.constant 32 : i32
      %add3A_1344 = vector.broadcast %add3A_1343 : i32 to vector<16xi32>
      %add3A_1345 = arith.addi %mul3A_1342, %add3A_1344 : vector<16xi32>
      %get3A_1346 = arith.constant 1 : i32
      %get3A_1347 = arith.index_cast %get3A_1346 : i32 to index
      %get3A_1348 = arith.index_cast %mul3A_1317 : i32 to index
      %get3A_1349 = tpu.vector_load %arg9[%get3A_1347, %get3A_1348] {strides = array<i32>} : memref<4x128xi32, #tpu.memory_space<vmem>>, vector<16xi32>,
      %and3A_1350 = arith.constant 1 : i32
      %and3A_1351 = vector.broadcast %and3A_1350 : i32 to vector<16xi32>
      %and3A_1352 = arith.andi %get3A_1349, %and3A_1351 : vector<16xi32>
      %mul3A_1353 = arith.constant 64 : i32
      %mul3A_1354 = vector.broadcast %mul3A_1353 : i32 to vector<16xi32>
      %mul3A_1355 = arith.muli %and3A_1352, %mul3A_1354 : vector<16xi32>
      %add3A_1356 = arith.constant 32 : i32
      %add3A_1357 = vector.broadcast %add3A_1356 : i32 to vector<16xi32>
      %add3A_1358 = arith.addi %mul3A_1355, %add3A_1357 : vector<16xi32>
      %broadcast_in_dim3A = arith.constant 0.000000e+00 : f32
      %broadcast_in_dim3A_1359 = vector.broadcast %broadcast_in_dim3A : f32 to vector<16xf32>
      %scan3A_1360 = arith.constant 0 : i32
      %scan3A_1361 = arith.constant 32 : i32
      %scan3A_1362 = arith.addi %scan3A_1360, %scan3A_1361 : i32
      %scan3A_1363 = arith.constant 8 : i32
      %scan3A_1364 = scf.for %scan3A_1372 = %scan3A_1360 to %scan3A_1362 step %scan3A_1363 iter_args(%scan3A_1373 = %broadcast_in_dim3A_1359) -> (vector<16xf32>)  : i32 {
        %add3A_1374 = vector.broadcast %scan3A_1372 : i32 to vector<16xi32>
        %add3A_1375 = arith.addi %add3A_1374, %iota3A : vector<16xi32>
        %and3A_1376 = arith.constant 31 : i32
        %and3A_1377 = vector.broadcast %and3A_1376 : i32 to vector<16xi32>
        %and3A_1378 = arith.andi %add3A_1375, %and3A_1377 : vector<16xi32>
        %add3A_1379 = arith.addi %mul3A_1332, %and3A_1378 : vector<16xi32>
        %gather3A = tpu.vector_load_idx %arg13[%add3A_1323, %add3A_1379] : memref<256x128xi32, #tpu.memory_space<vmem>>[vector<16xi32>, vector<16xi32>], vector<16xi32>,
        %add3A_1380 = arith.addi %add3A_1345, %and3A_1378 : vector<16xi32>
        %gather3A_1381 = tpu.vector_load_idx %arg14[%add3A_1323, %add3A_1380] : memref<256x128xi32, #tpu.memory_space<vmem>>[vector<16xi32>, vector<16xi32>], vector<16xi32>,
        %add3A_1382 = arith.addi %add3A_1358, %and3A_1378 : vector<16xi32>
        %gather3A_1383 = tpu.vector_load_idx %arg15[%add3A_1323, %add3A_1382] : memref<256x128xi32, #tpu.memory_space<vmem>>[vector<16xi32>, vector<16xi32>], vector<16xi32>,
        %shift_left3A = arith.constant 16 : i32
        %shift_left3A_1384 = vector.broadcast %shift_left3A : i32 to vector<16xi32>
        %shift_left3A_1385 = arith.shli %gather3A, %shift_left3A_1384 : vector<16xi32>
        %bitcast3A = vector.bitcast %shift_left3A_1385 : vector<16xi32> to vector<16xf32>
        %shift_left3A_1386 = arith.constant 16 : i32
        %shift_left3A_1387 = vector.broadcast %shift_left3A_1386 : i32 to vector<16xi32>
        %shift_left3A_1388 = arith.shli %gather3A_1381, %shift_left3A_1387 : vector<16xi32>
        %bitcast3A_1389 = vector.bitcast %shift_left3A_1388 : vector<16xi32> to vector<16xf32>
        %shift_left3A_1390 = arith.constant 16 : i32
        %shift_left3A_1391 = vector.broadcast %shift_left3A_1390 : i32 to vector<16xi32>
        %shift_left3A_1392 = arith.shli %gather3A_1383, %shift_left3A_1391 : vector<16xi32>
        %bitcast3A_1393 = vector.bitcast %shift_left3A_1392 : vector<16xi32> to vector<16xf32>
        %sub3A = arith.subf %bitcast3A_1389, %bitcast3A_1393 : vector<16xf32>
        %mul3A_1394 = arith.mulf %bitcast3A, %sub3A : vector<16xf32>
        %add3A_1395 = arith.addf %scan3A_1373, %mul3A_1394 : vector<16xf32>
        %and3A_1396 = arith.constant -65536 : i32
        %and3A_1397 = vector.broadcast %and3A_1396 : i32 to vector<16xi32>
        %and3A_1398 = arith.andi %gather3A, %and3A_1397 : vector<16xi32>
        %bitcast3A_1399 = vector.bitcast %and3A_1398 : vector<16xi32> to vector<16xf32>
        %and3A_1400 = arith.constant -65536 : i32
        %and3A_1401 = vector.broadcast %and3A_1400 : i32 to vector<16xi32>
        %and3A_1402 = arith.andi %gather3A_1381, %and3A_1401 : vector<16xi32>
        %bitcast3A_1403 = vector.bitcast %and3A_1402 : vector<16xi32> to vector<16xf32>
        %and3A_1404 = arith.constant -65536 : i32
        %and3A_1405 = vector.broadcast %and3A_1404 : i32 to vector<16xi32>
        %and3A_1406 = arith.andi %gather3A_1383, %and3A_1405 : vector<16xi32>
        %bitcast3A_1407 = vector.bitcast %and3A_1406 : vector<16xi32> to vector<16xf32>
        %sub3A_1408 = arith.subf %bitcast3A_1403, %bitcast3A_1407 : vector<16xf32>
        %mul3A_1409 = arith.mulf %bitcast3A_1399, %sub3A_1408 : vector<16xf32>
        %add3A_1410 = arith.addf %add3A_1395, %mul3A_1409 : vector<16xf32>
        %scan3A_1411 = arith.constant 1 : i32
        %scan3A_1412 = arith.addi %scan3A_1372, %scan3A_1411 : i32
        %add3A_1413 = vector.broadcast %scan3A_1412 : i32 to vector<16xi32>
        %add3A_1414 = arith.addi %add3A_1413, %iota3A : vector<16xi32>
        %and3A_1415 = arith.constant 31 : i32
        %and3A_1416 = vector.broadcast %and3A_1415 : i32 to vector<16xi32>
        %and3A_1417 = arith.andi %add3A_1414, %and3A_1416 : vector<16xi32>
        %add3A_1418 = arith.addi %mul3A_1332, %and3A_1417 : vector<16xi32>
        %gather3A_1419 = tpu.vector_load_idx %arg13[%add3A_1323, %add3A_1418] : memref<256x128xi32, #tpu.memory_space<vmem>>[vector<16xi32>, vector<16xi32>], vector<16xi32>,
        %add3A_1420 = arith.addi %add3A_1345, %and3A_1417 : vector<16xi32>
        %gather3A_1421 = tpu.vector_load_idx %arg14[%add3A_1323, %add3A_1420] : memref<256x128xi32, #tpu.memory_space<vmem>>[vector<16xi32>, vector<16xi32>], vector<16xi32>,
        %add3A_1422 = arith.addi %add3A_1358, %and3A_1417 : vector<16xi32>
        %gather3A_1423 = tpu.vector_load_idx %arg15[%add3A_1323, %add3A_1422] : memref<256x128xi32, #tpu.memory_space<vmem>>[vector<16xi32>, vector<16xi32>], vector<16xi32>,
        %shift_left3A_1424 = arith.constant 16 : i32
        %shift_left3A_1425 = vector.broadcast %shift_left3A_1424 : i32 to vector<16xi32>
        %shift_left3A_1426 = arith.shli %gather3A_1419, %shift_left3A_1425 : vector<16xi32>
        %bitcast3A_1427 = vector.bitcast %shift_left3A_1426 : vector<16xi32> to vector<16xf32>
        %shift_left3A_1428 = arith.constant 16 : i32
        %shift_left3A_1429 = vector.broadcast %shift_left3A_1428 : i32 to vector<16xi32>
        %shift_left3A_1430 = arith.shli %gather3A_1421, %shift_left3A_1429 : vector<16xi32>
        %bitcast3A_1431 = vector.bitcast %shift_left3A_1430 : vector<16xi32> to vector<16xf32>
        %shift_left3A_1432 = arith.constant 16 : i32
        %shift_left3A_1433 = vector.broadcast %shift_left3A_1432 : i32 to vector<16xi32>
        %shift_left3A_1434 = arith.shli %gather3A_1423, %shift_left3A_1433 : vector<16xi32>
        %bitcast3A_1435 = vector.bitcast %shift_left3A_1434 : vector<16xi32> to vector<16xf32>
        %sub3A_1436 = arith.subf %bitcast3A_1431, %bitcast3A_1435 : vector<16xf32>
        %mul3A_1437 = arith.mulf %bitcast3A_1427, %sub3A_1436 : vector<16xf32>
        %add3A_1438 = arith.addf %add3A_1410, %mul3A_1437 : vector<16xf32>
        %and3A_1439 = arith.constant -65536 : i32
        %and3A_1440 = vector.broadcast %and3A_1439 : i32 to vector<16xi32>
        %and3A_1441 = arith.andi %gather3A_1419, %and3A_1440 : vector<16xi32>
        %bitcast3A_1442 = vector.bitcast %and3A_1441 : vector<16xi32> to vector<16xf32>
        %and3A_1443 = arith.constant -65536 : i32
        %and3A_1444 = vector.broadcast %and3A_1443 : i32 to vector<16xi32>
        %and3A_1445 = arith.andi %gather3A_1421, %and3A_1444 : vector<16xi32>
        %bitcast3A_1446 = vector.bitcast %and3A_1445 : vector<16xi32> to vector<16xf32>
        %and3A_1447 = arith.constant -65536 : i32
        %and3A_1448 = vector.broadcast %and3A_1447 : i32 to vector<16xi32>
        %and3A_1449 = arith.andi %gather3A_1423, %and3A_1448 : vector<16xi32>
        %bitcast3A_1450 = vector.bitcast %and3A_1449 : vector<16xi32> to vector<16xf32>
        %sub3A_1451 = arith.subf %bitcast3A_1446, %bitcast3A_1450 : vector<16xf32>
        %mul3A_1452 = arith.mulf %bitcast3A_1442, %sub3A_1451 : vector<16xf32>
        %add3A_1453 = arith.addf %add3A_1438, %mul3A_1452 : vector<16xf32>
        %scan3A_1454 = arith.constant 2 : i32
        %scan3A_1455 = arith.addi %scan3A_1372, %scan3A_1454 : i32
        %add3A_1456 = vector.broadcast %scan3A_1455 : i32 to vector<16xi32>
        %add3A_1457 = arith.addi %add3A_1456, %iota3A : vector<16xi32>
        %and3A_1458 = arith.constant 31 : i32
        %and3A_1459 = vector.broadcast %and3A_1458 : i32 to vector<16xi32>
        %and3A_1460 = arith.andi %add3A_1457, %and3A_1459 : vector<16xi32>
        %add3A_1461 = arith.addi %mul3A_1332, %and3A_1460 : vector<16xi32>
        %gather3A_1462 = tpu.vector_load_idx %arg13[%add3A_1323, %add3A_1461] : memref<256x128xi32, #tpu.memory_space<vmem>>[vector<16xi32>, vector<16xi32>], vector<16xi32>,
        %add3A_1463 = arith.addi %add3A_1345, %and3A_1460 : vector<16xi32>
        %gather3A_1464 = tpu.vector_load_idx %arg14[%add3A_1323, %add3A_1463] : memref<256x128xi32, #tpu.memory_space<vmem>>[vector<16xi32>, vector<16xi32>], vector<16xi32>,
        %add3A_1465 = arith.addi %add3A_1358, %and3A_1460 : vector<16xi32>
        %gather3A_1466 = tpu.vector_load_idx %arg15[%add3A_1323, %add3A_1465] : memref<256x128xi32, #tpu.memory_space<vmem>>[vector<16xi32>, vector<16xi32>], vector<16xi32>,
        %shift_left3A_1467 = arith.constant 16 : i32
        %shift_left3A_1468 = vector.broadcast %shift_left3A_1467 : i32 to vector<16xi32>
        %shift_left3A_1469 = arith.shli %gather3A_1462, %shift_left3A_1468 : vector<16xi32>
        %bitcast3A_1470 = vector.bitcast %shift_left3A_1469 : vector<16xi32> to vector<16xf32>
        %shift_left3A_1471 = arith.constant 16 : i32
        %shift_left3A_1472 = vector.broadcast %shift_left3A_1471 : i32 to vector<16xi32>
        %shift_left3A_1473 = arith.shli %gather3A_1464, %shift_left3A_1472 : vector<16xi32>
        %bitcast3A_1474 = vector.bitcast %shift_left3A_1473 : vector<16xi32> to vector<16xf32>
        %shift_left3A_1475 = arith.constant 16 : i32
        %shift_left3A_1476 = vector.broadcast %shift_left3A_1475 : i32 to vector<16xi32>
        %shift_left3A_1477 = arith.shli %gather3A_1466, %shift_left3A_1476 : vector<16xi32>
        %bitcast3A_1478 = vector.bitcast %shift_left3A_1477 : vector<16xi32> to vector<16xf32>
        %sub3A_1479 = arith.subf %bitcast3A_1474, %bitcast3A_1478 : vector<16xf32>
        %mul3A_1480 = arith.mulf %bitcast3A_1470, %sub3A_1479 : vector<16xf32>
        %add3A_1481 = arith.addf %add3A_1453, %mul3A_1480 : vector<16xf32>
        %and3A_1482 = arith.constant -65536 : i32
        %and3A_1483 = vector.broadcast %and3A_1482 : i32 to vector<16xi32>
        %and3A_1484 = arith.andi %gather3A_1462, %and3A_1483 : vector<16xi32>
        %bitcast3A_1485 = vector.bitcast %and3A_1484 : vector<16xi32> to vector<16xf32>
        %and3A_1486 = arith.constant -65536 : i32
        %and3A_1487 = vector.broadcast %and3A_1486 : i32 to vector<16xi32>
        %and3A_1488 = arith.andi %gather3A_1464, %and3A_1487 : vector<16xi32>
        %bitcast3A_1489 = vector.bitcast %and3A_1488 : vector<16xi32> to vector<16xf32>
        %and3A_1490 = arith.constant -65536 : i32
        %and3A_1491 = vector.broadcast %and3A_1490 : i32 to vector<16xi32>
        %and3A_1492 = arith.andi %gather3A_1466, %and3A_1491 : vector<16xi32>
        %bitcast3A_1493 = vector.bitcast %and3A_1492 : vector<16xi32> to vector<16xf32>
        %sub3A_1494 = arith.subf %bitcast3A_1489, %bitcast3A_1493 : vector<16xf32>
        %mul3A_1495 = arith.mulf %bitcast3A_1485, %sub3A_1494 : vector<16xf32>
        %add3A_1496 = arith.addf %add3A_1481, %mul3A_1495 : vector<16xf32>
        %scan3A_1497 = arith.constant 3 : i32
        %scan3A_1498 = arith.addi %scan3A_1372, %scan3A_1497 : i32
        %add3A_1499 = vector.broadcast %scan3A_1498 : i32 to vector<16xi32>
        %add3A_1500 = arith.addi %add3A_1499, %iota3A : vector<16xi32>
        %and3A_1501 = arith.constant 31 : i32
        %and3A_1502 = vector.broadcast %and3A_1501 : i32 to vector<16xi32>
        %and3A_1503 = arith.andi %add3A_1500, %and3A_1502 : vector<16xi32>
        %add3A_1504 = arith.addi %mul3A_1332, %and3A_1503 : vector<16xi32>
        %gather3A_1505 = tpu.vector_load_idx %arg13[%add3A_1323, %add3A_1504] : memref<256x128xi32, #tpu.memory_space<vmem>>[vector<16xi32>, vector<16xi32>], vector<16xi32>,
        %add3A_1506 = arith.addi %add3A_1345, %and3A_1503 : vector<16xi32>
        %gather3A_1507 = tpu.vector_load_idx %arg14[%add3A_1323, %add3A_1506] : memref<256x128xi32, #tpu.memory_space<vmem>>[vector<16xi32>, vector<16xi32>], vector<16xi32>,
        %add3A_1508 = arith.addi %add3A_1358, %and3A_1503 : vector<16xi32>
        %gather3A_1509 = tpu.vector_load_idx %arg15[%add3A_1323, %add3A_1508] : memref<256x128xi32, #tpu.memory_space<vmem>>[vector<16xi32>, vector<16xi32>], vector<16xi32>,
        %shift_left3A_1510 = arith.constant 16 : i32
        %shift_left3A_1511 = vector.broadcast %shift_left3A_1510 : i32 to vector<16xi32>
        %shift_left3A_1512 = arith.shli %gather3A_1505, %shift_left3A_1511 : vector<16xi32>
        %bitcast3A_1513 = vector.bitcast %shift_left3A_1512 : vector<16xi32> to vector<16xf32>
        %shift_left3A_1514 = arith.constant 16 : i32
        %shift_left3A_1515 = vector.broadcast %shift_left3A_1514 : i32 to vector<16xi32>
        %shift_left3A_1516 = arith.shli %gather3A_1507, %shift_left3A_1515 : vector<16xi32>
        %bitcast3A_1517 = vector.bitcast %shift_left3A_1516 : vector<16xi32> to vector<16xf32>
        %shift_left3A_1518 = arith.constant 16 : i32
        %shift_left3A_1519 = vector.broadcast %shift_left3A_1518 : i32 to vector<16xi32>
        %shift_left3A_1520 = arith.shli %gather3A_1509, %shift_left3A_1519 : vector<16xi32>
        %bitcast3A_1521 = vector.bitcast %shift_left3A_1520 : vector<16xi32> to vector<16xf32>
        %sub3A_1522 = arith.subf %bitcast3A_1517, %bitcast3A_1521 : vector<16xf32>
        %mul3A_1523 = arith.mulf %bitcast3A_1513, %sub3A_1522 : vector<16xf32>
        %add3A_1524 = arith.addf %add3A_1496, %mul3A_1523 : vector<16xf32>
        %and3A_1525 = arith.constant -65536 : i32
        %and3A_1526 = vector.broadcast %and3A_1525 : i32 to vector<16xi32>
        %and3A_1527 = arith.andi %gather3A_1505, %and3A_1526 : vector<16xi32>
        %bitcast3A_1528 = vector.bitcast %and3A_1527 : vector<16xi32> to vector<16xf32>
        %and3A_1529 = arith.constant -65536 : i32
        %and3A_1530 = vector.broadcast %and3A_1529 : i32 to vector<16xi32>
        %and3A_1531 = arith.andi %gather3A_1507, %and3A_1530 : vector<16xi32>
        %bitcast3A_1532 = vector.bitcast %and3A_1531 : vector<16xi32> to vector<16xf32>
        %and3A_1533 = arith.constant -65536 : i32
        %and3A_1534 = vector.broadcast %and3A_1533 : i32 to vector<16xi32>
        %and3A_1535 = arith.andi %gather3A_1509, %and3A_1534 : vector<16xi32>
        %bitcast3A_1536 = vector.bitcast %and3A_1535 : vector<16xi32> to vector<16xf32>
        %sub3A_1537 = arith.subf %bitcast3A_1532, %bitcast3A_1536 : vector<16xf32>
        %mul3A_1538 = arith.mulf %bitcast3A_1528, %sub3A_1537 : vector<16xf32>
        %add3A_1539 = arith.addf %add3A_1524, %mul3A_1538 : vector<16xf32>
        %scan3A_1540 = arith.constant 4 : i32
        %scan3A_1541 = arith.addi %scan3A_1372, %scan3A_1540 : i32
        %add3A_1542 = vector.broadcast %scan3A_1541 : i32 to vector<16xi32>
        %add3A_1543 = arith.addi %add3A_1542, %iota3A : vector<16xi32>
        %and3A_1544 = arith.constant 31 : i32
        %and3A_1545 = vector.broadcast %and3A_1544 : i32 to vector<16xi32>
        %and3A_1546 = arith.andi %add3A_1543, %and3A_1545 : vector<16xi32>
        %add3A_1547 = arith.addi %mul3A_1332, %and3A_1546 : vector<16xi32>
        %gather3A_1548 = tpu.vector_load_idx %arg13[%add3A_1323, %add3A_1547] : memref<256x128xi32, #tpu.memory_space<vmem>>[vector<16xi32>, vector<16xi32>], vector<16xi32>,
        %add3A_1549 = arith.addi %add3A_1345, %and3A_1546 : vector<16xi32>
        %gather3A_1550 = tpu.vector_load_idx %arg14[%add3A_1323, %add3A_1549] : memref<256x128xi32, #tpu.memory_space<vmem>>[vector<16xi32>, vector<16xi32>], vector<16xi32>,
        %add3A_1551 = arith.addi %add3A_1358, %and3A_1546 : vector<16xi32>
        %gather3A_1552 = tpu.vector_load_idx %arg15[%add3A_1323, %add3A_1551] : memref<256x128xi32, #tpu.memory_space<vmem>>[vector<16xi32>, vector<16xi32>], vector<16xi32>,
        %shift_left3A_1553 = arith.constant 16 : i32
        %shift_left3A_1554 = vector.broadcast %shift_left3A_1553 : i32 to vector<16xi32>
        %shift_left3A_1555 = arith.shli %gather3A_1548, %shift_left3A_1554 : vector<16xi32>
        %bitcast3A_1556 = vector.bitcast %shift_left3A_1555 : vector<16xi32> to vector<16xf32>
        %shift_left3A_1557 = arith.constant 16 : i32
        %shift_left3A_1558 = vector.broadcast %shift_left3A_1557 : i32 to vector<16xi32>
        %shift_left3A_1559 = arith.shli %gather3A_1550, %shift_left3A_1558 : vector<16xi32>
        %bitcast3A_1560 = vector.bitcast %shift_left3A_1559 : vector<16xi32> to vector<16xf32>
        %shift_left3A_1561 = arith.constant 16 : i32
        %shift_left3A_1562 = vector.broadcast %shift_left3A_1561 : i32 to vector<16xi32>
        %shift_left3A_1563 = arith.shli %gather3A_1552, %shift_left3A_1562 : vector<16xi32>
        %bitcast3A_1564 = vector.bitcast %shift_left3A_1563 : vector<16xi32> to vector<16xf32>
        %sub3A_1565 = arith.subf %bitcast3A_1560, %bitcast3A_1564 : vector<16xf32>
        %mul3A_1566 = arith.mulf %bitcast3A_1556, %sub3A_1565 : vector<16xf32>
        %add3A_1567 = arith.addf %add3A_1539, %mul3A_1566 : vector<16xf32>
        %and3A_1568 = arith.constant -65536 : i32
        %and3A_1569 = vector.broadcast %and3A_1568 : i32 to vector<16xi32>
        %and3A_1570 = arith.andi %gather3A_1548, %and3A_1569 : vector<16xi32>
        %bitcast3A_1571 = vector.bitcast %and3A_1570 : vector<16xi32> to vector<16xf32>
        %and3A_1572 = arith.constant -65536 : i32
        %and3A_1573 = vector.broadcast %and3A_1572 : i32 to vector<16xi32>
        %and3A_1574 = arith.andi %gather3A_1550, %and3A_1573 : vector<16xi32>
        %bitcast3A_1575 = vector.bitcast %and3A_1574 : vector<16xi32> to vector<16xf32>
        %and3A_1576 = arith.constant -65536 : i32
        %and3A_1577 = vector.broadcast %and3A_1576 : i32 to vector<16xi32>
        %and3A_1578 = arith.andi %gather3A_1552, %and3A_1577 : vector<16xi32>
        %bitcast3A_1579 = vector.bitcast %and3A_1578 : vector<16xi32> to vector<16xf32>
        %sub3A_1580 = arith.subf %bitcast3A_1575, %bitcast3A_1579 : vector<16xf32>
        %mul3A_1581 = arith.mulf %bitcast3A_1571, %sub3A_1580 : vector<16xf32>
        %add3A_1582 = arith.addf %add3A_1567, %mul3A_1581 : vector<16xf32>
        %scan3A_1583 = arith.constant 5 : i32
        %scan3A_1584 = arith.addi %scan3A_1372, %scan3A_1583 : i32
        %add3A_1585 = vector.broadcast %scan3A_1584 : i32 to vector<16xi32>
        %add3A_1586 = arith.addi %add3A_1585, %iota3A : vector<16xi32>
        %and3A_1587 = arith.constant 31 : i32
        %and3A_1588 = vector.broadcast %and3A_1587 : i32 to vector<16xi32>
        %and3A_1589 = arith.andi %add3A_1586, %and3A_1588 : vector<16xi32>
        %add3A_1590 = arith.addi %mul3A_1332, %and3A_1589 : vector<16xi32>
        %gather3A_1591 = tpu.vector_load_idx %arg13[%add3A_1323, %add3A_1590] : memref<256x128xi32, #tpu.memory_space<vmem>>[vector<16xi32>, vector<16xi32>], vector<16xi32>,
        %add3A_1592 = arith.addi %add3A_1345, %and3A_1589 : vector<16xi32>
        %gather3A_1593 = tpu.vector_load_idx %arg14[%add3A_1323, %add3A_1592] : memref<256x128xi32, #tpu.memory_space<vmem>>[vector<16xi32>, vector<16xi32>], vector<16xi32>,
        %add3A_1594 = arith.addi %add3A_1358, %and3A_1589 : vector<16xi32>
        %gather3A_1595 = tpu.vector_load_idx %arg15[%add3A_1323, %add3A_1594] : memref<256x128xi32, #tpu.memory_space<vmem>>[vector<16xi32>, vector<16xi32>], vector<16xi32>,
        %shift_left3A_1596 = arith.constant 16 : i32
        %shift_left3A_1597 = vector.broadcast %shift_left3A_1596 : i32 to vector<16xi32>
        %shift_left3A_1598 = arith.shli %gather3A_1591, %shift_left3A_1597 : vector<16xi32>
        %bitcast3A_1599 = vector.bitcast %shift_left3A_1598 : vector<16xi32> to vector<16xf32>
        %shift_left3A_1600 = arith.constant 16 : i32
        %shift_left3A_1601 = vector.broadcast %shift_left3A_1600 : i32 to vector<16xi32>
        %shift_left3A_1602 = arith.shli %gather3A_1593, %shift_left3A_1601 : vector<16xi32>
        %bitcast3A_1603 = vector.bitcast %shift_left3A_1602 : vector<16xi32> to vector<16xf32>
        %shift_left3A_1604 = arith.constant 16 : i32
        %shift_left3A_1605 = vector.broadcast %shift_left3A_1604 : i32 to vector<16xi32>
        %shift_left3A_1606 = arith.shli %gather3A_1595, %shift_left3A_1605 : vector<16xi32>
        %bitcast3A_1607 = vector.bitcast %shift_left3A_1606 : vector<16xi32> to vector<16xf32>
        %sub3A_1608 = arith.subf %bitcast3A_1603, %bitcast3A_1607 : vector<16xf32>
        %mul3A_1609 = arith.mulf %bitcast3A_1599, %sub3A_1608 : vector<16xf32>
        %add3A_1610 = arith.addf %add3A_1582, %mul3A_1609 : vector<16xf32>
        %and3A_1611 = arith.constant -65536 : i32
        %and3A_1612 = vector.broadcast %and3A_1611 : i32 to vector<16xi32>
        %and3A_1613 = arith.andi %gather3A_1591, %and3A_1612 : vector<16xi32>
        %bitcast3A_1614 = vector.bitcast %and3A_1613 : vector<16xi32> to vector<16xf32>
        %and3A_1615 = arith.constant -65536 : i32
        %and3A_1616 = vector.broadcast %and3A_1615 : i32 to vector<16xi32>
        %and3A_1617 = arith.andi %gather3A_1593, %and3A_1616 : vector<16xi32>
        %bitcast3A_1618 = vector.bitcast %and3A_1617 : vector<16xi32> to vector<16xf32>
        %and3A_1619 = arith.constant -65536 : i32
        %and3A_1620 = vector.broadcast %and3A_1619 : i32 to vector<16xi32>
        %and3A_1621 = arith.andi %gather3A_1595, %and3A_1620 : vector<16xi32>
        %bitcast3A_1622 = vector.bitcast %and3A_1621 : vector<16xi32> to vector<16xf32>
        %sub3A_1623 = arith.subf %bitcast3A_1618, %bitcast3A_1622 : vector<16xf32>
        %mul3A_1624 = arith.mulf %bitcast3A_1614, %sub3A_1623 : vector<16xf32>
        %add3A_1625 = arith.addf %add3A_1610, %mul3A_1624 : vector<16xf32>
        %scan3A_1626 = arith.constant 6 : i32
        %scan3A_1627 = arith.addi %scan3A_1372, %scan3A_1626 : i32
        %add3A_1628 = vector.broadcast %scan3A_1627 : i32 to vector<16xi32>
        %add3A_1629 = arith.addi %add3A_1628, %iota3A : vector<16xi32>
        %and3A_1630 = arith.constant 31 : i32
        %and3A_1631 = vector.broadcast %and3A_1630 : i32 to vector<16xi32>
        %and3A_1632 = arith.andi %add3A_1629, %and3A_1631 : vector<16xi32>
        %add3A_1633 = arith.addi %mul3A_1332, %and3A_1632 : vector<16xi32>
        %gather3A_1634 = tpu.vector_load_idx %arg13[%add3A_1323, %add3A_1633] : memref<256x128xi32, #tpu.memory_space<vmem>>[vector<16xi32>, vector<16xi32>], vector<16xi32>,
        %add3A_1635 = arith.addi %add3A_1345, %and3A_1632 : vector<16xi32>
        %gather3A_1636 = tpu.vector_load_idx %arg14[%add3A_1323, %add3A_1635] : memref<256x128xi32, #tpu.memory_space<vmem>>[vector<16xi32>, vector<16xi32>], vector<16xi32>,
        %add3A_1637 = arith.addi %add3A_1358, %and3A_1632 : vector<16xi32>
        %gather3A_1638 = tpu.vector_load_idx %arg15[%add3A_1323, %add3A_1637] : memref<256x128xi32, #tpu.memory_space<vmem>>[vector<16xi32>, vector<16xi32>], vector<16xi32>,
        %shift_left3A_1639 = arith.constant 16 : i32
        %shift_left3A_1640 = vector.broadcast %shift_left3A_1639 : i32 to vector<16xi32>
        %shift_left3A_1641 = arith.shli %gather3A_1634, %shift_left3A_1640 : vector<16xi32>
        %bitcast3A_1642 = vector.bitcast %shift_left3A_1641 : vector<16xi32> to vector<16xf32>
        %shift_left3A_1643 = arith.constant 16 : i32
        %shift_left3A_1644 = vector.broadcast %shift_left3A_1643 : i32 to vector<16xi32>
        %shift_left3A_1645 = arith.shli %gather3A_1636, %shift_left3A_1644 : vector<16xi32>
        %bitcast3A_1646 = vector.bitcast %shift_left3A_1645 : vector<16xi32> to vector<16xf32>
        %shift_left3A_1647 = arith.constant 16 : i32
        %shift_left3A_1648 = vector.broadcast %shift_left3A_1647 : i32 to vector<16xi32>
        %shift_left3A_1649 = arith.shli %gather3A_1638, %shift_left3A_1648 : vector<16xi32>
        %bitcast3A_1650 = vector.bitcast %shift_left3A_1649 : vector<16xi32> to vector<16xf32>
        %sub3A_1651 = arith.subf %bitcast3A_1646, %bitcast3A_1650 : vector<16xf32>
        %mul3A_1652 = arith.mulf %bitcast3A_1642, %sub3A_1651 : vector<16xf32>
        %add3A_1653 = arith.addf %add3A_1625, %mul3A_1652 : vector<16xf32>
        %and3A_1654 = arith.constant -65536 : i32
        %and3A_1655 = vector.broadcast %and3A_1654 : i32 to vector<16xi32>
        %and3A_1656 = arith.andi %gather3A_1634, %and3A_1655 : vector<16xi32>
        %bitcast3A_1657 = vector.bitcast %and3A_1656 : vector<16xi32> to vector<16xf32>
        %and3A_1658 = arith.constant -65536 : i32
        %and3A_1659 = vector.broadcast %and3A_1658 : i32 to vector<16xi32>
        %and3A_1660 = arith.andi %gather3A_1636, %and3A_1659 : vector<16xi32>
        %bitcast3A_1661 = vector.bitcast %and3A_1660 : vector<16xi32> to vector<16xf32>
        %and3A_1662 = arith.constant -65536 : i32
        %and3A_1663 = vector.broadcast %and3A_1662 : i32 to vector<16xi32>
        %and3A_1664 = arith.andi %gather3A_1638, %and3A_1663 : vector<16xi32>
        %bitcast3A_1665 = vector.bitcast %and3A_1664 : vector<16xi32> to vector<16xf32>
        %sub3A_1666 = arith.subf %bitcast3A_1661, %bitcast3A_1665 : vector<16xf32>
        %mul3A_1667 = arith.mulf %bitcast3A_1657, %sub3A_1666 : vector<16xf32>
        %add3A_1668 = arith.addf %add3A_1653, %mul3A_1667 : vector<16xf32>
        %scan3A_1669 = arith.constant 7 : i32
        %scan3A_1670 = arith.addi %scan3A_1372, %scan3A_1669 : i32
        %add3A_1671 = vector.broadcast %scan3A_1670 : i32 to vector<16xi32>
        %add3A_1672 = arith.addi %add3A_1671, %iota3A : vector<16xi32>
        %and3A_1673 = arith.constant 31 : i32
        %and3A_1674 = vector.broadcast %and3A_1673 : i32 to vector<16xi32>
        %and3A_1675 = arith.andi %add3A_1672, %and3A_1674 : vector<16xi32>
        %add3A_1676 = arith.addi %mul3A_1332, %and3A_1675 : vector<16xi32>
        %gather3A_1677 = tpu.vector_load_idx %arg13[%add3A_1323, %add3A_1676] : memref<256x128xi32, #tpu.memory_space<vmem>>[vector<16xi32>, vector<16xi32>], vector<16xi32>,
        %add3A_1678 = arith.addi %add3A_1345, %and3A_1675 : vector<16xi32>
        %gather3A_1679 = tpu.vector_load_idx %arg14[%add3A_1323, %add3A_1678] : memref<256x128xi32, #tpu.memory_space<vmem>>[vector<16xi32>, vector<16xi32>], vector<16xi32>,
        %add3A_1680 = arith.addi %add3A_1358, %and3A_1675 : vector<16xi32>
        %gather3A_1681 = tpu.vector_load_idx %arg15[%add3A_1323, %add3A_1680] : memref<256x128xi32, #tpu.memory_space<vmem>>[vector<16xi32>, vector<16xi32>], vector<16xi32>,
        %shift_left3A_1682 = arith.constant 16 : i32
        %shift_left3A_1683 = vector.broadcast %shift_left3A_1682 : i32 to vector<16xi32>
        %shift_left3A_1684 = arith.shli %gather3A_1677, %shift_left3A_1683 : vector<16xi32>
        %bitcast3A_1685 = vector.bitcast %shift_left3A_1684 : vector<16xi32> to vector<16xf32>
        %shift_left3A_1686 = arith.constant 16 : i32
        %shift_left3A_1687 = vector.broadcast %shift_left3A_1686 : i32 to vector<16xi32>
        %shift_left3A_1688 = arith.shli %gather3A_1679, %shift_left3A_1687 : vector<16xi32>
        %bitcast3A_1689 = vector.bitcast %shift_left3A_1688 : vector<16xi32> to vector<16xf32>
        %shift_left3A_1690 = arith.constant 16 : i32
        %shift_left3A_1691 = vector.broadcast %shift_left3A_1690 : i32 to vector<16xi32>
        %shift_left3A_1692 = arith.shli %gather3A_1681, %shift_left3A_1691 : vector<16xi32>
        %bitcast3A_1693 = vector.bitcast %shift_left3A_1692 : vector<16xi32> to vector<16xf32>
        %sub3A_1694 = arith.subf %bitcast3A_1689, %bitcast3A_1693 : vector<16xf32>
        %mul3A_1695 = arith.mulf %bitcast3A_1685, %sub3A_1694 : vector<16xf32>
        %add3A_1696 = arith.addf %add3A_1668, %mul3A_1695 : vector<16xf32>
        %and3A_1697 = arith.constant -65536 : i32
        %and3A_1698 = vector.broadcast %and3A_1697 : i32 to vector<16xi32>
        %and3A_1699 = arith.andi %gather3A_1677, %and3A_1698 : vector<16xi32>
        %bitcast3A_1700 = vector.bitcast %and3A_1699 : vector<16xi32> to vector<16xf32>
        %and3A_1701 = arith.constant -65536 : i32
        %and3A_1702 = vector.broadcast %and3A_1701 : i32 to vector<16xi32>
        %and3A_1703 = arith.andi %gather3A_1679, %and3A_1702 : vector<16xi32>
        %bitcast3A_1704 = vector.bitcast %and3A_1703 : vector<16xi32> to vector<16xf32>
        %and3A_1705 = arith.constant -65536 : i32
        %and3A_1706 = vector.broadcast %and3A_1705 : i32 to vector<16xi32>
        %and3A_1707 = arith.andi %gather3A_1681, %and3A_1706 : vector<16xi32>
        %bitcast3A_1708 = vector.bitcast %and3A_1707 : vector<16xi32> to vector<16xf32>
        %sub3A_1709 = arith.subf %bitcast3A_1704, %bitcast3A_1708 : vector<16xf32>
        %mul3A_1710 = arith.mulf %bitcast3A_1700, %sub3A_1709 : vector<16xf32>
        %add3A_1711 = arith.addf %add3A_1696, %mul3A_1710 : vector<16xf32>
        scf.yield %add3A_1711 : vector<16xf32>
      }
      %scan3A_1365 = arith.constant 32 : i32
      %mul3A_1366 = arith.constant 16 : i32
      %mul3A_1367 = arith.muli %scan3A_1315, %mul3A_1366 : i32
      %add3A_1368 = arith.constant 128 : i32
      %add3A_1369 = arith.addi %add3A_1368, %mul3A_1367 : i32
      %swap3A_1370 = arith.index_cast %add3A_1369 : i32 to index
      %swap3A_1371 = tpu.vector_load %arg16[%swap3A_1370] {strides = array<i32>} : memref<512xf32, #tpu.memory_space<vmem>>, vector<16xf32>,
      tpu.vector_store %arg16[%swap3A_1370], %scan3A_1364 {strides = array<i32>} : memref<512xf32, #tpu.memory_space<vmem>>, vector<16xf32>,
    }
    %scan3A_1214 = arith.constant 8 : i32
    %dma_start3A_1215 = arith.constant 3 : i32
    %dma_start3A_1216 = arith.constant 128 : i32
    %dma_start3A_1217 = arith.constant 0 : i32
    %dma_start3A_1218 = tpu.memref_slice %arg13[%dma_start3A_1216, %dma_start3A_1217] : memref<256x128xi32, #tpu.memory_space<vmem>> -> memref<128x128xi32, #tpu.memory_space<vmem>>
    %dma_start3A_1219 = arith.constant 0 : i32
    %dma_start3A_1220 = tpu.memref_slice %arg10[%dma_start3A_1215, %dma_start3A_1219] : memref<4x128xi32, #tpu.memory_space<vmem>> -> memref<1x128xi32, #tpu.memory_space<vmem>>
    %dma_start3A_1221 = tpu.memref_squeeze %dma_start3A_1220 : memref<1x128xi32, #tpu.memory_space<vmem>> -> memref<128xi32, #tpu.memory_space<vmem>>
    %dma_start3A_1222 = arith.constant 0 : i32
    %dma_start3A_1223 = arith.constant 0 : i32
    %dma_start3A_1224 = tpu.memref_slice %arg5[%dma_start3A_1222, %dma_start3A_1223] : memref<500000x128xi32, #tpu.memory_space<hbm>> -> memref<500000x128xi32, #tpu.memory_space<hbm>>
    tpu.enqueue_indirect_dma source(%dma_start3A_1224 : memref<500000x128xi32, #tpu.memory_space<hbm>>) target(%dma_start3A_1218 : memref<128x128xi32, #tpu.memory_space<vmem>>) offsets(%dma_start3A_1221 : memref<128xi32, #tpu.memory_space<vmem>>) semaphore(%arg17 : memref<!tpu.dma_semaphore, #tpu.memory_space<semaphore_mem>>)
    %dma_start3A_1225 = arith.constant 3 : i32
    %dma_start3A_1226 = arith.constant 128 : i32
    %dma_start3A_1227 = arith.constant 0 : i32
    %dma_start3A_1228 = tpu.memref_slice %arg14[%dma_start3A_1226, %dma_start3A_1227] : memref<256x128xi32, #tpu.memory_space<vmem>> -> memref<128x128xi32, #tpu.memory_space<vmem>>
    %dma_start3A_1229 = arith.constant 0 : i32
    %dma_start3A_1230 = tpu.memref_slice %arg11[%dma_start3A_1225, %dma_start3A_1229] : memref<4x128xi32, #tpu.memory_space<vmem>> -> memref<1x128xi32, #tpu.memory_space<vmem>>
    %dma_start3A_1231 = tpu.memref_squeeze %dma_start3A_1230 : memref<1x128xi32, #tpu.memory_space<vmem>> -> memref<128xi32, #tpu.memory_space<vmem>>
    %dma_start3A_1232 = arith.constant 0 : i32
    %dma_start3A_1233 = arith.constant 0 : i32
    %dma_start3A_1234 = tpu.memref_slice %arg5[%dma_start3A_1232, %dma_start3A_1233] : memref<500000x128xi32, #tpu.memory_space<hbm>> -> memref<500000x128xi32, #tpu.memory_space<hbm>>
    tpu.enqueue_indirect_dma source(%dma_start3A_1234 : memref<500000x128xi32, #tpu.memory_space<hbm>>) target(%dma_start3A_1228 : memref<128x128xi32, #tpu.memory_space<vmem>>) offsets(%dma_start3A_1231 : memref<128xi32, #tpu.memory_space<vmem>>) semaphore(%arg17 : memref<!tpu.dma_semaphore, #tpu.memory_space<semaphore_mem>>)
    %dma_start3A_1235 = arith.constant 3 : i32
    %dma_start3A_1236 = arith.constant 128 : i32
    %dma_start3A_1237 = arith.constant 0 : i32
    %dma_start3A_1238 = tpu.memref_slice %arg15[%dma_start3A_1236, %dma_start3A_1237] : memref<256x128xi32, #tpu.memory_space<vmem>> -> memref<128x128xi32, #tpu.memory_space<vmem>>
    %dma_start3A_1239 = arith.constant 0 : i32
    %dma_start3A_1240 = tpu.memref_slice %arg12[%dma_start3A_1235, %dma_start3A_1239] : memref<4x128xi32, #tpu.memory_space<vmem>> -> memref<1x128xi32, #tpu.memory_space<vmem>>
    %dma_start3A_1241 = tpu.memref_squeeze %dma_start3A_1240 : memref<1x128xi32, #tpu.memory_space<vmem>> -> memref<128xi32, #tpu.memory_space<vmem>>
    %dma_start3A_1242 = arith.constant 0 : i32
    %dma_start3A_1243 = arith.constant 0 : i32
    %dma_start3A_1244 = tpu.memref_slice %arg5[%dma_start3A_1242, %dma_start3A_1243] : memref<500000x128xi32, #tpu.memory_space<hbm>> -> memref<500000x128xi32, #tpu.memory_space<hbm>>
    tpu.enqueue_indirect_dma source(%dma_start3A_1244 : memref<500000x128xi32, #tpu.memory_space<hbm>>) target(%dma_start3A_1238 : memref<128x128xi32, #tpu.memory_space<vmem>>) offsets(%dma_start3A_1241 : memref<128xi32, #tpu.memory_space<vmem>>) semaphore(%arg17 : memref<!tpu.dma_semaphore, #tpu.memory_space<semaphore_mem>>)
    %dma_wait3A_1245 = arith.constant 2 : i32
    %dma_wait3A_1246 = arith.constant 0 : i32
    %dma_wait3A_1247 = arith.constant 0 : i32
    %dma_wait3A_1248 = tpu.memref_slice %arg13[%dma_wait3A_1246, %dma_wait3A_1247] : memref<256x128xi32, #tpu.memory_space<vmem>> -> memref<128x128xi32, #tpu.memory_space<vmem>>
    %dma_wait3A_1249 = arith.constant 0 : i32
    %dma_wait3A_1250 = tpu.memref_slice %arg10[%dma_wait3A_1245, %dma_wait3A_1249] : memref<4x128xi32, #tpu.memory_space<vmem>> -> memref<1x128xi32, #tpu.memory_space<vmem>>
    %dma_wait3A_1251 = tpu.memref_squeeze %dma_wait3A_1250 : memref<1x128xi32, #tpu.memory_space<vmem>> -> memref<128xi32, #tpu.memory_space<vmem>>
    %dma_wait3A_1252 = arith.constant 0 : i32
    %dma_wait3A_1253 = arith.constant 0 : i32
    %dma_wait3A_1254 = tpu.memref_slice %arg5[%dma_wait3A_1252, %dma_wait3A_1253] : memref<500000x128xi32, #tpu.memory_space<hbm>> -> memref<500000x128xi32, #tpu.memory_space<hbm>>
    tpu.wait_indirect_dma semaphore(%arg17 : memref<!tpu.dma_semaphore, #tpu.memory_space<semaphore_mem>>) src(%dma_wait3A_1254 : memref<500000x128xi32, #tpu.memory_space<hbm>>) dst(%dma_wait3A_1248 : memref<128x128xi32, #tpu.memory_space<vmem>>)
    %dma_wait3A_1255 = arith.constant 2 : i32
    %dma_wait3A_1256 = arith.constant 0 : i32
    %dma_wait3A_1257 = arith.constant 0 : i32
    %dma_wait3A_1258 = tpu.memref_slice %arg14[%dma_wait3A_1256, %dma_wait3A_1257] : memref<256x128xi32, #tpu.memory_space<vmem>> -> memref<128x128xi32, #tpu.memory_space<vmem>>
    %dma_wait3A_1259 = arith.constant 0 : i32
    %dma_wait3A_1260 = tpu.memref_slice %arg11[%dma_wait3A_1255, %dma_wait3A_1259] : memref<4x128xi32, #tpu.memory_space<vmem>> -> memref<1x128xi32, #tpu.memory_space<vmem>>
    %dma_wait3A_1261 = tpu.memref_squeeze %dma_wait3A_1260 : memref<1x128xi32, #tpu.memory_space<vmem>> -> memref<128xi32, #tpu.memory_space<vmem>>
    %dma_wait3A_1262 = arith.constant 0 : i32
    %dma_wait3A_1263 = arith.constant 0 : i32
    %dma_wait3A_1264 = tpu.memref_slice %arg5[%dma_wait3A_1262, %dma_wait3A_1263] : memref<500000x128xi32, #tpu.memory_space<hbm>> -> memref<500000x128xi32, #tpu.memory_space<hbm>>
    tpu.wait_indirect_dma semaphore(%arg17 : memref<!tpu.dma_semaphore, #tpu.memory_space<semaphore_mem>>) src(%dma_wait3A_1264 : memref<500000x128xi32, #tpu.memory_space<hbm>>) dst(%dma_wait3A_1258 : memref<128x128xi32, #tpu.memory_space<vmem>>)
    %dma_wait3A_1265 = arith.constant 2 : i32
    %dma_wait3A_1266 = arith.constant 0 : i32
    %dma_wait3A_1267 = arith.constant 0 : i32
    %dma_wait3A_1268 = tpu.memref_slice %arg15[%dma_wait3A_1266, %dma_wait3A_1267] : memref<256x128xi32, #tpu.memory_space<vmem>> -> memref<128x128xi32, #tpu.memory_space<vmem>>
    %dma_wait3A_1269 = arith.constant 0 : i32
    %dma_wait3A_1270 = tpu.memref_slice %arg12[%dma_wait3A_1265, %dma_wait3A_1269] : memref<4x128xi32, #tpu.memory_space<vmem>> -> memref<1x128xi32, #tpu.memory_space<vmem>>
    %dma_wait3A_1271 = tpu.memref_squeeze %dma_wait3A_1270 : memref<1x128xi32, #tpu.memory_space<vmem>> -> memref<128xi32, #tpu.memory_space<vmem>>
    %dma_wait3A_1272 = arith.constant 0 : i32
    %dma_wait3A_1273 = arith.constant 0 : i32
    %dma_wait3A_1274 = tpu.memref_slice %arg5[%dma_wait3A_1272, %dma_wait3A_1273] : memref<500000x128xi32, #tpu.memory_space<hbm>> -> memref<500000x128xi32, #tpu.memory_space<hbm>>
    tpu.wait_indirect_dma semaphore(%arg17 : memref<!tpu.dma_semaphore, #tpu.memory_space<semaphore_mem>>) src(%dma_wait3A_1274 : memref<500000x128xi32, #tpu.memory_space<hbm>>) dst(%dma_wait3A_1268 : memref<128x128xi32, #tpu.memory_space<vmem>>)
    %scan3A_1275 = arith.constant 0 : i32
    %scan3A_1276 = arith.constant 8 : i32
    %scan3A_1277 = arith.addi %scan3A_1275, %scan3A_1276 : i32
    %scan3A_1278 = arith.constant 1 : i32
    scf.for %scan3A_1315 = %scan3A_1275 to %scan3A_1277 step %scan3A_1278  : i32 {
      %mul3A_1316 = arith.constant 16 : i32
      %mul3A_1317 = arith.muli %scan3A_1315, %mul3A_1316 : i32
      %mul3A_1318 = arith.constant 16 : i32
      %mul3A_1319 = arith.muli %scan3A_1315, %mul3A_1318 : i32
      %add3A_1320 = arith.constant 0 : i32
      %add3A_1321 = arith.addi %add3A_1320, %mul3A_1319 : i32
      %add3A_1322 = vector.broadcast %add3A_1321 : i32 to vector<16xi32>
      %add3A_1323 = arith.addi %add3A_1322, %iota3A : vector<16xi32>
      %get3A_1324 = arith.constant 2 : i32
      %get3A_1325 = arith.index_cast %get3A_1324 : i32 to index
      %get3A_1326 = arith.index_cast %mul3A_1317 : i32 to index
      %get3A_1327 = tpu.vector_load %arg7[%get3A_1325, %get3A_1326] {strides = array<i32>} : memref<4x128xi32, #tpu.memory_space<vmem>>, vector<16xi32>,
      %and3A = arith.constant 1 : i32
      %and3A_1328 = vector.broadcast %and3A : i32 to vector<16xi32>
      %and3A_1329 = arith.andi %get3A_1327, %and3A_1328 : vector<16xi32>
      %mul3A_1330 = arith.constant 64 : i32
      %mul3A_1331 = vector.broadcast %mul3A_1330 : i32 to vector<16xi32>
      %mul3A_1332 = arith.muli %and3A_1329, %mul3A_1331 : vector<16xi32>
      %get3A_1333 = arith.constant 2 : i32
      %get3A_1334 = arith.index_cast %get3A_1333 : i32 to index
      %get3A_1335 = arith.index_cast %mul3A_1317 : i32 to index
      %get3A_1336 = tpu.vector_load %arg8[%get3A_1334, %get3A_1335] {strides = array<i32>} : memref<4x128xi32, #tpu.memory_space<vmem>>, vector<16xi32>,
      %and3A_1337 = arith.constant 1 : i32
      %and3A_1338 = vector.broadcast %and3A_1337 : i32 to vector<16xi32>
      %and3A_1339 = arith.andi %get3A_1336, %and3A_1338 : vector<16xi32>
      %mul3A_1340 = arith.constant 64 : i32
      %mul3A_1341 = vector.broadcast %mul3A_1340 : i32 to vector<16xi32>
      %mul3A_1342 = arith.muli %and3A_1339, %mul3A_1341 : vector<16xi32>
      %add3A_1343 = arith.constant 32 : i32
      %add3A_1344 = vector.broadcast %add3A_1343 : i32 to vector<16xi32>
      %add3A_1345 = arith.addi %mul3A_1342, %add3A_1344 : vector<16xi32>
      %get3A_1346 = arith.constant 2 : i32
      %get3A_1347 = arith.index_cast %get3A_1346 : i32 to index
      %get3A_1348 = arith.index_cast %mul3A_1317 : i32 to index
      %get3A_1349 = tpu.vector_load %arg9[%get3A_1347, %get3A_1348] {strides = array<i32>} : memref<4x128xi32, #tpu.memory_space<vmem>>, vector<16xi32>,
      %and3A_1350 = arith.constant 1 : i32
      %and3A_1351 = vector.broadcast %and3A_1350 : i32 to vector<16xi32>
      %and3A_1352 = arith.andi %get3A_1349, %and3A_1351 : vector<16xi32>
      %mul3A_1353 = arith.constant 64 : i32
      %mul3A_1354 = vector.broadcast %mul3A_1353 : i32 to vector<16xi32>
      %mul3A_1355 = arith.muli %and3A_1352, %mul3A_1354 : vector<16xi32>
      %add3A_1356 = arith.constant 32 : i32
      %add3A_1357 = vector.broadcast %add3A_1356 : i32 to vector<16xi32>
      %add3A_1358 = arith.addi %mul3A_1355, %add3A_1357 : vector<16xi32>
      %broadcast_in_dim3A = arith.constant 0.000000e+00 : f32
      %broadcast_in_dim3A_1359 = vector.broadcast %broadcast_in_dim3A : f32 to vector<16xf32>
      %scan3A_1360 = arith.constant 0 : i32
      %scan3A_1361 = arith.constant 32 : i32
      %scan3A_1362 = arith.addi %scan3A_1360, %scan3A_1361 : i32
      %scan3A_1363 = arith.constant 8 : i32
      %scan3A_1364 = scf.for %scan3A_1372 = %scan3A_1360 to %scan3A_1362 step %scan3A_1363 iter_args(%scan3A_1373 = %broadcast_in_dim3A_1359) -> (vector<16xf32>)  : i32 {
        %add3A_1374 = vector.broadcast %scan3A_1372 : i32 to vector<16xi32>
        %add3A_1375 = arith.addi %add3A_1374, %iota3A : vector<16xi32>
        %and3A_1376 = arith.constant 31 : i32
        %and3A_1377 = vector.broadcast %and3A_1376 : i32 to vector<16xi32>
        %and3A_1378 = arith.andi %add3A_1375, %and3A_1377 : vector<16xi32>
        %add3A_1379 = arith.addi %mul3A_1332, %and3A_1378 : vector<16xi32>
        %gather3A = tpu.vector_load_idx %arg13[%add3A_1323, %add3A_1379] : memref<256x128xi32, #tpu.memory_space<vmem>>[vector<16xi32>, vector<16xi32>], vector<16xi32>,
        %add3A_1380 = arith.addi %add3A_1345, %and3A_1378 : vector<16xi32>
        %gather3A_1381 = tpu.vector_load_idx %arg14[%add3A_1323, %add3A_1380] : memref<256x128xi32, #tpu.memory_space<vmem>>[vector<16xi32>, vector<16xi32>], vector<16xi32>,
        %add3A_1382 = arith.addi %add3A_1358, %and3A_1378 : vector<16xi32>
        %gather3A_1383 = tpu.vector_load_idx %arg15[%add3A_1323, %add3A_1382] : memref<256x128xi32, #tpu.memory_space<vmem>>[vector<16xi32>, vector<16xi32>], vector<16xi32>,
        %shift_left3A = arith.constant 16 : i32
        %shift_left3A_1384 = vector.broadcast %shift_left3A : i32 to vector<16xi32>
        %shift_left3A_1385 = arith.shli %gather3A, %shift_left3A_1384 : vector<16xi32>
        %bitcast3A = vector.bitcast %shift_left3A_1385 : vector<16xi32> to vector<16xf32>
        %shift_left3A_1386 = arith.constant 16 : i32
        %shift_left3A_1387 = vector.broadcast %shift_left3A_1386 : i32 to vector<16xi32>
        %shift_left3A_1388 = arith.shli %gather3A_1381, %shift_left3A_1387 : vector<16xi32>
        %bitcast3A_1389 = vector.bitcast %shift_left3A_1388 : vector<16xi32> to vector<16xf32>
        %shift_left3A_1390 = arith.constant 16 : i32
        %shift_left3A_1391 = vector.broadcast %shift_left3A_1390 : i32 to vector<16xi32>
        %shift_left3A_1392 = arith.shli %gather3A_1383, %shift_left3A_1391 : vector<16xi32>
        %bitcast3A_1393 = vector.bitcast %shift_left3A_1392 : vector<16xi32> to vector<16xf32>
        %sub3A = arith.subf %bitcast3A_1389, %bitcast3A_1393 : vector<16xf32>
        %mul3A_1394 = arith.mulf %bitcast3A, %sub3A : vector<16xf32>
        %add3A_1395 = arith.addf %scan3A_1373, %mul3A_1394 : vector<16xf32>
        %and3A_1396 = arith.constant -65536 : i32
        %and3A_1397 = vector.broadcast %and3A_1396 : i32 to vector<16xi32>
        %and3A_1398 = arith.andi %gather3A, %and3A_1397 : vector<16xi32>
        %bitcast3A_1399 = vector.bitcast %and3A_1398 : vector<16xi32> to vector<16xf32>
        %and3A_1400 = arith.constant -65536 : i32
        %and3A_1401 = vector.broadcast %and3A_1400 : i32 to vector<16xi32>
        %and3A_1402 = arith.andi %gather3A_1381, %and3A_1401 : vector<16xi32>
        %bitcast3A_1403 = vector.bitcast %and3A_1402 : vector<16xi32> to vector<16xf32>
        %and3A_1404 = arith.constant -65536 : i32
        %and3A_1405 = vector.broadcast %and3A_1404 : i32 to vector<16xi32>
        %and3A_1406 = arith.andi %gather3A_1383, %and3A_1405 : vector<16xi32>
        %bitcast3A_1407 = vector.bitcast %and3A_1406 : vector<16xi32> to vector<16xf32>
        %sub3A_1408 = arith.subf %bitcast3A_1403, %bitcast3A_1407 : vector<16xf32>
        %mul3A_1409 = arith.mulf %bitcast3A_1399, %sub3A_1408 : vector<16xf32>
        %add3A_1410 = arith.addf %add3A_1395, %mul3A_1409 : vector<16xf32>
        %scan3A_1411 = arith.constant 1 : i32
        %scan3A_1412 = arith.addi %scan3A_1372, %scan3A_1411 : i32
        %add3A_1413 = vector.broadcast %scan3A_1412 : i32 to vector<16xi32>
        %add3A_1414 = arith.addi %add3A_1413, %iota3A : vector<16xi32>
        %and3A_1415 = arith.constant 31 : i32
        %and3A_1416 = vector.broadcast %and3A_1415 : i32 to vector<16xi32>
        %and3A_1417 = arith.andi %add3A_1414, %and3A_1416 : vector<16xi32>
        %add3A_1418 = arith.addi %mul3A_1332, %and3A_1417 : vector<16xi32>
        %gather3A_1419 = tpu.vector_load_idx %arg13[%add3A_1323, %add3A_1418] : memref<256x128xi32, #tpu.memory_space<vmem>>[vector<16xi32>, vector<16xi32>], vector<16xi32>,
        %add3A_1420 = arith.addi %add3A_1345, %and3A_1417 : vector<16xi32>
        %gather3A_1421 = tpu.vector_load_idx %arg14[%add3A_1323, %add3A_1420] : memref<256x128xi32, #tpu.memory_space<vmem>>[vector<16xi32>, vector<16xi32>], vector<16xi32>,
        %add3A_1422 = arith.addi %add3A_1358, %and3A_1417 : vector<16xi32>
        %gather3A_1423 = tpu.vector_load_idx %arg15[%add3A_1323, %add3A_1422] : memref<256x128xi32, #tpu.memory_space<vmem>>[vector<16xi32>, vector<16xi32>], vector<16xi32>,
        %shift_left3A_1424 = arith.constant 16 : i32
        %shift_left3A_1425 = vector.broadcast %shift_left3A_1424 : i32 to vector<16xi32>
        %shift_left3A_1426 = arith.shli %gather3A_1419, %shift_left3A_1425 : vector<16xi32>
        %bitcast3A_1427 = vector.bitcast %shift_left3A_1426 : vector<16xi32> to vector<16xf32>
        %shift_left3A_1428 = arith.constant 16 : i32
        %shift_left3A_1429 = vector.broadcast %shift_left3A_1428 : i32 to vector<16xi32>
        %shift_left3A_1430 = arith.shli %gather3A_1421, %shift_left3A_1429 : vector<16xi32>
        %bitcast3A_1431 = vector.bitcast %shift_left3A_1430 : vector<16xi32> to vector<16xf32>
        %shift_left3A_1432 = arith.constant 16 : i32
        %shift_left3A_1433 = vector.broadcast %shift_left3A_1432 : i32 to vector<16xi32>
        %shift_left3A_1434 = arith.shli %gather3A_1423, %shift_left3A_1433 : vector<16xi32>
        %bitcast3A_1435 = vector.bitcast %shift_left3A_1434 : vector<16xi32> to vector<16xf32>
        %sub3A_1436 = arith.subf %bitcast3A_1431, %bitcast3A_1435 : vector<16xf32>
        %mul3A_1437 = arith.mulf %bitcast3A_1427, %sub3A_1436 : vector<16xf32>
        %add3A_1438 = arith.addf %add3A_1410, %mul3A_1437 : vector<16xf32>
        %and3A_1439 = arith.constant -65536 : i32
        %and3A_1440 = vector.broadcast %and3A_1439 : i32 to vector<16xi32>
        %and3A_1441 = arith.andi %gather3A_1419, %and3A_1440 : vector<16xi32>
        %bitcast3A_1442 = vector.bitcast %and3A_1441 : vector<16xi32> to vector<16xf32>
        %and3A_1443 = arith.constant -65536 : i32
        %and3A_1444 = vector.broadcast %and3A_1443 : i32 to vector<16xi32>
        %and3A_1445 = arith.andi %gather3A_1421, %and3A_1444 : vector<16xi32>
        %bitcast3A_1446 = vector.bitcast %and3A_1445 : vector<16xi32> to vector<16xf32>
        %and3A_1447 = arith.constant -65536 : i32
        %and3A_1448 = vector.broadcast %and3A_1447 : i32 to vector<16xi32>
        %and3A_1449 = arith.andi %gather3A_1423, %and3A_1448 : vector<16xi32>
        %bitcast3A_1450 = vector.bitcast %and3A_1449 : vector<16xi32> to vector<16xf32>
        %sub3A_1451 = arith.subf %bitcast3A_1446, %bitcast3A_1450 : vector<16xf32>
        %mul3A_1452 = arith.mulf %bitcast3A_1442, %sub3A_1451 : vector<16xf32>
        %add3A_1453 = arith.addf %add3A_1438, %mul3A_1452 : vector<16xf32>
        %scan3A_1454 = arith.constant 2 : i32
        %scan3A_1455 = arith.addi %scan3A_1372, %scan3A_1454 : i32
        %add3A_1456 = vector.broadcast %scan3A_1455 : i32 to vector<16xi32>
        %add3A_1457 = arith.addi %add3A_1456, %iota3A : vector<16xi32>
        %and3A_1458 = arith.constant 31 : i32
        %and3A_1459 = vector.broadcast %and3A_1458 : i32 to vector<16xi32>
        %and3A_1460 = arith.andi %add3A_1457, %and3A_1459 : vector<16xi32>
        %add3A_1461 = arith.addi %mul3A_1332, %and3A_1460 : vector<16xi32>
        %gather3A_1462 = tpu.vector_load_idx %arg13[%add3A_1323, %add3A_1461] : memref<256x128xi32, #tpu.memory_space<vmem>>[vector<16xi32>, vector<16xi32>], vector<16xi32>,
        %add3A_1463 = arith.addi %add3A_1345, %and3A_1460 : vector<16xi32>
        %gather3A_1464 = tpu.vector_load_idx %arg14[%add3A_1323, %add3A_1463] : memref<256x128xi32, #tpu.memory_space<vmem>>[vector<16xi32>, vector<16xi32>], vector<16xi32>,
        %add3A_1465 = arith.addi %add3A_1358, %and3A_1460 : vector<16xi32>
        %gather3A_1466 = tpu.vector_load_idx %arg15[%add3A_1323, %add3A_1465] : memref<256x128xi32, #tpu.memory_space<vmem>>[vector<16xi32>, vector<16xi32>], vector<16xi32>,
        %shift_left3A_1467 = arith.constant 16 : i32
        %shift_left3A_1468 = vector.broadcast %shift_left3A_1467 : i32 to vector<16xi32>
        %shift_left3A_1469 = arith.shli %gather3A_1462, %shift_left3A_1468 : vector<16xi32>
        %bitcast3A_1470 = vector.bitcast %shift_left3A_1469 : vector<16xi32> to vector<16xf32>
        %shift_left3A_1471 = arith.constant 16 : i32
        %shift_left3A_1472 = vector.broadcast %shift_left3A_1471 : i32 to vector<16xi32>
        %shift_left3A_1473 = arith.shli %gather3A_1464, %shift_left3A_1472 : vector<16xi32>
        %bitcast3A_1474 = vector.bitcast %shift_left3A_1473 : vector<16xi32> to vector<16xf32>
        %shift_left3A_1475 = arith.constant 16 : i32
        %shift_left3A_1476 = vector.broadcast %shift_left3A_1475 : i32 to vector<16xi32>
        %shift_left3A_1477 = arith.shli %gather3A_1466, %shift_left3A_1476 : vector<16xi32>
        %bitcast3A_1478 = vector.bitcast %shift_left3A_1477 : vector<16xi32> to vector<16xf32>
        %sub3A_1479 = arith.subf %bitcast3A_1474, %bitcast3A_1478 : vector<16xf32>
        %mul3A_1480 = arith.mulf %bitcast3A_1470, %sub3A_1479 : vector<16xf32>
        %add3A_1481 = arith.addf %add3A_1453, %mul3A_1480 : vector<16xf32>
        %and3A_1482 = arith.constant -65536 : i32
        %and3A_1483 = vector.broadcast %and3A_1482 : i32 to vector<16xi32>
        %and3A_1484 = arith.andi %gather3A_1462, %and3A_1483 : vector<16xi32>
        %bitcast3A_1485 = vector.bitcast %and3A_1484 : vector<16xi32> to vector<16xf32>
        %and3A_1486 = arith.constant -65536 : i32
        %and3A_1487 = vector.broadcast %and3A_1486 : i32 to vector<16xi32>
        %and3A_1488 = arith.andi %gather3A_1464, %and3A_1487 : vector<16xi32>
        %bitcast3A_1489 = vector.bitcast %and3A_1488 : vector<16xi32> to vector<16xf32>
        %and3A_1490 = arith.constant -65536 : i32
        %and3A_1491 = vector.broadcast %and3A_1490 : i32 to vector<16xi32>
        %and3A_1492 = arith.andi %gather3A_1466, %and3A_1491 : vector<16xi32>
        %bitcast3A_1493 = vector.bitcast %and3A_1492 : vector<16xi32> to vector<16xf32>
        %sub3A_1494 = arith.subf %bitcast3A_1489, %bitcast3A_1493 : vector<16xf32>
        %mul3A_1495 = arith.mulf %bitcast3A_1485, %sub3A_1494 : vector<16xf32>
        %add3A_1496 = arith.addf %add3A_1481, %mul3A_1495 : vector<16xf32>
        %scan3A_1497 = arith.constant 3 : i32
        %scan3A_1498 = arith.addi %scan3A_1372, %scan3A_1497 : i32
        %add3A_1499 = vector.broadcast %scan3A_1498 : i32 to vector<16xi32>
        %add3A_1500 = arith.addi %add3A_1499, %iota3A : vector<16xi32>
        %and3A_1501 = arith.constant 31 : i32
        %and3A_1502 = vector.broadcast %and3A_1501 : i32 to vector<16xi32>
        %and3A_1503 = arith.andi %add3A_1500, %and3A_1502 : vector<16xi32>
        %add3A_1504 = arith.addi %mul3A_1332, %and3A_1503 : vector<16xi32>
        %gather3A_1505 = tpu.vector_load_idx %arg13[%add3A_1323, %add3A_1504] : memref<256x128xi32, #tpu.memory_space<vmem>>[vector<16xi32>, vector<16xi32>], vector<16xi32>,
        %add3A_1506 = arith.addi %add3A_1345, %and3A_1503 : vector<16xi32>
        %gather3A_1507 = tpu.vector_load_idx %arg14[%add3A_1323, %add3A_1506] : memref<256x128xi32, #tpu.memory_space<vmem>>[vector<16xi32>, vector<16xi32>], vector<16xi32>,
        %add3A_1508 = arith.addi %add3A_1358, %and3A_1503 : vector<16xi32>
        %gather3A_1509 = tpu.vector_load_idx %arg15[%add3A_1323, %add3A_1508] : memref<256x128xi32, #tpu.memory_space<vmem>>[vector<16xi32>, vector<16xi32>], vector<16xi32>,
        %shift_left3A_1510 = arith.constant 16 : i32
        %shift_left3A_1511 = vector.broadcast %shift_left3A_1510 : i32 to vector<16xi32>
        %shift_left3A_1512 = arith.shli %gather3A_1505, %shift_left3A_1511 : vector<16xi32>
        %bitcast3A_1513 = vector.bitcast %shift_left3A_1512 : vector<16xi32> to vector<16xf32>
        %shift_left3A_1514 = arith.constant 16 : i32
        %shift_left3A_1515 = vector.broadcast %shift_left3A_1514 : i32 to vector<16xi32>
        %shift_left3A_1516 = arith.shli %gather3A_1507, %shift_left3A_1515 : vector<16xi32>
        %bitcast3A_1517 = vector.bitcast %shift_left3A_1516 : vector<16xi32> to vector<16xf32>
        %shift_left3A_1518 = arith.constant 16 : i32
        %shift_left3A_1519 = vector.broadcast %shift_left3A_1518 : i32 to vector<16xi32>
        %shift_left3A_1520 = arith.shli %gather3A_1509, %shift_left3A_1519 : vector<16xi32>
        %bitcast3A_1521 = vector.bitcast %shift_left3A_1520 : vector<16xi32> to vector<16xf32>
        %sub3A_1522 = arith.subf %bitcast3A_1517, %bitcast3A_1521 : vector<16xf32>
        %mul3A_1523 = arith.mulf %bitcast3A_1513, %sub3A_1522 : vector<16xf32>
        %add3A_1524 = arith.addf %add3A_1496, %mul3A_1523 : vector<16xf32>
        %and3A_1525 = arith.constant -65536 : i32
        %and3A_1526 = vector.broadcast %and3A_1525 : i32 to vector<16xi32>
        %and3A_1527 = arith.andi %gather3A_1505, %and3A_1526 : vector<16xi32>
        %bitcast3A_1528 = vector.bitcast %and3A_1527 : vector<16xi32> to vector<16xf32>
        %and3A_1529 = arith.constant -65536 : i32
        %and3A_1530 = vector.broadcast %and3A_1529 : i32 to vector<16xi32>
        %and3A_1531 = arith.andi %gather3A_1507, %and3A_1530 : vector<16xi32>
        %bitcast3A_1532 = vector.bitcast %and3A_1531 : vector<16xi32> to vector<16xf32>
        %and3A_1533 = arith.constant -65536 : i32
        %and3A_1534 = vector.broadcast %and3A_1533 : i32 to vector<16xi32>
        %and3A_1535 = arith.andi %gather3A_1509, %and3A_1534 : vector<16xi32>
        %bitcast3A_1536 = vector.bitcast %and3A_1535 : vector<16xi32> to vector<16xf32>
        %sub3A_1537 = arith.subf %bitcast3A_1532, %bitcast3A_1536 : vector<16xf32>
        %mul3A_1538 = arith.mulf %bitcast3A_1528, %sub3A_1537 : vector<16xf32>
        %add3A_1539 = arith.addf %add3A_1524, %mul3A_1538 : vector<16xf32>
        %scan3A_1540 = arith.constant 4 : i32
        %scan3A_1541 = arith.addi %scan3A_1372, %scan3A_1540 : i32
        %add3A_1542 = vector.broadcast %scan3A_1541 : i32 to vector<16xi32>
        %add3A_1543 = arith.addi %add3A_1542, %iota3A : vector<16xi32>
        %and3A_1544 = arith.constant 31 : i32
        %and3A_1545 = vector.broadcast %and3A_1544 : i32 to vector<16xi32>
        %and3A_1546 = arith.andi %add3A_1543, %and3A_1545 : vector<16xi32>
        %add3A_1547 = arith.addi %mul3A_1332, %and3A_1546 : vector<16xi32>
        %gather3A_1548 = tpu.vector_load_idx %arg13[%add3A_1323, %add3A_1547] : memref<256x128xi32, #tpu.memory_space<vmem>>[vector<16xi32>, vector<16xi32>], vector<16xi32>,
        %add3A_1549 = arith.addi %add3A_1345, %and3A_1546 : vector<16xi32>
        %gather3A_1550 = tpu.vector_load_idx %arg14[%add3A_1323, %add3A_1549] : memref<256x128xi32, #tpu.memory_space<vmem>>[vector<16xi32>, vector<16xi32>], vector<16xi32>,
        %add3A_1551 = arith.addi %add3A_1358, %and3A_1546 : vector<16xi32>
        %gather3A_1552 = tpu.vector_load_idx %arg15[%add3A_1323, %add3A_1551] : memref<256x128xi32, #tpu.memory_space<vmem>>[vector<16xi32>, vector<16xi32>], vector<16xi32>,
        %shift_left3A_1553 = arith.constant 16 : i32
        %shift_left3A_1554 = vector.broadcast %shift_left3A_1553 : i32 to vector<16xi32>
        %shift_left3A_1555 = arith.shli %gather3A_1548, %shift_left3A_1554 : vector<16xi32>
        %bitcast3A_1556 = vector.bitcast %shift_left3A_1555 : vector<16xi32> to vector<16xf32>
        %shift_left3A_1557 = arith.constant 16 : i32
        %shift_left3A_1558 = vector.broadcast %shift_left3A_1557 : i32 to vector<16xi32>
        %shift_left3A_1559 = arith.shli %gather3A_1550, %shift_left3A_1558 : vector<16xi32>
        %bitcast3A_1560 = vector.bitcast %shift_left3A_1559 : vector<16xi32> to vector<16xf32>
        %shift_left3A_1561 = arith.constant 16 : i32
        %shift_left3A_1562 = vector.broadcast %shift_left3A_1561 : i32 to vector<16xi32>
        %shift_left3A_1563 = arith.shli %gather3A_1552, %shift_left3A_1562 : vector<16xi32>
        %bitcast3A_1564 = vector.bitcast %shift_left3A_1563 : vector<16xi32> to vector<16xf32>
        %sub3A_1565 = arith.subf %bitcast3A_1560, %bitcast3A_1564 : vector<16xf32>
        %mul3A_1566 = arith.mulf %bitcast3A_1556, %sub3A_1565 : vector<16xf32>
        %add3A_1567 = arith.addf %add3A_1539, %mul3A_1566 : vector<16xf32>
        %and3A_1568 = arith.constant -65536 : i32
        %and3A_1569 = vector.broadcast %and3A_1568 : i32 to vector<16xi32>
        %and3A_1570 = arith.andi %gather3A_1548, %and3A_1569 : vector<16xi32>
        %bitcast3A_1571 = vector.bitcast %and3A_1570 : vector<16xi32> to vector<16xf32>
        %and3A_1572 = arith.constant -65536 : i32
        %and3A_1573 = vector.broadcast %and3A_1572 : i32 to vector<16xi32>
        %and3A_1574 = arith.andi %gather3A_1550, %and3A_1573 : vector<16xi32>
        %bitcast3A_1575 = vector.bitcast %and3A_1574 : vector<16xi32> to vector<16xf32>
        %and3A_1576 = arith.constant -65536 : i32
        %and3A_1577 = vector.broadcast %and3A_1576 : i32 to vector<16xi32>
        %and3A_1578 = arith.andi %gather3A_1552, %and3A_1577 : vector<16xi32>
        %bitcast3A_1579 = vector.bitcast %and3A_1578 : vector<16xi32> to vector<16xf32>
        %sub3A_1580 = arith.subf %bitcast3A_1575, %bitcast3A_1579 : vector<16xf32>
        %mul3A_1581 = arith.mulf %bitcast3A_1571, %sub3A_1580 : vector<16xf32>
        %add3A_1582 = arith.addf %add3A_1567, %mul3A_1581 : vector<16xf32>
        %scan3A_1583 = arith.constant 5 : i32
        %scan3A_1584 = arith.addi %scan3A_1372, %scan3A_1583 : i32
        %add3A_1585 = vector.broadcast %scan3A_1584 : i32 to vector<16xi32>
        %add3A_1586 = arith.addi %add3A_1585, %iota3A : vector<16xi32>
        %and3A_1587 = arith.constant 31 : i32
        %and3A_1588 = vector.broadcast %and3A_1587 : i32 to vector<16xi32>
        %and3A_1589 = arith.andi %add3A_1586, %and3A_1588 : vector<16xi32>
        %add3A_1590 = arith.addi %mul3A_1332, %and3A_1589 : vector<16xi32>
        %gather3A_1591 = tpu.vector_load_idx %arg13[%add3A_1323, %add3A_1590] : memref<256x128xi32, #tpu.memory_space<vmem>>[vector<16xi32>, vector<16xi32>], vector<16xi32>,
        %add3A_1592 = arith.addi %add3A_1345, %and3A_1589 : vector<16xi32>
        %gather3A_1593 = tpu.vector_load_idx %arg14[%add3A_1323, %add3A_1592] : memref<256x128xi32, #tpu.memory_space<vmem>>[vector<16xi32>, vector<16xi32>], vector<16xi32>,
        %add3A_1594 = arith.addi %add3A_1358, %and3A_1589 : vector<16xi32>
        %gather3A_1595 = tpu.vector_load_idx %arg15[%add3A_1323, %add3A_1594] : memref<256x128xi32, #tpu.memory_space<vmem>>[vector<16xi32>, vector<16xi32>], vector<16xi32>,
        %shift_left3A_1596 = arith.constant 16 : i32
        %shift_left3A_1597 = vector.broadcast %shift_left3A_1596 : i32 to vector<16xi32>
        %shift_left3A_1598 = arith.shli %gather3A_1591, %shift_left3A_1597 : vector<16xi32>
        %bitcast3A_1599 = vector.bitcast %shift_left3A_1598 : vector<16xi32> to vector<16xf32>
        %shift_left3A_1600 = arith.constant 16 : i32
        %shift_left3A_1601 = vector.broadcast %shift_left3A_1600 : i32 to vector<16xi32>
        %shift_left3A_1602 = arith.shli %gather3A_1593, %shift_left3A_1601 : vector<16xi32>
        %bitcast3A_1603 = vector.bitcast %shift_left3A_1602 : vector<16xi32> to vector<16xf32>
        %shift_left3A_1604 = arith.constant 16 : i32
        %shift_left3A_1605 = vector.broadcast %shift_left3A_1604 : i32 to vector<16xi32>
        %shift_left3A_1606 = arith.shli %gather3A_1595, %shift_left3A_1605 : vector<16xi32>
        %bitcast3A_1607 = vector.bitcast %shift_left3A_1606 : vector<16xi32> to vector<16xf32>
        %sub3A_1608 = arith.subf %bitcast3A_1603, %bitcast3A_1607 : vector<16xf32>
        %mul3A_1609 = arith.mulf %bitcast3A_1599, %sub3A_1608 : vector<16xf32>
        %add3A_1610 = arith.addf %add3A_1582, %mul3A_1609 : vector<16xf32>
        %and3A_1611 = arith.constant -65536 : i32
        %and3A_1612 = vector.broadcast %and3A_1611 : i32 to vector<16xi32>
        %and3A_1613 = arith.andi %gather3A_1591, %and3A_1612 : vector<16xi32>
        %bitcast3A_1614 = vector.bitcast %and3A_1613 : vector<16xi32> to vector<16xf32>
        %and3A_1615 = arith.constant -65536 : i32
        %and3A_1616 = vector.broadcast %and3A_1615 : i32 to vector<16xi32>
        %and3A_1617 = arith.andi %gather3A_1593, %and3A_1616 : vector<16xi32>
        %bitcast3A_1618 = vector.bitcast %and3A_1617 : vector<16xi32> to vector<16xf32>
        %and3A_1619 = arith.constant -65536 : i32
        %and3A_1620 = vector.broadcast %and3A_1619 : i32 to vector<16xi32>
        %and3A_1621 = arith.andi %gather3A_1595, %and3A_1620 : vector<16xi32>
        %bitcast3A_1622 = vector.bitcast %and3A_1621 : vector<16xi32> to vector<16xf32>
        %sub3A_1623 = arith.subf %bitcast3A_1618, %bitcast3A_1622 : vector<16xf32>
        %mul3A_1624 = arith.mulf %bitcast3A_1614, %sub3A_1623 : vector<16xf32>
        %add3A_1625 = arith.addf %add3A_1610, %mul3A_1624 : vector<16xf32>
        %scan3A_1626 = arith.constant 6 : i32
        %scan3A_1627 = arith.addi %scan3A_1372, %scan3A_1626 : i32
        %add3A_1628 = vector.broadcast %scan3A_1627 : i32 to vector<16xi32>
        %add3A_1629 = arith.addi %add3A_1628, %iota3A : vector<16xi32>
        %and3A_1630 = arith.constant 31 : i32
        %and3A_1631 = vector.broadcast %and3A_1630 : i32 to vector<16xi32>
        %and3A_1632 = arith.andi %add3A_1629, %and3A_1631 : vector<16xi32>
        %add3A_1633 = arith.addi %mul3A_1332, %and3A_1632 : vector<16xi32>
        %gather3A_1634 = tpu.vector_load_idx %arg13[%add3A_1323, %add3A_1633] : memref<256x128xi32, #tpu.memory_space<vmem>>[vector<16xi32>, vector<16xi32>], vector<16xi32>,
        %add3A_1635 = arith.addi %add3A_1345, %and3A_1632 : vector<16xi32>
        %gather3A_1636 = tpu.vector_load_idx %arg14[%add3A_1323, %add3A_1635] : memref<256x128xi32, #tpu.memory_space<vmem>>[vector<16xi32>, vector<16xi32>], vector<16xi32>,
        %add3A_1637 = arith.addi %add3A_1358, %and3A_1632 : vector<16xi32>
        %gather3A_1638 = tpu.vector_load_idx %arg15[%add3A_1323, %add3A_1637] : memref<256x128xi32, #tpu.memory_space<vmem>>[vector<16xi32>, vector<16xi32>], vector<16xi32>,
        %shift_left3A_1639 = arith.constant 16 : i32
        %shift_left3A_1640 = vector.broadcast %shift_left3A_1639 : i32 to vector<16xi32>
        %shift_left3A_1641 = arith.shli %gather3A_1634, %shift_left3A_1640 : vector<16xi32>
        %bitcast3A_1642 = vector.bitcast %shift_left3A_1641 : vector<16xi32> to vector<16xf32>
        %shift_left3A_1643 = arith.constant 16 : i32
        %shift_left3A_1644 = vector.broadcast %shift_left3A_1643 : i32 to vector<16xi32>
        %shift_left3A_1645 = arith.shli %gather3A_1636, %shift_left3A_1644 : vector<16xi32>
        %bitcast3A_1646 = vector.bitcast %shift_left3A_1645 : vector<16xi32> to vector<16xf32>
        %shift_left3A_1647 = arith.constant 16 : i32
        %shift_left3A_1648 = vector.broadcast %shift_left3A_1647 : i32 to vector<16xi32>
        %shift_left3A_1649 = arith.shli %gather3A_1638, %shift_left3A_1648 : vector<16xi32>
        %bitcast3A_1650 = vector.bitcast %shift_left3A_1649 : vector<16xi32> to vector<16xf32>
        %sub3A_1651 = arith.subf %bitcast3A_1646, %bitcast3A_1650 : vector<16xf32>
        %mul3A_1652 = arith.mulf %bitcast3A_1642, %sub3A_1651 : vector<16xf32>
        %add3A_1653 = arith.addf %add3A_1625, %mul3A_1652 : vector<16xf32>
        %and3A_1654 = arith.constant -65536 : i32
        %and3A_1655 = vector.broadcast %and3A_1654 : i32 to vector<16xi32>
        %and3A_1656 = arith.andi %gather3A_1634, %and3A_1655 : vector<16xi32>
        %bitcast3A_1657 = vector.bitcast %and3A_1656 : vector<16xi32> to vector<16xf32>
        %and3A_1658 = arith.constant -65536 : i32
        %and3A_1659 = vector.broadcast %and3A_1658 : i32 to vector<16xi32>
        %and3A_1660 = arith.andi %gather3A_1636, %and3A_1659 : vector<16xi32>
        %bitcast3A_1661 = vector.bitcast %and3A_1660 : vector<16xi32> to vector<16xf32>
        %and3A_1662 = arith.constant -65536 : i32
        %and3A_1663 = vector.broadcast %and3A_1662 : i32 to vector<16xi32>
        %and3A_1664 = arith.andi %gather3A_1638, %and3A_1663 : vector<16xi32>
        %bitcast3A_1665 = vector.bitcast %and3A_1664 : vector<16xi32> to vector<16xf32>
        %sub3A_1666 = arith.subf %bitcast3A_1661, %bitcast3A_1665 : vector<16xf32>
        %mul3A_1667 = arith.mulf %bitcast3A_1657, %sub3A_1666 : vector<16xf32>
        %add3A_1668 = arith.addf %add3A_1653, %mul3A_1667 : vector<16xf32>
        %scan3A_1669 = arith.constant 7 : i32
        %scan3A_1670 = arith.addi %scan3A_1372, %scan3A_1669 : i32
        %add3A_1671 = vector.broadcast %scan3A_1670 : i32 to vector<16xi32>
        %add3A_1672 = arith.addi %add3A_1671, %iota3A : vector<16xi32>
        %and3A_1673 = arith.constant 31 : i32
        %and3A_1674 = vector.broadcast %and3A_1673 : i32 to vector<16xi32>
        %and3A_1675 = arith.andi %add3A_1672, %and3A_1674 : vector<16xi32>
        %add3A_1676 = arith.addi %mul3A_1332, %and3A_1675 : vector<16xi32>
        %gather3A_1677 = tpu.vector_load_idx %arg13[%add3A_1323, %add3A_1676] : memref<256x128xi32, #tpu.memory_space<vmem>>[vector<16xi32>, vector<16xi32>], vector<16xi32>,
        %add3A_1678 = arith.addi %add3A_1345, %and3A_1675 : vector<16xi32>
        %gather3A_1679 = tpu.vector_load_idx %arg14[%add3A_1323, %add3A_1678] : memref<256x128xi32, #tpu.memory_space<vmem>>[vector<16xi32>, vector<16xi32>], vector<16xi32>,
        %add3A_1680 = arith.addi %add3A_1358, %and3A_1675 : vector<16xi32>
        %gather3A_1681 = tpu.vector_load_idx %arg15[%add3A_1323, %add3A_1680] : memref<256x128xi32, #tpu.memory_space<vmem>>[vector<16xi32>, vector<16xi32>], vector<16xi32>,
        %shift_left3A_1682 = arith.constant 16 : i32
        %shift_left3A_1683 = vector.broadcast %shift_left3A_1682 : i32 to vector<16xi32>
        %shift_left3A_1684 = arith.shli %gather3A_1677, %shift_left3A_1683 : vector<16xi32>
        %bitcast3A_1685 = vector.bitcast %shift_left3A_1684 : vector<16xi32> to vector<16xf32>
        %shift_left3A_1686 = arith.constant 16 : i32
        %shift_left3A_1687 = vector.broadcast %shift_left3A_1686 : i32 to vector<16xi32>
        %shift_left3A_1688 = arith.shli %gather3A_1679, %shift_left3A_1687 : vector<16xi32>
        %bitcast3A_1689 = vector.bitcast %shift_left3A_1688 : vector<16xi32> to vector<16xf32>
        %shift_left3A_1690 = arith.constant 16 : i32
        %shift_left3A_1691 = vector.broadcast %shift_left3A_1690 : i32 to vector<16xi32>
        %shift_left3A_1692 = arith.shli %gather3A_1681, %shift_left3A_1691 : vector<16xi32>
        %bitcast3A_1693 = vector.bitcast %shift_left3A_1692 : vector<16xi32> to vector<16xf32>
        %sub3A_1694 = arith.subf %bitcast3A_1689, %bitcast3A_1693 : vector<16xf32>
        %mul3A_1695 = arith.mulf %bitcast3A_1685, %sub3A_1694 : vector<16xf32>
        %add3A_1696 = arith.addf %add3A_1668, %mul3A_1695 : vector<16xf32>
        %and3A_1697 = arith.constant -65536 : i32
        %and3A_1698 = vector.broadcast %and3A_1697 : i32 to vector<16xi32>
        %and3A_1699 = arith.andi %gather3A_1677, %and3A_1698 : vector<16xi32>
        %bitcast3A_1700 = vector.bitcast %and3A_1699 : vector<16xi32> to vector<16xf32>
        %and3A_1701 = arith.constant -65536 : i32
        %and3A_1702 = vector.broadcast %and3A_1701 : i32 to vector<16xi32>
        %and3A_1703 = arith.andi %gather3A_1679, %and3A_1702 : vector<16xi32>
        %bitcast3A_1704 = vector.bitcast %and3A_1703 : vector<16xi32> to vector<16xf32>
        %and3A_1705 = arith.constant -65536 : i32
        %and3A_1706 = vector.broadcast %and3A_1705 : i32 to vector<16xi32>
        %and3A_1707 = arith.andi %gather3A_1681, %and3A_1706 : vector<16xi32>
        %bitcast3A_1708 = vector.bitcast %and3A_1707 : vector<16xi32> to vector<16xf32>
        %sub3A_1709 = arith.subf %bitcast3A_1704, %bitcast3A_1708 : vector<16xf32>
        %mul3A_1710 = arith.mulf %bitcast3A_1700, %sub3A_1709 : vector<16xf32>
        %add3A_1711 = arith.addf %add3A_1696, %mul3A_1710 : vector<16xf32>
        scf.yield %add3A_1711 : vector<16xf32>
      }
      %scan3A_1365 = arith.constant 32 : i32
      %mul3A_1366 = arith.constant 16 : i32
      %mul3A_1367 = arith.muli %scan3A_1315, %mul3A_1366 : i32
      %add3A_1368 = arith.constant 256 : i32
      %add3A_1369 = arith.addi %add3A_1368, %mul3A_1367 : i32
      %swap3A_1370 = arith.index_cast %add3A_1369 : i32 to index
      %swap3A_1371 = tpu.vector_load %arg16[%swap3A_1370] {strides = array<i32>} : memref<512xf32, #tpu.memory_space<vmem>>, vector<16xf32>,
      tpu.vector_store %arg16[%swap3A_1370], %scan3A_1364 {strides = array<i32>} : memref<512xf32, #tpu.memory_space<vmem>>, vector<16xf32>,
    }
    %scan3A_1279 = arith.constant 8 : i32
    %dma_wait3A_1280 = arith.constant 3 : i32
    %dma_wait3A_1281 = arith.constant 128 : i32
    %dma_wait3A_1282 = arith.constant 0 : i32
    %dma_wait3A_1283 = tpu.memref_slice %arg13[%dma_wait3A_1281, %dma_wait3A_1282] : memref<256x128xi32, #tpu.memory_space<vmem>> -> memref<128x128xi32, #tpu.memory_space<vmem>>
    %dma_wait3A_1284 = arith.constant 0 : i32
    %dma_wait3A_1285 = tpu.memref_slice %arg10[%dma_wait3A_1280, %dma_wait3A_1284] : memref<4x128xi32, #tpu.memory_space<vmem>> -> memref<1x128xi32, #tpu.memory_space<vmem>>
    %dma_wait3A_1286 = tpu.memref_squeeze %dma_wait3A_1285 : memref<1x128xi32, #tpu.memory_space<vmem>> -> memref<128xi32, #tpu.memory_space<vmem>>
    %dma_wait3A_1287 = arith.constant 0 : i32
    %dma_wait3A_1288 = arith.constant 0 : i32
    %dma_wait3A_1289 = tpu.memref_slice %arg5[%dma_wait3A_1287, %dma_wait3A_1288] : memref<500000x128xi32, #tpu.memory_space<hbm>> -> memref<500000x128xi32, #tpu.memory_space<hbm>>
    tpu.wait_indirect_dma semaphore(%arg17 : memref<!tpu.dma_semaphore, #tpu.memory_space<semaphore_mem>>) src(%dma_wait3A_1289 : memref<500000x128xi32, #tpu.memory_space<hbm>>) dst(%dma_wait3A_1283 : memref<128x128xi32, #tpu.memory_space<vmem>>)
    %dma_wait3A_1290 = arith.constant 3 : i32
    %dma_wait3A_1291 = arith.constant 128 : i32
    %dma_wait3A_1292 = arith.constant 0 : i32
    %dma_wait3A_1293 = tpu.memref_slice %arg14[%dma_wait3A_1291, %dma_wait3A_1292] : memref<256x128xi32, #tpu.memory_space<vmem>> -> memref<128x128xi32, #tpu.memory_space<vmem>>
    %dma_wait3A_1294 = arith.constant 0 : i32
    %dma_wait3A_1295 = tpu.memref_slice %arg11[%dma_wait3A_1290, %dma_wait3A_1294] : memref<4x128xi32, #tpu.memory_space<vmem>> -> memref<1x128xi32, #tpu.memory_space<vmem>>
    %dma_wait3A_1296 = tpu.memref_squeeze %dma_wait3A_1295 : memref<1x128xi32, #tpu.memory_space<vmem>> -> memref<128xi32, #tpu.memory_space<vmem>>
    %dma_wait3A_1297 = arith.constant 0 : i32
    %dma_wait3A_1298 = arith.constant 0 : i32
    %dma_wait3A_1299 = tpu.memref_slice %arg5[%dma_wait3A_1297, %dma_wait3A_1298] : memref<500000x128xi32, #tpu.memory_space<hbm>> -> memref<500000x128xi32, #tpu.memory_space<hbm>>
    tpu.wait_indirect_dma semaphore(%arg17 : memref<!tpu.dma_semaphore, #tpu.memory_space<semaphore_mem>>) src(%dma_wait3A_1299 : memref<500000x128xi32, #tpu.memory_space<hbm>>) dst(%dma_wait3A_1293 : memref<128x128xi32, #tpu.memory_space<vmem>>)
    %dma_wait3A_1300 = arith.constant 3 : i32
    %dma_wait3A_1301 = arith.constant 128 : i32
    %dma_wait3A_1302 = arith.constant 0 : i32
    %dma_wait3A_1303 = tpu.memref_slice %arg15[%dma_wait3A_1301, %dma_wait3A_1302] : memref<256x128xi32, #tpu.memory_space<vmem>> -> memref<128x128xi32, #tpu.memory_space<vmem>>
    %dma_wait3A_1304 = arith.constant 0 : i32
    %dma_wait3A_1305 = tpu.memref_slice %arg12[%dma_wait3A_1300, %dma_wait3A_1304] : memref<4x128xi32, #tpu.memory_space<vmem>> -> memref<1x128xi32, #tpu.memory_space<vmem>>
    %dma_wait3A_1306 = tpu.memref_squeeze %dma_wait3A_1305 : memref<1x128xi32, #tpu.memory_space<vmem>> -> memref<128xi32, #tpu.memory_space<vmem>>
    %dma_wait3A_1307 = arith.constant 0 : i32
    %dma_wait3A_1308 = arith.constant 0 : i32
    %dma_wait3A_1309 = tpu.memref_slice %arg5[%dma_wait3A_1307, %dma_wait3A_1308] : memref<500000x128xi32, #tpu.memory_space<hbm>> -> memref<500000x128xi32, #tpu.memory_space<hbm>>
    tpu.wait_indirect_dma semaphore(%arg17 : memref<!tpu.dma_semaphore, #tpu.memory_space<semaphore_mem>>) src(%dma_wait3A_1309 : memref<500000x128xi32, #tpu.memory_space<hbm>>) dst(%dma_wait3A_1303 : memref<128x128xi32, #tpu.memory_space<vmem>>)
    %scan3A_1310 = arith.constant 0 : i32
    %scan3A_1311 = arith.constant 8 : i32
    %scan3A_1312 = arith.addi %scan3A_1310, %scan3A_1311 : i32
    %scan3A_1313 = arith.constant 1 : i32
    scf.for %scan3A_1315 = %scan3A_1310 to %scan3A_1312 step %scan3A_1313  : i32 {
      %mul3A_1316 = arith.constant 16 : i32
      %mul3A_1317 = arith.muli %scan3A_1315, %mul3A_1316 : i32
      %mul3A_1318 = arith.constant 16 : i32
      %mul3A_1319 = arith.muli %scan3A_1315, %mul3A_1318 : i32
      %add3A_1320 = arith.constant 128 : i32
      %add3A_1321 = arith.addi %add3A_1320, %mul3A_1319 : i32
      %add3A_1322 = vector.broadcast %add3A_1321 : i32 to vector<16xi32>
      %add3A_1323 = arith.addi %add3A_1322, %iota3A : vector<16xi32>
      %get3A_1324 = arith.constant 3 : i32
      %get3A_1325 = arith.index_cast %get3A_1324 : i32 to index
      %get3A_1326 = arith.index_cast %mul3A_1317 : i32 to index
      %get3A_1327 = tpu.vector_load %arg7[%get3A_1325, %get3A_1326] {strides = array<i32>} : memref<4x128xi32, #tpu.memory_space<vmem>>, vector<16xi32>,
      %and3A = arith.constant 1 : i32
      %and3A_1328 = vector.broadcast %and3A : i32 to vector<16xi32>
      %and3A_1329 = arith.andi %get3A_1327, %and3A_1328 : vector<16xi32>
      %mul3A_1330 = arith.constant 64 : i32
      %mul3A_1331 = vector.broadcast %mul3A_1330 : i32 to vector<16xi32>
      %mul3A_1332 = arith.muli %and3A_1329, %mul3A_1331 : vector<16xi32>
      %get3A_1333 = arith.constant 3 : i32
      %get3A_1334 = arith.index_cast %get3A_1333 : i32 to index
      %get3A_1335 = arith.index_cast %mul3A_1317 : i32 to index
      %get3A_1336 = tpu.vector_load %arg8[%get3A_1334, %get3A_1335] {strides = array<i32>} : memref<4x128xi32, #tpu.memory_space<vmem>>, vector<16xi32>,
      %and3A_1337 = arith.constant 1 : i32
      %and3A_1338 = vector.broadcast %and3A_1337 : i32 to vector<16xi32>
      %and3A_1339 = arith.andi %get3A_1336, %and3A_1338 : vector<16xi32>
      %mul3A_1340 = arith.constant 64 : i32
      %mul3A_1341 = vector.broadcast %mul3A_1340 : i32 to vector<16xi32>
      %mul3A_1342 = arith.muli %and3A_1339, %mul3A_1341 : vector<16xi32>
      %add3A_1343 = arith.constant 32 : i32
      %add3A_1344 = vector.broadcast %add3A_1343 : i32 to vector<16xi32>
      %add3A_1345 = arith.addi %mul3A_1342, %add3A_1344 : vector<16xi32>
      %get3A_1346 = arith.constant 3 : i32
      %get3A_1347 = arith.index_cast %get3A_1346 : i32 to index
      %get3A_1348 = arith.index_cast %mul3A_1317 : i32 to index
      %get3A_1349 = tpu.vector_load %arg9[%get3A_1347, %get3A_1348] {strides = array<i32>} : memref<4x128xi32, #tpu.memory_space<vmem>>, vector<16xi32>,
      %and3A_1350 = arith.constant 1 : i32
      %and3A_1351 = vector.broadcast %and3A_1350 : i32 to vector<16xi32>
      %and3A_1352 = arith.andi %get3A_1349, %and3A_1351 : vector<16xi32>
      %mul3A_1353 = arith.constant 64 : i32
      %mul3A_1354 = vector.broadcast %mul3A_1353 : i32 to vector<16xi32>
      %mul3A_1355 = arith.muli %and3A_1352, %mul3A_1354 : vector<16xi32>
      %add3A_1356 = arith.constant 32 : i32
      %add3A_1357 = vector.broadcast %add3A_1356 : i32 to vector<16xi32>
      %add3A_1358 = arith.addi %mul3A_1355, %add3A_1357 : vector<16xi32>
      %broadcast_in_dim3A = arith.constant 0.000000e+00 : f32
      %broadcast_in_dim3A_1359 = vector.broadcast %broadcast_in_dim3A : f32 to vector<16xf32>
      %scan3A_1360 = arith.constant 0 : i32
      %scan3A_1361 = arith.constant 32 : i32
      %scan3A_1362 = arith.addi %scan3A_1360, %scan3A_1361 : i32
      %scan3A_1363 = arith.constant 8 : i32
      %scan3A_1364 = scf.for %scan3A_1372 = %scan3A_1360 to %scan3A_1362 step %scan3A_1363 iter_args(%scan3A_1373 = %broadcast_in_dim3A_1359) -> (vector<16xf32>)  : i32 {
        %add3A_1374 = vector.broadcast %scan3A_1372 : i32 to vector<16xi32>
        %add3A_1375 = arith.addi %add3A_1374, %iota3A : vector<16xi32>
        %and3A_1376 = arith.constant 31 : i32
        %and3A_1377 = vector.broadcast %and3A_1376 : i32 to vector<16xi32>
        %and3A_1378 = arith.andi %add3A_1375, %and3A_1377 : vector<16xi32>
        %add3A_1379 = arith.addi %mul3A_1332, %and3A_1378 : vector<16xi32>
        %gather3A = tpu.vector_load_idx %arg13[%add3A_1323, %add3A_1379] : memref<256x128xi32, #tpu.memory_space<vmem>>[vector<16xi32>, vector<16xi32>], vector<16xi32>,
        %add3A_1380 = arith.addi %add3A_1345, %and3A_1378 : vector<16xi32>
        %gather3A_1381 = tpu.vector_load_idx %arg14[%add3A_1323, %add3A_1380] : memref<256x128xi32, #tpu.memory_space<vmem>>[vector<16xi32>, vector<16xi32>], vector<16xi32>,
        %add3A_1382 = arith.addi %add3A_1358, %and3A_1378 : vector<16xi32>
        %gather3A_1383 = tpu.vector_load_idx %arg15[%add3A_1323, %add3A_1382] : memref<256x128xi32, #tpu.memory_space<vmem>>[vector<16xi32>, vector<16xi32>], vector<16xi32>,
        %shift_left3A = arith.constant 16 : i32
        %shift_left3A_1384 = vector.broadcast %shift_left3A : i32 to vector<16xi32>
        %shift_left3A_1385 = arith.shli %gather3A, %shift_left3A_1384 : vector<16xi32>
        %bitcast3A = vector.bitcast %shift_left3A_1385 : vector<16xi32> to vector<16xf32>
        %shift_left3A_1386 = arith.constant 16 : i32
        %shift_left3A_1387 = vector.broadcast %shift_left3A_1386 : i32 to vector<16xi32>
        %shift_left3A_1388 = arith.shli %gather3A_1381, %shift_left3A_1387 : vector<16xi32>
        %bitcast3A_1389 = vector.bitcast %shift_left3A_1388 : vector<16xi32> to vector<16xf32>
        %shift_left3A_1390 = arith.constant 16 : i32
        %shift_left3A_1391 = vector.broadcast %shift_left3A_1390 : i32 to vector<16xi32>
        %shift_left3A_1392 = arith.shli %gather3A_1383, %shift_left3A_1391 : vector<16xi32>
        %bitcast3A_1393 = vector.bitcast %shift_left3A_1392 : vector<16xi32> to vector<16xf32>
        %sub3A = arith.subf %bitcast3A_1389, %bitcast3A_1393 : vector<16xf32>
        %mul3A_1394 = arith.mulf %bitcast3A, %sub3A : vector<16xf32>
        %add3A_1395 = arith.addf %scan3A_1373, %mul3A_1394 : vector<16xf32>
        %and3A_1396 = arith.constant -65536 : i32
        %and3A_1397 = vector.broadcast %and3A_1396 : i32 to vector<16xi32>
        %and3A_1398 = arith.andi %gather3A, %and3A_1397 : vector<16xi32>
        %bitcast3A_1399 = vector.bitcast %and3A_1398 : vector<16xi32> to vector<16xf32>
        %and3A_1400 = arith.constant -65536 : i32
        %and3A_1401 = vector.broadcast %and3A_1400 : i32 to vector<16xi32>
        %and3A_1402 = arith.andi %gather3A_1381, %and3A_1401 : vector<16xi32>
        %bitcast3A_1403 = vector.bitcast %and3A_1402 : vector<16xi32> to vector<16xf32>
        %and3A_1404 = arith.constant -65536 : i32
        %and3A_1405 = vector.broadcast %and3A_1404 : i32 to vector<16xi32>
        %and3A_1406 = arith.andi %gather3A_1383, %and3A_1405 : vector<16xi32>
        %bitcast3A_1407 = vector.bitcast %and3A_1406 : vector<16xi32> to vector<16xf32>
        %sub3A_1408 = arith.subf %bitcast3A_1403, %bitcast3A_1407 : vector<16xf32>
        %mul3A_1409 = arith.mulf %bitcast3A_1399, %sub3A_1408 : vector<16xf32>
        %add3A_1410 = arith.addf %add3A_1395, %mul3A_1409 : vector<16xf32>
        %scan3A_1411 = arith.constant 1 : i32
        %scan3A_1412 = arith.addi %scan3A_1372, %scan3A_1411 : i32
        %add3A_1413 = vector.broadcast %scan3A_1412 : i32 to vector<16xi32>
        %add3A_1414 = arith.addi %add3A_1413, %iota3A : vector<16xi32>
        %and3A_1415 = arith.constant 31 : i32
        %and3A_1416 = vector.broadcast %and3A_1415 : i32 to vector<16xi32>
        %and3A_1417 = arith.andi %add3A_1414, %and3A_1416 : vector<16xi32>
        %add3A_1418 = arith.addi %mul3A_1332, %and3A_1417 : vector<16xi32>
        %gather3A_1419 = tpu.vector_load_idx %arg13[%add3A_1323, %add3A_1418] : memref<256x128xi32, #tpu.memory_space<vmem>>[vector<16xi32>, vector<16xi32>], vector<16xi32>,
        %add3A_1420 = arith.addi %add3A_1345, %and3A_1417 : vector<16xi32>
        %gather3A_1421 = tpu.vector_load_idx %arg14[%add3A_1323, %add3A_1420] : memref<256x128xi32, #tpu.memory_space<vmem>>[vector<16xi32>, vector<16xi32>], vector<16xi32>,
        %add3A_1422 = arith.addi %add3A_1358, %and3A_1417 : vector<16xi32>
        %gather3A_1423 = tpu.vector_load_idx %arg15[%add3A_1323, %add3A_1422] : memref<256x128xi32, #tpu.memory_space<vmem>>[vector<16xi32>, vector<16xi32>], vector<16xi32>,
        %shift_left3A_1424 = arith.constant 16 : i32
        %shift_left3A_1425 = vector.broadcast %shift_left3A_1424 : i32 to vector<16xi32>
        %shift_left3A_1426 = arith.shli %gather3A_1419, %shift_left3A_1425 : vector<16xi32>
        %bitcast3A_1427 = vector.bitcast %shift_left3A_1426 : vector<16xi32> to vector<16xf32>
        %shift_left3A_1428 = arith.constant 16 : i32
        %shift_left3A_1429 = vector.broadcast %shift_left3A_1428 : i32 to vector<16xi32>
        %shift_left3A_1430 = arith.shli %gather3A_1421, %shift_left3A_1429 : vector<16xi32>
        %bitcast3A_1431 = vector.bitcast %shift_left3A_1430 : vector<16xi32> to vector<16xf32>
        %shift_left3A_1432 = arith.constant 16 : i32
        %shift_left3A_1433 = vector.broadcast %shift_left3A_1432 : i32 to vector<16xi32>
        %shift_left3A_1434 = arith.shli %gather3A_1423, %shift_left3A_1433 : vector<16xi32>
        %bitcast3A_1435 = vector.bitcast %shift_left3A_1434 : vector<16xi32> to vector<16xf32>
        %sub3A_1436 = arith.subf %bitcast3A_1431, %bitcast3A_1435 : vector<16xf32>
        %mul3A_1437 = arith.mulf %bitcast3A_1427, %sub3A_1436 : vector<16xf32>
        %add3A_1438 = arith.addf %add3A_1410, %mul3A_1437 : vector<16xf32>
        %and3A_1439 = arith.constant -65536 : i32
        %and3A_1440 = vector.broadcast %and3A_1439 : i32 to vector<16xi32>
        %and3A_1441 = arith.andi %gather3A_1419, %and3A_1440 : vector<16xi32>
        %bitcast3A_1442 = vector.bitcast %and3A_1441 : vector<16xi32> to vector<16xf32>
        %and3A_1443 = arith.constant -65536 : i32
        %and3A_1444 = vector.broadcast %and3A_1443 : i32 to vector<16xi32>
        %and3A_1445 = arith.andi %gather3A_1421, %and3A_1444 : vector<16xi32>
        %bitcast3A_1446 = vector.bitcast %and3A_1445 : vector<16xi32> to vector<16xf32>
        %and3A_1447 = arith.constant -65536 : i32
        %and3A_1448 = vector.broadcast %and3A_1447 : i32 to vector<16xi32>
        %and3A_1449 = arith.andi %gather3A_1423, %and3A_1448 : vector<16xi32>
        %bitcast3A_1450 = vector.bitcast %and3A_1449 : vector<16xi32> to vector<16xf32>
        %sub3A_1451 = arith.subf %bitcast3A_1446, %bitcast3A_1450 : vector<16xf32>
        %mul3A_1452 = arith.mulf %bitcast3A_1442, %sub3A_1451 : vector<16xf32>
        %add3A_1453 = arith.addf %add3A_1438, %mul3A_1452 : vector<16xf32>
        %scan3A_1454 = arith.constant 2 : i32
        %scan3A_1455 = arith.addi %scan3A_1372, %scan3A_1454 : i32
        %add3A_1456 = vector.broadcast %scan3A_1455 : i32 to vector<16xi32>
        %add3A_1457 = arith.addi %add3A_1456, %iota3A : vector<16xi32>
        %and3A_1458 = arith.constant 31 : i32
        %and3A_1459 = vector.broadcast %and3A_1458 : i32 to vector<16xi32>
        %and3A_1460 = arith.andi %add3A_1457, %and3A_1459 : vector<16xi32>
        %add3A_1461 = arith.addi %mul3A_1332, %and3A_1460 : vector<16xi32>
        %gather3A_1462 = tpu.vector_load_idx %arg13[%add3A_1323, %add3A_1461] : memref<256x128xi32, #tpu.memory_space<vmem>>[vector<16xi32>, vector<16xi32>], vector<16xi32>,
        %add3A_1463 = arith.addi %add3A_1345, %and3A_1460 : vector<16xi32>
        %gather3A_1464 = tpu.vector_load_idx %arg14[%add3A_1323, %add3A_1463] : memref<256x128xi32, #tpu.memory_space<vmem>>[vector<16xi32>, vector<16xi32>], vector<16xi32>,
        %add3A_1465 = arith.addi %add3A_1358, %and3A_1460 : vector<16xi32>
        %gather3A_1466 = tpu.vector_load_idx %arg15[%add3A_1323, %add3A_1465] : memref<256x128xi32, #tpu.memory_space<vmem>>[vector<16xi32>, vector<16xi32>], vector<16xi32>,
        %shift_left3A_1467 = arith.constant 16 : i32
        %shift_left3A_1468 = vector.broadcast %shift_left3A_1467 : i32 to vector<16xi32>
        %shift_left3A_1469 = arith.shli %gather3A_1462, %shift_left3A_1468 : vector<16xi32>
        %bitcast3A_1470 = vector.bitcast %shift_left3A_1469 : vector<16xi32> to vector<16xf32>
        %shift_left3A_1471 = arith.constant 16 : i32
        %shift_left3A_1472 = vector.broadcast %shift_left3A_1471 : i32 to vector<16xi32>
        %shift_left3A_1473 = arith.shli %gather3A_1464, %shift_left3A_1472 : vector<16xi32>
        %bitcast3A_1474 = vector.bitcast %shift_left3A_1473 : vector<16xi32> to vector<16xf32>
        %shift_left3A_1475 = arith.constant 16 : i32
        %shift_left3A_1476 = vector.broadcast %shift_left3A_1475 : i32 to vector<16xi32>
        %shift_left3A_1477 = arith.shli %gather3A_1466, %shift_left3A_1476 : vector<16xi32>
        %bitcast3A_1478 = vector.bitcast %shift_left3A_1477 : vector<16xi32> to vector<16xf32>
        %sub3A_1479 = arith.subf %bitcast3A_1474, %bitcast3A_1478 : vector<16xf32>
        %mul3A_1480 = arith.mulf %bitcast3A_1470, %sub3A_1479 : vector<16xf32>
        %add3A_1481 = arith.addf %add3A_1453, %mul3A_1480 : vector<16xf32>
        %and3A_1482 = arith.constant -65536 : i32
        %and3A_1483 = vector.broadcast %and3A_1482 : i32 to vector<16xi32>
        %and3A_1484 = arith.andi %gather3A_1462, %and3A_1483 : vector<16xi32>
        %bitcast3A_1485 = vector.bitcast %and3A_1484 : vector<16xi32> to vector<16xf32>
        %and3A_1486 = arith.constant -65536 : i32
        %and3A_1487 = vector.broadcast %and3A_1486 : i32 to vector<16xi32>
        %and3A_1488 = arith.andi %gather3A_1464, %and3A_1487 : vector<16xi32>
        %bitcast3A_1489 = vector.bitcast %and3A_1488 : vector<16xi32> to vector<16xf32>
        %and3A_1490 = arith.constant -65536 : i32
        %and3A_1491 = vector.broadcast %and3A_1490 : i32 to vector<16xi32>
        %and3A_1492 = arith.andi %gather3A_1466, %and3A_1491 : vector<16xi32>
        %bitcast3A_1493 = vector.bitcast %and3A_1492 : vector<16xi32> to vector<16xf32>
        %sub3A_1494 = arith.subf %bitcast3A_1489, %bitcast3A_1493 : vector<16xf32>
        %mul3A_1495 = arith.mulf %bitcast3A_1485, %sub3A_1494 : vector<16xf32>
        %add3A_1496 = arith.addf %add3A_1481, %mul3A_1495 : vector<16xf32>
        %scan3A_1497 = arith.constant 3 : i32
        %scan3A_1498 = arith.addi %scan3A_1372, %scan3A_1497 : i32
        %add3A_1499 = vector.broadcast %scan3A_1498 : i32 to vector<16xi32>
        %add3A_1500 = arith.addi %add3A_1499, %iota3A : vector<16xi32>
        %and3A_1501 = arith.constant 31 : i32
        %and3A_1502 = vector.broadcast %and3A_1501 : i32 to vector<16xi32>
        %and3A_1503 = arith.andi %add3A_1500, %and3A_1502 : vector<16xi32>
        %add3A_1504 = arith.addi %mul3A_1332, %and3A_1503 : vector<16xi32>
        %gather3A_1505 = tpu.vector_load_idx %arg13[%add3A_1323, %add3A_1504] : memref<256x128xi32, #tpu.memory_space<vmem>>[vector<16xi32>, vector<16xi32>], vector<16xi32>,
        %add3A_1506 = arith.addi %add3A_1345, %and3A_1503 : vector<16xi32>
        %gather3A_1507 = tpu.vector_load_idx %arg14[%add3A_1323, %add3A_1506] : memref<256x128xi32, #tpu.memory_space<vmem>>[vector<16xi32>, vector<16xi32>], vector<16xi32>,
        %add3A_1508 = arith.addi %add3A_1358, %and3A_1503 : vector<16xi32>
        %gather3A_1509 = tpu.vector_load_idx %arg15[%add3A_1323, %add3A_1508] : memref<256x128xi32, #tpu.memory_space<vmem>>[vector<16xi32>, vector<16xi32>], vector<16xi32>,
        %shift_left3A_1510 = arith.constant 16 : i32
        %shift_left3A_1511 = vector.broadcast %shift_left3A_1510 : i32 to vector<16xi32>
        %shift_left3A_1512 = arith.shli %gather3A_1505, %shift_left3A_1511 : vector<16xi32>
        %bitcast3A_1513 = vector.bitcast %shift_left3A_1512 : vector<16xi32> to vector<16xf32>
        %shift_left3A_1514 = arith.constant 16 : i32
        %shift_left3A_1515 = vector.broadcast %shift_left3A_1514 : i32 to vector<16xi32>
        %shift_left3A_1516 = arith.shli %gather3A_1507, %shift_left3A_1515 : vector<16xi32>
        %bitcast3A_1517 = vector.bitcast %shift_left3A_1516 : vector<16xi32> to vector<16xf32>
        %shift_left3A_1518 = arith.constant 16 : i32
        %shift_left3A_1519 = vector.broadcast %shift_left3A_1518 : i32 to vector<16xi32>
        %shift_left3A_1520 = arith.shli %gather3A_1509, %shift_left3A_1519 : vector<16xi32>
        %bitcast3A_1521 = vector.bitcast %shift_left3A_1520 : vector<16xi32> to vector<16xf32>
        %sub3A_1522 = arith.subf %bitcast3A_1517, %bitcast3A_1521 : vector<16xf32>
        %mul3A_1523 = arith.mulf %bitcast3A_1513, %sub3A_1522 : vector<16xf32>
        %add3A_1524 = arith.addf %add3A_1496, %mul3A_1523 : vector<16xf32>
        %and3A_1525 = arith.constant -65536 : i32
        %and3A_1526 = vector.broadcast %and3A_1525 : i32 to vector<16xi32>
        %and3A_1527 = arith.andi %gather3A_1505, %and3A_1526 : vector<16xi32>
        %bitcast3A_1528 = vector.bitcast %and3A_1527 : vector<16xi32> to vector<16xf32>
        %and3A_1529 = arith.constant -65536 : i32
        %and3A_1530 = vector.broadcast %and3A_1529 : i32 to vector<16xi32>
        %and3A_1531 = arith.andi %gather3A_1507, %and3A_1530 : vector<16xi32>
        %bitcast3A_1532 = vector.bitcast %and3A_1531 : vector<16xi32> to vector<16xf32>
        %and3A_1533 = arith.constant -65536 : i32
        %and3A_1534 = vector.broadcast %and3A_1533 : i32 to vector<16xi32>
        %and3A_1535 = arith.andi %gather3A_1509, %and3A_1534 : vector<16xi32>
        %bitcast3A_1536 = vector.bitcast %and3A_1535 : vector<16xi32> to vector<16xf32>
        %sub3A_1537 = arith.subf %bitcast3A_1532, %bitcast3A_1536 : vector<16xf32>
        %mul3A_1538 = arith.mulf %bitcast3A_1528, %sub3A_1537 : vector<16xf32>
        %add3A_1539 = arith.addf %add3A_1524, %mul3A_1538 : vector<16xf32>
        %scan3A_1540 = arith.constant 4 : i32
        %scan3A_1541 = arith.addi %scan3A_1372, %scan3A_1540 : i32
        %add3A_1542 = vector.broadcast %scan3A_1541 : i32 to vector<16xi32>
        %add3A_1543 = arith.addi %add3A_1542, %iota3A : vector<16xi32>
        %and3A_1544 = arith.constant 31 : i32
        %and3A_1545 = vector.broadcast %and3A_1544 : i32 to vector<16xi32>
        %and3A_1546 = arith.andi %add3A_1543, %and3A_1545 : vector<16xi32>
        %add3A_1547 = arith.addi %mul3A_1332, %and3A_1546 : vector<16xi32>
        %gather3A_1548 = tpu.vector_load_idx %arg13[%add3A_1323, %add3A_1547] : memref<256x128xi32, #tpu.memory_space<vmem>>[vector<16xi32>, vector<16xi32>], vector<16xi32>,
        %add3A_1549 = arith.addi %add3A_1345, %and3A_1546 : vector<16xi32>
        %gather3A_1550 = tpu.vector_load_idx %arg14[%add3A_1323, %add3A_1549] : memref<256x128xi32, #tpu.memory_space<vmem>>[vector<16xi32>, vector<16xi32>], vector<16xi32>,
        %add3A_1551 = arith.addi %add3A_1358, %and3A_1546 : vector<16xi32>
        %gather3A_1552 = tpu.vector_load_idx %arg15[%add3A_1323, %add3A_1551] : memref<256x128xi32, #tpu.memory_space<vmem>>[vector<16xi32>, vector<16xi32>], vector<16xi32>,
        %shift_left3A_1553 = arith.constant 16 : i32
        %shift_left3A_1554 = vector.broadcast %shift_left3A_1553 : i32 to vector<16xi32>
        %shift_left3A_1555 = arith.shli %gather3A_1548, %shift_left3A_1554 : vector<16xi32>
        %bitcast3A_1556 = vector.bitcast %shift_left3A_1555 : vector<16xi32> to vector<16xf32>
        %shift_left3A_1557 = arith.constant 16 : i32
        %shift_left3A_1558 = vector.broadcast %shift_left3A_1557 : i32 to vector<16xi32>
        %shift_left3A_1559 = arith.shli %gather3A_1550, %shift_left3A_1558 : vector<16xi32>
        %bitcast3A_1560 = vector.bitcast %shift_left3A_1559 : vector<16xi32> to vector<16xf32>
        %shift_left3A_1561 = arith.constant 16 : i32
        %shift_left3A_1562 = vector.broadcast %shift_left3A_1561 : i32 to vector<16xi32>
        %shift_left3A_1563 = arith.shli %gather3A_1552, %shift_left3A_1562 : vector<16xi32>
        %bitcast3A_1564 = vector.bitcast %shift_left3A_1563 : vector<16xi32> to vector<16xf32>
        %sub3A_1565 = arith.subf %bitcast3A_1560, %bitcast3A_1564 : vector<16xf32>
        %mul3A_1566 = arith.mulf %bitcast3A_1556, %sub3A_1565 : vector<16xf32>
        %add3A_1567 = arith.addf %add3A_1539, %mul3A_1566 : vector<16xf32>
        %and3A_1568 = arith.constant -65536 : i32
        %and3A_1569 = vector.broadcast %and3A_1568 : i32 to vector<16xi32>
        %and3A_1570 = arith.andi %gather3A_1548, %and3A_1569 : vector<16xi32>
        %bitcast3A_1571 = vector.bitcast %and3A_1570 : vector<16xi32> to vector<16xf32>
        %and3A_1572 = arith.constant -65536 : i32
        %and3A_1573 = vector.broadcast %and3A_1572 : i32 to vector<16xi32>
        %and3A_1574 = arith.andi %gather3A_1550, %and3A_1573 : vector<16xi32>
        %bitcast3A_1575 = vector.bitcast %and3A_1574 : vector<16xi32> to vector<16xf32>
        %and3A_1576 = arith.constant -65536 : i32
        %and3A_1577 = vector.broadcast %and3A_1576 : i32 to vector<16xi32>
        %and3A_1578 = arith.andi %gather3A_1552, %and3A_1577 : vector<16xi32>
        %bitcast3A_1579 = vector.bitcast %and3A_1578 : vector<16xi32> to vector<16xf32>
        %sub3A_1580 = arith.subf %bitcast3A_1575, %bitcast3A_1579 : vector<16xf32>
        %mul3A_1581 = arith.mulf %bitcast3A_1571, %sub3A_1580 : vector<16xf32>
        %add3A_1582 = arith.addf %add3A_1567, %mul3A_1581 : vector<16xf32>
        %scan3A_1583 = arith.constant 5 : i32
        %scan3A_1584 = arith.addi %scan3A_1372, %scan3A_1583 : i32
        %add3A_1585 = vector.broadcast %scan3A_1584 : i32 to vector<16xi32>
        %add3A_1586 = arith.addi %add3A_1585, %iota3A : vector<16xi32>
        %and3A_1587 = arith.constant 31 : i32
        %and3A_1588 = vector.broadcast %and3A_1587 : i32 to vector<16xi32>
        %and3A_1589 = arith.andi %add3A_1586, %and3A_1588 : vector<16xi32>
        %add3A_1590 = arith.addi %mul3A_1332, %and3A_1589 : vector<16xi32>
        %gather3A_1591 = tpu.vector_load_idx %arg13[%add3A_1323, %add3A_1590] : memref<256x128xi32, #tpu.memory_space<vmem>>[vector<16xi32>, vector<16xi32>], vector<16xi32>,
        %add3A_1592 = arith.addi %add3A_1345, %and3A_1589 : vector<16xi32>
        %gather3A_1593 = tpu.vector_load_idx %arg14[%add3A_1323, %add3A_1592] : memref<256x128xi32, #tpu.memory_space<vmem>>[vector<16xi32>, vector<16xi32>], vector<16xi32>,
        %add3A_1594 = arith.addi %add3A_1358, %and3A_1589 : vector<16xi32>
        %gather3A_1595 = tpu.vector_load_idx %arg15[%add3A_1323, %add3A_1594] : memref<256x128xi32, #tpu.memory_space<vmem>>[vector<16xi32>, vector<16xi32>], vector<16xi32>,
        %shift_left3A_1596 = arith.constant 16 : i32
        %shift_left3A_1597 = vector.broadcast %shift_left3A_1596 : i32 to vector<16xi32>
        %shift_left3A_1598 = arith.shli %gather3A_1591, %shift_left3A_1597 : vector<16xi32>
        %bitcast3A_1599 = vector.bitcast %shift_left3A_1598 : vector<16xi32> to vector<16xf32>
        %shift_left3A_1600 = arith.constant 16 : i32
        %shift_left3A_1601 = vector.broadcast %shift_left3A_1600 : i32 to vector<16xi32>
        %shift_left3A_1602 = arith.shli %gather3A_1593, %shift_left3A_1601 : vector<16xi32>
        %bitcast3A_1603 = vector.bitcast %shift_left3A_1602 : vector<16xi32> to vector<16xf32>
        %shift_left3A_1604 = arith.constant 16 : i32
        %shift_left3A_1605 = vector.broadcast %shift_left3A_1604 : i32 to vector<16xi32>
        %shift_left3A_1606 = arith.shli %gather3A_1595, %shift_left3A_1605 : vector<16xi32>
        %bitcast3A_1607 = vector.bitcast %shift_left3A_1606 : vector<16xi32> to vector<16xf32>
        %sub3A_1608 = arith.subf %bitcast3A_1603, %bitcast3A_1607 : vector<16xf32>
        %mul3A_1609 = arith.mulf %bitcast3A_1599, %sub3A_1608 : vector<16xf32>
        %add3A_1610 = arith.addf %add3A_1582, %mul3A_1609 : vector<16xf32>
        %and3A_1611 = arith.constant -65536 : i32
        %and3A_1612 = vector.broadcast %and3A_1611 : i32 to vector<16xi32>
        %and3A_1613 = arith.andi %gather3A_1591, %and3A_1612 : vector<16xi32>
        %bitcast3A_1614 = vector.bitcast %and3A_1613 : vector<16xi32> to vector<16xf32>
        %and3A_1615 = arith.constant -65536 : i32
        %and3A_1616 = vector.broadcast %and3A_1615 : i32 to vector<16xi32>
        %and3A_1617 = arith.andi %gather3A_1593, %and3A_1616 : vector<16xi32>
        %bitcast3A_1618 = vector.bitcast %and3A_1617 : vector<16xi32> to vector<16xf32>
        %and3A_1619 = arith.constant -65536 : i32
        %and3A_1620 = vector.broadcast %and3A_1619 : i32 to vector<16xi32>
        %and3A_1621 = arith.andi %gather3A_1595, %and3A_1620 : vector<16xi32>
        %bitcast3A_1622 = vector.bitcast %and3A_1621 : vector<16xi32> to vector<16xf32>
        %sub3A_1623 = arith.subf %bitcast3A_1618, %bitcast3A_1622 : vector<16xf32>
        %mul3A_1624 = arith.mulf %bitcast3A_1614, %sub3A_1623 : vector<16xf32>
        %add3A_1625 = arith.addf %add3A_1610, %mul3A_1624 : vector<16xf32>
        %scan3A_1626 = arith.constant 6 : i32
        %scan3A_1627 = arith.addi %scan3A_1372, %scan3A_1626 : i32
        %add3A_1628 = vector.broadcast %scan3A_1627 : i32 to vector<16xi32>
        %add3A_1629 = arith.addi %add3A_1628, %iota3A : vector<16xi32>
        %and3A_1630 = arith.constant 31 : i32
        %and3A_1631 = vector.broadcast %and3A_1630 : i32 to vector<16xi32>
        %and3A_1632 = arith.andi %add3A_1629, %and3A_1631 : vector<16xi32>
        %add3A_1633 = arith.addi %mul3A_1332, %and3A_1632 : vector<16xi32>
        %gather3A_1634 = tpu.vector_load_idx %arg13[%add3A_1323, %add3A_1633] : memref<256x128xi32, #tpu.memory_space<vmem>>[vector<16xi32>, vector<16xi32>], vector<16xi32>,
        %add3A_1635 = arith.addi %add3A_1345, %and3A_1632 : vector<16xi32>
        %gather3A_1636 = tpu.vector_load_idx %arg14[%add3A_1323, %add3A_1635] : memref<256x128xi32, #tpu.memory_space<vmem>>[vector<16xi32>, vector<16xi32>], vector<16xi32>,
        %add3A_1637 = arith.addi %add3A_1358, %and3A_1632 : vector<16xi32>
        %gather3A_1638 = tpu.vector_load_idx %arg15[%add3A_1323, %add3A_1637] : memref<256x128xi32, #tpu.memory_space<vmem>>[vector<16xi32>, vector<16xi32>], vector<16xi32>,
        %shift_left3A_1639 = arith.constant 16 : i32
        %shift_left3A_1640 = vector.broadcast %shift_left3A_1639 : i32 to vector<16xi32>
        %shift_left3A_1641 = arith.shli %gather3A_1634, %shift_left3A_1640 : vector<16xi32>
        %bitcast3A_1642 = vector.bitcast %shift_left3A_1641 : vector<16xi32> to vector<16xf32>
        %shift_left3A_1643 = arith.constant 16 : i32
        %shift_left3A_1644 = vector.broadcast %shift_left3A_1643 : i32 to vector<16xi32>
        %shift_left3A_1645 = arith.shli %gather3A_1636, %shift_left3A_1644 : vector<16xi32>
        %bitcast3A_1646 = vector.bitcast %shift_left3A_1645 : vector<16xi32> to vector<16xf32>
        %shift_left3A_1647 = arith.constant 16 : i32
        %shift_left3A_1648 = vector.broadcast %shift_left3A_1647 : i32 to vector<16xi32>
        %shift_left3A_1649 = arith.shli %gather3A_1638, %shift_left3A_1648 : vector<16xi32>
        %bitcast3A_1650 = vector.bitcast %shift_left3A_1649 : vector<16xi32> to vector<16xf32>
        %sub3A_1651 = arith.subf %bitcast3A_1646, %bitcast3A_1650 : vector<16xf32>
        %mul3A_1652 = arith.mulf %bitcast3A_1642, %sub3A_1651 : vector<16xf32>
        %add3A_1653 = arith.addf %add3A_1625, %mul3A_1652 : vector<16xf32>
        %and3A_1654 = arith.constant -65536 : i32
        %and3A_1655 = vector.broadcast %and3A_1654 : i32 to vector<16xi32>
        %and3A_1656 = arith.andi %gather3A_1634, %and3A_1655 : vector<16xi32>
        %bitcast3A_1657 = vector.bitcast %and3A_1656 : vector<16xi32> to vector<16xf32>
        %and3A_1658 = arith.constant -65536 : i32
        %and3A_1659 = vector.broadcast %and3A_1658 : i32 to vector<16xi32>
        %and3A_1660 = arith.andi %gather3A_1636, %and3A_1659 : vector<16xi32>
        %bitcast3A_1661 = vector.bitcast %and3A_1660 : vector<16xi32> to vector<16xf32>
        %and3A_1662 = arith.constant -65536 : i32
        %and3A_1663 = vector.broadcast %and3A_1662 : i32 to vector<16xi32>
        %and3A_1664 = arith.andi %gather3A_1638, %and3A_1663 : vector<16xi32>
        %bitcast3A_1665 = vector.bitcast %and3A_1664 : vector<16xi32> to vector<16xf32>
        %sub3A_1666 = arith.subf %bitcast3A_1661, %bitcast3A_1665 : vector<16xf32>
        %mul3A_1667 = arith.mulf %bitcast3A_1657, %sub3A_1666 : vector<16xf32>
        %add3A_1668 = arith.addf %add3A_1653, %mul3A_1667 : vector<16xf32>
        %scan3A_1669 = arith.constant 7 : i32
        %scan3A_1670 = arith.addi %scan3A_1372, %scan3A_1669 : i32
        %add3A_1671 = vector.broadcast %scan3A_1670 : i32 to vector<16xi32>
        %add3A_1672 = arith.addi %add3A_1671, %iota3A : vector<16xi32>
        %and3A_1673 = arith.constant 31 : i32
        %and3A_1674 = vector.broadcast %and3A_1673 : i32 to vector<16xi32>
        %and3A_1675 = arith.andi %add3A_1672, %and3A_1674 : vector<16xi32>
        %add3A_1676 = arith.addi %mul3A_1332, %and3A_1675 : vector<16xi32>
        %gather3A_1677 = tpu.vector_load_idx %arg13[%add3A_1323, %add3A_1676] : memref<256x128xi32, #tpu.memory_space<vmem>>[vector<16xi32>, vector<16xi32>], vector<16xi32>,
        %add3A_1678 = arith.addi %add3A_1345, %and3A_1675 : vector<16xi32>
        %gather3A_1679 = tpu.vector_load_idx %arg14[%add3A_1323, %add3A_1678] : memref<256x128xi32, #tpu.memory_space<vmem>>[vector<16xi32>, vector<16xi32>], vector<16xi32>,
        %add3A_1680 = arith.addi %add3A_1358, %and3A_1675 : vector<16xi32>
        %gather3A_1681 = tpu.vector_load_idx %arg15[%add3A_1323, %add3A_1680] : memref<256x128xi32, #tpu.memory_space<vmem>>[vector<16xi32>, vector<16xi32>], vector<16xi32>,
        %shift_left3A_1682 = arith.constant 16 : i32
        %shift_left3A_1683 = vector.broadcast %shift_left3A_1682 : i32 to vector<16xi32>
        %shift_left3A_1684 = arith.shli %gather3A_1677, %shift_left3A_1683 : vector<16xi32>
        %bitcast3A_1685 = vector.bitcast %shift_left3A_1684 : vector<16xi32> to vector<16xf32>
        %shift_left3A_1686 = arith.constant 16 : i32
        %shift_left3A_1687 = vector.broadcast %shift_left3A_1686 : i32 to vector<16xi32>
        %shift_left3A_1688 = arith.shli %gather3A_1679, %shift_left3A_1687 : vector<16xi32>
        %bitcast3A_1689 = vector.bitcast %shift_left3A_1688 : vector<16xi32> to vector<16xf32>
        %shift_left3A_1690 = arith.constant 16 : i32
        %shift_left3A_1691 = vector.broadcast %shift_left3A_1690 : i32 to vector<16xi32>
        %shift_left3A_1692 = arith.shli %gather3A_1681, %shift_left3A_1691 : vector<16xi32>
        %bitcast3A_1693 = vector.bitcast %shift_left3A_1692 : vector<16xi32> to vector<16xf32>
        %sub3A_1694 = arith.subf %bitcast3A_1689, %bitcast3A_1693 : vector<16xf32>
        %mul3A_1695 = arith.mulf %bitcast3A_1685, %sub3A_1694 : vector<16xf32>
        %add3A_1696 = arith.addf %add3A_1668, %mul3A_1695 : vector<16xf32>
        %and3A_1697 = arith.constant -65536 : i32
        %and3A_1698 = vector.broadcast %and3A_1697 : i32 to vector<16xi32>
        %and3A_1699 = arith.andi %gather3A_1677, %and3A_1698 : vector<16xi32>
        %bitcast3A_1700 = vector.bitcast %and3A_1699 : vector<16xi32> to vector<16xf32>
        %and3A_1701 = arith.constant -65536 : i32
        %and3A_1702 = vector.broadcast %and3A_1701 : i32 to vector<16xi32>
        %and3A_1703 = arith.andi %gather3A_1679, %and3A_1702 : vector<16xi32>
        %bitcast3A_1704 = vector.bitcast %and3A_1703 : vector<16xi32> to vector<16xf32>
        %and3A_1705 = arith.constant -65536 : i32
        %and3A_1706 = vector.broadcast %and3A_1705 : i32 to vector<16xi32>
        %and3A_1707 = arith.andi %gather3A_1681, %and3A_1706 : vector<16xi32>
        %bitcast3A_1708 = vector.bitcast %and3A_1707 : vector<16xi32> to vector<16xf32>
        %sub3A_1709 = arith.subf %bitcast3A_1704, %bitcast3A_1708 : vector<16xf32>
        %mul3A_1710 = arith.mulf %bitcast3A_1700, %sub3A_1709 : vector<16xf32>
        %add3A_1711 = arith.addf %add3A_1696, %mul3A_1710 : vector<16xf32>
        scf.yield %add3A_1711 : vector<16xf32>
      }
      %scan3A_1365 = arith.constant 32 : i32
      %mul3A_1366 = arith.constant 16 : i32
      %mul3A_1367 = arith.muli %scan3A_1315, %mul3A_1366 : i32
      %add3A_1368 = arith.constant 384 : i32
      %add3A_1369 = arith.addi %add3A_1368, %mul3A_1367 : i32
      %swap3A_1370 = arith.index_cast %add3A_1369 : i32 to index
      %swap3A_1371 = tpu.vector_load %arg16[%swap3A_1370] {strides = array<i32>} : memref<512xf32, #tpu.memory_space<vmem>>, vector<16xf32>,
      tpu.vector_store %arg16[%swap3A_1370], %scan3A_1364 {strides = array<i32>} : memref<512xf32, #tpu.memory_space<vmem>>, vector<16xf32>,
    }
    %scan3A_1314 = arith.constant 8 : i32
    "tpu.region"() ({
      %run_scoped3A = tpu.sem_alloc : memref<!tpu.dma_semaphore, #tpu.memory_space<semaphore_mem>>
      %dma_start3A_1315 = tpu.memref_slice %arg6[%mul3A_4] : memref<16384xf32, #tpu.memory_space<hbm>> -> memref<512xf32, #tpu.memory_space<hbm>>
      %dma_start3A_1316 = tpu.memref_slice %arg6[%mul3A_4] : memref<16384xf32, #tpu.memory_space<hbm>> -> memref<512xf32, #tpu.memory_space<hbm>>
      tpu.enqueue_dma source(%arg16 : memref<512xf32, #tpu.memory_space<vmem>>) target(%dma_start3A_1316 : memref<512xf32, #tpu.memory_space<hbm>>) target_semaphore(%run_scoped3A : memref<!tpu.dma_semaphore, #tpu.memory_space<semaphore_mem>>)
      %dma_wait3A_1317 = tpu.memref_slice %arg6[%mul3A_4] : memref<16384xf32, #tpu.memory_space<hbm>> -> memref<512xf32, #tpu.memory_space<hbm>>
      %dma_wait3A_1318 = tpu.memref_slice %arg6[%mul3A_4] : memref<16384xf32, #tpu.memory_space<hbm>> -> memref<512xf32, #tpu.memory_space<hbm>>
      tpu.wait_dma2 semaphore(%run_scoped3A : memref<!tpu.dma_semaphore, #tpu.memory_space<semaphore_mem>>) src(%arg16 : memref<512xf32, #tpu.memory_space<vmem>>) dst(%dma_wait3A_1318 : memref<512xf32, #tpu.memory_space<hbm>>)
      tpu.yield
    }) : () -> ()
    return
  }
}

</mosaic_0001>

<sc_bundles>
// kernel: kernel.3.cloned.1.call-start
scs
__scs_entry_jumppad:
0x0: {  	(pc) =	sbr.rel $0x88, $3  }
0x1: {  	(tag) =	ssettag $0x0;
	lr =	simm.s32 $0x1  }
0x2: {  	[smem:$0x3F9C] =	sst lr;
	_ =	strace $0xD0000000  }
0x3: {  	_ = 	snop  }
0x4: {  	_ = 	snop  }
0x5: {  	_ = 	snop  }
0x6: {  	_ = 	snop  }
0x7: {  	_ = 	snop  }
__scs_overlays_trampoline_lowered:
0x8: {  	[smem:$0x3FAB] =	sst s0  }
0x9: {  	[smem:$0x3FAC] =	sst s1  }
0xa: {  	[smem:$0x3FAD] =	sst s2  }
0xb: {  	[smem:$0x3FAE] =	sst s3  }
0xc: {  	[smem:$0x3FAF] =	sst s4  }
0xd: {  	[smem:$0x3FB0] =	sst s5  }
0xe: {  	[smem:$0x3FB1] =	sst s6  }
0xf: {  	[smem:$0x3FB2] =	sst s7  }
0x10: {  	[smem:$0x3FB3] =	sst s8  }
0x11: {  	[smem:$0x3FB4] =	sst s9;
	s0 =	simm.s32 @!p0 $0x0  }
0x12: {  	s1 =	sld [smem:$0x3F9A];
	s0 =	simm.s32 @p0 $0x1  }
0x13: {  	[smem:$0x3FB5] =	sst s0;
	s0 =	simm.s32 @!p1 $0x0  }
0x14: {  	s2 =	sld [smem:$0x3F99];
	s0 =	simm.s32 @p1 $0x1  }
0x15: {  	[smem:$0x3FB6] =	sst s0;
	s0 =	simm.s32 @!p2 $0x0  }
0x16: {  	s3 =	sld [smem:$0x3FDB];
	s0 =	simm.s32 @p2 $0x1  }
0x17: {  	s4 =	simm.s32 $0x1BF5;
	[smem:$0x3FB8] =	sst s0  }
0x18: {  	s0 =	sld [smem:$0x3F9B];
	_ =	swait.ge [sflag:s4], $0x0  }
0x19: {  	s7 =	sld [smem:$0x3F9C]  }
0x1a: {  	s8 =	sadd.s32 $0xFFFFE003, lr  }
0x1b: {  	s9 =	sadd.s32 $0xFFFFFEF7, lr;
	s5 =	simm.s32 $0xFFFFFFFF;
	p2 =	slt.u32 s8, $0xFFFFF086  }
0x1c: {  	p1 =	slt.u32 s9, $0xF7A;
	s5 =	simm.s32 @!p2 $0x0  }
0x1d: {  	s5 =	simm.s32 @p1 $0x1;
	p0 =	seq.s32 s7, s2  }
0x1e: {  	s7 =	smul.u32 @!p0 $0xF7A, s2;
	p2 =	seq.s32 @!p0 s5, $0x0  }
0x1f: {  	s9 =	smul.u32 $0xF7A, s1;
	s8 =	simm.s32 @!p0 $0x1BF5;
	p2 =	por !p2, p0  }
0x20: {  	[sflag:s8] =	ssyncset.s32 @!p0 $0xFFFFF086;
	s6 =	sadd.s32 @!p0 s3, s7;
	s7 =	simm.s32 @!p0 $0x108  }
0x21: {  	s3 =	sadd.s32 s3, s9;
	s6 =	sadd.s32 @!p0 $0x88, s6;
	s7 =	simm.s32 @p2 $0x1082  }
0x22: {  	[simem:s7], [sflag:s8] =	dma.local @!p0 [hbm:s6], $0xF7A  }
0x23: {  	s9 =	sor.u32 $0xD0000000, s2;
	s6 =	simm.s32 $0x108;
	_ =	swait.ge @!p0 [sflag:s8], $0x0  }
0x24: {  	s3 =	sadd.s32 $0x88, s3;
	s6 =	simm.s32 @!p1 $0x1082;
	[sflag:s4] =	ssyncset.s32 $0xFFFFF086  }
0x25: {  	[simem:s6], [sflag:s4] =	dma.local [hbm:s3], $0xF7A  }
0x26: {  	[smem:$0x3F9C] =	sst s1;
	(tag) =	ssettag s2;
	_ =	strace s9  }
0x27: {  	s1 =	sld [smem:$0x3FAC]  }
0x28: {  	s2 =	sld [smem:$0x3FAD]  }
0x29: {  	s4 =	sld [smem:$0x3FAF]  }
0x2a: {  	p0 =	seq.s32 s5, $0x0;
	s5 =	sld [smem:$0x3FB0]  }
0x2b: {  	s6 =	sld [smem:$0x3FB1]  }
0x2c: {  	s7 =	sld [smem:$0x3FB2]  }
0x2d: {  	s3 =	simm.s32 $0x108;
	s8 =	sld [smem:$0x3FB3]  }
0x2e: {  	s3 =	simm.s32 @!p0 $0x1082;
	s9 =	sld [smem:$0x3FB4]  }
0x2f: {  	lr =	sadd.s32 s0, s3;
	s0 =	sld [smem:$0x3FAB]  }
0x30: {  	s3 =	sld [smem:$0x3FAE]  }
0x31: {  	[smem:$0x3FB7] =	sst s10  }
0x32: {  	s10 =	sld [smem:$0x3FB5];
	_ =	sdelay $0x3  }
0x33: {  	p0 =	seq.s32 s10, $0x1;
	s10 =	sld [smem:$0x3FB7];
	_ =	sdelay $0x3  }
0x34: {  	[smem:$0x3FB7] =	sst s10  }
0x35: {  	s10 =	sld [smem:$0x3FB6];
	_ =	sdelay $0x3  }
0x36: {  	p1 =	seq.s32 s10, $0x1;
	s10 =	sld [smem:$0x3FB7];
	_ =	sdelay $0x3  }
0x37: {  	[smem:$0x3FB7] =	sst s10  }
0x38: {  	s10 =	sld [smem:$0x3FB8]  }
0x39: {  	_ = 	snop;
	(pc) =	sbr.ind lr, $3  }
0x3a: {  	_ = 	snop  }
0x3b: {  	_ = 	snop  }
0x3c: {  	p2 =	seq.s32 s10, $0x1;
	s10 =	sld [smem:$0x3FB7]  }
0x3d: {  	_ =	shalt  }
0x3e: {  	_ =	shalt  }
0x3f: {  	_ =	shalt  }
0x40: {  	_ =	shalt  }
0x41: {  	_ =	shalt  }
0x42: {  	_ =	shalt  }
0x43: {  	_ =	shalt  }
0x44: {  	_ =	shalt  }
0x45: {  	_ =	shalt  }
0x46: {  	_ =	shalt  }
0x47: {  	_ =	shalt  }
0x48: {  	_ =	shalt  }
0x49: {  	_ =	shalt  }
0x4a: {  	_ =	shalt  }
0x4b: {  	_ =	shalt  }
0x4c: {  	_ =	shalt  }
0x4d: {  	_ =	shalt  }
0x4e: {  	_ =	shalt  }
0x4f: {  	_ =	shalt  }
0x50: {  	_ =	shalt  }
0x51: {  	_ =	shalt  }
0x52: {  	_ =	shalt  }
0x53: {  	_ =	shalt  }
0x54: {  	_ =	shalt  }
0x55: {  	_ =	shalt  }
0x56: {  	_ =	shalt  }
0x57: {  	_ =	shalt  }
0x58: {  	_ =	shalt  }
0x59: {  	_ =	shalt  }
0x5a: {  	_ =	shalt  }
0x5b: {  	_ =	shalt  }
0x5c: {  	_ =	shalt  }
0x5d: {  	_ =	shalt  }
0x5e: {  	_ =	shalt  }
0x5f: {  	_ =	shalt  }
0x60: {  	_ =	shalt  }
0x61: {  	_ =	shalt  }
0x62: {  	_ =	shalt  }
0x63: {  	_ =	shalt  }
0x64: {  	_ =	shalt  }
0x65: {  	_ =	shalt  }
0x66: {  	_ =	shalt  }
0x67: {  	_ =	shalt  }
0x68: {  	_ =	shalt  }
0x69: {  	_ =	shalt  }
0x6a: {  	_ =	shalt  }
0x6b: {  	_ =	shalt  }
0x6c: {  	_ =	shalt  }
0x6d: {  	_ =	shalt  }
0x6e: {  	_ =	shalt  }
0x6f: {  	_ =	shalt  }
0x70: {  	_ =	shalt  }
0x71: {  	_ =	shalt  }
0x72: {  	_ =	shalt  }
0x73: {  	_ =	shalt  }
0x74: {  	_ =	shalt  }
0x75: {  	_ =	shalt  }
0x76: {  	_ =	shalt  }
0x77: {  	_ =	shalt  }
0x78: {  	_ =	shalt  }
0x79: {  	_ =	shalt  }
0x7a: {  	_ =	shalt  }
0x7b: {  	_ =	shalt  }
0x7c: {  	_ =	shalt  }
0x7d: {  	_ =	shalt  }
0x7e: {  	_ =	shalt  }
0x7f: {  	_ =	shalt  }
0x80: {  	_ =	shalt  }
0x81: {  	_ =	shalt  }
0x82: {  	_ =	shalt  }
0x83: {  	_ =	shalt  }
0x84: {  	_ =	shalt  }
0x85: {  	_ =	shalt  }
0x86: {  	_ =	shalt  }
0x87: {  	_ =	shalt  }
.Lfunc_end0:
.L_simem_size_0:
called_computation.1_lowered:
.L_overlay_start_0:
0x88: {  	s2 =	sld [smem:$0x3FD9]  }
0x89: {  	s3 =	sld [smem:$0x3FFE];
	_ =	sdelay $0x1  }
0x8a: {  	s1 =	srdreg.scid  }
0x8b: {  	s0 =	sand.u32 $0x1, s1  }
0x8c: {  	s17 =	sshll.u32 s0, $0xA;
	s2 =	sadd.s32 s3, s2  }
0x8d: {  	s2 =	sadd.s32 s2, s17  }
0x8e: {  	[smem:$0x3FC3] =	sst s2  }
0x8f: {  	_ = 	snop  }
0x90: {  	s2 =	sld [smem:$0x3FC9]  }
0x91: {  	s18 =	sld [smem:$0x3FC8]  }
0x92: {  	s4 =	sld [smem:$0x3FC7]  }
0x93: {  	s5 =	sld [smem:$0x3FD0];
	(tm) =	ssettm $0x1  }
0x94: {  	s6 =	sld [smem:$0x3FFB];
	_ =	sdelay $0x3  }
0x95: {  	_ =	strace s6  }
0x96: {  	s6 =	sld [smem:$0x3FFC];
	_ =	sdelay $0x3  }
0x97: {  	_ =	strace s6  }
0x98: {  	s6 =	sld [smem:$0x3FFD];
	_ =	sdelay $0x3  }
0x99: {  	_ =	strace s6  }
0x9a: {  	_ =	strace $0x8FFFFFFF  }
0x9b: {  	s19 =	sld [smem:$0x3FDB];
	_ =	sdelay $0x1  }
0x9c: {  	s7 =	simm.s32 $_scs_section_size  }
0x9d: {  	s8 =	simm.s32 $_size__tile_overlayer_lowered;
	s9 =	simm.s32 $_tile_overlayer_lowered  }
0x9e: {  	s22 =	simm.s32 $0x1BFF;
	s21 =	sshll.u32 s9, $0x1;
	s6 =	sadd.s32 s7, s19  }
0x9f: {  	s10 =	simm.s32 $0x0;
	s20 =	sshll.u32 s8, $0x1;
	s8 =	sadd.s32 s21, s6  }
0xa0: {  	[timem:s10], [sflag:s22] =	dma.local [hbm:s8], s20  }
0xa1: {  	_ =	swait.ge [sflag:s22], s20  }
0xa2: {  	s7 =	ssub.s32 $0x0, s20;
	[sflag:s22] =	ssyncset.done $0x0  }
0xa3: {  	[sflag:s22] =	ssyncadd.s32 s7;
	_ =	sdelay $0x1  }
0xa4: {  	s23 =	simm.s32 $0x1B8B  }
0xa5: {  	_ =	swait.ge [sflag:s23], $0x1  }
0xa6: {  	[sflag:s23] =	ssyncset.done $0x0  }
0xa7: {  	s25 =	simm.s32 $0x1B8E;
	s24 =	sld [smem:$0x3FFE];
	[sflag:s23] =	ssyncadd.s32 $0xFFFFFFFF  }
0xa8: {  	s26 =	simm.s32 $execute0_lowered;
	[smem:$0x3FD2] =	sst s25  }
0xa9: {  	s8 =	sshll.u32 s26, $0x1;
	_ =	strace $0x80000049;
	[dreg:$0x1] =	wrdreg $0xFFFFFFFF  }
0xaa: {  	s28 =	simm.s32 $_size_execute0_lowered;
	s6 =	sadd.s32 s6, s8;
	[dreg:$0x0] =	wrdreg $0x0  }
0xab: {  	s8 =	sshll.u32 s28, $0x1;
	[dreg:$0x2] =	wrdreg s6  }
0xac: {  	[dreg:$0x3] =	wrdreg s8  }
0xad: {  	[dreg:$0x4] =	wrdreg $0xC0  }
0xae: {  	_ =	task [dreg:s10], $0x5FFFF  }
0xaf: {  	[dreg:$0x1] =	wrdreg $0xFFFFFFFF  }
0xb0: {  	[dreg:$0x0] =	wrdreg $0x60  }
0xb1: {  	[dreg:$0x2] =	wrdreg s2  }
0xb2: {  	[dreg:$0x3] =	wrdreg s18  }
0xb3: {  	[dreg:$0x4] =	wrdreg s4  }
0xb4: {  	[dreg:$0x5] =	wrdreg s24  }
0xb5: {  	[dreg:$0x6] =	wrdreg s5  }
0xb6: {  	[dreg:$0x7] =	wrdreg $0x9  }
0xb7: {  	_ =	task.clear_ibuf [dreg:s10], $0x8FFFF;
	_ =	strace $0x90000049  }
0xb8: {  	s29 =	simm.s32 $0x9;
	_ =	strace $0x8000004B  }
0xb9: {  	_ =	swait.ge [sflag:s29], $0x1  }
0xba: {  	[sflag:s29] =	ssyncadd.s32 $0xFFFFFFFF  }
0xbb: {  	_ =	strace $0x9000004B  }
0xbc: {  	_ =	sfence  }
0xbd: {  	s30 =	sld [smem:$0x0];
	_ =	sdelay $0x2  }
0xbe: {  	s31 =	sshll.u32 s1, $0xD;
	s1 =	sshrl.u32 s1, $0x2  }
0xbf: {  	s3 =	sand.u32 $0x4000, s31;
	s1 =	sadd.s32 s1, s30  }
0xc0: {  	s0 =	sor.u32 s3, s0;
	s1 =	sshll.u32 s1, $0x11  }
0xc1: {  	s0 =	sor.u32 s1, s0  }
0xc2: {  	s0 =	sadd.s32 $0x8F2B, s0  }
0xc3: {  	[sflag:s0] =	ssyncadd.remote.s32 $0x1  }
0xc4: {  	_ =	sfence.sel $0xFFFF  }
0xc5: {  	[dreg:$0x0] =	wrdreg $0xFFFFFFFF;
	(pc) =	sbr.abs _section_cstart, $3  }
0xc6: {  	[dreg:$0x1] =	wrdreg $0xFFFFFFFF  }
0xc7: {  	_ =	task.clear_ibuf [dreg:s10], $0x2FFFF;
	_ =	strace $0x9FFFFFFF  }
0xc8: {  	(tm) =	ssettm $0x7FFFFFFF  }
0xc9: {  	_ =	shalt  }
tec
execute0_lowered:
.L_overlay_start_1:
0x0: {  	(tag) =	ssettag $0x1  }
0x1: {  	s0 =	rddreg [dreg:$0x0]  }
0x2: {  	s1 =	rddreg [dreg:$0x1]  }
0x3: {  	s6 =	rddreg [dreg:$0x2]  }
0x4: {  	s3 =	rddreg [dreg:$0x3]  }
0x5: {  	s7 =	rddreg [dreg:$0x4];
	s2 =	simm.s32 $0x0  }
0x6: {  	s4 =	srdreg.scid;
	s8 =	stileid.u32;
	s12 =	simm.s32 $0x80  }
0x7: {  	s14 =	simm.s32 $0xC00;
	s16 =	simm.s32 $0x8C00;
	s18 =	simm.s32 $0x10C00  }
0x8: {  	s20 =	simm.s32 $0x4C00;
	s22 =	simm.s32 $0xCC00;
	s24 =	simm.s32 $0x14C00  }
0x9: {  	s25 =	simm.s32 $0x1;
	s29 =	simm.s32 $0xB00;
	s30 =	simm.s32 $0x780  }
0xa: {  	s31 =	simm.s32 $0x980;
	[smem:$0x7FF] =	sst s2;
	s4 =	sand.u32 $0x1, s4  }
0xb: {  	s8 =	sshll.u32 s8, $0x7;
	s3 =	sadd.s32 $0x400, s3;
	s5 =	ssub.s32 $0x2, s4  }
0xc: {  	s9 =	sshll.u32 s4, $0x6;
	_ =	strace $0x8000004A;
	s26 =	sshrl.u32 s5, $0x1  }
0xd: {  	s10 =	sor.u32 s9, s8;
	s28 =	sadd.s32 s7, s9;
	s9 =	simm.s32 $0x2  }
0xe: {  	s11 =	ssub.s32 s5, s26;
	s4 =	sadd.s32 s0, s10;
	s5 =	sadd.s32 s1, s10  }
0xf: {  	v0 =	vlaneseq.u32;
	s6 =	sadd.s32 s6, s10;
	s7 =	sadd.s32 s8, s28;
	s0 =	simm.s32 $0xB80  }
0x10: {  	v1 =	vmul.u32 $0x80, v0;
	s1 =	simm.s32 $0x18C00;
	s10 =	simm.s32 $0x0;
	s8 =	smax.u32 s11, $0x1  }
.LBB2_1:
0x11: {  	[tilespmem:s2], [sflag:$0x2] =	stream.linear.gather [hbm4b:s4+s2], $0x200, $0x38;
	[tilespmem:$0x18E00] =	vst v63  }
0x12: {  	_ =	swait.ge [sflag:s9], $0x200  }
0x13: {  	[sflag:s9] =	ssyncset.done $0x0  }
0x14: {  	s11 =	simm.s32 $0x200;
	[sflag:s9] =	ssyncadd.s32 $0xFFFFFE00  }
0x15: {  	[tilespmem:s11], [sflag:$0x2] =	stream.linear.gather [hbm4b:s5+s2], $0x200, $0x38;
	[tilespmem:$0x18E00] =	vst v63  }
0x16: {  	_ =	swait.ge [sflag:s9], $0x200  }
0x17: {  	[sflag:s9] =	ssyncset.done $0x0  }
0x18: {  	s15 =	simm.s32 $0x400;
	[sflag:s9] =	ssyncadd.s32 $0xFFFFFE00  }
0x19: {  	[tilespmem:s15], [sflag:$0x2] =	stream.linear.gather [hbm4b:s6+s2], $0x200, $0x38;
	[tilespmem:$0x18E00] =	vst v63  }
0x1a: {  	_ =	swait.ge [sflag:s9], $0x200  }
0x1b: {  	[sflag:s9] =	ssyncset.done $0x0  }
0x1c: {  	[sflag:s9] =	ssyncadd.s32 $0xFFFFFE00  }
0x1d: {  	v2 =	vld [tilespmem:$0x0]  }
0x1e: {  	v3 =	vld [tilespmem:$0x10]  }
0x1f: {  	v4 =	vld [tilespmem:$0x20]  }
0x20: {  	v5 =	vld [tilespmem:$0x30]  }
0x21: {  	v6 =	vld [tilespmem:$0x40]  }
0x22: {  	v7 =	vld [tilespmem:$0x50];
	v2 =	vshrl.u32 v2, $0x1  }
0x23: {  	[tilespmem:$0x600] =	vst v2;
	v2 =	vshrl.u32 v3, $0x1;
	v3 =	vld [tilespmem:$0x60]  }
0x24: {  	v47 =	vld [tilespmem:$0x70];
	[tilespmem:$0x610] =	vst v2;
	v2 =	vshrl.u32 v4, $0x1  }
0x25: {  	v48 =	vld [tilespmem:$0x80];
	[tilespmem:$0x620] =	vst v2;
	v2 =	vshrl.u32 v5, $0x1  }
0x26: {  	v49 =	vld [tilespmem:$0x90];
	[tilespmem:$0x630] =	vst v2;
	v2 =	vshrl.u32 v6, $0x1  }
0x27: {  	v50 =	vld [tilespmem:$0xA0];
	[tilespmem:$0x640] =	vst v2;
	v2 =	vshrl.u32 v7, $0x1  }
0x28: {  	[tilespmem:$0x650] =	vst v2;
	v2 =	vshrl.u32 v3, $0x1;
	v3 =	vld [tilespmem:$0xB0]  }
0x29: {  	v51 =	vld [tilespmem:$0xC0];
	[tilespmem:$0x660] =	vst v2;
	v2 =	vshrl.u32 v47, $0x1  }
0x2a: {  	v52 =	vld [tilespmem:$0xD0];
	[tilespmem:$0x670] =	vst v2;
	v2 =	vshrl.u32 v48, $0x1  }
0x2b: {  	v53 =	vld [tilespmem:$0xE0];
	[tilespmem:$0x680] =	vst v2;
	v2 =	vshrl.u32 v49, $0x1  }
0x2c: {  	v54 =	vld [tilespmem:$0xF0];
	[tilespmem:$0x690] =	vst v2;
	v2 =	vshrl.u32 v50, $0x1  }
0x2d: {  	[tilespmem:$0x6A0] =	vst v2;
	v2 =	vshrl.u32 v3, $0x1;
	v3 =	vld [tilespmem:$0x100]  }
0x2e: {  	v55 =	vld [tilespmem:$0x110];
	[tilespmem:$0x6B0] =	vst v2;
	v2 =	vshrl.u32 v51, $0x1  }
0x2f: {  	v56 =	vld [tilespmem:$0x120];
	[tilespmem:$0x6C0] =	vst v2;
	v2 =	vshrl.u32 v52, $0x1  }
0x30: {  	v57 =	vld [tilespmem:$0x130];
	[tilespmem:$0x6D0] =	vst v2;
	v2 =	vshrl.u32 v53, $0x1  }
0x31: {  	v58 =	vld [tilespmem:$0x140];
	[tilespmem:$0x6E0] =	vst v2;
	v2 =	vshrl.u32 v54, $0x1  }
0x32: {  	[tilespmem:$0x6F0] =	vst v2;
	v2 =	vshrl.u32 v3, $0x1;
	v3 =	vld [tilespmem:$0x150]  }
0x33: {  	v59 =	vld [tilespmem:$0x160];
	[tilespmem:$0x700] =	vst v2;
	v2 =	vshrl.u32 v55, $0x1  }
0x34: {  	v60 =	vld [tilespmem:$0x170];
	[tilespmem:$0x710] =	vst v2;
	v2 =	vshrl.u32 v56, $0x1  }
0x35: {  	v61 =	vld [tilespmem:$0x180];
	[tilespmem:$0x720] =	vst v2;
	v2 =	vshrl.u32 v57, $0x1  }
0x36: {  	v62 =	vld [tilespmem:$0x190];
	[tilespmem:$0x730] =	vst v2;
	v2 =	vshrl.u32 v58, $0x1  }
0x37: {  	[tilespmem:$0x740] =	vst v2;
	v2 =	vshrl.u32 v3, $0x1;
	v3 =	vld [tilespmem:$0x1A0]  }
0x38: {  	v63 =	vld [tilespmem:$0x1B0];
	[tilespmem:$0x750] =	vst v2;
	v2 =	vshrl.u32 v59, $0x1  }
0x39: {  	v9 =	vld [tilespmem:$0x1C0];
	[tilespmem:$0x760] =	vst v2;
	v2 =	vshrl.u32 v60, $0x1  }
0x3a: {  	v10 =	vld [tilespmem:$0x1D0];
	[tilespmem:$0x770] =	vst v2;
	v2 =	vshrl.u32 v61, $0x1  }
0x3b: {  	v11 =	vld [tilespmem:$0x1E0];
	[tilespmem:$0x780] =	vst v2;
	v2 =	vshrl.u32 v62, $0x1  }
0x3c: {  	[tilespmem:$0x790] =	vst v2;
	v2 =	vshrl.u32 v3, $0x1;
	v3 =	vld [tilespmem:$0x1F0]  }
0x3d: {  	v12 =	vld [tilespmem:$0x200];
	[tilespmem:$0x7A0] =	vst v2;
	v2 =	vshrl.u32 v63, $0x1  }
0x3e: {  	v13 =	vld [tilespmem:$0x210];
	[tilespmem:$0x7B0] =	vst v2;
	v2 =	vshrl.u32 v9, $0x1  }
0x3f: {  	v14 =	vld [tilespmem:$0x220];
	[tilespmem:$0x7C0] =	vst v2;
	v2 =	vshrl.u32 v10, $0x1  }
0x40: {  	v15 =	vld [tilespmem:$0x230];
	[tilespmem:$0x7D0] =	vst v2;
	v2 =	vshrl.u32 v11, $0x1  }
0x41: {  	[tilespmem:$0x7E0] =	vst v2;
	v2 =	vshrl.u32 v3, $0x1;
	v3 =	vld [tilespmem:$0x240]  }
0x42: {  	v16 =	vld [tilespmem:$0x250];
	[tilespmem:$0x7F0] =	vst v2;
	v2 =	vshrl.u32 v12, $0x1  }
0x43: {  	v17 =	vld [tilespmem:$0x260];
	[tilespmem:$0x800] =	vst v2;
	v2 =	vshrl.u32 v13, $0x1  }
0x44: {  	v18 =	vld [tilespmem:$0x270];
	[tilespmem:$0x810] =	vst v2;
	v2 =	vshrl.u32 v14, $0x1  }
0x45: {  	v19 =	vld [tilespmem:$0x280];
	[tilespmem:$0x820] =	vst v2;
	v2 =	vshrl.u32 v15, $0x1  }
0x46: {  	[tilespmem:$0x830] =	vst v2;
	v2 =	vshrl.u32 v3, $0x1;
	v3 =	vld [tilespmem:$0x290]  }
0x47: {  	v20 =	vld [tilespmem:$0x2A0];
	[tilespmem:$0x840] =	vst v2;
	v2 =	vshrl.u32 v16, $0x1  }
0x48: {  	v21 =	vld [tilespmem:$0x2B0];
	[tilespmem:$0x850] =	vst v2;
	v2 =	vshrl.u32 v17, $0x1  }
0x49: {  	v22 =	vld [tilespmem:$0x2C0];
	[tilespmem:$0x860] =	vst v2;
	v2 =	vshrl.u32 v18, $0x1  }
0x4a: {  	v23 =	vld [tilespmem:$0x2D0];
	[tilespmem:$0x870] =	vst v2;
	v2 =	vshrl.u32 v19, $0x1  }
0x4b: {  	[tilespmem:$0x880] =	vst v2;
	v2 =	vshrl.u32 v3, $0x1;
	v3 =	vld [tilespmem:$0x2E0]  }
0x4c: {  	v24 =	vld [tilespmem:$0x2F0];
	[tilespmem:$0x890] =	vst v2;
	v2 =	vshrl.u32 v20, $0x1  }
0x4d: {  	v25 =	vld [tilespmem:$0x300];
	[tilespmem:$0x8A0] =	vst v2;
	v2 =	vshrl.u32 v21, $0x1  }
0x4e: {  	v26 =	vld [tilespmem:$0x310];
	[tilespmem:$0x8B0] =	vst v2;
	v2 =	vshrl.u32 v22, $0x1  }
0x4f: {  	v27 =	vld [tilespmem:$0x320];
	[tilespmem:$0x8C0] =	vst v2;
	v2 =	vshrl.u32 v23, $0x1  }
0x50: {  	[tilespmem:$0x8D0] =	vst v2;
	v2 =	vshrl.u32 v3, $0x1;
	v3 =	vld [tilespmem:$0x330]  }
0x51: {  	v28 =	vld [tilespmem:$0x340];
	[tilespmem:$0x8E0] =	vst v2;
	v2 =	vshrl.u32 v24, $0x1  }
0x52: {  	v29 =	vld [tilespmem:$0x350];
	[tilespmem:$0x8F0] =	vst v2;
	v2 =	vshrl.u32 v25, $0x1  }
0x53: {  	v30 =	vld [tilespmem:$0x360];
	[tilespmem:$0x900] =	vst v2;
	v2 =	vshrl.u32 v26, $0x1  }
0x54: {  	v31 =	vld [tilespmem:$0x370];
	[tilespmem:$0x910] =	vst v2;
	v2 =	vshrl.u32 v27, $0x1  }
0x55: {  	[tilespmem:$0x920] =	vst v2;
	v2 =	vshrl.u32 v3, $0x1;
	v3 =	vld [tilespmem:$0x380]  }
0x56: {  	v32 =	vld [tilespmem:$0x390];
	[tilespmem:$0x930] =	vst v2;
	v2 =	vshrl.u32 v28, $0x1  }
0x57: {  	v33 =	vld [tilespmem:$0x3A0];
	[tilespmem:$0x940] =	vst v2;
	v2 =	vshrl.u32 v29, $0x1  }
0x58: {  	v34 =	vld [tilespmem:$0x3B0];
	[tilespmem:$0x950] =	vst v2;
	v2 =	vshrl.u32 v30, $0x1  }
0x59: {  	v35 =	vld [tilespmem:$0x3C0];
	[tilespmem:$0x960] =	vst v2;
	v2 =	vshrl.u32 v31, $0x1  }
0x5a: {  	[tilespmem:$0x970] =	vst v2;
	v2 =	vshrl.u32 v3, $0x1;
	v3 =	vld [tilespmem:$0x3D0]  }
0x5b: {  	v36 =	vld [tilespmem:$0x3E0];
	[tilespmem:$0x980] =	vst v2;
	v2 =	vshrl.u32 v32, $0x1  }
0x5c: {  	v37 =	vld [tilespmem:$0x3F0];
	[tilespmem:$0x990] =	vst v2;
	v2 =	vshrl.u32 v33, $0x1  }
0x5d: {  	v38 =	vld [tilespmem:$0x400];
	[tilespmem:$0x9A0] =	vst v2;
	v2 =	vshrl.u32 v34, $0x1  }
0x5e: {  	v39 =	vld [tilespmem:$0x410];
	[tilespmem:$0x9B0] =	vst v2;
	v2 =	vshrl.u32 v35, $0x1  }
0x5f: {  	[tilespmem:$0x9C0] =	vst v2;
	v2 =	vshrl.u32 v3, $0x1;
	v3 =	vld [tilespmem:$0x420]  }
0x60: {  	v40 =	vld [tilespmem:$0x430];
	[tilespmem:$0x9D0] =	vst v2;
	v2 =	vshrl.u32 v36, $0x1  }
0x61: {  	v41 =	vld [tilespmem:$0x440];
	[tilespmem:$0x9E0] =	vst v2;
	v2 =	vshrl.u32 v37, $0x1  }
0x62: {  	v42 =	vld [tilespmem:$0x450];
	[tilespmem:$0x9F0] =	vst v2;
	v2 =	vshrl.u32 v38, $0x1  }
0x63: {  	v43 =	vld [tilespmem:$0x460];
	[tilespmem:$0xA00] =	vst v2;
	v2 =	vshrl.u32 v39, $0x1  }
0x64: {  	[tilespmem:$0xA10] =	vst v2;
	v2 =	vshrl.u32 v3, $0x1;
	v3 =	vld [tilespmem:$0x470]  }
0x65: {  	v44 =	vld [tilespmem:$0x480];
	[tilespmem:$0xA20] =	vst v2;
	v2 =	vshrl.u32 v40, $0x1  }
0x66: {  	v45 =	vld [tilespmem:$0x490];
	[tilespmem:$0xA30] =	vst v2;
	v2 =	vshrl.u32 v41, $0x1  }
0x67: {  	v46 =	vld [tilespmem:$0x4A0];
	[tilespmem:$0xA40] =	vst v2;
	v2 =	vshrl.u32 v42, $0x1  }
0x68: {  	v47 =	vld [tilespmem:$0x4B0];
	[tilespmem:$0xA50] =	vst v2;
	v2 =	vshrl.u32 v43, $0x1  }
0x69: {  	[tilespmem:$0xA60] =	vst v2;
	v2 =	vshrl.u32 v3, $0x1;
	v3 =	vld [tilespmem:$0x4C0]  }
0x6a: {  	v48 =	vld [tilespmem:$0x4D0];
	[tilespmem:$0xA70] =	vst v2;
	v2 =	vshrl.u32 v44, $0x1  }
0x6b: {  	v49 =	vld [tilespmem:$0x4E0];
	[tilespmem:$0xA80] =	vst v2;
	v2 =	vshrl.u32 v45, $0x1  }
0x6c: {  	v50 =	vld [tilespmem:$0x4F0];
	[tilespmem:$0xA90] =	vst v2;
	v2 =	vshrl.u32 v46, $0x1  }
0x6d: {  	v51 =	vld [tilespmem:$0x500];
	[tilespmem:$0xAA0] =	vst v2;
	v2 =	vshrl.u32 v47, $0x1  }
0x6e: {  	[tilespmem:$0xAB0] =	vst v2;
	v2 =	vshrl.u32 v3, $0x1;
	v3 =	vld [tilespmem:$0x510]  }
0x6f: {  	v52 =	vld [tilespmem:$0x520];
	[tilespmem:$0xAC0] =	vst v2;
	v2 =	vshrl.u32 v48, $0x1  }
0x70: {  	v53 =	vld [tilespmem:$0x530];
	[tilespmem:$0xAD0] =	vst v2;
	v2 =	vshrl.u32 v49, $0x1  }
0x71: {  	v54 =	vld [tilespmem:$0x540];
	[tilespmem:$0xAE0] =	vst v2;
	v2 =	vshrl.u32 v50, $0x1  }
0x72: {  	v55 =	vld [tilespmem:$0x550];
	[tilespmem:$0xAF0] =	vst v2;
	v2 =	vshrl.u32 v51, $0x1  }
0x73: {  	[tilespmem:$0xB00] =	vst v2;
	v2 =	vshrl.u32 v3, $0x1;
	v3 =	vld [tilespmem:$0x560]  }
0x74: {  	v56 =	vld [tilespmem:$0x570];
	[tilespmem:$0xB10] =	vst v2;
	v2 =	vshrl.u32 v52, $0x1  }
0x75: {  	v57 =	vld [tilespmem:$0x580];
	[tilespmem:$0xB20] =	vst v2;
	v2 =	vshrl.u32 v53, $0x1  }
0x76: {  	v58 =	vld [tilespmem:$0x590];
	[tilespmem:$0xB30] =	vst v2;
	v2 =	vshrl.u32 v54, $0x1  }
0x77: {  	v59 =	vld [tilespmem:$0x5A0];
	[tilespmem:$0xB40] =	vst v2;
	v2 =	vshrl.u32 v55, $0x1  }
0x78: {  	[tilespmem:$0xB50] =	vst v2;
	v2 =	vshrl.u32 v3, $0x1;
	v3 =	vld [tilespmem:$0x5B0]  }
0x79: {  	v60 =	vld [tilespmem:$0x5C0];
	[tilespmem:$0xB60] =	vst v2;
	v2 =	vshrl.u32 v56, $0x1  }
0x7a: {  	v61 =	vld [tilespmem:$0x5D0];
	[tilespmem:$0xB70] =	vst v2;
	v2 =	vshrl.u32 v57, $0x1  }
0x7b: {  	v62 =	vld [tilespmem:$0x5E0];
	[tilespmem:$0xB80] =	vst v2;
	v2 =	vshrl.u32 v58, $0x1  }
0x7c: {  	v63 =	vld [tilespmem:$0x5F0];
	[tilespmem:$0xB90] =	vst v2;
	v2 =	vshrl.u32 v59, $0x1  }
0x7d: {  	[tilespmem:$0xBA0] =	vst v2;
	v2 =	vshrl.u32 v3, $0x1  }
0x7e: {  	[tilespmem:$0xBB0] =	vst v2;
	v2 =	vshrl.u32 v60, $0x1  }
0x7f: {  	[tilespmem:$0xBC0] =	vst v2;
	v2 =	vshrl.u32 v61, $0x1  }
0x80: {  	[tilespmem:$0xBD0] =	vst v2;
	v2 =	vshrl.u32 v62, $0x1  }
0x81: {  	[tilespmem:$0xBE0] =	vst v2;
	v2 =	vshrl.u32 v63, $0x1  }
0x82: {  	s17 =	simm.s32 $0x600;
	[tilespmem:$0xBF0] =	vst v2  }
0x83: {  	[tilespmem:s14], [sflag:$0x1] =	stream.indirect.gather [hbm4b:s3+s12], $0x80, s17, s12, $0xb8;
	[tilespmem:$0x18E00] =	vst v63  }
0x84: {  	s19 =	simm.s32 $0x800  }
0x85: {  	[tilespmem:s16], [sflag:$0x1] =	stream.indirect.gather [hbm4b:s3+s12], $0x80, s19, s12, $0xb8;
	[tilespmem:$0x18E00] =	vst v63  }
0x86: {  	s21 =	simm.s32 $0xA00  }
0x87: {  	[tilespmem:s18], [sflag:$0x1] =	stream.indirect.gather [hbm4b:s3+s12], $0x80, s21, s12, $0xb8;
	[tilespmem:$0x18E00] =	vst v63  }
0x88: {  	s23 =	simm.s32 $0x680  }
0x89: {  	[tilespmem:s20], [sflag:$0x1] =	stream.indirect.gather [hbm4b:s3+s12], $0x80, s23, s12, $0xb8;
	[tilespmem:$0x18E00] =	vst v63  }
0x8a: {  	s26 =	simm.s32 $0x880  }
0x8b: {  	[tilespmem:s22], [sflag:$0x1] =	stream.indirect.gather [hbm4b:s3+s12], $0x80, s26, s12, $0xb8;
	[tilespmem:$0x18E00] =	vst v63  }
0x8c: {  	s28 =	simm.s32 $0xA80  }
0x8d: {  	[tilespmem:s24], [sflag:$0x1] =	stream.indirect.gather [hbm4b:s3+s12], $0x80, s28, s12, $0xb8;
	[tilespmem:$0x18E00] =	vst v63  }
0x8e: {  	_ =	swait.ge [sflag:s25], $0x4000  }
0x8f: {  	[sflag:s25] =	ssyncset.done $0x0  }
0x90: {  	[sflag:s25] =	ssyncadd.s32 $0xFFFFC000  }
0x91: {  	_ =	swait.ge [sflag:s25], $0x4000  }
0x92: {  	[sflag:s25] =	ssyncset.done $0x0  }
0x93: {  	[sflag:s25] =	ssyncadd.s32 $0xFFFFC000  }
0x94: {  	_ =	swait.ge [sflag:s25], $0x4000  }
0x95: {  	[sflag:s25] =	ssyncset.done $0x0  }
0x96: {  	s11 =	simm.s32 $0x0;
	[sflag:s25] =	ssyncadd.s32 $0xFFFFC000  }
.LBB2_2:
0x97: {  	s13 =	sshll.u32 s11, $0x4  }
0x98: {  	v3 =	vld [tilespmem:s13+$0x200]  }
0x99: {  	v4 =	vld [tilespmem:s13+$0x400]  }
0x9a: {  	v2 =	vld [tilespmem:s13+$0x0]  }
0x9b: {  	s15 =	simm.s32 $0x0;
	s21 =	simm.s32 $0x7  }
0x9c: {  	s17 =	simm.s32 $0x6;
	s23 =	simm.s32 $0x1;
	v5 =	vmov s13;
	v7 =	vadd.s32 s15, v0;
	v8 =	vadd.s32 s21, v0  }
0x9d: {  	v10 =	vadd.s32 s17, v0;
	v11 =	vadd.s32 s23, v0;
	v5 =	vshll.u32 v5, $0x7  }
0x9e: {  	v5 =	vor.u32 v1, v5;
	v3 =	vshll.u32 v3, $0x6;
	v4 =	vshll.u32 v4, $0x6  }
0x9f: {  	v2 =	vshll.u32 v2, $0x6;
	v3 =	vand.u32 $0x40, v3;
	v4 =	vand.u32 $0x40, v4  }
0xa0: {  	v2 =	vand.u32 $0x40, v2;
	v3 =	vor.u32 v5, v3;
	v6 =	vor.u32 v5, v4  }
0xa1: {  	s19 =	simm.s32 $0x4;
	v2 =	vor.u32 v5, v2;
	v5 =	vand.u32 $0x1F, v7;
	v4 =	vor.u32 $0x20, v3  }
0xa2: {  	s26 =	simm.s32 $0x3;
	s28 =	simm.s32 $0x2;
	v12 =	vadd.s32 s19, v0;
	v3 =	vor.u32 $0x20, v6;
	v7 =	vor.u32 v5, v4  }
0xa3: {  	s21 =	simm.s32 $0x5;
	v14 =	vadd.s32 s26, v0;
	v16 =	vadd.s32 s28, v0;
	v9 =	vor.u32 v5, v3  }
0xa4: {  	v13 =	vadd.s32 s21, v0;
	v11 =	vand.u32 $0x1F, v11;
	v8 =	vand.u32 $0x1F, v8  }
0xa5: {  	v10 =	vand.u32 $0x1F, v10;
	v16 =	vand.u32 $0x1F, v16;
	v5 =	vor.u32 v5, v2  }
0xa6: {  	v14 =	vand.u32 $0x1F, v14;
	v12 =	vand.u32 $0x1F, v12;
	v15 =	vor.u32 v11, v4  }
0xa7: {  	v13 =	vand.u32 $0x1F, v13;
	v6 =	vimm.f32 $0.0e+00;
	v17 =	vor.u32 v11, v3;
	v7 =	vld.idx.msk [tilespmem:v7+s16+$0x0], $0xffff  }
0xa8: {  	v18 =	vor.u32 v8, v2;
	v21 =	vor.u32 v10, v2;
	v24 =	vor.u32 v13, v2;
	v9 =	vld.idx.msk [tilespmem:v9+s18+$0x0], $0xffff  }
0xa9: {  	v26 =	vor.u32 v12, v2;
	v58 =	vor.u32 v14, v2;
	v11 =	vor.u32 v11, v2  }
0xaa: {  	v19 =	vor.u32 v8, v4;
	v20 =	vor.u32 v16, v4;
	v8 =	vor.u32 v8, v3;
	v5 =	vld.idx.msk [tilespmem:v5+s14+$0x0], $0xffff  }
0xab: {  	v22 =	vor.u32 v16, v3;
	v23 =	vor.u32 v10, v4;
	v10 =	vor.u32 v10, v3;
	v15 =	vld.idx.msk [tilespmem:v15+s16+$0x0], $0xffff  }
0xac: {  	v25 =	vor.u32 v13, v4;
	v13 =	vor.u32 v13, v3;
	v16 =	vor.u32 v16, v2;
	v17 =	vld.idx.msk [tilespmem:v17+s18+$0x0], $0xffff  }
0xad: {  	v27 =	vor.u32 v12, v4;
	v28 =	vshll.u32 v7, $0x10;
	v29 =	vshll.u32 v9, $0x10  }
0xae: {  	v30 =	vor.u32 v14, v4;
	v57 =	vor.u32 v14, v3;
	v11 =	vld.idx.msk [tilespmem:v11+s14+$0x0], $0xffff;
	v28 =	vsub.f32 v28, v29  }
0xaf: {  	v20 =	vld.idx.msk [tilespmem:v20+s16+$0x0], $0xffff;
	v31 =	vshll.u32 v5, $0x10;
	v7 =	vand.u32 $0xFFFF0000, v7;
	v9 =	vand.u32 $0xFFFF0000, v9  }
0xb0: {  	v12 =	vor.u32 v12, v3;
	v22 =	vld.idx.msk [tilespmem:v22+s18+$0x0], $0xffff;
	v7 =	vsub.f32 v7, v9;
	v28 =	vmul.f32 v31, v28  }
0xb1: {  	v5 =	vand.u32 $0xFFFF0000, v5;
	v59 =	vshll.u32 v15, $0x10;
	v60 =	vshll.u32 v17, $0x10  }
0xb2: {  	v16 =	vld.idx.msk [tilespmem:v16+s14+$0x0], $0xffff;
	v5 =	vmul.f32 v5, v7;
	v7 =	vsub.f32 v59, v60;
	v6 =	vadd.f32 v28, v6  }
0xb3: {  	v61 =	vld.idx.msk [tilespmem:v30+s16+$0x0], $0xffff;
	v62 =	vshll.u32 v11, $0x10;
	v15 =	vand.u32 $0xFFFF0000, v15;
	v17 =	vand.u32 $0xFFFF0000, v17  }
0xb4: {  	v29 =	vld.idx.msk [tilespmem:v57+s18+$0x0], $0xffff;
	v5 =	vadd.f32 v6, v5;
	v6 =	vmul.f32 v62, v7;
	v7 =	vsub.f32 v15, v17  }
0xb5: {  	v11 =	vand.u32 $0xFFFF0000, v11;
	v63 =	vshll.u32 v20, $0x10;
	v28 =	vshll.u32 v22, $0x10  }
0xb6: {  	v9 =	vld.idx.msk [tilespmem:v58+s14+$0x0], $0xffff;
	v5 =	vadd.f32 v6, v5;
	v6 =	vmul.f32 v11, v7;
	v7 =	vsub.f32 v63, v28  }
0xb7: {  	v30 =	vld.idx.msk [tilespmem:v27+s16+$0x0], $0xffff;
	v32 =	vand.u32 $0xFFFF0000, v20;
	v33 =	vand.u32 $0xFFFF0000, v22;
	v31 =	vshll.u32 v16, $0x10  }
0xb8: {  	v12 =	vld.idx.msk [tilespmem:v12+s18+$0x0], $0xffff;
	v5 =	vadd.f32 v5, v6;
	v6 =	vmul.f32 v31, v7;
	v7 =	vsub.f32 v32, v33  }
0xb9: {  	v34 =	vand.u32 $0xFFFF0000, v16;
	v35 =	vshll.u32 v61, $0x10;
	v36 =	vshll.u32 v29, $0x10  }
0xba: {  	v37 =	vld.idx.msk [tilespmem:v26+s14+$0x0], $0xffff;
	v5 =	vadd.f32 v6, v5;
	v6 =	vmul.f32 v34, v7;
	v7 =	vsub.f32 v35, v36  }
0xbb: {  	v38 =	vld.idx.msk [tilespmem:v25+s16+$0x0], $0xffff;
	v14 =	vand.u32 $0xFFFF0000, v61;
	v39 =	vshll.u32 v9, $0x10;
	v40 =	vand.u32 $0xFFFF0000, v29  }
0xbc: {  	v13 =	vld.idx.msk [tilespmem:v13+s18+$0x0], $0xffff;
	v5 =	vadd.f32 v5, v6;
	v6 =	vmul.f32 v39, v7;
	v7 =	vsub.f32 v14, v40  }
0xbd: {  	v41 =	vshll.u32 v30, $0x10;
	v42 =	vshll.u32 v12, $0x10;
	v9 =	vand.u32 $0xFFFF0000, v9  }
0xbe: {  	v43 =	vld.idx.msk [tilespmem:v24+s14+$0x0], $0xffff;
	v5 =	vadd.f32 v6, v5;
	v6 =	vmul.f32 v9, v7;
	v7 =	vsub.f32 v41, v42  }
0xbf: {  	v44 =	vld.idx.msk [tilespmem:v23+s16+$0x0], $0xffff;
	v45 =	vshll.u32 v37, $0x10;
	v12 =	vand.u32 $0xFFFF0000, v12;
	v11 =	vand.u32 $0xFFFF0000, v30  }
0xc0: {  	v10 =	vld.idx.msk [tilespmem:v10+s18+$0x0], $0xffff;
	v5 =	vadd.f32 v5, v6;
	v6 =	vmul.f32 v45, v7;
	v7 =	vsub.f32 v11, v12  }
0xc1: {  	v46 =	vand.u32 $0xFFFF0000, v37;
	v47 =	vshll.u32 v38, $0x10;
	v48 =	vshll.u32 v13, $0x10  }
0xc2: {  	v49 =	vld.idx.msk [tilespmem:v21+s14+$0x0], $0xffff;
	v5 =	vadd.f32 v6, v5;
	v6 =	vmul.f32 v46, v7;
	v7 =	vsub.f32 v47, v48  }
0xc3: {  	v50 =	vld.idx.msk [tilespmem:v19+s16+$0x0], $0xffff;
	v51 =	vshll.u32 v43, $0x10;
	v52 =	vand.u32 $0xFFFF0000, v38;
	v13 =	vand.u32 $0xFFFF0000, v13  }
0xc4: {  	v8 =	vld.idx.msk [tilespmem:v8+s18+$0x0], $0xffff;
	v5 =	vadd.f32 v5, v6;
	v6 =	vmul.f32 v51, v7;
	v7 =	vsub.f32 v52, v13  }
0xc5: {  	v53 =	vand.u32 $0xFFFF0000, v43;
	v54 =	vshll.u32 v44, $0x10;
	v55 =	vshll.u32 v10, $0x10  }
0xc6: {  	v56 =	vld.idx.msk [tilespmem:v18+s14+$0x0], $0xffff;
	v5 =	vadd.f32 v6, v5;
	v6 =	vmul.f32 v53, v7;
	v7 =	vsub.f32 v54, v55  }
0xc7: {  	v10 =	vand.u32 $0xFFFF0000, v10;
	v57 =	vshll.u32 v49, $0x10;
	v9 =	vand.u32 $0xFFFF0000, v44  }
0xc8: {  	v5 =	vadd.f32 v5, v6;
	v6 =	vmul.f32 v57, v7;
	v7 =	vsub.f32 v9, v10  }
0xc9: {  	v58 =	vand.u32 $0xFFFF0000, v49;
	v59 =	vshll.u32 v50, $0x10;
	v60 =	vshll.u32 v8, $0x10  }
0xca: {  	v5 =	vadd.f32 v6, v5;
	v6 =	vmul.f32 v58, v7;
	v7 =	vsub.f32 v59, v60  }
0xcb: {  	v61 =	vshll.u32 v56, $0x10;
	v8 =	vand.u32 $0xFFFF0000, v8;
	v62 =	vand.u32 $0xFFFF0000, v50  }
0xcc: {  	s15 =	simm.s32 $0x8;
	v8 =	vsub.f32 v62, v8;
	v6 =	vadd.f32 v5, v6;
	v7 =	vmul.f32 v61, v7  }
0xcd: {  	v63 =	vand.u32 $0xFFFF0000, v56;
	v5 =	vadd.s32 s15, v0  }
0xce: {  	s19 =	simm.s32 $0xF;
	s17 =	simm.s32 $0x10;
	v5 =	vand.u32 $0x1F, v5;
	v6 =	vadd.f32 v7, v6;
	v7 =	vmul.f32 v63, v8  }
.LBB2_3:
0xcf: {  	p0 =	slt.u32 s17, $0x18;
	v8 =	vor.u32 v5, v4;
	s21 =	sadd.s32 $0x6, s15;
	v9 =	vadd.s32 s19, v0  }
0xd0: {  	v10 =	vor.u32 v5, v3;
	s19 =	sadd.s32 $0x1, s15;
	s23 =	sadd.s32 $0x4, s15;
	s26 =	sadd.s32 $0x5, s15;
	v11 =	vadd.s32 s21, v0;
	v6 =	vadd.f32 v6, v7  }
0xd1: {  	v7 =	vadd.s32 s19, v0;
	s19 =	sadd.s32 $0x3, s15;
	v12 =	vadd.s32 s23, v0;
	v13 =	vadd.s32 s26, v0  }
0xd2: {  	v14 =	vor.u32 v5, v2;
	s21 =	sadd.s32 $0x2, s15;
	s15 =	smov.u32 s17;
	v5 =	vand.u32 $0x1F, v7;
	v7 =	vadd.s32 s19, v0  }
0xd3: {  	v9 =	vand.u32 $0x1F, v9;
	v16 =	vadd.s32 s21, v0;
	v15 =	vor.u32 v5, v4  }
0xd4: {  	v13 =	vand.u32 $0x1F, v13;
	v11 =	vand.u32 $0x1F, v11;
	v17 =	vor.u32 v5, v3;
	v8 =	vld.idx.msk [tilespmem:v8+s16+$0x0], $0xffff  }
0xd5: {  	v12 =	vand.u32 $0x1F, v12;
	v16 =	vand.u32 $0x1F, v16;
	v7 =	vand.u32 $0x1F, v7;
	v10 =	vld.idx.msk [tilespmem:v10+s18+$0x0], $0xffff  }
0xd6: {  	v19 =	vor.u32 v9, v4;
	v18 =	vor.u32 v5, v2;
	v5 =	vor.u32 v9, v2  }
0xd7: {  	v21 =	vor.u32 v11, v2;
	v9 =	vor.u32 v9, v3;
	v20 =	vor.u32 v16, v4;
	v14 =	vld.idx.msk [tilespmem:v14+s14+$0x0], $0xffff  }
0xd8: {  	v23 =	vor.u32 v11, v4;
	v11 =	vor.u32 v11, v3;
	v22 =	vor.u32 v16, v3;
	v15 =	vld.idx.msk [tilespmem:v15+s16+$0x0], $0xffff  }
0xd9: {  	v24 =	vor.u32 v13, v2;
	v25 =	vor.u32 v13, v4;
	v13 =	vor.u32 v13, v3;
	v17 =	vld.idx.msk [tilespmem:v17+s18+$0x0], $0xffff  }
0xda: {  	v26 =	vor.u32 v12, v2;
	v27 =	vor.u32 v12, v4;
	v16 =	vor.u32 v16, v2  }
0xdb: {  	v30 =	vor.u32 v7, v4;
	v28 =	vshll.u32 v8, $0x10;
	v29 =	vshll.u32 v10, $0x10;
	v18 =	vld.idx.msk [tilespmem:v18+s14+$0x0], $0xffff  }
0xdc: {  	v12 =	vor.u32 v12, v3;
	v28 =	vsub.f32 v28, v29;
	v29 =	vor.u32 v7, v3;
	v20 =	vld.idx.msk [tilespmem:v20+s16+$0x0], $0xffff  }
0xdd: {  	v8 =	vand.u32 $0xFFFF0000, v8;
	v10 =	vand.u32 $0xFFFF0000, v10;
	v31 =	vshll.u32 v14, $0x10;
	v22 =	vld.idx.msk [tilespmem:v22+s18+$0x0], $0xffff  }
0xde: {  	v8 =	vsub.f32 v8, v10;
	v7 =	vor.u32 v7, v2;
	v28 =	vmul.f32 v31, v28  }
0xdf: {  	v10 =	vand.u32 $0xFFFF0000, v14;
	v14 =	vshll.u32 v15, $0x10;
	v31 =	vshll.u32 v17, $0x10;
	v16 =	vld.idx.msk [tilespmem:v16+s14+$0x0], $0xffff  }
0xe0: {  	v8 =	vmul.f32 v10, v8;
	v6 =	vadd.f32 v28, v6;
	v10 =	vsub.f32 v14, v31;
	v14 =	vld.idx.msk [tilespmem:v30+s16+$0x0], $0xffff  }
0xe1: {  	v15 =	vand.u32 $0xFFFF0000, v15;
	v17 =	vand.u32 $0xFFFF0000, v17;
	v28 =	vshll.u32 v18, $0x10;
	v29 =	vld.idx.msk [tilespmem:v29+s18+$0x0], $0xffff  }
0xe2: {  	v6 =	vadd.f32 v6, v8;
	v8 =	vmul.f32 v28, v10;
	v10 =	vsub.f32 v15, v17  }
0xe3: {  	v15 =	vand.u32 $0xFFFF0000, v18;
	v17 =	vshll.u32 v20, $0x10;
	v18 =	vshll.u32 v22, $0x10;
	v7 =	vld.idx.msk [tilespmem:v7+s14+$0x0], $0xffff  }
0xe4: {  	v6 =	vadd.f32 v8, v6;
	v8 =	vmul.f32 v15, v10;
	v10 =	vsub.f32 v17, v18;
	v15 =	vld.idx.msk [tilespmem:v27+s16+$0x0], $0xffff  }
0xe5: {  	v18 =	vand.u32 $0xFFFF0000, v20;
	v20 =	vand.u32 $0xFFFF0000, v22;
	v17 =	vshll.u32 v16, $0x10;
	v12 =	vld.idx.msk [tilespmem:v12+s18+$0x0], $0xffff  }
0xe6: {  	v6 =	vadd.f32 v6, v8;
	v8 =	vmul.f32 v17, v10;
	v10 =	vsub.f32 v18, v20  }
0xe7: {  	v16 =	vand.u32 $0xFFFF0000, v16;
	v17 =	vshll.u32 v14, $0x10;
	v18 =	vshll.u32 v29, $0x10;
	v20 =	vld.idx.msk [tilespmem:v26+s14+$0x0], $0xffff  }
0xe8: {  	v6 =	vadd.f32 v8, v6;
	v8 =	vmul.f32 v16, v10;
	v10 =	vsub.f32 v17, v18;
	v16 =	vld.idx.msk [tilespmem:v25+s16+$0x0], $0xffff  }
0xe9: {  	v14 =	vand.u32 $0xFFFF0000, v14;
	v18 =	vand.u32 $0xFFFF0000, v29;
	v17 =	vshll.u32 v7, $0x10;
	v13 =	vld.idx.msk [tilespmem:v13+s18+$0x0], $0xffff  }
0xea: {  	v6 =	vadd.f32 v6, v8;
	v8 =	vmul.f32 v17, v10;
	v10 =	vsub.f32 v14, v18  }
0xeb: {  	v7 =	vand.u32 $0xFFFF0000, v7;
	v14 =	vshll.u32 v15, $0x10;
	v17 =	vshll.u32 v12, $0x10;
	v18 =	vld.idx.msk [tilespmem:v24+s14+$0x0], $0xffff  }
0xec: {  	v6 =	vadd.f32 v8, v6;
	v7 =	vmul.f32 v7, v10;
	v8 =	vsub.f32 v14, v17;
	v10 =	vld.idx.msk [tilespmem:v23+s16+$0x0], $0xffff  }
0xed: {  	v15 =	vand.u32 $0xFFFF0000, v15;
	v12 =	vand.u32 $0xFFFF0000, v12;
	v14 =	vshll.u32 v20, $0x10;
	v11 =	vld.idx.msk [tilespmem:v11+s18+$0x0], $0xffff  }
0xee: {  	v6 =	vadd.f32 v6, v7;
	v7 =	vmul.f32 v14, v8;
	v8 =	vsub.f32 v15, v12  }
0xef: {  	v12 =	vand.u32 $0xFFFF0000, v20;
	v14 =	vshll.u32 v16, $0x10;
	v15 =	vshll.u32 v13, $0x10;
	v17 =	vld.idx.msk [tilespmem:v21+s14+$0x0], $0xffff  }
0xf0: {  	v6 =	vadd.f32 v7, v6;
	v7 =	vmul.f32 v12, v8;
	v8 =	vsub.f32 v14, v15;
	v12 =	vld.idx.msk [tilespmem:v19+s16+$0x0], $0xffff  }
0xf1: {  	v13 =	vand.u32 $0xFFFF0000, v13;
	v15 =	vand.u32 $0xFFFF0000, v16;
	v14 =	vshll.u32 v18, $0x10;
	v9 =	vld.idx.msk [tilespmem:v9+s18+$0x0], $0xffff  }
0xf2: {  	v6 =	vadd.f32 v6, v7;
	v7 =	vmul.f32 v14, v8;
	v8 =	vsub.f32 v15, v13  }
0xf3: {  	v13 =	vand.u32 $0xFFFF0000, v18;
	v14 =	vshll.u32 v10, $0x10;
	v15 =	vshll.u32 v11, $0x10;
	v5 =	vld.idx.msk [tilespmem:v5+s14+$0x0], $0xffff  }
0xf4: {  	v6 =	vadd.f32 v7, v6;
	v7 =	vmul.f32 v13, v8;
	v8 =	vsub.f32 v14, v15  }
0xf5: {  	v10 =	vand.u32 $0xFFFF0000, v10;
	v11 =	vand.u32 $0xFFFF0000, v11;
	v13 =	vshll.u32 v17, $0x10  }
0xf6: {  	v6 =	vadd.f32 v6, v7;
	v7 =	vmul.f32 v13, v8;
	v8 =	vsub.f32 v10, v11  }
0xf7: {  	v10 =	vand.u32 $0xFFFF0000, v17;
	v11 =	vshll.u32 v12, $0x10;
	v13 =	vshll.u32 v9, $0x10  }
.Ltmp0:
0xf8: {  	v6 =	vadd.f32 v7, v6;
	v7 =	vmul.f32 v10, v8;
	v8 =	vsub.f32 v11, v13;
	(pc) =	sbr.rel @p0 .LBB2_3-.Ltmp0, $4  }
0xf9: {  	v9 =	vand.u32 $0xFFFF0000, v9;
	v11 =	vand.u32 $0xFFFF0000, v12;
	v10 =	vshll.u32 v5, $0x10  }
0xfa: {  	v6 =	vadd.f32 v6, v7;
	v7 =	vmul.f32 v10, v8;
	v8 =	vsub.f32 v11, v9  }
0xfb: {  	v9 =	vadd.s32 s17, v0;
	v10 =	vand.u32 $0xFFFF0000, v5  }
0xfc: {  	s19 =	sadd.s32 $0x7, s15;
	s17 =	sadd.s32 $0x8, s17;
	v5 =	vand.u32 $0x1F, v9;
	v6 =	vadd.f32 v7, v6;
	v7 =	vmul.f32 v10, v8  }
0xfd: {  	v8 =	vor.u32 v5, v4;
	s17 =	sadd.s32 $0x6, s15;
	v9 =	vadd.s32 s19, v0  }
0xfe: {  	v10 =	vor.u32 v5, v3;
	s28 =	sadd.s32 $0x1, s15;
	s21 =	sadd.s32 $0x4, s15;
	v39 =	vor.u32 v5, v2;
	v11 =	vadd.s32 s17, v0  }
0xff: {  	s23 =	sadd.s32 $0x5, s15;
	s26 =	sadd.s32 $0x3, s15;
	v6 =	vadd.f32 v6, v7;
	v38 =	vadd.s32 s28, v0;
	v12 =	vadd.s32 s21, v0  }
0x100: {  	v13 =	vadd.s32 s23, v0;
	s28 =	sadd.s32 $0x2, s15;
	v14 =	vadd.s32 s26, v0;
	v9 =	vand.u32 $0x1F, v9  }
0x101: {  	v7 =	vand.u32 $0x1F, v38;
	v16 =	vadd.s32 s28, v0;
	v13 =	vand.u32 $0x1F, v13  }
0x102: {  	v11 =	vand.u32 $0x1F, v11;
	v14 =	vand.u32 $0x1F, v14;
	v15 =	vor.u32 v7, v4  }
0x103: {  	v12 =	vand.u32 $0x1F, v12;
	v18 =	vor.u32 v9, v2;
	v17 =	vor.u32 v7, v3;
	v8 =	vld.idx.msk [tilespmem:v8+s16+$0x0], $0xffff  }
0x104: {  	v19 =	vor.u32 v9, v4;
	v9 =	vor.u32 v9, v3;
	v16 =	vand.u32 $0x1F, v16;
	v10 =	vld.idx.msk [tilespmem:v10+s18+$0x0], $0xffff  }
0x105: {  	v7 =	vor.u32 v7, v2;
	v21 =	vor.u32 v11, v2;
	v23 =	vor.u32 v11, v4  }
0x106: {  	v11 =	vor.u32 v11, v3;
	v24 =	vor.u32 v13, v2;
	v20 =	vor.u32 v16, v4;
	v5 =	vld.idx.msk [tilespmem:v39+s14+$0x0], $0xffff  }
0x107: {  	v25 =	vor.u32 v13, v4;
	v13 =	vor.u32 v13, v3;
	v22 =	vor.u32 v16, v3;
	v15 =	vld.idx.msk [tilespmem:v15+s16+$0x0], $0xffff  }
0x108: {  	v26 =	vor.u32 v12, v2;
	v27 =	vor.u32 v12, v4;
	v40 =	vor.u32 v14, v4;
	v17 =	vld.idx.msk [tilespmem:v17+s18+$0x0], $0xffff  }
0x109: {  	v16 =	vor.u32 v16, v2;
	v28 =	vshll.u32 v8, $0x10;
	v29 =	vshll.u32 v10, $0x10  }
0x10a: {  	v41 =	vor.u32 v14, v3;
	v3 =	vor.u32 v12, v3;
	v7 =	vld.idx.msk [tilespmem:v7+s14+$0x0], $0xffff;
	v28 =	vsub.f32 v28, v29  }
0x10b: {  	v42 =	vld.idx.msk [tilespmem:v20+s16+$0x0], $0xffff;
	v43 =	vshll.u32 v5, $0x10;
	v8 =	vand.u32 $0xFFFF0000, v8;
	v10 =	vand.u32 $0xFFFF0000, v10  }
0x10c: {  	v2 =	vor.u32 v14, v2;
	v22 =	vld.idx.msk [tilespmem:v22+s18+$0x0], $0xffff;
	v8 =	vsub.f32 v8, v10;
	v20 =	vmul.f32 v43, v28  }
0x10d: {  	v5 =	vand.u32 $0xFFFF0000, v5;
	v44 =	vshll.u32 v15, $0x10;
	v45 =	vshll.u32 v17, $0x10  }
0x10e: {  	v16 =	vld.idx.msk [tilespmem:v16+s14+$0x0], $0xffff;
	v5 =	vmul.f32 v5, v8;
	v46 =	vsub.f32 v44, v45;
	v6 =	vadd.f32 v20, v6  }
0x10f: {  	v4 =	vld.idx.msk [tilespmem:v40+s16+$0x0], $0xffff;
	v47 =	vshll.u32 v7, $0x10;
	v48 =	vand.u32 $0xFFFF0000, v15;
	v49 =	vand.u32 $0xFFFF0000, v17  }
0x110: {  	v50 =	vld.idx.msk [tilespmem:v41+s18+$0x0], $0xffff;
	v52 =	vsub.f32 v48, v49;
	v51 =	vmul.f32 v47, v46;
	v5 =	vadd.f32 v6, v5  }
0x111: {  	v7 =	vand.u32 $0xFFFF0000, v7;
	v53 =	vshll.u32 v42, $0x10;
	v54 =	vshll.u32 v22, $0x10  }
0x112: {  	v2 =	vld.idx.msk [tilespmem:v2+s14+$0x0], $0xffff;
	v56 =	vsub.f32 v53, v54;
	v55 =	vmul.f32 v7, v52;
	v5 =	vadd.f32 v51, v5  }
0x113: {  	v57 =	vld.idx.msk [tilespmem:v27+s16+$0x0], $0xffff;
	v58 =	vshll.u32 v16, $0x10;
	v12 =	vand.u32 $0xFFFF0000, v42;
	v59 =	vand.u32 $0xFFFF0000, v22  }
0x114: {  	v3 =	vld.idx.msk [tilespmem:v3+s18+$0x0], $0xffff;
	v61 =	vsub.f32 v12, v59;
	v60 =	vmul.f32 v58, v56;
	v5 =	vadd.f32 v5, v55  }
0x115: {  	v63 =	vshll.u32 v4, $0x10;
	v62 =	vand.u32 $0xFFFF0000, v16;
	v20 =	vshll.u32 v50, $0x10  }
0x116: {  	v22 =	vld.idx.msk [tilespmem:v26+s14+$0x0], $0xffff;
	v27 =	vsub.f32 v63, v20;
	v26 =	vmul.f32 v62, v61;
	v5 =	vadd.f32 v60, v5  }
0x117: {  	v13 =	vld.idx.msk [tilespmem:v13+s18+$0x0], $0xffff;
	v4 =	vand.u32 $0xFFFF0000, v4;
	v30 =	vand.u32 $0xFFFF0000, v50;
	v29 =	vshll.u32 v2, $0x10  }
0x118: {  	v28 =	vld.idx.msk [tilespmem:v25+s16+$0x0], $0xffff;
	v4 =	vsub.f32 v4, v30;
	v31 =	vmul.f32 v29, v27;
	v5 =	vadd.f32 v5, v26  }
0x119: {  	v32 =	vshll.u32 v57, $0x10;
	v2 =	vand.u32 $0xFFFF0000, v2;
	v33 =	vshll.u32 v3, $0x10  }
0x11a: {  	v34 =	vld.idx.msk [tilespmem:v24+s14+$0x0], $0xffff;
	v35 =	vsub.f32 v32, v33;
	v2 =	vmul.f32 v2, v4;
	v5 =	vadd.f32 v31, v5  }
0x11b: {  	v36 =	vld.idx.msk [tilespmem:v23+s16+$0x0], $0xffff;
	v8 =	vand.u32 $0xFFFF0000, v57;
	v3 =	vand.u32 $0xFFFF0000, v3;
	v37 =	vshll.u32 v22, $0x10  }
0x11c: {  	v11 =	vld.idx.msk [tilespmem:v11+s18+$0x0], $0xffff;
	v3 =	vsub.f32 v8, v3;
	v4 =	vmul.f32 v37, v35;
	v2 =	vadd.f32 v5, v2  }
0x11d: {  	v40 =	vshll.u32 v13, $0x10;
	v39 =	vshll.u32 v28, $0x10;
	v38 =	vand.u32 $0xFFFF0000, v22  }
0x11e: {  	v41 =	vld.idx.msk [tilespmem:v21+s14+$0x0], $0xffff;
	v42 =	vsub.f32 v39, v40;
	v3 =	vmul.f32 v38, v3;
	v2 =	vadd.f32 v4, v2  }
0x11f: {  	v9 =	vld.idx.msk [tilespmem:v9+s18+$0x0], $0xffff;
	v44 =	vshll.u32 v34, $0x10;
	v46 =	vand.u32 $0xFFFF0000, v13;
	v45 =	vand.u32 $0xFFFF0000, v28  }
0x120: {  	v43 =	vld.idx.msk [tilespmem:v19+s16+$0x0], $0xffff;
	v47 =	vsub.f32 v45, v46;
	v2 =	vadd.f32 v2, v3;
	v3 =	vmul.f32 v44, v42  }
0x121: {  	v48 =	vand.u32 $0xFFFF0000, v34;
	v49 =	vshll.u32 v36, $0x10;
	v50 =	vshll.u32 v11, $0x10  }
0x122: {  	v52 =	vsub.f32 v49, v50;
	v51 =	vld.idx.msk [tilespmem:v18+s14+$0x0], $0xffff;
	v2 =	vadd.f32 v3, v2;
	v3 =	vmul.f32 v48, v47  }
0x123: {  	v53 =	vshll.u32 v41, $0x10;
	v54 =	vand.u32 $0xFFFF0000, v11;
	v6 =	vand.u32 $0xFFFF0000, v36  }
0x124: {  	v55 =	vsub.f32 v6, v54;
	v2 =	vadd.f32 v2, v3;
	v3 =	vmul.f32 v53, v52  }
0x125: {  	v56 =	vand.u32 $0xFFFF0000, v41;
	v58 =	vshll.u32 v9, $0x10;
	v57 =	vshll.u32 v43, $0x10  }
0x126: {  	v59 =	vsub.f32 v57, v58;
	v2 =	vadd.f32 v3, v2;
	v3 =	vmul.f32 v56, v55  }
0x127: {  	v61 =	vand.u32 $0xFFFF0000, v9;
	v60 =	vshll.u32 v51, $0x10;
	v5 =	vand.u32 $0xFFFF0000, v43  }
0x128: {  	s11 =	sadd.s32 $0x1, s11;
	v62 =	vsub.f32 v5, v61;
	v2 =	vadd.f32 v2, v3;
	v3 =	vmul.f32 v60, v59  }
0x129: {  	p0 =	sne.s32 s11, $0x8;
	v63 =	vand.u32 $0xFFFF0000, v51  }
.Ltmp1:
0x12a: {  	v2 =	vadd.f32 v3, v2;
	v3 =	vmul.f32 v63, v62;
	(pc) =	sbr.rel @p0 .LBB2_2-.Ltmp1, $3  }
0x12b: {  	_ = 	snop  }
0x12c: {  	v2 =	vadd.f32 v2, v3;
	_ =	sdelay $0x1  }
0x12d: {  	[tilespmem:s13+$0x18C00] =	vst v2  }
0x12e: {  	s11 =	simm.s32 $0x700  }
0x12f: {  	[tilespmem:s14], [sflag:$0x1] =	stream.indirect.gather [hbm4b:s3+s12], $0x80, s11, s12, $0xb8;
	[tilespmem:$0x18E00] =	vst v63  }
0x130: {  	s28 =	simm.s32 $0x900  }
0x131: {  	[tilespmem:s16], [sflag:$0x1] =	stream.indirect.gather [hbm4b:s3+s12], $0x80, s28, s12, $0xb8;
	[tilespmem:$0x18E00] =	vst v63  }
0x132: {  	_ = 	snop  }
0x133: {  	[tilespmem:s18], [sflag:$0x1] =	stream.indirect.gather [hbm4b:s3+s12], $0x80, s29, s12, $0xb8;
	[tilespmem:$0x18E00] =	vst v63  }
0x134: {  	_ =	swait.ge [sflag:s25], $0x4000  }
0x135: {  	[sflag:s25] =	ssyncset.done $0x0  }
0x136: {  	[sflag:s25] =	ssyncadd.s32 $0xFFFFC000  }
0x137: {  	_ =	swait.ge [sflag:s25], $0x4000  }
0x138: {  	[sflag:s25] =	ssyncset.done $0x0  }
0x139: {  	[sflag:s25] =	ssyncadd.s32 $0xFFFFC000  }
0x13a: {  	_ =	swait.ge [sflag:s25], $0x4000  }
0x13b: {  	[sflag:s25] =	ssyncset.done $0x0  }
0x13c: {  	s13 =	simm.s32 $0x0;
	s11 =	simm.s32 $0x0;
	[sflag:s25] =	ssyncadd.s32 $0xFFFFC000  }
.LBB2_6:
0x13d: {  	s15 =	sshll.u32 s13, $0x4  }
0x13e: {  	v3 =	vld [tilespmem:s15+$0x280]  }
0x13f: {  	s17 =	sor.u32 $0x80, s15;
	v4 =	vld [tilespmem:s15+$0x480]  }
0x140: {  	v2 =	vld [tilespmem:s17+$0x0]  }
0x141: {  	s26 =	simm.s32 $0x7  }
0x142: {  	v7 =	vadd.s32 s11, v0;
	s19 =	simm.s32 $0x6;
	s28 =	simm.s32 $0x1;
	v8 =	vadd.s32 s26, v0;
	v5 =	vmov s17  }
0x143: {  	v10 =	vadd.s32 s19, v0;
	v11 =	vadd.s32 s28, v0;
	v5 =	vshll.u32 v5, $0x7  }
0x144: {  	v5 =	vor.u32 v1, v5;
	v3 =	vshll.u32 v3, $0x6;
	v4 =	vshll.u32 v4, $0x6  }
0x145: {  	v2 =	vshll.u32 v2, $0x6;
	v3 =	vand.u32 $0x40, v3;
	v4 =	vand.u32 $0x40, v4  }
0x146: {  	v2 =	vand.u32 $0x40, v2;
	v3 =	vor.u32 v5, v3;
	v6 =	vor.u32 v5, v4  }
0x147: {  	s21 =	simm.s32 $0x4;
	v2 =	vor.u32 v5, v2;
	v4 =	vor.u32 $0x20, v3;
	v5 =	vand.u32 $0x1F, v7  }
0x148: {  	s23 =	simm.s32 $0x5;
	v12 =	vadd.s32 s21, v0;
	v3 =	vor.u32 $0x20, v6;
	v7 =	vor.u32 v5, v4  }
0x149: {  	s26 =	simm.s32 $0x3;
	v13 =	vadd.s32 s23, v0;
	s28 =	simm.s32 $0x2;
	v11 =	vand.u32 $0x1F, v11;
	v9 =	vor.u32 v5, v3  }
0x14a: {  	v14 =	vadd.s32 s26, v0;
	v16 =	vadd.s32 s28, v0;
	v8 =	vand.u32 $0x1F, v8  }
0x14b: {  	v13 =	vand.u32 $0x1F, v13;
	v10 =	vand.u32 $0x1F, v10;
	v5 =	vor.u32 v5, v2  }
0x14c: {  	v12 =	vand.u32 $0x1F, v12;
	v16 =	vand.u32 $0x1F, v16;
	v15 =	vor.u32 v11, v4  }
0x14d: {  	v14 =	vand.u32 $0x1F, v14;
	v6 =	vimm.f32 $0.0e+00;
	v17 =	vor.u32 v11, v3;
	v7 =	vld.idx.msk [tilespmem:v7+s16+$0x0], $0xffff  }
0x14e: {  	v11 =	vor.u32 v11, v2;
	v18 =	vor.u32 v8, v2;
	v19 =	vor.u32 v8, v4;
	v9 =	vld.idx.msk [tilespmem:v9+s18+$0x0], $0xffff  }
0x14f: {  	v20 =	vor.u32 v16, v4;
	v21 =	vor.u32 v10, v2;
	v8 =	vor.u32 v8, v3  }
0x150: {  	v22 =	vor.u32 v16, v3;
	v23 =	vor.u32 v10, v4;
	v10 =	vor.u32 v10, v3;
	v5 =	vld.idx.msk [tilespmem:v5+s14+$0x0], $0xffff  }
0x151: {  	v24 =	vor.u32 v13, v2;
	v25 =	vor.u32 v13, v4;
	v13 =	vor.u32 v13, v3;
	v15 =	vld.idx.msk [tilespmem:v15+s16+$0x0], $0xffff  }
0x152: {  	v16 =	vor.u32 v16, v2;
	v26 =	vor.u32 v12, v2;
	v27 =	vor.u32 v12, v4;
	v17 =	vld.idx.msk [tilespmem:v17+s18+$0x0], $0xffff  }
0x153: {  	v30 =	vor.u32 v14, v4;
	v28 =	vshll.u32 v7, $0x10;
	v29 =	vshll.u32 v9, $0x10  }
0x154: {  	v57 =	vor.u32 v14, v3;
	v12 =	vor.u32 v12, v3;
	v11 =	vld.idx.msk [tilespmem:v11+s14+$0x0], $0xffff;
	v28 =	vsub.f32 v28, v29  }
0x155: {  	v20 =	vld.idx.msk [tilespmem:v20+s16+$0x0], $0xffff;
	v31 =	vshll.u32 v5, $0x10;
	v7 =	vand.u32 $0xFFFF0000, v7;
	v9 =	vand.u32 $0xFFFF0000, v9  }
0x156: {  	v58 =	vor.u32 v14, v2;
	v22 =	vld.idx.msk [tilespmem:v22+s18+$0x0], $0xffff;
	v7 =	vsub.f32 v7, v9;
	v28 =	vmul.f32 v31, v28  }
0x157: {  	v5 =	vand.u32 $0xFFFF0000, v5;
	v59 =	vshll.u32 v15, $0x10;
	v60 =	vshll.u32 v17, $0x10  }
0x158: {  	v16 =	vld.idx.msk [tilespmem:v16+s14+$0x0], $0xffff;
	v5 =	vmul.f32 v5, v7;
	v7 =	vsub.f32 v59, v60;
	v6 =	vadd.f32 v28, v6  }
0x159: {  	v61 =	vld.idx.msk [tilespmem:v30+s16+$0x0], $0xffff;
	v62 =	vshll.u32 v11, $0x10;
	v15 =	vand.u32 $0xFFFF0000, v15;
	v17 =	vand.u32 $0xFFFF0000, v17  }
0x15a: {  	v29 =	vld.idx.msk [tilespmem:v57+s18+$0x0], $0xffff;
	v5 =	vadd.f32 v6, v5;
	v6 =	vmul.f32 v62, v7;
	v7 =	vsub.f32 v15, v17  }
0x15b: {  	v11 =	vand.u32 $0xFFFF0000, v11;
	v63 =	vshll.u32 v20, $0x10;
	v28 =	vshll.u32 v22, $0x10  }
0x15c: {  	v9 =	vld.idx.msk [tilespmem:v58+s14+$0x0], $0xffff;
	v5 =	vadd.f32 v6, v5;
	v6 =	vmul.f32 v11, v7;
	v7 =	vsub.f32 v63, v28  }
0x15d: {  	v30 =	vld.idx.msk [tilespmem:v27+s16+$0x0], $0xffff;
	v32 =	vand.u32 $0xFFFF0000, v20;
	v33 =	vand.u32 $0xFFFF0000, v22;
	v31 =	vshll.u32 v16, $0x10  }
0x15e: {  	v12 =	vld.idx.msk [tilespmem:v12+s18+$0x0], $0xffff;
	v5 =	vadd.f32 v5, v6;
	v6 =	vmul.f32 v31, v7;
	v7 =	vsub.f32 v32, v33  }
0x15f: {  	v34 =	vand.u32 $0xFFFF0000, v16;
	v35 =	vshll.u32 v61, $0x10;
	v36 =	vshll.u32 v29, $0x10  }
0x160: {  	v37 =	vld.idx.msk [tilespmem:v26+s14+$0x0], $0xffff;
	v5 =	vadd.f32 v6, v5;
	v6 =	vmul.f32 v34, v7;
	v7 =	vsub.f32 v35, v36  }
0x161: {  	v38 =	vld.idx.msk [tilespmem:v25+s16+$0x0], $0xffff;
	v14 =	vand.u32 $0xFFFF0000, v61;
	v39 =	vshll.u32 v9, $0x10;
	v40 =	vand.u32 $0xFFFF0000, v29  }
0x162: {  	v13 =	vld.idx.msk [tilespmem:v13+s18+$0x0], $0xffff;
	v5 =	vadd.f32 v5, v6;
	v6 =	vmul.f32 v39, v7;
	v7 =	vsub.f32 v14, v40  }
0x163: {  	v41 =	vshll.u32 v30, $0x10;
	v42 =	vshll.u32 v12, $0x10;
	v9 =	vand.u32 $0xFFFF0000, v9  }
0x164: {  	v43 =	vld.idx.msk [tilespmem:v24+s14+$0x0], $0xffff;
	v5 =	vadd.f32 v6, v5;
	v6 =	vmul.f32 v9, v7;
	v7 =	vsub.f32 v41, v42  }
0x165: {  	v44 =	vld.idx.msk [tilespmem:v23+s16+$0x0], $0xffff;
	v45 =	vshll.u32 v37, $0x10;
	v12 =	vand.u32 $0xFFFF0000, v12;
	v11 =	vand.u32 $0xFFFF0000, v30  }
0x166: {  	v10 =	vld.idx.msk [tilespmem:v10+s18+$0x0], $0xffff;
	v5 =	vadd.f32 v5, v6;
	v6 =	vmul.f32 v45, v7;
	v7 =	vsub.f32 v11, v12  }
0x167: {  	v46 =	vand.u32 $0xFFFF0000, v37;
	v47 =	vshll.u32 v38, $0x10;
	v48 =	vshll.u32 v13, $0x10  }
0x168: {  	v49 =	vld.idx.msk [tilespmem:v21+s14+$0x0], $0xffff;
	v5 =	vadd.f32 v6, v5;
	v6 =	vmul.f32 v46, v7;
	v7 =	vsub.f32 v47, v48  }
0x169: {  	v50 =	vld.idx.msk [tilespmem:v19+s16+$0x0], $0xffff;
	v51 =	vshll.u32 v43, $0x10;
	v52 =	vand.u32 $0xFFFF0000, v38;
	v13 =	vand.u32 $0xFFFF0000, v13  }
0x16a: {  	v8 =	vld.idx.msk [tilespmem:v8+s18+$0x0], $0xffff;
	v5 =	vadd.f32 v5, v6;
	v6 =	vmul.f32 v51, v7;
	v7 =	vsub.f32 v52, v13  }
0x16b: {  	v53 =	vand.u32 $0xFFFF0000, v43;
	v54 =	vshll.u32 v44, $0x10;
	v55 =	vshll.u32 v10, $0x10  }
0x16c: {  	v56 =	vld.idx.msk [tilespmem:v18+s14+$0x0], $0xffff;
	v5 =	vadd.f32 v6, v5;
	v6 =	vmul.f32 v53, v7;
	v7 =	vsub.f32 v54, v55  }
0x16d: {  	v10 =	vand.u32 $0xFFFF0000, v10;
	v57 =	vshll.u32 v49, $0x10;
	v9 =	vand.u32 $0xFFFF0000, v44  }
0x16e: {  	v5 =	vadd.f32 v5, v6;
	v6 =	vmul.f32 v57, v7;
	v7 =	vsub.f32 v9, v10  }
0x16f: {  	v58 =	vand.u32 $0xFFFF0000, v49;
	v59 =	vshll.u32 v50, $0x10;
	v60 =	vshll.u32 v8, $0x10  }
0x170: {  	v5 =	vadd.f32 v6, v5;
	v6 =	vmul.f32 v58, v7;
	v7 =	vsub.f32 v59, v60  }
0x171: {  	v61 =	vshll.u32 v56, $0x10;
	v8 =	vand.u32 $0xFFFF0000, v8;
	v62 =	vand.u32 $0xFFFF0000, v50  }
0x172: {  	s17 =	simm.s32 $0x8;
	v8 =	vsub.f32 v62, v8;
	v6 =	vadd.f32 v5, v6;
	v7 =	vmul.f32 v61, v7  }
0x173: {  	v63 =	vand.u32 $0xFFFF0000, v56;
	v5 =	vadd.s32 s17, v0  }
0x174: {  	s21 =	simm.s32 $0xF;
	s19 =	simm.s32 $0x10;
	v5 =	vand.u32 $0x1F, v5;
	v6 =	vadd.f32 v7, v6;
	v7 =	vmul.f32 v63, v8  }
.LBB2_7:
0x175: {  	p0 =	slt.u32 s19, $0x18;
	v8 =	vor.u32 v5, v4;
	s23 =	sadd.s32 $0x6, s17;
	v9 =	vadd.s32 s21, v0  }
0x176: {  	v10 =	vor.u32 v5, v3;
	s21 =	sadd.s32 $0x1, s17;
	s26 =	sadd.s32 $0x4, s17;
	s28 =	sadd.s32 $0x5, s17;
	v11 =	vadd.s32 s23, v0;
	v6 =	vadd.f32 v6, v7  }
0x177: {  	v7 =	vadd.s32 s21, v0;
	s21 =	sadd.s32 $0x3, s17;
	v12 =	vadd.s32 s26, v0;
	v13 =	vadd.s32 s28, v0  }
0x178: {  	v14 =	vor.u32 v5, v2;
	s23 =	sadd.s32 $0x2, s17;
	s17 =	smov.u32 s19;
	v5 =	vand.u32 $0x1F, v7;
	v7 =	vadd.s32 s21, v0  }
0x179: {  	v9 =	vand.u32 $0x1F, v9;
	v16 =	vadd.s32 s23, v0;
	v15 =	vor.u32 v5, v4  }
0x17a: {  	v13 =	vand.u32 $0x1F, v13;
	v11 =	vand.u32 $0x1F, v11;
	v17 =	vor.u32 v5, v3;
	v8 =	vld.idx.msk [tilespmem:v8+s16+$0x0], $0xffff  }
0x17b: {  	v12 =	vand.u32 $0x1F, v12;
	v16 =	vand.u32 $0x1F, v16;
	v7 =	vand.u32 $0x1F, v7;
	v10 =	vld.idx.msk [tilespmem:v10+s18+$0x0], $0xffff  }
0x17c: {  	v19 =	vor.u32 v9, v4;
	v18 =	vor.u32 v5, v2;
	v5 =	vor.u32 v9, v2  }
0x17d: {  	v21 =	vor.u32 v11, v2;
	v9 =	vor.u32 v9, v3;
	v20 =	vor.u32 v16, v4;
	v14 =	vld.idx.msk [tilespmem:v14+s14+$0x0], $0xffff  }
0x17e: {  	v23 =	vor.u32 v11, v4;
	v11 =	vor.u32 v11, v3;
	v22 =	vor.u32 v16, v3;
	v15 =	vld.idx.msk [tilespmem:v15+s16+$0x0], $0xffff  }
0x17f: {  	v24 =	vor.u32 v13, v2;
	v25 =	vor.u32 v13, v4;
	v13 =	vor.u32 v13, v3;
	v17 =	vld.idx.msk [tilespmem:v17+s18+$0x0], $0xffff  }
0x180: {  	v26 =	vor.u32 v12, v2;
	v27 =	vor.u32 v12, v4;
	v16 =	vor.u32 v16, v2  }
0x181: {  	v30 =	vor.u32 v7, v4;
	v28 =	vshll.u32 v8, $0x10;
	v29 =	vshll.u32 v10, $0x10;
	v18 =	vld.idx.msk [tilespmem:v18+s14+$0x0], $0xffff  }
0x182: {  	v12 =	vor.u32 v12, v3;
	v28 =	vsub.f32 v28, v29;
	v29 =	vor.u32 v7, v3;
	v20 =	vld.idx.msk [tilespmem:v20+s16+$0x0], $0xffff  }
0x183: {  	v8 =	vand.u32 $0xFFFF0000, v8;
	v10 =	vand.u32 $0xFFFF0000, v10;
	v31 =	vshll.u32 v14, $0x10;
	v22 =	vld.idx.msk [tilespmem:v22+s18+$0x0], $0xffff  }
0x184: {  	v8 =	vsub.f32 v8, v10;
	v7 =	vor.u32 v7, v2;
	v28 =	vmul.f32 v31, v28  }
0x185: {  	v10 =	vand.u32 $0xFFFF0000, v14;
	v14 =	vshll.u32 v15, $0x10;
	v31 =	vshll.u32 v17, $0x10;
	v16 =	vld.idx.msk [tilespmem:v16+s14+$0x0], $0xffff  }
0x186: {  	v8 =	vmul.f32 v10, v8;
	v6 =	vadd.f32 v28, v6;
	v10 =	vsub.f32 v14, v31;
	v14 =	vld.idx.msk [tilespmem:v30+s16+$0x0], $0xffff  }
0x187: {  	v15 =	vand.u32 $0xFFFF0000, v15;
	v17 =	vand.u32 $0xFFFF0000, v17;
	v28 =	vshll.u32 v18, $0x10;
	v29 =	vld.idx.msk [tilespmem:v29+s18+$0x0], $0xffff  }
0x188: {  	v6 =	vadd.f32 v6, v8;
	v8 =	vmul.f32 v28, v10;
	v10 =	vsub.f32 v15, v17  }
0x189: {  	v15 =	vand.u32 $0xFFFF0000, v18;
	v17 =	vshll.u32 v20, $0x10;
	v18 =	vshll.u32 v22, $0x10;
	v7 =	vld.idx.msk [tilespmem:v7+s14+$0x0], $0xffff  }
0x18a: {  	v6 =	vadd.f32 v8, v6;
	v8 =	vmul.f32 v15, v10;
	v10 =	vsub.f32 v17, v18;
	v15 =	vld.idx.msk [tilespmem:v27+s16+$0x0], $0xffff  }
0x18b: {  	v18 =	vand.u32 $0xFFFF0000, v20;
	v20 =	vand.u32 $0xFFFF0000, v22;
	v17 =	vshll.u32 v16, $0x10;
	v12 =	vld.idx.msk [tilespmem:v12+s18+$0x0], $0xffff  }
0x18c: {  	v6 =	vadd.f32 v6, v8;
	v8 =	vmul.f32 v17, v10;
	v10 =	vsub.f32 v18, v20  }
0x18d: {  	v16 =	vand.u32 $0xFFFF0000, v16;
	v17 =	vshll.u32 v14, $0x10;
	v18 =	vshll.u32 v29, $0x10;
	v20 =	vld.idx.msk [tilespmem:v26+s14+$0x0], $0xffff  }
0x18e: {  	v6 =	vadd.f32 v8, v6;
	v8 =	vmul.f32 v16, v10;
	v10 =	vsub.f32 v17, v18;
	v16 =	vld.idx.msk [tilespmem:v25+s16+$0x0], $0xffff  }
0x18f: {  	v14 =	vand.u32 $0xFFFF0000, v14;
	v18 =	vand.u32 $0xFFFF0000, v29;
	v17 =	vshll.u32 v7, $0x10;
	v13 =	vld.idx.msk [tilespmem:v13+s18+$0x0], $0xffff  }
0x190: {  	v6 =	vadd.f32 v6, v8;
	v8 =	vmul.f32 v17, v10;
	v10 =	vsub.f32 v14, v18  }
0x191: {  	v7 =	vand.u32 $0xFFFF0000, v7;
	v14 =	vshll.u32 v15, $0x10;
	v17 =	vshll.u32 v12, $0x10;
	v18 =	vld.idx.msk [tilespmem:v24+s14+$0x0], $0xffff  }
0x192: {  	v6 =	vadd.f32 v8, v6;
	v7 =	vmul.f32 v7, v10;
	v8 =	vsub.f32 v14, v17;
	v10 =	vld.idx.msk [tilespmem:v23+s16+$0x0], $0xffff  }
0x193: {  	v15 =	vand.u32 $0xFFFF0000, v15;
	v12 =	vand.u32 $0xFFFF0000, v12;
	v14 =	vshll.u32 v20, $0x10;
	v11 =	vld.idx.msk [tilespmem:v11+s18+$0x0], $0xffff  }
0x194: {  	v6 =	vadd.f32 v6, v7;
	v7 =	vmul.f32 v14, v8;
	v8 =	vsub.f32 v15, v12  }
0x195: {  	v12 =	vand.u32 $0xFFFF0000, v20;
	v14 =	vshll.u32 v16, $0x10;
	v15 =	vshll.u32 v13, $0x10;
	v17 =	vld.idx.msk [tilespmem:v21+s14+$0x0], $0xffff  }
0x196: {  	v6 =	vadd.f32 v7, v6;
	v7 =	vmul.f32 v12, v8;
	v8 =	vsub.f32 v14, v15;
	v12 =	vld.idx.msk [tilespmem:v19+s16+$0x0], $0xffff  }
0x197: {  	v13 =	vand.u32 $0xFFFF0000, v13;
	v15 =	vand.u32 $0xFFFF0000, v16;
	v14 =	vshll.u32 v18, $0x10;
	v9 =	vld.idx.msk [tilespmem:v9+s18+$0x0], $0xffff  }
0x198: {  	v6 =	vadd.f32 v6, v7;
	v7 =	vmul.f32 v14, v8;
	v8 =	vsub.f32 v15, v13  }
0x199: {  	v13 =	vand.u32 $0xFFFF0000, v18;
	v14 =	vshll.u32 v10, $0x10;
	v15 =	vshll.u32 v11, $0x10;
	v5 =	vld.idx.msk [tilespmem:v5+s14+$0x0], $0xffff  }
0x19a: {  	v6 =	vadd.f32 v7, v6;
	v7 =	vmul.f32 v13, v8;
	v8 =	vsub.f32 v14, v15  }
0x19b: {  	v10 =	vand.u32 $0xFFFF0000, v10;
	v11 =	vand.u32 $0xFFFF0000, v11;
	v13 =	vshll.u32 v17, $0x10  }
0x19c: {  	v6 =	vadd.f32 v6, v7;
	v7 =	vmul.f32 v13, v8;
	v8 =	vsub.f32 v10, v11  }
0x19d: {  	v10 =	vand.u32 $0xFFFF0000, v17;
	v11 =	vshll.u32 v12, $0x10;
	v13 =	vshll.u32 v9, $0x10  }
.Ltmp2:
0x19e: {  	v6 =	vadd.f32 v7, v6;
	v7 =	vmul.f32 v10, v8;
	v8 =	vsub.f32 v11, v13;
	(pc) =	sbr.rel @p0 .LBB2_7-.Ltmp2, $4  }
0x19f: {  	v9 =	vand.u32 $0xFFFF0000, v9;
	v11 =	vand.u32 $0xFFFF0000, v12;
	v10 =	vshll.u32 v5, $0x10  }
0x1a0: {  	v6 =	vadd.f32 v6, v7;
	v7 =	vmul.f32 v10, v8;
	v8 =	vsub.f32 v11, v9  }
0x1a1: {  	v9 =	vadd.s32 s19, v0;
	v10 =	vand.u32 $0xFFFF0000, v5  }
0x1a2: {  	s21 =	sadd.s32 $0x7, s17;
	s19 =	sadd.s32 $0x8, s19;
	v5 =	vand.u32 $0x1F, v9;
	v6 =	vadd.f32 v7, v6;
	v7 =	vmul.f32 v10, v8  }
0x1a3: {  	v8 =	vor.u32 v5, v4;
	s19 =	sadd.s32 $0x6, s17;
	v9 =	vadd.s32 s21, v0  }
0x1a4: {  	v10 =	vor.u32 v5, v3;
	s28 =	sadd.s32 $0x1, s17;
	s23 =	sadd.s32 $0x4, s17;
	v39 =	vor.u32 v5, v2;
	v11 =	vadd.s32 s19, v0  }
0x1a5: {  	s26 =	sadd.s32 $0x5, s17;
	s21 =	sadd.s32 $0x3, s17;
	v6 =	vadd.f32 v6, v7;
	v38 =	vadd.s32 s28, v0;
	v12 =	vadd.s32 s23, v0  }
0x1a6: {  	v13 =	vadd.s32 s26, v0;
	s28 =	sadd.s32 $0x2, s17;
	v14 =	vadd.s32 s21, v0;
	v9 =	vand.u32 $0x1F, v9  }
0x1a7: {  	v7 =	vand.u32 $0x1F, v38;
	v16 =	vadd.s32 s28, v0;
	v13 =	vand.u32 $0x1F, v13  }
0x1a8: {  	v11 =	vand.u32 $0x1F, v11;
	v14 =	vand.u32 $0x1F, v14;
	v15 =	vor.u32 v7, v4  }
0x1a9: {  	v12 =	vand.u32 $0x1F, v12;
	v18 =	vor.u32 v9, v2;
	v17 =	vor.u32 v7, v3;
	v8 =	vld.idx.msk [tilespmem:v8+s16+$0x0], $0xffff  }
0x1aa: {  	v19 =	vor.u32 v9, v4;
	v9 =	vor.u32 v9, v3;
	v16 =	vand.u32 $0x1F, v16;
	v10 =	vld.idx.msk [tilespmem:v10+s18+$0x0], $0xffff  }
0x1ab: {  	v7 =	vor.u32 v7, v2;
	v21 =	vor.u32 v11, v2;
	v23 =	vor.u32 v11, v4  }
0x1ac: {  	v11 =	vor.u32 v11, v3;
	v24 =	vor.u32 v13, v2;
	v20 =	vor.u32 v16, v4;
	v5 =	vld.idx.msk [tilespmem:v39+s14+$0x0], $0xffff  }
0x1ad: {  	v25 =	vor.u32 v13, v4;
	v13 =	vor.u32 v13, v3;
	v22 =	vor.u32 v16, v3;
	v15 =	vld.idx.msk [tilespmem:v15+s16+$0x0], $0xffff  }
0x1ae: {  	v26 =	vor.u32 v12, v2;
	v27 =	vor.u32 v12, v4;
	v40 =	vor.u32 v14, v4;
	v17 =	vld.idx.msk [tilespmem:v17+s18+$0x0], $0xffff  }
0x1af: {  	v16 =	vor.u32 v16, v2;
	v28 =	vshll.u32 v8, $0x10;
	v29 =	vshll.u32 v10, $0x10  }
0x1b0: {  	v41 =	vor.u32 v14, v3;
	v3 =	vor.u32 v12, v3;
	v7 =	vld.idx.msk [tilespmem:v7+s14+$0x0], $0xffff;
	v28 =	vsub.f32 v28, v29  }
0x1b1: {  	v42 =	vld.idx.msk [tilespmem:v20+s16+$0x0], $0xffff;
	v43 =	vshll.u32 v5, $0x10;
	v8 =	vand.u32 $0xFFFF0000, v8;
	v10 =	vand.u32 $0xFFFF0000, v10  }
0x1b2: {  	v2 =	vor.u32 v14, v2;
	v22 =	vld.idx.msk [tilespmem:v22+s18+$0x0], $0xffff;
	v8 =	vsub.f32 v8, v10;
	v20 =	vmul.f32 v43, v28  }
0x1b3: {  	v5 =	vand.u32 $0xFFFF0000, v5;
	v44 =	vshll.u32 v15, $0x10;
	v45 =	vshll.u32 v17, $0x10  }
0x1b4: {  	v16 =	vld.idx.msk [tilespmem:v16+s14+$0x0], $0xffff;
	v5 =	vmul.f32 v5, v8;
	v46 =	vsub.f32 v44, v45;
	v6 =	vadd.f32 v20, v6  }
0x1b5: {  	v4 =	vld.idx.msk [tilespmem:v40+s16+$0x0], $0xffff;
	v47 =	vshll.u32 v7, $0x10;
	v48 =	vand.u32 $0xFFFF0000, v15;
	v49 =	vand.u32 $0xFFFF0000, v17  }
0x1b6: {  	v50 =	vld.idx.msk [tilespmem:v41+s18+$0x0], $0xffff;
	v52 =	vsub.f32 v48, v49;
	v51 =	vmul.f32 v47, v46;
	v5 =	vadd.f32 v6, v5  }
0x1b7: {  	v7 =	vand.u32 $0xFFFF0000, v7;
	v53 =	vshll.u32 v42, $0x10;
	v54 =	vshll.u32 v22, $0x10  }
0x1b8: {  	v2 =	vld.idx.msk [tilespmem:v2+s14+$0x0], $0xffff;
	v56 =	vsub.f32 v53, v54;
	v55 =	vmul.f32 v7, v52;
	v5 =	vadd.f32 v51, v5  }
0x1b9: {  	v57 =	vld.idx.msk [tilespmem:v27+s16+$0x0], $0xffff;
	v58 =	vshll.u32 v16, $0x10;
	v12 =	vand.u32 $0xFFFF0000, v42;
	v59 =	vand.u32 $0xFFFF0000, v22  }
0x1ba: {  	v3 =	vld.idx.msk [tilespmem:v3+s18+$0x0], $0xffff;
	v61 =	vsub.f32 v12, v59;
	v60 =	vmul.f32 v58, v56;
	v5 =	vadd.f32 v5, v55  }
0x1bb: {  	v63 =	vshll.u32 v4, $0x10;
	v62 =	vand.u32 $0xFFFF0000, v16;
	v20 =	vshll.u32 v50, $0x10  }
0x1bc: {  	v22 =	vld.idx.msk [tilespmem:v26+s14+$0x0], $0xffff;
	v27 =	vsub.f32 v63, v20;
	v26 =	vmul.f32 v62, v61;
	v5 =	vadd.f32 v60, v5  }
0x1bd: {  	v13 =	vld.idx.msk [tilespmem:v13+s18+$0x0], $0xffff;
	v4 =	vand.u32 $0xFFFF0000, v4;
	v30 =	vand.u32 $0xFFFF0000, v50;
	v29 =	vshll.u32 v2, $0x10  }
0x1be: {  	v28 =	vld.idx.msk [tilespmem:v25+s16+$0x0], $0xffff;
	v4 =	vsub.f32 v4, v30;
	v31 =	vmul.f32 v29, v27;
	v5 =	vadd.f32 v5, v26  }
0x1bf: {  	v32 =	vshll.u32 v57, $0x10;
	v2 =	vand.u32 $0xFFFF0000, v2;
	v33 =	vshll.u32 v3, $0x10  }
0x1c0: {  	v34 =	vld.idx.msk [tilespmem:v24+s14+$0x0], $0xffff;
	v35 =	vsub.f32 v32, v33;
	v2 =	vmul.f32 v2, v4;
	v5 =	vadd.f32 v31, v5  }
0x1c1: {  	v36 =	vld.idx.msk [tilespmem:v23+s16+$0x0], $0xffff;
	v8 =	vand.u32 $0xFFFF0000, v57;
	v3 =	vand.u32 $0xFFFF0000, v3;
	v37 =	vshll.u32 v22, $0x10  }
0x1c2: {  	v11 =	vld.idx.msk [tilespmem:v11+s18+$0x0], $0xffff;
	v3 =	vsub.f32 v8, v3;
	v4 =	vmul.f32 v37, v35;
	v2 =	vadd.f32 v5, v2  }
0x1c3: {  	v40 =	vshll.u32 v13, $0x10;
	v39 =	vshll.u32 v28, $0x10;
	v38 =	vand.u32 $0xFFFF0000, v22  }
0x1c4: {  	v41 =	vld.idx.msk [tilespmem:v21+s14+$0x0], $0xffff;
	v42 =	vsub.f32 v39, v40;
	v3 =	vmul.f32 v38, v3;
	v2 =	vadd.f32 v4, v2  }
0x1c5: {  	v9 =	vld.idx.msk [tilespmem:v9+s18+$0x0], $0xffff;
	v44 =	vshll.u32 v34, $0x10;
	v46 =	vand.u32 $0xFFFF0000, v13;
	v45 =	vand.u32 $0xFFFF0000, v28  }
0x1c6: {  	v43 =	vld.idx.msk [tilespmem:v19+s16+$0x0], $0xffff;
	v47 =	vsub.f32 v45, v46;
	v2 =	vadd.f32 v2, v3;
	v3 =	vmul.f32 v44, v42  }
0x1c7: {  	v48 =	vand.u32 $0xFFFF0000, v34;
	v49 =	vshll.u32 v36, $0x10;
	v50 =	vshll.u32 v11, $0x10  }
0x1c8: {  	v52 =	vsub.f32 v49, v50;
	v51 =	vld.idx.msk [tilespmem:v18+s14+$0x0], $0xffff;
	v2 =	vadd.f32 v3, v2;
	v3 =	vmul.f32 v48, v47  }
0x1c9: {  	v53 =	vshll.u32 v41, $0x10;
	v54 =	vand.u32 $0xFFFF0000, v11;
	v6 =	vand.u32 $0xFFFF0000, v36  }
0x1ca: {  	v55 =	vsub.f32 v6, v54;
	v2 =	vadd.f32 v2, v3;
	v3 =	vmul.f32 v53, v52  }
0x1cb: {  	v56 =	vand.u32 $0xFFFF0000, v41;
	v58 =	vshll.u32 v9, $0x10;
	v57 =	vshll.u32 v43, $0x10  }
0x1cc: {  	v59 =	vsub.f32 v57, v58;
	v2 =	vadd.f32 v3, v2;
	v3 =	vmul.f32 v56, v55  }
0x1cd: {  	v61 =	vand.u32 $0xFFFF0000, v9;
	v60 =	vshll.u32 v51, $0x10;
	v5 =	vand.u32 $0xFFFF0000, v43  }
0x1ce: {  	s13 =	sadd.s32 $0x1, s13;
	v62 =	vsub.f32 v5, v61;
	v2 =	vadd.f32 v2, v3;
	v3 =	vmul.f32 v60, v59  }
0x1cf: {  	p0 =	sne.s32 s13, $0x8;
	v63 =	vand.u32 $0xFFFF0000, v51  }
.Ltmp3:
0x1d0: {  	v2 =	vadd.f32 v3, v2;
	v3 =	vmul.f32 v63, v62;
	(pc) =	sbr.rel @p0 .LBB2_6-.Ltmp3, $3  }
0x1d1: {  	_ = 	snop  }
0x1d2: {  	v2 =	vadd.f32 v2, v3;
	_ =	sdelay $0x1  }
0x1d3: {  	[tilespmem:s15+$0x18C80] =	vst v2  }
0x1d4: {  	[tilespmem:s20], [sflag:$0x1] =	stream.indirect.gather [hbm4b:s3+s12], $0x80, s30, s12, $0xb8;
	[tilespmem:$0x18E00] =	vst v63  }
0x1d5: {  	_ = 	snop  }
0x1d6: {  	[tilespmem:s22], [sflag:$0x1] =	stream.indirect.gather [hbm4b:s3+s12], $0x80, s31, s12, $0xb8;
	[tilespmem:$0x18E00] =	vst v63  }
0x1d7: {  	_ = 	snop  }
0x1d8: {  	[tilespmem:s24], [sflag:$0x1] =	stream.indirect.gather [hbm4b:s3+s12], $0x80, s0, s12, $0xb8;
	[tilespmem:$0x18E00] =	vst v63  }
0x1d9: {  	_ =	swait.ge [sflag:s25], $0x4000  }
0x1da: {  	[sflag:s25] =	ssyncset.done $0x0  }
0x1db: {  	[sflag:s25] =	ssyncadd.s32 $0xFFFFC000  }
0x1dc: {  	_ =	swait.ge [sflag:s25], $0x4000  }
0x1dd: {  	[sflag:s25] =	ssyncset.done $0x0  }
0x1de: {  	[sflag:s25] =	ssyncadd.s32 $0xFFFFC000  }
0x1df: {  	_ =	swait.ge [sflag:s25], $0x4000  }
0x1e0: {  	[sflag:s25] =	ssyncset.done $0x0  }
0x1e1: {  	s11 =	simm.s32 $0x0;
	s13 =	simm.s32 $0x0;
	[sflag:s25] =	ssyncadd.s32 $0xFFFFC000  }
.LBB2_10:
0x1e2: {  	s15 =	sshll.u32 s13, $0x4  }
0x1e3: {  	v3 =	vld [tilespmem:s15+$0x300]  }
0x1e4: {  	s17 =	sor.u32 $0x100, s15;
	v4 =	vld [tilespmem:s15+$0x500]  }
0x1e5: {  	v2 =	vld [tilespmem:s17+$0x0]  }
0x1e6: {  	s26 =	simm.s32 $0x7  }
0x1e7: {  	v7 =	vadd.s32 s11, v0;
	s19 =	simm.s32 $0x6;
	s28 =	simm.s32 $0x1;
	v5 =	vmov s15;
	v8 =	vadd.s32 s26, v0  }
0x1e8: {  	v10 =	vadd.s32 s19, v0;
	v11 =	vadd.s32 s28, v0;
	v5 =	vshll.u32 v5, $0x7  }
0x1e9: {  	v5 =	vor.u32 v1, v5;
	v3 =	vshll.u32 v3, $0x6;
	v4 =	vshll.u32 v4, $0x6  }
0x1ea: {  	v2 =	vshll.u32 v2, $0x6;
	v3 =	vand.u32 $0x40, v3;
	v4 =	vand.u32 $0x40, v4  }
0x1eb: {  	v2 =	vand.u32 $0x40, v2;
	v3 =	vor.u32 v5, v3;
	v6 =	vor.u32 v5, v4  }
0x1ec: {  	s21 =	simm.s32 $0x4;
	v2 =	vor.u32 v5, v2;
	v4 =	vor.u32 $0x20, v3;
	v5 =	vand.u32 $0x1F, v7  }
0x1ed: {  	s23 =	simm.s32 $0x5;
	v12 =	vadd.s32 s21, v0;
	v3 =	vor.u32 $0x20, v6;
	v7 =	vor.u32 v5, v4  }
0x1ee: {  	s26 =	simm.s32 $0x3;
	v13 =	vadd.s32 s23, v0;
	s28 =	simm.s32 $0x2;
	v11 =	vand.u32 $0x1F, v11;
	v9 =	vor.u32 v5, v3  }
0x1ef: {  	v14 =	vadd.s32 s26, v0;
	v16 =	vadd.s32 s28, v0;
	v8 =	vand.u32 $0x1F, v8  }
0x1f0: {  	v13 =	vand.u32 $0x1F, v13;
	v10 =	vand.u32 $0x1F, v10;
	v5 =	vor.u32 v5, v2  }
0x1f1: {  	v12 =	vand.u32 $0x1F, v12;
	v16 =	vand.u32 $0x1F, v16;
	v15 =	vor.u32 v11, v4  }
0x1f2: {  	v14 =	vand.u32 $0x1F, v14;
	v6 =	vimm.f32 $0.0e+00;
	v17 =	vor.u32 v11, v3;
	v7 =	vld.idx.msk [tilespmem:v7+s16+$0x0], $0xffff  }
0x1f3: {  	v11 =	vor.u32 v11, v2;
	v18 =	vor.u32 v8, v2;
	v19 =	vor.u32 v8, v4;
	v9 =	vld.idx.msk [tilespmem:v9+s18+$0x0], $0xffff  }
0x1f4: {  	v20 =	vor.u32 v16, v4;
	v21 =	vor.u32 v10, v2;
	v8 =	vor.u32 v8, v3  }
0x1f5: {  	v22 =	vor.u32 v16, v3;
	v23 =	vor.u32 v10, v4;
	v10 =	vor.u32 v10, v3;
	v5 =	vld.idx.msk [tilespmem:v5+s14+$0x0], $0xffff  }
0x1f6: {  	v24 =	vor.u32 v13, v2;
	v25 =	vor.u32 v13, v4;
	v13 =	vor.u32 v13, v3;
	v15 =	vld.idx.msk [tilespmem:v15+s16+$0x0], $0xffff  }
0x1f7: {  	v16 =	vor.u32 v16, v2;
	v26 =	vor.u32 v12, v2;
	v27 =	vor.u32 v12, v4;
	v17 =	vld.idx.msk [tilespmem:v17+s18+$0x0], $0xffff  }
0x1f8: {  	v30 =	vor.u32 v14, v4;
	v28 =	vshll.u32 v7, $0x10;
	v29 =	vshll.u32 v9, $0x10  }
0x1f9: {  	v57 =	vor.u32 v14, v3;
	v12 =	vor.u32 v12, v3;
	v11 =	vld.idx.msk [tilespmem:v11+s14+$0x0], $0xffff;
	v28 =	vsub.f32 v28, v29  }
0x1fa: {  	v20 =	vld.idx.msk [tilespmem:v20+s16+$0x0], $0xffff;
	v31 =	vshll.u32 v5, $0x10;
	v7 =	vand.u32 $0xFFFF0000, v7;
	v9 =	vand.u32 $0xFFFF0000, v9  }
0x1fb: {  	v58 =	vor.u32 v14, v2;
	v22 =	vld.idx.msk [tilespmem:v22+s18+$0x0], $0xffff;
	v7 =	vsub.f32 v7, v9;
	v28 =	vmul.f32 v31, v28  }
0x1fc: {  	v5 =	vand.u32 $0xFFFF0000, v5;
	v59 =	vshll.u32 v15, $0x10;
	v60 =	vshll.u32 v17, $0x10  }
0x1fd: {  	v16 =	vld.idx.msk [tilespmem:v16+s14+$0x0], $0xffff;
	v5 =	vmul.f32 v5, v7;
	v7 =	vsub.f32 v59, v60;
	v6 =	vadd.f32 v28, v6  }
0x1fe: {  	v61 =	vld.idx.msk [tilespmem:v30+s16+$0x0], $0xffff;
	v62 =	vshll.u32 v11, $0x10;
	v15 =	vand.u32 $0xFFFF0000, v15;
	v17 =	vand.u32 $0xFFFF0000, v17  }
0x1ff: {  	v29 =	vld.idx.msk [tilespmem:v57+s18+$0x0], $0xffff;
	v5 =	vadd.f32 v6, v5;
	v6 =	vmul.f32 v62, v7;
	v7 =	vsub.f32 v15, v17  }
0x200: {  	v11 =	vand.u32 $0xFFFF0000, v11;
	v63 =	vshll.u32 v20, $0x10;
	v28 =	vshll.u32 v22, $0x10  }
0x201: {  	v9 =	vld.idx.msk [tilespmem:v58+s14+$0x0], $0xffff;
	v5 =	vadd.f32 v6, v5;
	v6 =	vmul.f32 v11, v7;
	v7 =	vsub.f32 v63, v28  }
0x202: {  	v30 =	vld.idx.msk [tilespmem:v27+s16+$0x0], $0xffff;
	v32 =	vand.u32 $0xFFFF0000, v20;
	v33 =	vand.u32 $0xFFFF0000, v22;
	v31 =	vshll.u32 v16, $0x10  }
0x203: {  	v12 =	vld.idx.msk [tilespmem:v12+s18+$0x0], $0xffff;
	v5 =	vadd.f32 v5, v6;
	v6 =	vmul.f32 v31, v7;
	v7 =	vsub.f32 v32, v33  }
0x204: {  	v34 =	vand.u32 $0xFFFF0000, v16;
	v35 =	vshll.u32 v61, $0x10;
	v36 =	vshll.u32 v29, $0x10  }
0x205: {  	v37 =	vld.idx.msk [tilespmem:v26+s14+$0x0], $0xffff;
	v5 =	vadd.f32 v6, v5;
	v6 =	vmul.f32 v34, v7;
	v7 =	vsub.f32 v35, v36  }
0x206: {  	v38 =	vld.idx.msk [tilespmem:v25+s16+$0x0], $0xffff;
	v14 =	vand.u32 $0xFFFF0000, v61;
	v39 =	vshll.u32 v9, $0x10;
	v40 =	vand.u32 $0xFFFF0000, v29  }
0x207: {  	v13 =	vld.idx.msk [tilespmem:v13+s18+$0x0], $0xffff;
	v5 =	vadd.f32 v5, v6;
	v6 =	vmul.f32 v39, v7;
	v7 =	vsub.f32 v14, v40  }
0x208: {  	v41 =	vshll.u32 v30, $0x10;
	v42 =	vshll.u32 v12, $0x10;
	v9 =	vand.u32 $0xFFFF0000, v9  }
0x209: {  	v43 =	vld.idx.msk [tilespmem:v24+s14+$0x0], $0xffff;
	v5 =	vadd.f32 v6, v5;
	v6 =	vmul.f32 v9, v7;
	v7 =	vsub.f32 v41, v42  }
0x20a: {  	v44 =	vld.idx.msk [tilespmem:v23+s16+$0x0], $0xffff;
	v45 =	vshll.u32 v37, $0x10;
	v12 =	vand.u32 $0xFFFF0000, v12;
	v11 =	vand.u32 $0xFFFF0000, v30  }
0x20b: {  	v10 =	vld.idx.msk [tilespmem:v10+s18+$0x0], $0xffff;
	v5 =	vadd.f32 v5, v6;
	v6 =	vmul.f32 v45, v7;
	v7 =	vsub.f32 v11, v12  }
0x20c: {  	v46 =	vand.u32 $0xFFFF0000, v37;
	v47 =	vshll.u32 v38, $0x10;
	v48 =	vshll.u32 v13, $0x10  }
0x20d: {  	v49 =	vld.idx.msk [tilespmem:v21+s14+$0x0], $0xffff;
	v5 =	vadd.f32 v6, v5;
	v6 =	vmul.f32 v46, v7;
	v7 =	vsub.f32 v47, v48  }
0x20e: {  	v50 =	vld.idx.msk [tilespmem:v19+s16+$0x0], $0xffff;
	v51 =	vshll.u32 v43, $0x10;
	v52 =	vand.u32 $0xFFFF0000, v38;
	v13 =	vand.u32 $0xFFFF0000, v13  }
0x20f: {  	v8 =	vld.idx.msk [tilespmem:v8+s18+$0x0], $0xffff;
	v5 =	vadd.f32 v5, v6;
	v6 =	vmul.f32 v51, v7;
	v7 =	vsub.f32 v52, v13  }
0x210: {  	v53 =	vand.u32 $0xFFFF0000, v43;
	v54 =	vshll.u32 v44, $0x10;
	v55 =	vshll.u32 v10, $0x10  }
0x211: {  	v56 =	vld.idx.msk [tilespmem:v18+s14+$0x0], $0xffff;
	v5 =	vadd.f32 v6, v5;
	v6 =	vmul.f32 v53, v7;
	v7 =	vsub.f32 v54, v55  }
0x212: {  	v10 =	vand.u32 $0xFFFF0000, v10;
	v57 =	vshll.u32 v49, $0x10;
	v9 =	vand.u32 $0xFFFF0000, v44  }
0x213: {  	v5 =	vadd.f32 v5, v6;
	v6 =	vmul.f32 v57, v7;
	v7 =	vsub.f32 v9, v10  }
0x214: {  	v58 =	vand.u32 $0xFFFF0000, v49;
	v59 =	vshll.u32 v50, $0x10;
	v60 =	vshll.u32 v8, $0x10  }
0x215: {  	v5 =	vadd.f32 v6, v5;
	v6 =	vmul.f32 v58, v7;
	v7 =	vsub.f32 v59, v60  }
0x216: {  	v61 =	vshll.u32 v56, $0x10;
	v8 =	vand.u32 $0xFFFF0000, v8;
	v62 =	vand.u32 $0xFFFF0000, v50  }
0x217: {  	s17 =	simm.s32 $0x8;
	v8 =	vsub.f32 v62, v8;
	v6 =	vadd.f32 v5, v6;
	v7 =	vmul.f32 v61, v7  }
0x218: {  	v63 =	vand.u32 $0xFFFF0000, v56;
	v5 =	vadd.s32 s17, v0  }
0x219: {  	s21 =	simm.s32 $0xF;
	s19 =	simm.s32 $0x10;
	v5 =	vand.u32 $0x1F, v5;
	v6 =	vadd.f32 v7, v6;
	v7 =	vmul.f32 v63, v8  }
.LBB2_11:
0x21a: {  	p0 =	slt.u32 s19, $0x18;
	v8 =	vor.u32 v5, v4;
	s23 =	sadd.s32 $0x6, s17;
	v9 =	vadd.s32 s21, v0  }
0x21b: {  	v10 =	vor.u32 v5, v3;
	s21 =	sadd.s32 $0x1, s17;
	s26 =	sadd.s32 $0x4, s17;
	s28 =	sadd.s32 $0x5, s17;
	v11 =	vadd.s32 s23, v0;
	v6 =	vadd.f32 v6, v7  }
0x21c: {  	v7 =	vadd.s32 s21, v0;
	s21 =	sadd.s32 $0x3, s17;
	v12 =	vadd.s32 s26, v0;
	v13 =	vadd.s32 s28, v0  }
0x21d: {  	v14 =	vor.u32 v5, v2;
	s23 =	sadd.s32 $0x2, s17;
	s17 =	smov.u32 s19;
	v5 =	vand.u32 $0x1F, v7;
	v7 =	vadd.s32 s21, v0  }
0x21e: {  	v9 =	vand.u32 $0x1F, v9;
	v16 =	vadd.s32 s23, v0;
	v15 =	vor.u32 v5, v4  }
0x21f: {  	v13 =	vand.u32 $0x1F, v13;
	v11 =	vand.u32 $0x1F, v11;
	v17 =	vor.u32 v5, v3;
	v8 =	vld.idx.msk [tilespmem:v8+s16+$0x0], $0xffff  }
0x220: {  	v12 =	vand.u32 $0x1F, v12;
	v16 =	vand.u32 $0x1F, v16;
	v7 =	vand.u32 $0x1F, v7;
	v10 =	vld.idx.msk [tilespmem:v10+s18+$0x0], $0xffff  }
0x221: {  	v19 =	vor.u32 v9, v4;
	v18 =	vor.u32 v5, v2;
	v5 =	vor.u32 v9, v2  }
0x222: {  	v21 =	vor.u32 v11, v2;
	v9 =	vor.u32 v9, v3;
	v20 =	vor.u32 v16, v4;
	v14 =	vld.idx.msk [tilespmem:v14+s14+$0x0], $0xffff  }
0x223: {  	v23 =	vor.u32 v11, v4;
	v11 =	vor.u32 v11, v3;
	v22 =	vor.u32 v16, v3;
	v15 =	vld.idx.msk [tilespmem:v15+s16+$0x0], $0xffff  }
0x224: {  	v24 =	vor.u32 v13, v2;
	v25 =	vor.u32 v13, v4;
	v13 =	vor.u32 v13, v3;
	v17 =	vld.idx.msk [tilespmem:v17+s18+$0x0], $0xffff  }
0x225: {  	v26 =	vor.u32 v12, v2;
	v27 =	vor.u32 v12, v4;
	v16 =	vor.u32 v16, v2  }
0x226: {  	v30 =	vor.u32 v7, v4;
	v28 =	vshll.u32 v8, $0x10;
	v29 =	vshll.u32 v10, $0x10;
	v18 =	vld.idx.msk [tilespmem:v18+s14+$0x0], $0xffff  }
0x227: {  	v12 =	vor.u32 v12, v3;
	v28 =	vsub.f32 v28, v29;
	v29 =	vor.u32 v7, v3;
	v20 =	vld.idx.msk [tilespmem:v20+s16+$0x0], $0xffff  }
0x228: {  	v8 =	vand.u32 $0xFFFF0000, v8;
	v10 =	vand.u32 $0xFFFF0000, v10;
	v31 =	vshll.u32 v14, $0x10;
	v22 =	vld.idx.msk [tilespmem:v22+s18+$0x0], $0xffff  }
0x229: {  	v8 =	vsub.f32 v8, v10;
	v7 =	vor.u32 v7, v2;
	v28 =	vmul.f32 v31, v28  }
0x22a: {  	v10 =	vand.u32 $0xFFFF0000, v14;
	v14 =	vshll.u32 v15, $0x10;
	v31 =	vshll.u32 v17, $0x10;
	v16 =	vld.idx.msk [tilespmem:v16+s14+$0x0], $0xffff  }
0x22b: {  	v8 =	vmul.f32 v10, v8;
	v6 =	vadd.f32 v28, v6;
	v10 =	vsub.f32 v14, v31;
	v14 =	vld.idx.msk [tilespmem:v30+s16+$0x0], $0xffff  }
0x22c: {  	v15 =	vand.u32 $0xFFFF0000, v15;
	v17 =	vand.u32 $0xFFFF0000, v17;
	v28 =	vshll.u32 v18, $0x10;
	v29 =	vld.idx.msk [tilespmem:v29+s18+$0x0], $0xffff  }
0x22d: {  	v6 =	vadd.f32 v6, v8;
	v8 =	vmul.f32 v28, v10;
	v10 =	vsub.f32 v15, v17  }
0x22e: {  	v15 =	vand.u32 $0xFFFF0000, v18;
	v17 =	vshll.u32 v20, $0x10;
	v18 =	vshll.u32 v22, $0x10;
	v7 =	vld.idx.msk [tilespmem:v7+s14+$0x0], $0xffff  }
0x22f: {  	v6 =	vadd.f32 v8, v6;
	v8 =	vmul.f32 v15, v10;
	v10 =	vsub.f32 v17, v18;
	v15 =	vld.idx.msk [tilespmem:v27+s16+$0x0], $0xffff  }
0x230: {  	v18 =	vand.u32 $0xFFFF0000, v20;
	v20 =	vand.u32 $0xFFFF0000, v22;
	v17 =	vshll.u32 v16, $0x10;
	v12 =	vld.idx.msk [tilespmem:v12+s18+$0x0], $0xffff  }
0x231: {  	v6 =	vadd.f32 v6, v8;
	v8 =	vmul.f32 v17, v10;
	v10 =	vsub.f32 v18, v20  }
0x232: {  	v16 =	vand.u32 $0xFFFF0000, v16;
	v17 =	vshll.u32 v14, $0x10;
	v18 =	vshll.u32 v29, $0x10;
	v20 =	vld.idx.msk [tilespmem:v26+s14+$0x0], $0xffff  }
0x233: {  	v6 =	vadd.f32 v8, v6;
	v8 =	vmul.f32 v16, v10;
	v10 =	vsub.f32 v17, v18;
	v16 =	vld.idx.msk [tilespmem:v25+s16+$0x0], $0xffff  }
0x234: {  	v14 =	vand.u32 $0xFFFF0000, v14;
	v18 =	vand.u32 $0xFFFF0000, v29;
	v17 =	vshll.u32 v7, $0x10;
	v13 =	vld.idx.msk [tilespmem:v13+s18+$0x0], $0xffff  }
0x235: {  	v6 =	vadd.f32 v6, v8;
	v8 =	vmul.f32 v17, v10;
	v10 =	vsub.f32 v14, v18  }
0x236: {  	v7 =	vand.u32 $0xFFFF0000, v7;
	v14 =	vshll.u32 v15, $0x10;
	v17 =	vshll.u32 v12, $0x10;
	v18 =	vld.idx.msk [tilespmem:v24+s14+$0x0], $0xffff  }
0x237: {  	v6 =	vadd.f32 v8, v6;
	v7 =	vmul.f32 v7, v10;
	v8 =	vsub.f32 v14, v17;
	v10 =	vld.idx.msk [tilespmem:v23+s16+$0x0], $0xffff  }
0x238: {  	v15 =	vand.u32 $0xFFFF0000, v15;
	v12 =	vand.u32 $0xFFFF0000, v12;
	v14 =	vshll.u32 v20, $0x10;
	v11 =	vld.idx.msk [tilespmem:v11+s18+$0x0], $0xffff  }
0x239: {  	v6 =	vadd.f32 v6, v7;
	v7 =	vmul.f32 v14, v8;
	v8 =	vsub.f32 v15, v12  }
0x23a: {  	v12 =	vand.u32 $0xFFFF0000, v20;
	v14 =	vshll.u32 v16, $0x10;
	v15 =	vshll.u32 v13, $0x10;
	v17 =	vld.idx.msk [tilespmem:v21+s14+$0x0], $0xffff  }
0x23b: {  	v6 =	vadd.f32 v7, v6;
	v7 =	vmul.f32 v12, v8;
	v8 =	vsub.f32 v14, v15;
	v12 =	vld.idx.msk [tilespmem:v19+s16+$0x0], $0xffff  }
0x23c: {  	v13 =	vand.u32 $0xFFFF0000, v13;
	v15 =	vand.u32 $0xFFFF0000, v16;
	v14 =	vshll.u32 v18, $0x10;
	v9 =	vld.idx.msk [tilespmem:v9+s18+$0x0], $0xffff  }
0x23d: {  	v6 =	vadd.f32 v6, v7;
	v7 =	vmul.f32 v14, v8;
	v8 =	vsub.f32 v15, v13  }
0x23e: {  	v13 =	vand.u32 $0xFFFF0000, v18;
	v14 =	vshll.u32 v10, $0x10;
	v15 =	vshll.u32 v11, $0x10;
	v5 =	vld.idx.msk [tilespmem:v5+s14+$0x0], $0xffff  }
0x23f: {  	v6 =	vadd.f32 v7, v6;
	v7 =	vmul.f32 v13, v8;
	v8 =	vsub.f32 v14, v15  }
0x240: {  	v10 =	vand.u32 $0xFFFF0000, v10;
	v11 =	vand.u32 $0xFFFF0000, v11;
	v13 =	vshll.u32 v17, $0x10  }
0x241: {  	v6 =	vadd.f32 v6, v7;
	v7 =	vmul.f32 v13, v8;
	v8 =	vsub.f32 v10, v11  }
0x242: {  	v10 =	vand.u32 $0xFFFF0000, v17;
	v11 =	vshll.u32 v12, $0x10;
	v13 =	vshll.u32 v9, $0x10  }
.Ltmp4:
0x243: {  	v6 =	vadd.f32 v7, v6;
	v7 =	vmul.f32 v10, v8;
	v8 =	vsub.f32 v11, v13;
	(pc) =	sbr.rel @p0 .LBB2_11-.Ltmp4, $4  }
0x244: {  	v9 =	vand.u32 $0xFFFF0000, v9;
	v11 =	vand.u32 $0xFFFF0000, v12;
	v10 =	vshll.u32 v5, $0x10  }
0x245: {  	v6 =	vadd.f32 v6, v7;
	v7 =	vmul.f32 v10, v8;
	v8 =	vsub.f32 v11, v9  }
0x246: {  	v9 =	vadd.s32 s19, v0;
	v10 =	vand.u32 $0xFFFF0000, v5  }
0x247: {  	s21 =	sadd.s32 $0x7, s17;
	s19 =	sadd.s32 $0x8, s19;
	v5 =	vand.u32 $0x1F, v9;
	v6 =	vadd.f32 v7, v6;
	v7 =	vmul.f32 v10, v8  }
0x248: {  	v8 =	vor.u32 v5, v4;
	s19 =	sadd.s32 $0x6, s17;
	v9 =	vadd.s32 s21, v0  }
0x249: {  	v10 =	vor.u32 v5, v3;
	s28 =	sadd.s32 $0x1, s17;
	s23 =	sadd.s32 $0x4, s17;
	v39 =	vor.u32 v5, v2;
	v11 =	vadd.s32 s19, v0  }
0x24a: {  	s26 =	sadd.s32 $0x5, s17;
	s21 =	sadd.s32 $0x3, s17;
	v6 =	vadd.f32 v6, v7;
	v38 =	vadd.s32 s28, v0;
	v12 =	vadd.s32 s23, v0  }
0x24b: {  	v13 =	vadd.s32 s26, v0;
	s28 =	sadd.s32 $0x2, s17;
	v14 =	vadd.s32 s21, v0;
	v9 =	vand.u32 $0x1F, v9  }
0x24c: {  	v7 =	vand.u32 $0x1F, v38;
	v16 =	vadd.s32 s28, v0;
	v13 =	vand.u32 $0x1F, v13  }
0x24d: {  	v11 =	vand.u32 $0x1F, v11;
	v14 =	vand.u32 $0x1F, v14;
	v15 =	vor.u32 v7, v4  }
0x24e: {  	v12 =	vand.u32 $0x1F, v12;
	v18 =	vor.u32 v9, v2;
	v17 =	vor.u32 v7, v3;
	v8 =	vld.idx.msk [tilespmem:v8+s16+$0x0], $0xffff  }
0x24f: {  	v19 =	vor.u32 v9, v4;
	v9 =	vor.u32 v9, v3;
	v16 =	vand.u32 $0x1F, v16;
	v10 =	vld.idx.msk [tilespmem:v10+s18+$0x0], $0xffff  }
0x250: {  	v7 =	vor.u32 v7, v2;
	v21 =	vor.u32 v11, v2;
	v23 =	vor.u32 v11, v4  }
0x251: {  	v11 =	vor.u32 v11, v3;
	v24 =	vor.u32 v13, v2;
	v20 =	vor.u32 v16, v4;
	v5 =	vld.idx.msk [tilespmem:v39+s14+$0x0], $0xffff  }
0x252: {  	v25 =	vor.u32 v13, v4;
	v13 =	vor.u32 v13, v3;
	v22 =	vor.u32 v16, v3;
	v15 =	vld.idx.msk [tilespmem:v15+s16+$0x0], $0xffff  }
0x253: {  	v26 =	vor.u32 v12, v2;
	v27 =	vor.u32 v12, v4;
	v40 =	vor.u32 v14, v4;
	v17 =	vld.idx.msk [tilespmem:v17+s18+$0x0], $0xffff  }
0x254: {  	v16 =	vor.u32 v16, v2;
	v28 =	vshll.u32 v8, $0x10;
	v29 =	vshll.u32 v10, $0x10  }
0x255: {  	v41 =	vor.u32 v14, v3;
	v3 =	vor.u32 v12, v3;
	v7 =	vld.idx.msk [tilespmem:v7+s14+$0x0], $0xffff;
	v28 =	vsub.f32 v28, v29  }
0x256: {  	v42 =	vld.idx.msk [tilespmem:v20+s16+$0x0], $0xffff;
	v43 =	vshll.u32 v5, $0x10;
	v8 =	vand.u32 $0xFFFF0000, v8;
	v10 =	vand.u32 $0xFFFF0000, v10  }
0x257: {  	v2 =	vor.u32 v14, v2;
	v22 =	vld.idx.msk [tilespmem:v22+s18+$0x0], $0xffff;
	v8 =	vsub.f32 v8, v10;
	v20 =	vmul.f32 v43, v28  }
0x258: {  	v5 =	vand.u32 $0xFFFF0000, v5;
	v44 =	vshll.u32 v15, $0x10;
	v45 =	vshll.u32 v17, $0x10  }
0x259: {  	v16 =	vld.idx.msk [tilespmem:v16+s14+$0x0], $0xffff;
	v5 =	vmul.f32 v5, v8;
	v46 =	vsub.f32 v44, v45;
	v6 =	vadd.f32 v20, v6  }
0x25a: {  	v4 =	vld.idx.msk [tilespmem:v40+s16+$0x0], $0xffff;
	v47 =	vshll.u32 v7, $0x10;
	v48 =	vand.u32 $0xFFFF0000, v15;
	v49 =	vand.u32 $0xFFFF0000, v17  }
0x25b: {  	v50 =	vld.idx.msk [tilespmem:v41+s18+$0x0], $0xffff;
	v52 =	vsub.f32 v48, v49;
	v51 =	vmul.f32 v47, v46;
	v5 =	vadd.f32 v6, v5  }
0x25c: {  	v7 =	vand.u32 $0xFFFF0000, v7;
	v53 =	vshll.u32 v42, $0x10;
	v54 =	vshll.u32 v22, $0x10  }
0x25d: {  	v2 =	vld.idx.msk [tilespmem:v2+s14+$0x0], $0xffff;
	v56 =	vsub.f32 v53, v54;
	v55 =	vmul.f32 v7, v52;
	v5 =	vadd.f32 v51, v5  }
0x25e: {  	v57 =	vld.idx.msk [tilespmem:v27+s16+$0x0], $0xffff;
	v58 =	vshll.u32 v16, $0x10;
	v12 =	vand.u32 $0xFFFF0000, v42;
	v59 =	vand.u32 $0xFFFF0000, v22  }
0x25f: {  	v3 =	vld.idx.msk [tilespmem:v3+s18+$0x0], $0xffff;
	v61 =	vsub.f32 v12, v59;
	v60 =	vmul.f32 v58, v56;
	v5 =	vadd.f32 v5, v55  }
0x260: {  	v63 =	vshll.u32 v4, $0x10;
	v62 =	vand.u32 $0xFFFF0000, v16;
	v20 =	vshll.u32 v50, $0x10  }
0x261: {  	v22 =	vld.idx.msk [tilespmem:v26+s14+$0x0], $0xffff;
	v27 =	vsub.f32 v63, v20;
	v26 =	vmul.f32 v62, v61;
	v5 =	vadd.f32 v60, v5  }
0x262: {  	v13 =	vld.idx.msk [tilespmem:v13+s18+$0x0], $0xffff;
	v4 =	vand.u32 $0xFFFF0000, v4;
	v30 =	vand.u32 $0xFFFF0000, v50;
	v29 =	vshll.u32 v2, $0x10  }
0x263: {  	v28 =	vld.idx.msk [tilespmem:v25+s16+$0x0], $0xffff;
	v4 =	vsub.f32 v4, v30;
	v31 =	vmul.f32 v29, v27;
	v5 =	vadd.f32 v5, v26  }
0x264: {  	v32 =	vshll.u32 v57, $0x10;
	v2 =	vand.u32 $0xFFFF0000, v2;
	v33 =	vshll.u32 v3, $0x10  }
0x265: {  	v34 =	vld.idx.msk [tilespmem:v24+s14+$0x0], $0xffff;
	v35 =	vsub.f32 v32, v33;
	v2 =	vmul.f32 v2, v4;
	v5 =	vadd.f32 v31, v5  }
0x266: {  	v36 =	vld.idx.msk [tilespmem:v23+s16+$0x0], $0xffff;
	v8 =	vand.u32 $0xFFFF0000, v57;
	v3 =	vand.u32 $0xFFFF0000, v3;
	v37 =	vshll.u32 v22, $0x10  }
0x267: {  	v11 =	vld.idx.msk [tilespmem:v11+s18+$0x0], $0xffff;
	v3 =	vsub.f32 v8, v3;
	v4 =	vmul.f32 v37, v35;
	v2 =	vadd.f32 v5, v2  }
0x268: {  	v40 =	vshll.u32 v13, $0x10;
	v39 =	vshll.u32 v28, $0x10;
	v38 =	vand.u32 $0xFFFF0000, v22  }
0x269: {  	v41 =	vld.idx.msk [tilespmem:v21+s14+$0x0], $0xffff;
	v42 =	vsub.f32 v39, v40;
	v3 =	vmul.f32 v38, v3;
	v2 =	vadd.f32 v4, v2  }
0x26a: {  	v9 =	vld.idx.msk [tilespmem:v9+s18+$0x0], $0xffff;
	v44 =	vshll.u32 v34, $0x10;
	v46 =	vand.u32 $0xFFFF0000, v13;
	v45 =	vand.u32 $0xFFFF0000, v28  }
0x26b: {  	v43 =	vld.idx.msk [tilespmem:v19+s16+$0x0], $0xffff;
	v47 =	vsub.f32 v45, v46;
	v2 =	vadd.f32 v2, v3;
	v3 =	vmul.f32 v44, v42  }
0x26c: {  	v48 =	vand.u32 $0xFFFF0000, v34;
	v49 =	vshll.u32 v36, $0x10;
	v50 =	vshll.u32 v11, $0x10  }
0x26d: {  	v52 =	vsub.f32 v49, v50;
	v51 =	vld.idx.msk [tilespmem:v18+s14+$0x0], $0xffff;
	v2 =	vadd.f32 v3, v2;
	v3 =	vmul.f32 v48, v47  }
0x26e: {  	v53 =	vshll.u32 v41, $0x10;
	v54 =	vand.u32 $0xFFFF0000, v11;
	v6 =	vand.u32 $0xFFFF0000, v36  }
0x26f: {  	v55 =	vsub.f32 v6, v54;
	v2 =	vadd.f32 v2, v3;
	v3 =	vmul.f32 v53, v52  }
0x270: {  	v56 =	vand.u32 $0xFFFF0000, v41;
	v58 =	vshll.u32 v9, $0x10;
	v57 =	vshll.u32 v43, $0x10  }
0x271: {  	v59 =	vsub.f32 v57, v58;
	v2 =	vadd.f32 v3, v2;
	v3 =	vmul.f32 v56, v55  }
0x272: {  	v61 =	vand.u32 $0xFFFF0000, v9;
	v60 =	vshll.u32 v51, $0x10;
	v5 =	vand.u32 $0xFFFF0000, v43  }
0x273: {  	s13 =	sadd.s32 $0x1, s13;
	v62 =	vsub.f32 v5, v61;
	v2 =	vadd.f32 v2, v3;
	v3 =	vmul.f32 v60, v59  }
0x274: {  	p0 =	sne.s32 s13, $0x8;
	v63 =	vand.u32 $0xFFFF0000, v51  }
.Ltmp5:
0x275: {  	v2 =	vadd.f32 v3, v2;
	v3 =	vmul.f32 v63, v62;
	(pc) =	sbr.rel @p0 .LBB2_10-.Ltmp5, $3  }
0x276: {  	_ = 	snop  }
0x277: {  	v2 =	vadd.f32 v2, v3;
	_ =	sdelay $0x1  }
0x278: {  	[tilespmem:s15+$0x18D00] =	vst v2  }
0x279: {  	_ =	swait.ge [sflag:s25], $0x4000  }
0x27a: {  	[sflag:s25] =	ssyncset.done $0x0  }
0x27b: {  	[sflag:s25] =	ssyncadd.s32 $0xFFFFC000  }
0x27c: {  	_ =	swait.ge [sflag:s25], $0x4000  }
0x27d: {  	[sflag:s25] =	ssyncset.done $0x0  }
0x27e: {  	[sflag:s25] =	ssyncadd.s32 $0xFFFFC000  }
0x27f: {  	_ =	swait.ge [sflag:s25], $0x4000  }
0x280: {  	[sflag:s25] =	ssyncset.done $0x0  }
0x281: {  	s11 =	simm.s32 $0x0;
	s13 =	simm.s32 $0x0;
	[sflag:s25] =	ssyncadd.s32 $0xFFFFC000  }
.LBB2_14:
0x282: {  	s15 =	sshll.u32 s13, $0x4  }
0x283: {  	v3 =	vld [tilespmem:s15+$0x380]  }
0x284: {  	s17 =	sor.u32 $0x180, s15;
	v4 =	vld [tilespmem:s15+$0x580]  }
0x285: {  	v2 =	vld [tilespmem:s17+$0x0]  }
0x286: {  	s26 =	simm.s32 $0x7;
	s23 =	sor.u32 $0x80, s15  }
0x287: {  	v7 =	vadd.s32 s11, v0;
	s19 =	simm.s32 $0x6;
	s28 =	simm.s32 $0x1;
	v8 =	vadd.s32 s26, v0;
	v5 =	vmov s23  }
0x288: {  	v10 =	vadd.s32 s19, v0;
	v11 =	vadd.s32 s28, v0;
	v5 =	vshll.u32 v5, $0x7  }
0x289: {  	v5 =	vor.u32 v1, v5;
	v3 =	vshll.u32 v3, $0x6;
	v4 =	vshll.u32 v4, $0x6  }
0x28a: {  	v2 =	vshll.u32 v2, $0x6;
	v3 =	vand.u32 $0x40, v3;
	v4 =	vand.u32 $0x40, v4  }
0x28b: {  	v2 =	vand.u32 $0x40, v2;
	v3 =	vor.u32 v5, v3;
	v6 =	vor.u32 v5, v4  }
0x28c: {  	s21 =	simm.s32 $0x4;
	v2 =	vor.u32 v5, v2;
	v4 =	vor.u32 $0x20, v3;
	v5 =	vand.u32 $0x1F, v7  }
0x28d: {  	s26 =	simm.s32 $0x3;
	v12 =	vadd.s32 s21, v0;
	v3 =	vor.u32 $0x20, v6;
	v7 =	vor.u32 v5, v4  }
0x28e: {  	s28 =	simm.s32 $0x2;
	v11 =	vand.u32 $0x1F, v11;
	v14 =	vadd.s32 s26, v0;
	v9 =	vor.u32 v5, v3  }
0x28f: {  	s23 =	simm.s32 $0x5;
	v16 =	vadd.s32 s28, v0;
	v8 =	vand.u32 $0x1F, v8;
	v10 =	vand.u32 $0x1F, v10  }
0x290: {  	v12 =	vand.u32 $0x1F, v12;
	v13 =	vadd.s32 s23, v0;
	v5 =	vor.u32 v5, v2  }
0x291: {  	v16 =	vand.u32 $0x1F, v16;
	v14 =	vand.u32 $0x1F, v14;
	v15 =	vor.u32 v11, v4  }
0x292: {  	v13 =	vand.u32 $0x1F, v13;
	v6 =	vimm.f32 $0.0e+00;
	v17 =	vor.u32 v11, v3;
	v7 =	vld.idx.msk [tilespmem:v7+s16+$0x0], $0xffff  }
0x293: {  	v11 =	vor.u32 v11, v2;
	v18 =	vor.u32 v8, v2;
	v19 =	vor.u32 v8, v4;
	v9 =	vld.idx.msk [tilespmem:v9+s18+$0x0], $0xffff  }
0x294: {  	v20 =	vor.u32 v16, v4;
	v21 =	vor.u32 v10, v2;
	v8 =	vor.u32 v8, v3  }
0x295: {  	v22 =	vor.u32 v16, v3;
	v23 =	vor.u32 v10, v4;
	v10 =	vor.u32 v10, v3;
	v5 =	vld.idx.msk [tilespmem:v5+s14+$0x0], $0xffff  }
0x296: {  	v24 =	vor.u32 v13, v2;
	v25 =	vor.u32 v13, v4;
	v13 =	vor.u32 v13, v3;
	v15 =	vld.idx.msk [tilespmem:v15+s16+$0x0], $0xffff  }
0x297: {  	v16 =	vor.u32 v16, v2;
	v26 =	vor.u32 v12, v2;
	v27 =	vor.u32 v12, v4;
	v17 =	vld.idx.msk [tilespmem:v17+s18+$0x0], $0xffff  }
0x298: {  	v30 =	vor.u32 v14, v4;
	v28 =	vshll.u32 v7, $0x10;
	v29 =	vshll.u32 v9, $0x10  }
0x299: {  	v57 =	vor.u32 v14, v3;
	v12 =	vor.u32 v12, v3;
	v11 =	vld.idx.msk [tilespmem:v11+s14+$0x0], $0xffff;
	v28 =	vsub.f32 v28, v29  }
0x29a: {  	v20 =	vld.idx.msk [tilespmem:v20+s16+$0x0], $0xffff;
	v31 =	vshll.u32 v5, $0x10;
	v7 =	vand.u32 $0xFFFF0000, v7;
	v9 =	vand.u32 $0xFFFF0000, v9  }
0x29b: {  	v58 =	vor.u32 v14, v2;
	v22 =	vld.idx.msk [tilespmem:v22+s18+$0x0], $0xffff;
	v7 =	vsub.f32 v7, v9;
	v28 =	vmul.f32 v31, v28  }
0x29c: {  	v5 =	vand.u32 $0xFFFF0000, v5;
	v59 =	vshll.u32 v15, $0x10;
	v60 =	vshll.u32 v17, $0x10  }
0x29d: {  	v16 =	vld.idx.msk [tilespmem:v16+s14+$0x0], $0xffff;
	v5 =	vmul.f32 v5, v7;
	v7 =	vsub.f32 v59, v60;
	v6 =	vadd.f32 v28, v6  }
0x29e: {  	v61 =	vld.idx.msk [tilespmem:v30+s16+$0x0], $0xffff;
	v62 =	vshll.u32 v11, $0x10;
	v15 =	vand.u32 $0xFFFF0000, v15;
	v17 =	vand.u32 $0xFFFF0000, v17  }
0x29f: {  	v29 =	vld.idx.msk [tilespmem:v57+s18+$0x0], $0xffff;
	v5 =	vadd.f32 v6, v5;
	v6 =	vmul.f32 v62, v7;
	v7 =	vsub.f32 v15, v17  }
0x2a0: {  	v11 =	vand.u32 $0xFFFF0000, v11;
	v63 =	vshll.u32 v20, $0x10;
	v28 =	vshll.u32 v22, $0x10  }
0x2a1: {  	v9 =	vld.idx.msk [tilespmem:v58+s14+$0x0], $0xffff;
	v5 =	vadd.f32 v6, v5;
	v6 =	vmul.f32 v11, v7;
	v7 =	vsub.f32 v63, v28  }
0x2a2: {  	v30 =	vld.idx.msk [tilespmem:v27+s16+$0x0], $0xffff;
	v32 =	vand.u32 $0xFFFF0000, v20;
	v33 =	vand.u32 $0xFFFF0000, v22;
	v31 =	vshll.u32 v16, $0x10  }
0x2a3: {  	v12 =	vld.idx.msk [tilespmem:v12+s18+$0x0], $0xffff;
	v5 =	vadd.f32 v5, v6;
	v6 =	vmul.f32 v31, v7;
	v7 =	vsub.f32 v32, v33  }
0x2a4: {  	v34 =	vand.u32 $0xFFFF0000, v16;
	v35 =	vshll.u32 v61, $0x10;
	v36 =	vshll.u32 v29, $0x10  }
0x2a5: {  	v37 =	vld.idx.msk [tilespmem:v26+s14+$0x0], $0xffff;
	v5 =	vadd.f32 v6, v5;
	v6 =	vmul.f32 v34, v7;
	v7 =	vsub.f32 v35, v36  }
0x2a6: {  	v38 =	vld.idx.msk [tilespmem:v25+s16+$0x0], $0xffff;
	v14 =	vand.u32 $0xFFFF0000, v61;
	v39 =	vshll.u32 v9, $0x10;
	v40 =	vand.u32 $0xFFFF0000, v29  }
0x2a7: {  	v13 =	vld.idx.msk [tilespmem:v13+s18+$0x0], $0xffff;
	v5 =	vadd.f32 v5, v6;
	v6 =	vmul.f32 v39, v7;
	v7 =	vsub.f32 v14, v40  }
0x2a8: {  	v41 =	vshll.u32 v30, $0x10;
	v42 =	vshll.u32 v12, $0x10;
	v9 =	vand.u32 $0xFFFF0000, v9  }
0x2a9: {  	v43 =	vld.idx.msk [tilespmem:v24+s14+$0x0], $0xffff;
	v5 =	vadd.f32 v6, v5;
	v6 =	vmul.f32 v9, v7;
	v7 =	vsub.f32 v41, v42  }
0x2aa: {  	v44 =	vld.idx.msk [tilespmem:v23+s16+$0x0], $0xffff;
	v45 =	vshll.u32 v37, $0x10;
	v12 =	vand.u32 $0xFFFF0000, v12;
	v11 =	vand.u32 $0xFFFF0000, v30  }
0x2ab: {  	v10 =	vld.idx.msk [tilespmem:v10+s18+$0x0], $0xffff;
	v5 =	vadd.f32 v5, v6;
	v6 =	vmul.f32 v45, v7;
	v7 =	vsub.f32 v11, v12  }
0x2ac: {  	v46 =	vand.u32 $0xFFFF0000, v37;
	v47 =	vshll.u32 v38, $0x10;
	v48 =	vshll.u32 v13, $0x10  }
0x2ad: {  	v49 =	vld.idx.msk [tilespmem:v21+s14+$0x0], $0xffff;
	v5 =	vadd.f32 v6, v5;
	v6 =	vmul.f32 v46, v7;
	v7 =	vsub.f32 v47, v48  }
0x2ae: {  	v50 =	vld.idx.msk [tilespmem:v19+s16+$0x0], $0xffff;
	v51 =	vshll.u32 v43, $0x10;
	v52 =	vand.u32 $0xFFFF0000, v38;
	v13 =	vand.u32 $0xFFFF0000, v13  }
0x2af: {  	v8 =	vld.idx.msk [tilespmem:v8+s18+$0x0], $0xffff;
	v5 =	vadd.f32 v5, v6;
	v6 =	vmul.f32 v51, v7;
	v7 =	vsub.f32 v52, v13  }
0x2b0: {  	v53 =	vand.u32 $0xFFFF0000, v43;
	v54 =	vshll.u32 v44, $0x10;
	v55 =	vshll.u32 v10, $0x10  }
0x2b1: {  	v56 =	vld.idx.msk [tilespmem:v18+s14+$0x0], $0xffff;
	v5 =	vadd.f32 v6, v5;
	v6 =	vmul.f32 v53, v7;
	v7 =	vsub.f32 v54, v55  }
0x2b2: {  	v10 =	vand.u32 $0xFFFF0000, v10;
	v57 =	vshll.u32 v49, $0x10;
	v9 =	vand.u32 $0xFFFF0000, v44  }
0x2b3: {  	v5 =	vadd.f32 v5, v6;
	v6 =	vmul.f32 v57, v7;
	v7 =	vsub.f32 v9, v10  }
0x2b4: {  	v58 =	vand.u32 $0xFFFF0000, v49;
	v59 =	vshll.u32 v50, $0x10;
	v60 =	vshll.u32 v8, $0x10  }
0x2b5: {  	v5 =	vadd.f32 v6, v5;
	v6 =	vmul.f32 v58, v7;
	v7 =	vsub.f32 v59, v60  }
0x2b6: {  	v61 =	vshll.u32 v56, $0x10;
	v8 =	vand.u32 $0xFFFF0000, v8;
	v62 =	vand.u32 $0xFFFF0000, v50  }
0x2b7: {  	s17 =	simm.s32 $0x8;
	v8 =	vsub.f32 v62, v8;
	v6 =	vadd.f32 v5, v6;
	v7 =	vmul.f32 v61, v7  }
0x2b8: {  	v63 =	vand.u32 $0xFFFF0000, v56;
	v5 =	vadd.s32 s17, v0  }
0x2b9: {  	s21 =	simm.s32 $0xF;
	s19 =	simm.s32 $0x10;
	v5 =	vand.u32 $0x1F, v5;
	v6 =	vadd.f32 v7, v6;
	v7 =	vmul.f32 v63, v8  }
.LBB2_15:
0x2ba: {  	p0 =	slt.u32 s19, $0x18;
	v8 =	vor.u32 v5, v4;
	s23 =	sadd.s32 $0x6, s17;
	v9 =	vadd.s32 s21, v0  }
0x2bb: {  	v10 =	vor.u32 v5, v3;
	s21 =	sadd.s32 $0x1, s17;
	s26 =	sadd.s32 $0x4, s17;
	s28 =	sadd.s32 $0x5, s17;
	v11 =	vadd.s32 s23, v0;
	v6 =	vadd.f32 v6, v7  }
0x2bc: {  	v7 =	vadd.s32 s21, v0;
	s21 =	sadd.s32 $0x3, s17;
	v12 =	vadd.s32 s26, v0;
	v13 =	vadd.s32 s28, v0  }
0x2bd: {  	v14 =	vor.u32 v5, v2;
	s23 =	sadd.s32 $0x2, s17;
	s17 =	smov.u32 s19;
	v5 =	vand.u32 $0x1F, v7;
	v7 =	vadd.s32 s21, v0  }
0x2be: {  	v9 =	vand.u32 $0x1F, v9;
	v16 =	vadd.s32 s23, v0;
	v15 =	vor.u32 v5, v4  }
0x2bf: {  	v13 =	vand.u32 $0x1F, v13;
	v11 =	vand.u32 $0x1F, v11;
	v17 =	vor.u32 v5, v3;
	v8 =	vld.idx.msk [tilespmem:v8+s16+$0x0], $0xffff  }
0x2c0: {  	v12 =	vand.u32 $0x1F, v12;
	v16 =	vand.u32 $0x1F, v16;
	v7 =	vand.u32 $0x1F, v7;
	v10 =	vld.idx.msk [tilespmem:v10+s18+$0x0], $0xffff  }
0x2c1: {  	v19 =	vor.u32 v9, v4;
	v18 =	vor.u32 v5, v2;
	v5 =	vor.u32 v9, v2  }
0x2c2: {  	v21 =	vor.u32 v11, v2;
	v9 =	vor.u32 v9, v3;
	v20 =	vor.u32 v16, v4;
	v14 =	vld.idx.msk [tilespmem:v14+s14+$0x0], $0xffff  }
0x2c3: {  	v23 =	vor.u32 v11, v4;
	v11 =	vor.u32 v11, v3;
	v22 =	vor.u32 v16, v3;
	v15 =	vld.idx.msk [tilespmem:v15+s16+$0x0], $0xffff  }
0x2c4: {  	v24 =	vor.u32 v13, v2;
	v25 =	vor.u32 v13, v4;
	v13 =	vor.u32 v13, v3;
	v17 =	vld.idx.msk [tilespmem:v17+s18+$0x0], $0xffff  }
0x2c5: {  	v26 =	vor.u32 v12, v2;
	v27 =	vor.u32 v12, v4;
	v16 =	vor.u32 v16, v2  }
0x2c6: {  	v30 =	vor.u32 v7, v4;
	v28 =	vshll.u32 v8, $0x10;
	v29 =	vshll.u32 v10, $0x10;
	v18 =	vld.idx.msk [tilespmem:v18+s14+$0x0], $0xffff  }
0x2c7: {  	v12 =	vor.u32 v12, v3;
	v28 =	vsub.f32 v28, v29;
	v29 =	vor.u32 v7, v3;
	v20 =	vld.idx.msk [tilespmem:v20+s16+$0x0], $0xffff  }
0x2c8: {  	v8 =	vand.u32 $0xFFFF0000, v8;
	v10 =	vand.u32 $0xFFFF0000, v10;
	v31 =	vshll.u32 v14, $0x10;
	v22 =	vld.idx.msk [tilespmem:v22+s18+$0x0], $0xffff  }
0x2c9: {  	v8 =	vsub.f32 v8, v10;
	v7 =	vor.u32 v7, v2;
	v28 =	vmul.f32 v31, v28  }
0x2ca: {  	v10 =	vand.u32 $0xFFFF0000, v14;
	v14 =	vshll.u32 v15, $0x10;
	v31 =	vshll.u32 v17, $0x10;
	v16 =	vld.idx.msk [tilespmem:v16+s14+$0x0], $0xffff  }
0x2cb: {  	v8 =	vmul.f32 v10, v8;
	v6 =	vadd.f32 v28, v6;
	v10 =	vsub.f32 v14, v31;
	v14 =	vld.idx.msk [tilespmem:v30+s16+$0x0], $0xffff  }
0x2cc: {  	v15 =	vand.u32 $0xFFFF0000, v15;
	v17 =	vand.u32 $0xFFFF0000, v17;
	v28 =	vshll.u32 v18, $0x10;
	v29 =	vld.idx.msk [tilespmem:v29+s18+$0x0], $0xffff  }
0x2cd: {  	v6 =	vadd.f32 v6, v8;
	v8 =	vmul.f32 v28, v10;
	v10 =	vsub.f32 v15, v17  }
0x2ce: {  	v15 =	vand.u32 $0xFFFF0000, v18;
	v17 =	vshll.u32 v20, $0x10;
	v18 =	vshll.u32 v22, $0x10;
	v7 =	vld.idx.msk [tilespmem:v7+s14+$0x0], $0xffff  }
0x2cf: {  	v6 =	vadd.f32 v8, v6;
	v8 =	vmul.f32 v15, v10;
	v10 =	vsub.f32 v17, v18;
	v15 =	vld.idx.msk [tilespmem:v27+s16+$0x0], $0xffff  }
0x2d0: {  	v18 =	vand.u32 $0xFFFF0000, v20;
	v20 =	vand.u32 $0xFFFF0000, v22;
	v17 =	vshll.u32 v16, $0x10;
	v12 =	vld.idx.msk [tilespmem:v12+s18+$0x0], $0xffff  }
0x2d1: {  	v6 =	vadd.f32 v6, v8;
	v8 =	vmul.f32 v17, v10;
	v10 =	vsub.f32 v18, v20  }
0x2d2: {  	v16 =	vand.u32 $0xFFFF0000, v16;
	v17 =	vshll.u32 v14, $0x10;
	v18 =	vshll.u32 v29, $0x10;
	v20 =	vld.idx.msk [tilespmem:v26+s14+$0x0], $0xffff  }
0x2d3: {  	v6 =	vadd.f32 v8, v6;
	v8 =	vmul.f32 v16, v10;
	v10 =	vsub.f32 v17, v18;
	v16 =	vld.idx.msk [tilespmem:v25+s16+$0x0], $0xffff  }
0x2d4: {  	v14 =	vand.u32 $0xFFFF0000, v14;
	v18 =	vand.u32 $0xFFFF0000, v29;
	v17 =	vshll.u32 v7, $0x10;
	v13 =	vld.idx.msk [tilespmem:v13+s18+$0x0], $0xffff  }
0x2d5: {  	v6 =	vadd.f32 v6, v8;
	v8 =	vmul.f32 v17, v10;
	v10 =	vsub.f32 v14, v18  }
0x2d6: {  	v7 =	vand.u32 $0xFFFF0000, v7;
	v14 =	vshll.u32 v15, $0x10;
	v17 =	vshll.u32 v12, $0x10;
	v18 =	vld.idx.msk [tilespmem:v24+s14+$0x0], $0xffff  }
0x2d7: {  	v6 =	vadd.f32 v8, v6;
	v7 =	vmul.f32 v7, v10;
	v8 =	vsub.f32 v14, v17;
	v10 =	vld.idx.msk [tilespmem:v23+s16+$0x0], $0xffff  }
0x2d8: {  	v15 =	vand.u32 $0xFFFF0000, v15;
	v12 =	vand.u32 $0xFFFF0000, v12;
	v14 =	vshll.u32 v20, $0x10;
	v11 =	vld.idx.msk [tilespmem:v11+s18+$0x0], $0xffff  }
0x2d9: {  	v6 =	vadd.f32 v6, v7;
	v7 =	vmul.f32 v14, v8;
	v8 =	vsub.f32 v15, v12  }
0x2da: {  	v12 =	vand.u32 $0xFFFF0000, v20;
	v14 =	vshll.u32 v16, $0x10;
	v15 =	vshll.u32 v13, $0x10;
	v17 =	vld.idx.msk [tilespmem:v21+s14+$0x0], $0xffff  }
0x2db: {  	v6 =	vadd.f32 v7, v6;
	v7 =	vmul.f32 v12, v8;
	v8 =	vsub.f32 v14, v15;
	v12 =	vld.idx.msk [tilespmem:v19+s16+$0x0], $0xffff  }
0x2dc: {  	v13 =	vand.u32 $0xFFFF0000, v13;
	v15 =	vand.u32 $0xFFFF0000, v16;
	v14 =	vshll.u32 v18, $0x10;
	v9 =	vld.idx.msk [tilespmem:v9+s18+$0x0], $0xffff  }
0x2dd: {  	v6 =	vadd.f32 v6, v7;
	v7 =	vmul.f32 v14, v8;
	v8 =	vsub.f32 v15, v13  }
0x2de: {  	v13 =	vand.u32 $0xFFFF0000, v18;
	v14 =	vshll.u32 v10, $0x10;
	v15 =	vshll.u32 v11, $0x10;
	v5 =	vld.idx.msk [tilespmem:v5+s14+$0x0], $0xffff  }
0x2df: {  	v6 =	vadd.f32 v7, v6;
	v7 =	vmul.f32 v13, v8;
	v8 =	vsub.f32 v14, v15  }
0x2e0: {  	v10 =	vand.u32 $0xFFFF0000, v10;
	v11 =	vand.u32 $0xFFFF0000, v11;
	v13 =	vshll.u32 v17, $0x10  }
0x2e1: {  	v6 =	vadd.f32 v6, v7;
	v7 =	vmul.f32 v13, v8;
	v8 =	vsub.f32 v10, v11  }
0x2e2: {  	v10 =	vand.u32 $0xFFFF0000, v17;
	v11 =	vshll.u32 v12, $0x10;
	v13 =	vshll.u32 v9, $0x10  }
.Ltmp6:
0x2e3: {  	v6 =	vadd.f32 v7, v6;
	v7 =	vmul.f32 v10, v8;
	v8 =	vsub.f32 v11, v13;
	(pc) =	sbr.rel @p0 .LBB2_15-.Ltmp6, $4  }
0x2e4: {  	v9 =	vand.u32 $0xFFFF0000, v9;
	v11 =	vand.u32 $0xFFFF0000, v12;
	v10 =	vshll.u32 v5, $0x10  }
0x2e5: {  	v6 =	vadd.f32 v6, v7;
	v7 =	vmul.f32 v10, v8;
	v8 =	vsub.f32 v11, v9  }
0x2e6: {  	v9 =	vadd.s32 s19, v0;
	v10 =	vand.u32 $0xFFFF0000, v5  }
0x2e7: {  	s21 =	sadd.s32 $0x7, s17;
	s19 =	sadd.s32 $0x8, s19;
	v5 =	vand.u32 $0x1F, v9;
	v6 =	vadd.f32 v7, v6;
	v7 =	vmul.f32 v10, v8  }
0x2e8: {  	v8 =	vor.u32 v5, v4;
	s19 =	sadd.s32 $0x6, s17;
	v9 =	vadd.s32 s21, v0  }
0x2e9: {  	v10 =	vor.u32 v5, v3;
	s28 =	sadd.s32 $0x1, s17;
	s23 =	sadd.s32 $0x4, s17;
	v39 =	vor.u32 v5, v2;
	v11 =	vadd.s32 s19, v0  }
0x2ea: {  	s26 =	sadd.s32 $0x5, s17;
	s21 =	sadd.s32 $0x3, s17;
	v6 =	vadd.f32 v6, v7;
	v38 =	vadd.s32 s28, v0;
	v12 =	vadd.s32 s23, v0  }
0x2eb: {  	v13 =	vadd.s32 s26, v0;
	s28 =	sadd.s32 $0x2, s17;
	v14 =	vadd.s32 s21, v0;
	v9 =	vand.u32 $0x1F, v9  }
0x2ec: {  	v7 =	vand.u32 $0x1F, v38;
	v16 =	vadd.s32 s28, v0;
	v13 =	vand.u32 $0x1F, v13  }
0x2ed: {  	v11 =	vand.u32 $0x1F, v11;
	v14 =	vand.u32 $0x1F, v14;
	v15 =	vor.u32 v7, v4  }
0x2ee: {  	v12 =	vand.u32 $0x1F, v12;
	v18 =	vor.u32 v9, v2;
	v17 =	vor.u32 v7, v3;
	v8 =	vld.idx.msk [tilespmem:v8+s16+$0x0], $0xffff  }
0x2ef: {  	v19 =	vor.u32 v9, v4;
	v9 =	vor.u32 v9, v3;
	v16 =	vand.u32 $0x1F, v16;
	v10 =	vld.idx.msk [tilespmem:v10+s18+$0x0], $0xffff  }
0x2f0: {  	v7 =	vor.u32 v7, v2;
	v21 =	vor.u32 v11, v2;
	v23 =	vor.u32 v11, v4  }
0x2f1: {  	v11 =	vor.u32 v11, v3;
	v24 =	vor.u32 v13, v2;
	v20 =	vor.u32 v16, v4;
	v5 =	vld.idx.msk [tilespmem:v39+s14+$0x0], $0xffff  }
0x2f2: {  	v25 =	vor.u32 v13, v4;
	v13 =	vor.u32 v13, v3;
	v22 =	vor.u32 v16, v3;
	v15 =	vld.idx.msk [tilespmem:v15+s16+$0x0], $0xffff  }
0x2f3: {  	v26 =	vor.u32 v12, v2;
	v27 =	vor.u32 v12, v4;
	v40 =	vor.u32 v14, v4;
	v17 =	vld.idx.msk [tilespmem:v17+s18+$0x0], $0xffff  }
0x2f4: {  	v16 =	vor.u32 v16, v2;
	v28 =	vshll.u32 v8, $0x10;
	v29 =	vshll.u32 v10, $0x10  }
0x2f5: {  	v41 =	vor.u32 v14, v3;
	v3 =	vor.u32 v12, v3;
	v7 =	vld.idx.msk [tilespmem:v7+s14+$0x0], $0xffff;
	v28 =	vsub.f32 v28, v29  }
0x2f6: {  	v42 =	vld.idx.msk [tilespmem:v20+s16+$0x0], $0xffff;
	v43 =	vshll.u32 v5, $0x10;
	v8 =	vand.u32 $0xFFFF0000, v8;
	v10 =	vand.u32 $0xFFFF0000, v10  }
0x2f7: {  	v2 =	vor.u32 v14, v2;
	v22 =	vld.idx.msk [tilespmem:v22+s18+$0x0], $0xffff;
	v8 =	vsub.f32 v8, v10;
	v20 =	vmul.f32 v43, v28  }
0x2f8: {  	v5 =	vand.u32 $0xFFFF0000, v5;
	v44 =	vshll.u32 v15, $0x10;
	v45 =	vshll.u32 v17, $0x10  }
0x2f9: {  	v16 =	vld.idx.msk [tilespmem:v16+s14+$0x0], $0xffff;
	v5 =	vmul.f32 v5, v8;
	v46 =	vsub.f32 v44, v45;
	v6 =	vadd.f32 v20, v6  }
0x2fa: {  	v4 =	vld.idx.msk [tilespmem:v40+s16+$0x0], $0xffff;
	v47 =	vshll.u32 v7, $0x10;
	v48 =	vand.u32 $0xFFFF0000, v15;
	v49 =	vand.u32 $0xFFFF0000, v17  }
0x2fb: {  	v50 =	vld.idx.msk [tilespmem:v41+s18+$0x0], $0xffff;
	v52 =	vsub.f32 v48, v49;
	v51 =	vmul.f32 v47, v46;
	v5 =	vadd.f32 v6, v5  }
0x2fc: {  	v7 =	vand.u32 $0xFFFF0000, v7;
	v53 =	vshll.u32 v42, $0x10;
	v54 =	vshll.u32 v22, $0x10  }
0x2fd: {  	v2 =	vld.idx.msk [tilespmem:v2+s14+$0x0], $0xffff;
	v56 =	vsub.f32 v53, v54;
	v55 =	vmul.f32 v7, v52;
	v5 =	vadd.f32 v51, v5  }
0x2fe: {  	v57 =	vld.idx.msk [tilespmem:v27+s16+$0x0], $0xffff;
	v58 =	vshll.u32 v16, $0x10;
	v12 =	vand.u32 $0xFFFF0000, v42;
	v59 =	vand.u32 $0xFFFF0000, v22  }
0x2ff: {  	v3 =	vld.idx.msk [tilespmem:v3+s18+$0x0], $0xffff;
	v61 =	vsub.f32 v12, v59;
	v60 =	vmul.f32 v58, v56;
	v5 =	vadd.f32 v5, v55  }
0x300: {  	v63 =	vshll.u32 v4, $0x10;
	v62 =	vand.u32 $0xFFFF0000, v16;
	v20 =	vshll.u32 v50, $0x10  }
0x301: {  	v22 =	vld.idx.msk [tilespmem:v26+s14+$0x0], $0xffff;
	v27 =	vsub.f32 v63, v20;
	v26 =	vmul.f32 v62, v61;
	v5 =	vadd.f32 v60, v5  }
0x302: {  	v13 =	vld.idx.msk [tilespmem:v13+s18+$0x0], $0xffff;
	v4 =	vand.u32 $0xFFFF0000, v4;
	v30 =	vand.u32 $0xFFFF0000, v50;
	v29 =	vshll.u32 v2, $0x10  }
0x303: {  	v28 =	vld.idx.msk [tilespmem:v25+s16+$0x0], $0xffff;
	v4 =	vsub.f32 v4, v30;
	v31 =	vmul.f32 v29, v27;
	v5 =	vadd.f32 v5, v26  }
0x304: {  	v32 =	vshll.u32 v57, $0x10;
	v2 =	vand.u32 $0xFFFF0000, v2;
	v33 =	vshll.u32 v3, $0x10  }
0x305: {  	v34 =	vld.idx.msk [tilespmem:v24+s14+$0x0], $0xffff;
	v35 =	vsub.f32 v32, v33;
	v2 =	vmul.f32 v2, v4;
	v5 =	vadd.f32 v31, v5  }
0x306: {  	v36 =	vld.idx.msk [tilespmem:v23+s16+$0x0], $0xffff;
	v8 =	vand.u32 $0xFFFF0000, v57;
	v3 =	vand.u32 $0xFFFF0000, v3;
	v37 =	vshll.u32 v22, $0x10  }
0x307: {  	v11 =	vld.idx.msk [tilespmem:v11+s18+$0x0], $0xffff;
	v3 =	vsub.f32 v8, v3;
	v4 =	vmul.f32 v37, v35;
	v2 =	vadd.f32 v5, v2  }
0x308: {  	v40 =	vshll.u32 v13, $0x10;
	v39 =	vshll.u32 v28, $0x10;
	v38 =	vand.u32 $0xFFFF0000, v22  }
0x309: {  	v41 =	vld.idx.msk [tilespmem:v21+s14+$0x0], $0xffff;
	v42 =	vsub.f32 v39, v40;
	v3 =	vmul.f32 v38, v3;
	v2 =	vadd.f32 v4, v2  }
0x30a: {  	v9 =	vld.idx.msk [tilespmem:v9+s18+$0x0], $0xffff;
	v44 =	vshll.u32 v34, $0x10;
	v46 =	vand.u32 $0xFFFF0000, v13;
	v45 =	vand.u32 $0xFFFF0000, v28  }
0x30b: {  	v43 =	vld.idx.msk [tilespmem:v19+s16+$0x0], $0xffff;
	v47 =	vsub.f32 v45, v46;
	v2 =	vadd.f32 v2, v3;
	v3 =	vmul.f32 v44, v42  }
0x30c: {  	v48 =	vand.u32 $0xFFFF0000, v34;
	v49 =	vshll.u32 v36, $0x10;
	v50 =	vshll.u32 v11, $0x10  }
0x30d: {  	v52 =	vsub.f32 v49, v50;
	v51 =	vld.idx.msk [tilespmem:v18+s14+$0x0], $0xffff;
	v2 =	vadd.f32 v3, v2;
	v3 =	vmul.f32 v48, v47  }
0x30e: {  	v53 =	vshll.u32 v41, $0x10;
	v54 =	vand.u32 $0xFFFF0000, v11;
	v6 =	vand.u32 $0xFFFF0000, v36  }
0x30f: {  	v55 =	vsub.f32 v6, v54;
	v2 =	vadd.f32 v2, v3;
	v3 =	vmul.f32 v53, v52  }
0x310: {  	v56 =	vand.u32 $0xFFFF0000, v41;
	v58 =	vshll.u32 v9, $0x10;
	v57 =	vshll.u32 v43, $0x10  }
0x311: {  	v59 =	vsub.f32 v57, v58;
	v2 =	vadd.f32 v3, v2;
	v3 =	vmul.f32 v56, v55  }
0x312: {  	v61 =	vand.u32 $0xFFFF0000, v9;
	v60 =	vshll.u32 v51, $0x10;
	v5 =	vand.u32 $0xFFFF0000, v43  }
0x313: {  	s13 =	sadd.s32 $0x1, s13;
	v62 =	vsub.f32 v5, v61;
	v2 =	vadd.f32 v2, v3;
	v3 =	vmul.f32 v60, v59  }
0x314: {  	p0 =	sne.s32 s13, $0x8;
	v63 =	vand.u32 $0xFFFF0000, v51  }
.Ltmp7:
0x315: {  	v2 =	vadd.f32 v3, v2;
	v3 =	vmul.f32 v63, v62;
	(pc) =	sbr.rel @p0 .LBB2_14-.Ltmp7, $3  }
0x316: {  	_ = 	snop  }
0x317: {  	v2 =	vadd.f32 v2, v3;
	_ =	sdelay $0x1  }
0x318: {  	[tilespmem:s15+$0x18D80] =	vst v2  }
0x319: {  	s10 =	sadd.s32 $0x1, s10  }
0x31a: {  	p0 =	sne.s32 s10, s8  }
.Ltmp8:
0x31b: {  	_ = 	snop;
	(pc) =	sbr.rel @p0 .LBB2_1-.Ltmp8, $4  }
0x31c: {  	[hbm4b:s7+s2] =	stream.linear.scatter [tilespmem:s1], [sflag:$0x2], $0x200, $0x38;
	[tilespmem:$0x18E00] =	vst v63  }
0x31d: {  	_ =	swait.ge [sflag:s9], $0x200  }
0x31e: {  	[sflag:s9] =	ssyncset.done $0x0  }
0x31f: {  	[sflag:s9] =	ssyncadd.s32 $0xFFFFFE00  }
0x320: {  	_ =	sfence.sel $0x180000  }
0x321: {  	[bflag:$0x0] =	sbarrier.arrive $0xFFFF  }
0x322: {  	_ =	strace $0x9000004A  }
0x323: {  	s0 =	stileid.u32;
	[bflag:$0x2] =	sbarrier.arrive $0xFFFF  }
0x324: {  	p0 =	sne.s32 s0, $0x0;
	s0 =	rddreg [dreg:$0x5]  }
0x325: {  	s0 =	sadd.s32 @!p0 $0x100000, s0  }
0x326: {  	[sflag:s0] =	ssyncadd.tile.s32 @!p0 $0x1;
	_ =	shalt  }
.Lfunc_end2:
_tile_overlayer_lowered:
.L_overlay_start_2:
0x327: {  	(tag) =	ssettag $0x2  }
0x328: {  	s0 =	rddreg [dreg:$0x0];
	s2 =	stileid.u32  }
0x329: {  	s1 =	rddreg [dreg:$0x1];
	p0 =	sne.s32 s2, $0x0  }
0x32a: {  	s3 =	rddreg [dreg:$0x2];
	[bflag:$0x3] =	sbarrier.arrive $0xFFFF;
	s2 =	simm.s32 @!p0 $0x1C02  }
0x32b: {  	[timem:s3], [sflag:s2] =	dma.local @!p0 [hbm:s0], s1  }
0x32c: {  	s0 =	simm.s32 @!p0 $0x2  }
0x32d: {  	_ =	swait.ge @!p0 [sflag:s0], s1  }
0x32e: {  	s1 =	ssub.s32 @!p0 $0x0, s1;
	[sflag:s0] =	ssyncset.done @!p0 $0x0  }
0x32f: {  	[sflag:s0] =	ssyncadd.s32 @!p0 s1  }
0x330: {  	[bflag:$0x3] =	sbarrier.arrive $0xFFFF  }
0x331: {  	_ =	shalt  }

// kernel: sparse-core-data-format-call.cloned.1.call-start
scs
called_computation_lowered:
.L_overlay_start_0:
0x0: {  	s1 =	sld [smem:$0x3FD9]  }
0x1: {  	s2 =	sld [smem:$0x3FFE];
	_ =	sdelay $0x1  }
0x2: {  	s3 =	srdreg.scid  }
0x3: {  	s0 =	sand.u32 $0x1, s3  }
0x4: {  	s17 =	sshll.u32 s0, $0xA;
	s1 =	sadd.s32 s2, s1  }
0x5: {  	s1 =	sadd.s32 s1, s17  }
0x6: {  	[smem:$0x3FC3] =	sst s1  }
0x7: {  	_ = 	snop  }
0x8: {  	(tm) =	ssettm $0x1  }
0x9: {  	s18 =	sld [smem:$0x3FFB];
	_ =	sdelay $0x3  }
0xa: {  	_ =	strace s18  }
0xb: {  	s1 =	sld [smem:$0x3FFC];
	_ =	sdelay $0x3  }
0xc: {  	_ =	strace s1  }
0xd: {  	s1 =	sld [smem:$0x3FFD];
	_ =	sdelay $0x3  }
0xe: {  	_ =	strace s1  }
0xf: {  	_ =	strace $0x8FFFFFFF  }
0x10: {  	s19 =	sld [smem:$0x3FDB];
	_ =	sdelay $0x1  }
0x11: {  	s20 =	simm.s32 $_scs_section_size  }
0x12: {  	s4 =	simm.s32 $_size__tile_overlayer_lowered;
	s5 =	simm.s32 $_tile_overlayer_lowered  }
0x13: {  	s23 =	simm.s32 $0x1BFF;
	s22 =	sshll.u32 s5, $0x1;
	s1 =	sadd.s32 s20, s19  }
0x14: {  	s6 =	simm.s32 $0x0;
	s21 =	sshll.u32 s4, $0x1;
	s4 =	sadd.s32 s22, s1  }
0x15: {  	[timem:s6], [sflag:s23] =	dma.local [hbm:s4], s21  }
0x16: {  	_ =	swait.ge [sflag:s23], s21  }
0x17: {  	s2 =	ssub.s32 $0x0, s21;
	[sflag:s23] =	ssyncset.done $0x0  }
0x18: {  	[sflag:s23] =	ssyncadd.s32 s2;
	_ =	sdelay $0x1  }
0x19: {  	s24 =	simm.s32 $0x1B8B  }
0x1a: {  	_ =	swait.ge [sflag:s24], $0x1  }
0x1b: {  	[sflag:s24] =	ssyncset.done $0x0  }
0x1c: {  	s26 =	simm.s32 $0x1B8E;
	s25 =	sld [smem:$0x3FFE];
	[sflag:s24] =	ssyncadd.s32 $0xFFFFFFFF  }
0x1d: {  	s27 =	simm.s32 $execute0_lowered;
	[smem:$0x3FD2] =	sst s26  }
0x1e: {  	s4 =	sshll.u32 s27, $0x1;
	_ =	strace $0x80000046;
	[dreg:$0x1] =	wrdreg $0xFFFFFFFF  }
0x1f: {  	s28 =	simm.s32 $_size_execute0_lowered;
	s1 =	sadd.s32 s1, s4;
	[dreg:$0x0] =	wrdreg $0x0  }
0x20: {  	s4 =	sshll.u32 s28, $0x1;
	[dreg:$0x2] =	wrdreg s1  }
0x21: {  	[dreg:$0x3] =	wrdreg s4  }
0x22: {  	[dreg:$0x4] =	wrdreg $0xC0  }
0x23: {  	_ =	task [dreg:s6], $0x5FFFF  }
0x24: {  	[dreg:$0x1] =	wrdreg $0xFFFFFFFF  }
0x25: {  	[dreg:$0x0] =	wrdreg $0x60  }
0x26: {  	[dreg:$0x2] =	wrdreg s25  }
0x27: {  	[dreg:$0x3] =	wrdreg $0x9  }
0x28: {  	_ =	task.clear_ibuf [dreg:s6], $0x4FFFF;
	_ =	strace $0x90000046  }
0x29: {  	s29 =	simm.s32 $0x9;
	_ =	strace $0x80000048  }
0x2a: {  	_ =	swait.ge [sflag:s29], $0x1  }
0x2b: {  	[sflag:s29] =	ssyncadd.s32 $0xFFFFFFFF  }
0x2c: {  	_ =	strace $0x90000048  }
0x2d: {  	_ =	sfence  }
0x2e: {  	s30 =	sld [smem:$0x0];
	_ =	sdelay $0x2  }
0x2f: {  	s31 =	sshll.u32 s3, $0xD;
	s3 =	sshrl.u32 s3, $0x2  }
0x30: {  	s2 =	sand.u32 $0x4000, s31;
	s1 =	sadd.s32 s3, s30  }
0x31: {  	s0 =	sor.u32 s2, s0;
	s1 =	sshll.u32 s1, $0x11  }
0x32: {  	s0 =	sor.u32 s1, s0  }
0x33: {  	s0 =	sadd.s32 $0x8F2B, s0  }
0x34: {  	[sflag:s0] =	ssyncadd.remote.s32 $0x1  }
0x35: {  	_ =	sfence.sel $0xFFFF  }
0x36: {  	[dreg:$0x0] =	wrdreg $0xFFFFFFFF;
	(pc) =	sbr.abs _section_cstart, $3  }
0x37: {  	[dreg:$0x1] =	wrdreg $0xFFFFFFFF  }
0x38: {  	_ =	task.clear_ibuf [dreg:s6], $0x2FFFF;
	_ =	strace $0x9FFFFFFF  }
0x39: {  	(tm) =	ssettm $0x7FFFFFFF  }
tec
execute0_lowered:
.L_overlay_start_1:
0x0: {  	(tag) =	ssettag $0x1  }
0x1: {  	s0 =	srdreg.scid  }
0x2: {  	s5 =	rddreg [dreg:$0x0];
	s1 =	stileid.u32;
	s4 =	simm.s32 $0x1  }
0x3: {  	s6 =	simm.s32 $0x2;
	s15 =	simm.s32 $0x0;
	p0 =	por $0x0, $0x0  }
0x4: {  	s8 =	simm.s32 $0x80;
	s14 =	simm.s32 $0x0;
	s2 =	sshll.u32 s0, $0x4  }
0x5: {  	s9 =	simm.s32 $0x0;
	s10 =	simm.s32 $0x0;
	s2 =	sand.u32 $0x10, s2  }
.Ltmp0:
0x6: {  	s12 =	simm.s32 $0x0;
	s3 =	sor.u32 s1, s2;
	(pc) =	sbr.rel .LBB1_1-.Ltmp0, $4  }
0x7: {  	s0 =	rddreg [dreg:$0x1];
	_ =	strace $0x80000047;
	s3 =	sshll.u32 s3, $0x7  }
0x8: {  	s13 =	simm.s32 $0x0;
	[sflag:s4] =	ssyncpa.u1 $0x0;
	s7 =	ssub.s32 $0xF4200, s3  }
0x9: {  	s2 =	sadd.s32 $0x7A1800, s5;
	[sflag:s6] =	ssyncpa.u1 $0x0;
	s6 =	sshrl.u32 s7, $0xC  }
0xa: {  	s5 =	sadd.s32 $0xF42C00, s5;
	s11 =	smov.u32 s3;
	s7 =	sadd.s32 $0x2, s6  }
.LBB1_5:
0xb: {  	p1 =	slt.u32 s13, $0x2  }
0xc: {  	s17 =	smov.u32 s15;
	p2 =	sgt.s32 @!p1 s15, $0xF41C0;
	s16 =	sshra.s32 @!p1 s15, $0x1F  }
0xd: {  	p3 =	sgt.s32 @!p1 s14, $0x40;
	s18 =	sshra.s32 @!p1 s14, $0x1F;
	p2 =	por !p2, p1  }
0xe: {  	s15 =	sand.u32 @!p1 s16, s15;
	p3 =	por !p3, p1;
	s16 =	smov.u32 s14  }
0xf: {  	s14 =	sand.u32 @!p1 s18, s14;
	s17 =	simm.s32 @p2 $0xF41C0;
	s16 =	simm.s32 @p3 $0x40  }
0x10: {  	s15 =	ssub.s32 @!p1 s17, s15;
	s14 =	ssub.s32 @!p1 s16, s14  }
0x11: {  	s18 =	smov.u32 s12;
	s16 =	sadd.s32 @!p1 $0xFFF0BE40, s15;
	s17 =	sadd.s32 @!p1 $0xFFFFFFC0, s14  }
0x12: {  	s15 =	ssub.s32 @!p1 $0xF4240, s15;
	p2 =	sgt.s32 @!p1 s16, $0x7F;
	p3 =	sgt.s32 @!p1 s17, $0x3F  }
0x13: {  	s14 =	ssub.s32 @!p1 $0x80, s14;
	p2 =	por !p2, p1;
	p3 =	por !p3, p1  }
0x14: {  	s16 =	sadd.s32 $0x1000, s11;
	s15 =	simm.s32 @!p2 $0x0;
	s14 =	simm.s32 @!p3 $0x0  }
0x15: {  	p2 =	sgt.s32 s16, $0xF423F;
	s14 =	smul.u32 @!p1 s14, s15;
	s15 =	sadd.s32 $0x40, s12  }
0x16: {  	s18 =	smov.u32 @p2 s15  }
0x17: {  	s16 =	smov.u32 @p2 s3;
	p2 =	sgt.s32 s18, $0x3F  }
0x18: {  	s18 =	simm.s32 @p2 $0x0;
	p2 =	sne.s32 s13, s7  }
.Ltmp1:
0x19: {  	p0 =	por !p0, !p0;
	s17 =	simm.s32 @!p1 $0x2;
	(pc) =	sbr.rel @!p2 .LBB1_6-.Ltmp1, $4  }
0x1a: {  	s15 =	smov.u32 s9;
	s9 =	smov.u32 s11;
	s14 =	sand.u32 @!p1 $0x3FFFFFFF, s14  }
0x1b: {  	s11 =	smov.u32 s16;
	_ =	swait.ge @!p1 [sflag:s17], s14;
	s19 =	ssub.s32 @!p1 $0x0, s14  }
0x1c: {  	s14 =	smov.u32 s10;
	s13 =	sadd.s32 $0x1, s13;
	[sflag:s17] =	ssyncset.done @!p1 $0x0  }
0x1d: {  	s10 =	smov.u32 s12;
	s12 =	smov.u32 s18;
	[sflag:s17] =	ssyncadd.s32 @!p1 s19  }
.LBB1_1:
0x1e: {  	p1 =	sgt.u32 s13, s6  }
0x1f: {  	s16 =	sshrl.u32 @!p1 s12, $0x3  }
0x20: {  	s17 =	sshll.u32 @!p1 s11, $0x3;
	s16 =	smul.u32 @!p1 $0x7A1400, s16  }
0x21: {  	s18 =	sshll.u32 @!p1 s12, $0x7;
	s17 =	sand.u32 @!p1 $0xFFFFFC00, s17  }
0x22: {  	s16 =	sadd.s32 @!p1 s16, s17;
	s17 =	sand.u32 @!p1 $0x380, s18  }
0x23: {  	s18 =	sand.u32 @!p1 $0x7F, s11;
	s16 =	sor.u32 @!p1 s17, s16  }
0x24: {  	s17 =	sor.u32 @!p1 s18, s16  }
0x25: {  	s18 =	smulhi.u32 @!p1 $0x218D6287, s17;
	_ =	sdelay $0x1  }
0x26: {  	s16 =	smulhi.u32 @!p1 $0x218D6287, s16;
	s18 =	sshrl.u32 @!p1 s18, $0x11  }
0x27: {  	s18 =	smul.u32 @!p1 $0xF4280, s18  }
0x28: {  	s19 =	sxor.u32 @!p1 $0xFFFFFFFF, s13;
	s16 =	sshrl.u32 @!p1 s16, $0x11  }
0x29: {  	s19 =	sshll.u32 @!p1 s19, $0xD;
	s16 =	sand.u32 @!p1 $0x3F, s16;
	s17 =	ssub.s32 @!p1 s17, s18  }
0x2a: {  	s16 =	smul.u32 @!p1 $0x1E850, s16;
	s18 =	sshrl.u32 @!p1 s17, $0x3;
	s17 =	sand.u32 @!p1 $0x7, s17  }
0x2b: {  	s19 =	sand.u32 @!p1 $0x2000, s19;
	s18 =	sadd.s32 @!p1 s2, s18;
	s17 =	sshll.u32 @!p1 s17, $0x12  }
0x2c: {  	s16 =	sadd.s32 @!p1 s16, s18;
	s17 =	sor.u32 @!p1 $0x400, s17;
	s18 =	simm.s32 @!p1 $0x7A1400  }
0x2d: {  	[tilespmem:s19], [sflag:$0x1] =	stream.strided.gather @!p1 [hbm4b:s16+s17], $0x2000, s18, s17, $0x38;
	[tilespmem:$0x8100] =	vst v63  }
0x2e: {  	p1 =	seq.s32 s13, $0x0  }
0x2f: {  	p2 =	sge.u32 @!p1 s13, s7  }
0x30: {  	p1 =	por p1, p2  }
.Ltmp2:
0x31: {  	_ = 	snop;
	(pc) =	sbr.rel @p1 .LBB1_5-.Ltmp2, $1  }
0x32: {  	_ =	sdelay $0x3  }
0x33: {  	s16 =	simm.s32 $0x1  }
0x34: {  	_ =	swait.ge [sflag:s4], $0x2000;
	s16 =	simm.s32 @!p0 $0x0  }
0x35: {  	[sflag:s4] =	ssyncset.done $0x0;
	s17 =	sshll.u32 s16, $0xD  }
0x36: {  	[sflag:s4] =	ssyncadd.s32 $0xFFFFE000;
	s17 =	sor.u32 $0x40, s17  }
0x37: {  	s16 =	smul.u32 $0x8200, s16;
	v0 =	vld [tilespmem:s17+$0x30]  }
0x38: {  	v1 =	vld [tilespmem:s17+$0xFFFFFFD0]  }
0x39: {  	s16 =	sshrl.u32 s16, $0x2;
	v5 =	vld [tilespmem:s17+$0xFFFFFFE0]  }
0x3a: {  	v6 =	vld [tilespmem:s17+$0xFFFFFFF0];
	s19 =	sor.u32 $0x4000, s16  }
0x3b: {  	s31 =	sand.u32 $0x1, s13;
	v4 =	vld [tilespmem:s17+$0x0];
	s18 =	sadd.s32 $0x0, s19  }
0x3c: {  	v3 =	vld [tilespmem:s17+$0x10];
	s16 =	smul.u32 $0x8200, s31;
	[tilespmem:s18+$0x1C70 ss:$0x41] =	vst.msk $0xffff, v0  }
0x3d: {  	v2 =	vld [tilespmem:s17+$0x20];
	[tilespmem:s18+$0x410 ss:$0x41] =	vst.msk $0xffff, v1  }
0x3e: {  	s16 =	sshrl.u32 s16, $0x2;
	v1 =	vld [tilespmem:s17+$0xFFFFFFC0];
	[tilespmem:s18+$0x820 ss:$0x41] =	vst.msk $0xffff, v5;
	s17 =	sadd.s32 $0x80, s17  }
0x3f: {  	s20 =	simm.s32 $0x4;
	s21 =	simm.s32 $0x8;
	s16 =	sor.u32 $0x4000, s16;
	[tilespmem:s18+$0xC30 ss:$0x41] =	vst.msk $0xffff, v6;
	v0 =	vld [tilespmem:s17+$0x30]  }
.LBB1_3:
0x40: {  	p1 =	sne.s32 s21, $0xFC;
	v5 =	vld [tilespmem:s17+$0xFFFFFFD0];
	[tilespmem:s18+$0x1040 ss:$0x41] =	vst.msk $0xffff, v4  }
0x41: {  	v6 =	vld [tilespmem:s17+$0xFFFFFFE0];
	[tilespmem:s18+$0x1450 ss:$0x41] =	vst.msk $0xffff, v3  }
0x42: {  	s22 =	sshra.s32 s20, $0x2;
	s20 =	smov.u32 s21;
	v7 =	vld [tilespmem:s17+$0xFFFFFFF0];
	[tilespmem:s18+$0x1860 ss:$0x41] =	vst.msk $0xffff, v2  }
.Ltmp3:
0x43: {  	v4 =	vld [tilespmem:s17+$0x0];
	[tilespmem:s18+$0x0 ss:$0x41] =	vst.msk $0xffff, v1;
	s18 =	sadd.s32 s22, s19;
	(pc) =	sbr.rel @p1 .LBB1_3-.Ltmp3, $4  }
0x44: {  	v3 =	vld [tilespmem:s17+$0x10];
	[tilespmem:s18+$0x1C70 ss:$0x41] =	vst.msk $0xffff, v0  }
0x45: {  	[tilespmem:s18+$0x410 ss:$0x41] =	vst.msk $0xffff, v5;
	v2 =	vld [tilespmem:s17+$0x20]  }
0x46: {  	v1 =	vld [tilespmem:s17+$0xFFFFFFC0];
	[tilespmem:s18+$0x820 ss:$0x41] =	vst.msk $0xffff, v6;
	s17 =	sadd.s32 $0x80, s17  }
0x47: {  	s21 =	sadd.s32 $0x4, s21;
	v0 =	vld [tilespmem:s17+$0x30];
	[tilespmem:s18+$0xC30 ss:$0x41] =	vst.msk $0xffff, v7  }
0x48: {  	s21 =	sshll.u32 s9, $0x7;
	s22 =	sshll.u32 s10, $0x3;
	s20 =	sshra.s32 s20, $0x2  }
0x49: {  	p1 =	sgt.s32 s9, $0xF41C0;
	s30 =	sshra.s32 s9, $0x1F;
	s25 =	sshra.s32 s10, $0x1F  }
0x4a: {  	v5 =	vld [tilespmem:s17+$0xFFFFFFD0];
	s28 =	sshrl.u32 s10, $0x3;
	s23 =	sand.u32 $0xFFFFFC00, s21;
	s22 =	sand.u32 $0xFFFFFC00, s22  }
0x4b: {  	[tilespmem:s18+$0x1040 ss:$0x41] =	vst.msk $0xffff, v4;
	v58 =	vld [tilespmem:s17+$0xFFFFFFE0];
	s21 =	sand.u32 $0x380, s21;
	s19 =	sadd.s32 s20, s19;
	s22 =	sadd.s32 s22, s23  }
0x4c: {  	v59 =	vld [tilespmem:s17+$0xFFFFFFF0];
	[tilespmem:s18+$0x1450 ss:$0x41] =	vst.msk $0xffff, v3;
	s29 =	sor.u32 s21, s22;
	s21 =	smov.u32 s9;
	s22 =	sand.u32 s30, s9  }
0x4d: {  	v60 =	vld [tilespmem:s17+$0x0];
	[tilespmem:s18+$0x1860 ss:$0x41] =	vst.msk $0xffff, v2;
	s30 =	sand.u32 $0x7, s10;
	s20 =	sshrl.u32 s29, $0x7;
	s21 =	simm.s32 @!p1 $0xF41C0  }
0x4e: {  	v61 =	vld [tilespmem:s17+$0x10];
	[tilespmem:s18+$0x0 ss:$0x41] =	vst.msk $0xffff, v1;
	p1 =	sgt.s32 s10, $0x40;
	s24 =	ssub.s32 s21, s22;
	s21 =	smov.u32 s10  }
0x4f: {  	v62 =	vld [tilespmem:s17+$0x20];
	[tilespmem:s19+$0x1C70 ss:$0x41] =	vst.msk $0xffff, v0;
	s31 =	smulhi.u32 $0x218DEF5, s20;
	s22 =	sand.u32 s25, s10;
	s21 =	simm.s32 @!p1 $0x40  }
0x50: {  	v63 =	vld [tilespmem:s17+$0xFFFFFFC0];
	[tilespmem:s19+$0x410 ss:$0x41] =	vst.msk $0xffff, v5;
	s26 =	sadd.s32 $0xFFF0BE40, s24;
	s17 =	ssub.s32 $0xF4240, s24;
	s21 =	ssub.s32 s21, s22  }
0x51: {  	[tilespmem:s19+$0x820 ss:$0x41] =	vst.msk $0xffff, v58;
	s23 =	sshrl.u32 s31, $0xD;
	p1 =	sgt.s32 s26, $0x7F;
	s27 =	sadd.s32 $0xFFFFFFC0, s21  }
0x52: {  	[tilespmem:s19+$0xC30 ss:$0x41] =	vst.msk $0xffff, v59;
	s23 =	smul.u32 $0xF4240, s23;
	s18 =	ssub.s32 $0x80, s21;
	p2 =	sgt.s32 s27, $0x3F  }
.Ltmp4:
0x53: {  	[tilespmem:s19+$0x1040 ss:$0x41] =	vst.msk $0xffff, v60;
	s17 =	simm.s32 @p1 $0x0;
	s18 =	simm.s32 @p2 $0x0;
	(pc) =	sbr.rel .LBB1_5-.Ltmp4, $4  }
0x54: {  	s29 =	sand.u32 $0xF, s28;
	[tilespmem:s19+$0x1450 ss:$0x41] =	vst.msk $0xffff, v61;
	s20 =	ssub.s32 s20, s23;
	s17 =	smul.u32 s18, s17  }
0x55: {  	[tilespmem:s19+$0x1860 ss:$0x41] =	vst.msk $0xffff, v62;
	s21 =	sshll.u32 s30, $0x12;
	s20 =	sshll.u32 s20, $0x4;
	s18 =	sadd.s32 s5, s29  }
0x56: {  	[tilespmem:s19+$0x0 ss:$0x41] =	vst.msk $0xffff, v63;
	s31 =	sor.u32 $0x40, s21;
	s18 =	sadd.s32 s20, s18;
	s17 =	sand.u32 $0x3FFFFFFF, s17  }
0x57: {  	[hbm4b:s18+s31] =	stream.strided.scatter [tilespmem:s16], [sflag:$0x2], s17, s8, s31, $0x18;
	[tilespmem:$0x8100] =	vst v63  }
.LBB1_6:
0x58: {  	_ =	sfence.sel $0x180000  }
0x59: {  	s2 =	simm.s32 $0x1;
	[bflag:$0x0] =	sbarrier.arrive $0xFFFF  }
0x5a: {  	s31 =	simm.s32 $0x2;
	[sflag:s2] =	ssyncpa.u1 $0x1  }
0x5b: {  	[sflag:s31] =	ssyncpa.u1 $0x1  }
0x5c: {  	p0 =	sne.s32 s1, $0x0;
	_ =	strace $0x90000047  }
0x5d: {  	s0 =	sadd.s32 @!p0 $0x100000, s0;
	[bflag:$0x2] =	sbarrier.arrive $0xFFFF  }
0x5e: {  	[sflag:s0] =	ssyncadd.tile.s32 @!p0 $0x1;
	_ =	shalt  }
.Lfunc_end1:
_tile_overlayer_lowered:
.L_overlay_start_2:
0x5f: {  	(tag) =	ssettag $0x2  }
0x60: {  	s0 =	rddreg [dreg:$0x0];
	s2 =	stileid.u32  }
0x61: {  	s1 =	rddreg [dreg:$0x1];
	p0 =	sne.s32 s2, $0x0  }
0x62: {  	s3 =	rddreg [dreg:$0x2];
	[bflag:$0x3] =	sbarrier.arrive $0xFFFF;
	s2 =	simm.s32 @!p0 $0x1C01  }
0x63: {  	[timem:s3], [sflag:s2] =	dma.local @!p0 [hbm:s0], s1  }
0x64: {  	s0 =	simm.s32 @!p0 $0x1  }
0x65: {  	_ =	swait.ge @!p0 [sflag:s0], s1  }
0x66: {  	s1 =	ssub.s32 @!p0 $0x0, s1;
	[sflag:s0] =	ssyncset.done @!p0 $0x0  }
0x67: {  	[sflag:s0] =	ssyncadd.s32 @!p0 s1  }
0x68: {  	[bflag:$0x3] =	sbarrier.arrive $0xFFFF  }
0x69: {  	_ =	shalt  }

</sc_bundles>
